<compile_context>
chip_gen: v7x
topology: tpu7x:2x2x1
jax: 0.10.2.dev20260603
libtpu: 0.0.44.dev20260713+nightly
codegen_flags: <defaults>
</compile_context>

<pallas_src>
import functools

import jax
import jax.numpy as jnp
from jax import lax
from jax.experimental import pallas as pl
from jax.experimental.pallas import tpu as pltpu
from jax.experimental.pallas import tpu_sc as plsc

L = 512
D = 256
H = 8
DH = D // H
VP = 64
V = 50
AV = 64
G = 8
NEG = -1e30
_dot1 = functools.partial(jnp.dot, preferred_element_type=jnp.float32)


def _split_bf(v):
    v_hi = v.astype(jnp.bfloat16)
    v_lo = (v - v_hi.astype(jnp.float32)).astype(jnp.bfloat16)
    return v_hi, v_lo


def _dot_rsplit(m_bf, v):
    v_hi, v_lo = _split_bf(v)
    return _dot1(m_bf, v_hi) + _dot1(m_bf, v_lo)


def _dot_lsplit(v, m_bf):
    v_hi, v_lo = _split_bf(v)
    return _dot1(v_hi, m_bf) + _dot1(v_lo, m_bf)


def _tc_body(se_ref, vx_ref, ttr_ref, admr_ref,
             wocc_ref, wvis_ref, wnxt_ref, a_ref,
             tv_ref, wcls_ref, bcls_ref, out_ref, log_ref):
    f32 = jnp.float32
    bf16 = jnp.bfloat16

    rows_a = lax.broadcasted_iota(jnp.int32, (AV, L), 0)
    lt_i = lax.broadcasted_iota(jnp.int32, (AV, AV), 0)
    lt_j = lax.broadcasted_iota(jnp.int32, (AV, AV), 1)
    ltri = (lt_j < lt_i).astype(bf16)
    rows_v = lax.broadcasted_iota(jnp.int32, (VP, L), 0).astype(f32)
    s_i = lax.broadcasted_iota(jnp.int32, (VP, VP), 0)
    s_j = lax.broadcasted_iota(jnp.int32, (VP, VP), 1)
    sub_diag = s_j == s_i - 1
    s_if = s_i.astype(f32)
    row_i = lax.broadcasted_iota(jnp.int32, (VP, D), 0).astype(f32)
    rt_bf = (lax.broadcasted_iota(jnp.int32, (D, H), 0) // DH
             == lax.broadcasted_iota(jnp.int32, (D, H), 1)).astype(bf16)
    rm_bf = (lax.broadcasted_iota(jnp.int32, (H, D), 1) // DH
             == lax.broadcasted_iota(jnp.int32, (H, D), 0)).astype(bf16)

    wocc_b = wocc_ref[...].astype(bf16)
    wvis_b = wvis_ref[...].astype(bf16)
    wnxt_b = wnxt_ref[...].astype(bf16)
    a0row = a_ref[0:1, :]
    a1row = a_ref[1:2, :]

    logit = _dot1(tv_ref[...].astype(bf16),
                  wcls_ref[...].astype(bf16)) + bcls_ref[...]

    for g in range(G):
        se = se_ref[g].astype(bf16)
        vx = vx_ref[g].astype(bf16)
        ttr = ttr_ref[g:g + 1, :]
        admr = admr_ref[g:g + 1, :]

        keep_r = (ttr != 5) & (admr != 0)
        occ_r = keep_r & (ttr == 1)

        oh_r = ((admr == rows_a) & keep_r).astype(f32)
        p_col = jnp.max(oh_r, axis=1, keepdims=True)
        rank_col = _dot1(ltri, p_col.astype(bf16))
        nv = jnp.sum(p_col)
        dst_r = jnp.sum(oh_r * rank_col, axis=0, keepdims=True)

        mf_b = (dst_r == rows_v) & occ_r
        mf = mf_b.astype(f32)
        mf_bf = mf_b.astype(bf16)
        mft = mf.T
        mft_b = mft > 0.5
        mft_bf = mft.astype(bf16)
        occ_cf = jnp.sum(mft, axis=1, keepdims=True)

        h_occ = _dot1(se, wocc_b)
        h_vis = _dot1(vx, wvis_b)
        h_nxt = _dot1(vx, wnxt_b)

        e_src = _dot_lsplit(h_occ * a0row, rt_bf)
        e_dst = _dot_lsplit(h_vis * a1row, rt_bf)
        ge = _dot_rsplit(mft_bf, e_dst)
        e = e_src + ge
        e = jnp.where(e > 0, e, 0.2 * e)

        e_tokmax = jnp.max(e, axis=1, keepdims=True)
        masked = jnp.where(mft_b, e_tokmax, NEG)
        m_row = jnp.max(masked, axis=0, keepdims=True)
        m_row = jnp.where(m_row > -1e29, m_row, 0.0)
        m_used = jnp.sum(mft * m_row, axis=1, keepdims=True)

        ex = jnp.exp(e - m_used) * occ_cf
        den = _dot_rsplit(mf_bf, ex)
        ex_rep = _dot_lsplit(ex, rm_bf)
        num = _dot_rsplit(mf_bf, ex_rep * h_occ)
        den_rep = _dot_lsplit(den, rm_bf)
        agg1 = num / jnp.maximum(den_rep, 1e-9)

        shift = (sub_diag & (s_if < nv)).astype(bf16)
        agg2 = _dot_rsplit(shift, h_nxt)

        pre = agg1 + agg2 + h_vis
        out = jnp.where(pre > 0, pre, jnp.exp(pre) - 1.0)
        out_ref[g] = jnp.where(row_i < nv, out, 0.0)[:V]
        log_ref[g] = logit


def _tc_call(se3, vx3, ttr, admr, w_occ, w_vis, w_next,
             a_row, tv, wcls, bcls):
    b = se3.shape[0]
    f32 = jnp.float32
    fixed = lambda *s: pl.BlockSpec(s, lambda i: (0,) * len(s))
    per_b = lambda *s: pl.BlockSpec(s, lambda i: (i,) + (0,) * (len(s) - 1))
    return pl.pallas_call(
        _tc_body,
        grid=(b // G,),
        in_specs=[
            per_b(G, L, D), per_b(G, VP, D),
            per_b(G, L), per_b(G, L),
            fixed(D, D), fixed(D, D), fixed(D, D),
            fixed(2, D),
            fixed(1, D), fixed(D, 1), fixed(1, 1),
        ],
        out_specs=[per_b(G, V, D), per_b(G, 1, 1)],
        out_shape=[
            jax.ShapeDtypeStruct((b, V, D), f32),
            jax.ShapeDtypeStruct((b, 1, 1), f32),
        ],
        compiler_params=pltpu.CompilerParams(
            dimension_semantics=("arbitrary",),
        ),
    )(se3, vx3, ttr, admr, w_occ, w_vis, w_next,
      a_row, tv, wcls, bcls)


def _sc_gather(table, idx_se, idx_vx=None):
    info = plsc.get_sparse_core_info()
    nw = info.num_cores * info.num_subcores
    n_se = idx_se.shape[0]
    n_vx = 0 if idx_vx is None else idx_vx.shape[0]
    ch = 128
    se_ch = n_se // (nw * ch)
    vx_ch = n_vx // (nw * ch)
    n_ch = se_ch + vx_ch
    per_w = n_ch * ch
    mesh = plsc.VectorSubcoreMesh(core_axis_name="c", subcore_axis_name="s")

    out_type = [jax.ShapeDtypeStruct((n_se, D), jnp.float32)]
    if idx_vx is not None:
        out_type.append(jax.ShapeDtypeStruct((n_vx, D), jnp.float32))

    @functools.partial(
        pl.kernel, mesh=mesh,
        out_type=out_type,
        scratch_types=[
            pltpu.VMEM((per_w,), jnp.int32),
            pltpu.VMEM((3, ch, D), jnp.float32),
            pltpu.SemaphoreType.DMA((3,)),
            pltpu.SemaphoreType.DMA((3,)),
        ],
    )
    def k(t_hbm, *args):
        if idx_vx is not None:
            ise_hbm, ivx_hbm, out_se, out_vx = args[:4]
            idx_v, rows_v, gsem, wsem = args[4:]
        else:
            ise_hbm, out_se = args[:2]
            idx_v, rows_v, gsem, wsem = args[2:]
        wid = lax.axis_index("s") * info.num_cores + lax.axis_index("c")
        base_se = wid * (se_ch * ch)
        base_vx = wid * (vx_ch * ch)
        pltpu.sync_copy(ise_hbm.at[pl.ds(base_se, se_ch * ch)],
                        idx_v.at[pl.ds(0, se_ch * ch)])
        if vx_ch:
            pltpu.sync_copy(ivx_hbm.at[pl.ds(base_vx, vx_ch * ch)],
                            idx_v.at[pl.ds(se_ch * ch, vx_ch * ch)])

        def _gather(c):
            return pltpu.make_async_copy(
                t_hbm.at[idx_v.at[pl.ds(c * ch, ch)]],
                rows_v.at[c % 3], gsem.at[c % 3])

        def _write(c):
            if c < se_ch:
                dst = out_se.at[pl.ds(base_se + c * ch, ch)]
            else:
                dst = out_vx.at[pl.ds(base_vx + (c - se_ch) * ch, ch)]
            return pltpu.make_async_copy(rows_v.at[c % 3], dst, wsem.at[c % 3])

        _gather(0).start()
        _gather(1).start()
        for c in range(n_ch):
            if c + 2 < n_ch:
                if c >= 1:
                    _write(c - 1).wait()
                _gather(c + 2).start()
            _gather(c).wait()
            _write(c).start()
        for c in range(max(0, n_ch - 3), n_ch):
            _write(c).wait()

    if idx_vx is not None:
        return k(table, idx_se, idx_vx)
    res = k(table, idx_se)
    return res[0] if isinstance(res, (list, tuple)) else res


def kernel(input_ids, token_types, adm_index, age_ids, diag_code_group_dicts,
           task_id, token_emb, task_emb_table, W_occ, W_vis, W_next,
           a_o2v, a_next, W_cls, b_cls):
    f32 = jnp.float32
    b = input_ids.shape[0]
    v = age_ids.shape[1]

    pad_idx = (jnp.arange(b * (VP - v), dtype=jnp.int32).reshape(b, VP - v)
               % token_emb.shape[0])
    age_pad = jnp.concatenate([age_ids.astype(jnp.int32), pad_idx], axis=1)
    ids = input_ids.astype(jnp.int32)
    hb = b // 2

    se1_flat = _sc_gather(token_emb, ids[:hb].reshape(-1))
    se2_flat, vx_flat = _sc_gather(
        token_emb, ids[hb:].reshape(-1), age_pad.reshape(-1))
    vx3 = vx_flat.reshape(b, VP, D)

    ttr = token_types.astype(jnp.int32)
    admr = adm_index.astype(jnp.int32)
    a_row = a_o2v.reshape(2, D)
    tv = jnp.take(task_emb_table, jnp.asarray(task_id, jnp.int32),
                  axis=0).reshape(1, D)
    bcls = b_cls.reshape(1, 1)

    out1, log1 = _tc_call(se1_flat.reshape(hb, L, D), vx3[:hb],
                          ttr[:hb], admr[:hb],
                          W_occ, W_vis, W_next, a_row, tv, W_cls, bcls)
    out2, log2 = _tc_call(se2_flat.reshape(hb, L, D), vx3[hb:],
                          ttr[hb:], admr[hb:],
                          W_occ, W_vis, W_next, a_row, tv, W_cls, bcls)
    out_p = jnp.concatenate([out1, out2], axis=0)
    log3 = jnp.concatenate([log1, log2], axis=0)
    return log3.reshape(b), out_p

# --- scband reference (transcript-rebuilt; emitter-appended) ---
"""Pipeline reference for scband-hetero-gt-50465865728065 (READ-ONLY COPY).

The authoritative reference and input builder live on the scoring server;
editing this copy changes nothing except your own understanding.
"""

import jax, jax.numpy as jnp
import numpy as np

VOCAB = 30000
MAX_ADMS = 50
N_HEADS = 8
D_MODEL = 256
B, L, V = 64, 512, 50


def setup_inputs(seed: int = 0):
    key = jax.random.key(seed)
    ks = jax.random.split(key, 14)
    d = D_MODEL
    s = 1.0 / np.sqrt(d)
    input_ids = jax.random.randint(ks[0], (B, L), 0, VOCAB)
    token_types = jax.random.randint(ks[1], (B, L), 0, 5)
    # adm indices must be nonzero (0 = adm pad id) so every occ token has a valid visit
    adm_index = 1 + jax.random.randint(ks[2], (B, L), 0, MAX_ADMS)
    age_ids = jax.random.randint(ks[3], (B, V), 1, VOCAB)
    token_emb = jax.random.normal(ks[4], (VOCAB, d), dtype=jnp.float32) * 0.02
    task_emb_table = jax.random.normal(ks[5], (5, d), dtype=jnp.float32) * 0.02
    W_occ = jax.random.normal(ks[6], (d, d), dtype=jnp.float32) * s
    W_vis = jax.random.normal(ks[7], (d, d), dtype=jnp.float32) * s
    W_next = jax.random.normal(ks[8], (d, d), dtype=jnp.float32) * s
    a_o2v = jax.random.normal(ks[9], (2, N_HEADS, d // N_HEADS), dtype=jnp.float32) * s
    a_next = jax.random.normal(ks[10], (2, N_HEADS, d // N_HEADS), dtype=jnp.float32) * s
    W_cls = jax.random.normal(ks[11], (d, 1), dtype=jnp.float32) * s
    b_cls = jnp.zeros((1,), dtype=jnp.float32)
    return {
        'input_ids': input_ids, 'token_types': token_types, 'adm_index': adm_index,
        'age_ids': age_ids, 'diag_code_group_dicts': 0, 'task_id': 2,
        'token_emb': token_emb, 'task_emb_table': task_emb_table,
        'W_occ': W_occ, 'W_vis': W_vis, 'W_next': W_next,
        'a_o2v': a_o2v, 'a_next': a_next, 'W_cls': W_cls, 'b_cls': b_cls,
    }


def _gat_agg(h_src_nodes, h_dst_nodes, a, src, dst, num_seg, mask):
    # GAT-style attention aggregation over one hetero edge type
    e = (h_src_nodes[src] * a[0]).sum(-1) + (h_dst_nodes[dst] * a[1]).sum(-1)  # [E, H]
    e = jax.nn.leaky_relu(e, 0.2)
    e = jnp.where(mask[:, None], e, -jnp.inf)
    m = jax.ops.segment_max(e, dst, num_segments=num_seg)
    m = jnp.where(jnp.isfinite(m), m, 0.0)
    ex = jnp.exp(e - m[dst])
    den = jax.ops.segment_sum(ex, dst, num_segments=num_seg)
    alpha = ex / jnp.maximum(den[dst], 1e-9)
    return jax.ops.segment_sum(alpha[:, :, None] * h_src_nodes[src], dst, num_segments=num_seg)


def reference(input_ids, token_types, adm_index, age_ids, diag_code_group_dicts, task_id,
              token_emb, task_emb_table, W_occ, W_vis, W_next, a_o2v, a_next, W_cls, b_cls):
    Bc, Lc = input_ids.shape
    Vc = age_ids.shape[1]
    d = token_emb.shape[1]
    H = N_HEADS
    dh = d // H
    seq_embed = token_emb[input_ids]           # [B, L, d] gather
    visit_embed = token_emb[age_ids]           # [B, V, d] gather
    seq_det = jax.lax.stop_gradient(seq_embed)   # matches seq_embed.detach()
    vis_det = jax.lax.stop_gradient(visit_embed)

    def _per_example(tt, adm, se, vx):
        keep = (tt != 5) & (adm != 0)          # drop 'group' tokens / adm pads
        ar = jnp.arange(MAX_ADMS + 1)
        P = ((adm[None, :] == ar[:, None]) & keep[None, :]).any(axis=1).astype(jnp.int32)
        rankmap = jnp.cumsum(P) - P            # exclusive count of present adm values below
        nv = P.sum()
        occ_mask = keep & (tt == 1)            # graph_node_types = ['diag']
        occ_dst = jnp.where(occ_mask, rankmap[adm], 0)
        h_occ = (se @ W_occ).reshape(-1, H, dh)
        h_vis = (vx @ W_vis).reshape(-1, H, dh)
        src = jnp.arange(Lc)
        agg = _gat_agg(h_occ, h_vis, a_o2v, src, occ_dst, Vc, occ_mask)
        h_nxt = (vx @ W_next).reshape(-1, H, dh)
        nsrc = jnp.arange(Vc - 1)
        ndst = jnp.arange(1, Vc)
        nmask = ndst < nv
        agg = agg + _gat_agg(h_nxt, h_nxt, a_next, nsrc, ndst, Vc, nmask)
        out_p = jax.nn.elu((agg + h_vis).reshape(Vc, d))
        return jnp.where(jnp.arange(Vc)[:, None] < nv, out_p, jnp.zeros((), dtype=se.dtype))

    visit_out = jax.vmap(_per_example)(token_types, adm_index, seq_det, vis_det)
    task_vec = jnp.broadcast_to(task_emb_table[task_id], (Bc, d))
    logits = (task_vec @ W_cls + b_cls).squeeze(-1)  # BinaryPredictionHead
    return logits, visit_out

if __name__ == "__main__":
    import jax
    _d = setup_inputs()
    print(jax.jit(kernel)(*tuple(_d.values())))

</pallas_src>

<mosaic_0001>
#map = affine_map<(d0, d1) -> (0, 0)>
#map1 = affine_map<(d0, d1) -> (0)>
module attributes {stable_mosaic.version = 14 : i64} {
  func.func @k(%arg0: i32, %arg1: i32, %arg2: memref<30000x256xf32, #tpu.memory_space<hbm>>, %arg3: memref<16384xi32, #tpu.memory_space<hbm>>, %arg4: memref<16384x256xf32, #tpu.memory_space<hbm>>, %arg5: memref<512xi32, #tpu.memory_space<vmem>>, %arg6: memref<3x128x256xf32, #tpu.memory_space<vmem>>, %arg7: memref<3x!tpu.dma_semaphore, #tpu.memory_space<semaphore_mem>>, %arg8: memref<3x!tpu.dma_semaphore, #tpu.memory_space<semaphore_mem>>) attributes {dimension_semantics = [#tpu.dimension_semantics<core_parallel>, #tpu.dimension_semantics<subcore_parallel>], iteration_bounds = array<i64: 2, 16>, scalar_prefetch = 0 : i64, scratch_operands = 4 : i64, tpu.core_type = #tpu.core_type<sc_vector_subcore>, window_params = [{transform_indices = #map}, {transform_indices = #map1}, {transform_indices = #map}]} {
    %mul3A = arith.constant 2 : i32
    %mul3A_0 = arith.muli %arg1, %mul3A : i32
    %add3A = arith.addi %mul3A_0, %arg0 : i32
    %mul3A_1 = arith.constant 512 : i32
    %mul3A_2 = arith.muli %add3A, %mul3A_1 : i32
    %mul3A_3 = arith.constant 0 : i32
    %mul3A_4 = arith.muli %add3A, %mul3A_3 : i32
    "tpu.region"() ({
      %run_scoped3A = tpu.sem_alloc : memref<!tpu.dma_semaphore, #tpu.memory_space<semaphore_mem>>
      %dma_start3A_251 = arith.constant 0 : i32
      %dma_start3A_252 = tpu.memref_slice %arg5[%dma_start3A_251] : memref<512xi32, #tpu.memory_space<vmem>> -> memref<512xi32, #tpu.memory_space<vmem>>
      %dma_start3A_253 = tpu.memref_slice %arg3[%mul3A_2] : memref<16384xi32, #tpu.memory_space<hbm>> -> memref<512xi32, #tpu.memory_space<hbm>>
      %dma_start3A_254 = arith.constant 0 : i32
      %dma_start3A_255 = tpu.memref_slice %arg5[%dma_start3A_254] : memref<512xi32, #tpu.memory_space<vmem>> -> memref<512xi32, #tpu.memory_space<vmem>>
      %dma_start3A_256 = tpu.memref_slice %arg3[%mul3A_2] : memref<16384xi32, #tpu.memory_space<hbm>> -> memref<512xi32, #tpu.memory_space<hbm>>
      tpu.enqueue_dma source(%dma_start3A_256 : memref<512xi32, #tpu.memory_space<hbm>>) target(%dma_start3A_255 : memref<512xi32, #tpu.memory_space<vmem>>) target_semaphore(%run_scoped3A : memref<!tpu.dma_semaphore, #tpu.memory_space<semaphore_mem>>)
      %dma_wait3A_257 = arith.constant 0 : i32
      %dma_wait3A_258 = tpu.memref_slice %arg5[%dma_wait3A_257] : memref<512xi32, #tpu.memory_space<vmem>> -> memref<512xi32, #tpu.memory_space<vmem>>
      %dma_wait3A_259 = tpu.memref_slice %arg3[%mul3A_2] : memref<16384xi32, #tpu.memory_space<hbm>> -> memref<512xi32, #tpu.memory_space<hbm>>
      %dma_wait3A_260 = arith.constant 0 : i32
      %dma_wait3A_261 = tpu.memref_slice %arg5[%dma_wait3A_260] : memref<512xi32, #tpu.memory_space<vmem>> -> memref<512xi32, #tpu.memory_space<vmem>>
      %dma_wait3A_262 = tpu.memref_slice %arg3[%mul3A_2] : memref<16384xi32, #tpu.memory_space<hbm>> -> memref<512xi32, #tpu.memory_space<hbm>>
      tpu.wait_dma2 semaphore(%run_scoped3A : memref<!tpu.dma_semaphore, #tpu.memory_space<semaphore_mem>>) src(%dma_wait3A_262 : memref<512xi32, #tpu.memory_space<hbm>>) dst(%dma_wait3A_261 : memref<512xi32, #tpu.memory_space<vmem>>)
      tpu.yield
    }) : () -> ()
    %dma_start3A = arith.constant 0 : i32
    %dma_start3A_5 = arith.constant 0 : i32
    %dma_start3A_6 = arith.constant 0 : i32
    %dma_start3A_7 = arith.constant 0 : i32
    %dma_start3A_8 = tpu.memref_slice %arg6[%dma_start3A, %dma_start3A_6, %dma_start3A_7] : memref<3x128x256xf32, #tpu.memory_space<vmem>> -> memref<1x128x256xf32, #tpu.memory_space<vmem>>
    %dma_start3A_9 = tpu.memref_squeeze %dma_start3A_8 : memref<1x128x256xf32, #tpu.memory_space<vmem>> -> memref<128x256xf32, #tpu.memory_space<vmem>>
    %dma_start3A_10 = arith.constant 0 : i32
    %dma_start3A_11 = tpu.memref_slice %arg5[%dma_start3A_10] : memref<512xi32, #tpu.memory_space<vmem>> -> memref<128xi32, #tpu.memory_space<vmem>>
    %dma_start3A_12 = arith.constant 0 : i32
    %dma_start3A_13 = arith.constant 0 : i32
    %dma_start3A_14 = tpu.memref_slice %arg2[%dma_start3A_12, %dma_start3A_13] : memref<30000x256xf32, #tpu.memory_space<hbm>> -> memref<30000x256xf32, #tpu.memory_space<hbm>>
    %dma_start3A_15 = tpu.memref_slice %arg7[%dma_start3A_5] : memref<3x!tpu.dma_semaphore, #tpu.memory_space<semaphore_mem>> -> memref<1x!tpu.dma_semaphore, #tpu.memory_space<semaphore_mem>>
    %dma_start3A_16 = tpu.memref_squeeze %dma_start3A_15 : memref<1x!tpu.dma_semaphore, #tpu.memory_space<semaphore_mem>> -> memref<!tpu.dma_semaphore, #tpu.memory_space<semaphore_mem>>
    tpu.enqueue_indirect_dma source(%dma_start3A_14 : memref<30000x256xf32, #tpu.memory_space<hbm>>) target(%dma_start3A_9 : memref<128x256xf32, #tpu.memory_space<vmem>>) offsets(%dma_start3A_11 : memref<128xi32, #tpu.memory_space<vmem>>) semaphore(%dma_start3A_16 : memref<!tpu.dma_semaphore, #tpu.memory_space<semaphore_mem>>)
    %dma_start3A_17 = arith.constant 1 : i32
    %dma_start3A_18 = arith.constant 1 : i32
    %dma_start3A_19 = arith.constant 0 : i32
    %dma_start3A_20 = arith.constant 0 : i32
    %dma_start3A_21 = tpu.memref_slice %arg6[%dma_start3A_17, %dma_start3A_19, %dma_start3A_20] : memref<3x128x256xf32, #tpu.memory_space<vmem>> -> memref<1x128x256xf32, #tpu.memory_space<vmem>>
    %dma_start3A_22 = tpu.memref_squeeze %dma_start3A_21 : memref<1x128x256xf32, #tpu.memory_space<vmem>> -> memref<128x256xf32, #tpu.memory_space<vmem>>
    %dma_start3A_23 = arith.constant 128 : i32
    %dma_start3A_24 = tpu.memref_slice %arg5[%dma_start3A_23] : memref<512xi32, #tpu.memory_space<vmem>> -> memref<128xi32, #tpu.memory_space<vmem>>
    %dma_start3A_25 = arith.constant 0 : i32
    %dma_start3A_26 = arith.constant 0 : i32
    %dma_start3A_27 = tpu.memref_slice %arg2[%dma_start3A_25, %dma_start3A_26] : memref<30000x256xf32, #tpu.memory_space<hbm>> -> memref<30000x256xf32, #tpu.memory_space<hbm>>
    %dma_start3A_28 = tpu.memref_slice %arg7[%dma_start3A_18] : memref<3x!tpu.dma_semaphore, #tpu.memory_space<semaphore_mem>> -> memref<1x!tpu.dma_semaphore, #tpu.memory_space<semaphore_mem>>
    %dma_start3A_29 = tpu.memref_squeeze %dma_start3A_28 : memref<1x!tpu.dma_semaphore, #tpu.memory_space<semaphore_mem>> -> memref<!tpu.dma_semaphore, #tpu.memory_space<semaphore_mem>>
    tpu.enqueue_indirect_dma source(%dma_start3A_27 : memref<30000x256xf32, #tpu.memory_space<hbm>>) target(%dma_start3A_22 : memref<128x256xf32, #tpu.memory_space<vmem>>) offsets(%dma_start3A_24 : memref<128xi32, #tpu.memory_space<vmem>>) semaphore(%dma_start3A_29 : memref<!tpu.dma_semaphore, #tpu.memory_space<semaphore_mem>>)
    %dma_start3A_30 = arith.constant 2 : i32
    %dma_start3A_31 = arith.constant 2 : i32
    %dma_start3A_32 = arith.constant 0 : i32
    %dma_start3A_33 = arith.constant 0 : i32
    %dma_start3A_34 = tpu.memref_slice %arg6[%dma_start3A_30, %dma_start3A_32, %dma_start3A_33] : memref<3x128x256xf32, #tpu.memory_space<vmem>> -> memref<1x128x256xf32, #tpu.memory_space<vmem>>
    %dma_start3A_35 = tpu.memref_squeeze %dma_start3A_34 : memref<1x128x256xf32, #tpu.memory_space<vmem>> -> memref<128x256xf32, #tpu.memory_space<vmem>>
    %dma_start3A_36 = arith.constant 256 : i32
    %dma_start3A_37 = tpu.memref_slice %arg5[%dma_start3A_36] : memref<512xi32, #tpu.memory_space<vmem>> -> memref<128xi32, #tpu.memory_space<vmem>>
    %dma_start3A_38 = arith.constant 0 : i32
    %dma_start3A_39 = arith.constant 0 : i32
    %dma_start3A_40 = tpu.memref_slice %arg2[%dma_start3A_38, %dma_start3A_39] : memref<30000x256xf32, #tpu.memory_space<hbm>> -> memref<30000x256xf32, #tpu.memory_space<hbm>>
    %dma_start3A_41 = tpu.memref_slice %arg7[%dma_start3A_31] : memref<3x!tpu.dma_semaphore, #tpu.memory_space<semaphore_mem>> -> memref<1x!tpu.dma_semaphore, #tpu.memory_space<semaphore_mem>>
    %dma_start3A_42 = tpu.memref_squeeze %dma_start3A_41 : memref<1x!tpu.dma_semaphore, #tpu.memory_space<semaphore_mem>> -> memref<!tpu.dma_semaphore, #tpu.memory_space<semaphore_mem>>
    tpu.enqueue_indirect_dma source(%dma_start3A_40 : memref<30000x256xf32, #tpu.memory_space<hbm>>) target(%dma_start3A_35 : memref<128x256xf32, #tpu.memory_space<vmem>>) offsets(%dma_start3A_37 : memref<128xi32, #tpu.memory_space<vmem>>) semaphore(%dma_start3A_42 : memref<!tpu.dma_semaphore, #tpu.memory_space<semaphore_mem>>)
    %dma_wait3A = arith.constant 0 : i32
    %dma_wait3A_43 = arith.constant 0 : i32
    %dma_wait3A_44 = arith.constant 0 : i32
    %dma_wait3A_45 = arith.constant 0 : i32
    %dma_wait3A_46 = tpu.memref_slice %arg6[%dma_wait3A, %dma_wait3A_44, %dma_wait3A_45] : memref<3x128x256xf32, #tpu.memory_space<vmem>> -> memref<1x128x256xf32, #tpu.memory_space<vmem>>
    %dma_wait3A_47 = tpu.memref_squeeze %dma_wait3A_46 : memref<1x128x256xf32, #tpu.memory_space<vmem>> -> memref<128x256xf32, #tpu.memory_space<vmem>>
    %dma_wait3A_48 = arith.constant 0 : i32
    %dma_wait3A_49 = tpu.memref_slice %arg5[%dma_wait3A_48] : memref<512xi32, #tpu.memory_space<vmem>> -> memref<128xi32, #tpu.memory_space<vmem>>
    %dma_wait3A_50 = arith.constant 0 : i32
    %dma_wait3A_51 = arith.constant 0 : i32
    %dma_wait3A_52 = tpu.memref_slice %arg2[%dma_wait3A_50, %dma_wait3A_51] : memref<30000x256xf32, #tpu.memory_space<hbm>> -> memref<30000x256xf32, #tpu.memory_space<hbm>>
    %dma_wait3A_53 = tpu.memref_slice %arg7[%dma_wait3A_43] : memref<3x!tpu.dma_semaphore, #tpu.memory_space<semaphore_mem>> -> memref<1x!tpu.dma_semaphore, #tpu.memory_space<semaphore_mem>>
    %dma_wait3A_54 = tpu.memref_squeeze %dma_wait3A_53 : memref<1x!tpu.dma_semaphore, #tpu.memory_space<semaphore_mem>> -> memref<!tpu.dma_semaphore, #tpu.memory_space<semaphore_mem>>
    tpu.wait_indirect_dma semaphore(%dma_wait3A_54 : memref<!tpu.dma_semaphore, #tpu.memory_space<semaphore_mem>>) src(%dma_wait3A_52 : memref<30000x256xf32, #tpu.memory_space<hbm>>) dst(%dma_wait3A_47 : memref<128x256xf32, #tpu.memory_space<vmem>>)
    %add3A_55 = arith.constant 0 : i32
    %add3A_56 = arith.addi %mul3A_2, %add3A_55 : i32
    %dma_start3A_57 = arith.constant 0 : i32
    %dma_start3A_58 = arith.constant 0 : i32
    %dma_start3A_59 = arith.constant 0 : i32
    %dma_start3A_60 = arith.constant 0 : i32
    %dma_start3A_61 = tpu.memref_slice %arg6[%dma_start3A_57, %dma_start3A_59, %dma_start3A_60] : memref<3x128x256xf32, #tpu.memory_space<vmem>> -> memref<1x128x256xf32, #tpu.memory_space<vmem>>
    %dma_start3A_62 = tpu.memref_squeeze %dma_start3A_61 : memref<1x128x256xf32, #tpu.memory_space<vmem>> -> memref<128x256xf32, #tpu.memory_space<vmem>>
    %dma_start3A_63 = arith.constant 0 : i32
    %dma_start3A_64 = tpu.memref_slice %arg4[%add3A_56, %dma_start3A_63] : memref<16384x256xf32, #tpu.memory_space<hbm>> -> memref<128x256xf32, #tpu.memory_space<hbm>>
    %dma_start3A_65 = tpu.memref_slice %arg8[%dma_start3A_58] : memref<3x!tpu.dma_semaphore, #tpu.memory_space<semaphore_mem>> -> memref<1x!tpu.dma_semaphore, #tpu.memory_space<semaphore_mem>>
    %dma_start3A_66 = tpu.memref_squeeze %dma_start3A_65 : memref<1x!tpu.dma_semaphore, #tpu.memory_space<semaphore_mem>> -> memref<!tpu.dma_semaphore, #tpu.memory_space<semaphore_mem>>
    %dma_start3A_67 = arith.constant 0 : i32
    %dma_start3A_68 = tpu.memref_slice %arg4[%add3A_56, %dma_start3A_67] : memref<16384x256xf32, #tpu.memory_space<hbm>> -> memref<128x256xf32, #tpu.memory_space<hbm>>
    %dma_start3A_69 = arith.constant 0 : i32
    %dma_start3A_70 = arith.constant 0 : i32
    %dma_start3A_71 = tpu.memref_slice %arg6[%dma_start3A_57, %dma_start3A_69, %dma_start3A_70] : memref<3x128x256xf32, #tpu.memory_space<vmem>> -> memref<1x128x256xf32, #tpu.memory_space<vmem>>
    %dma_start3A_72 = tpu.memref_squeeze %dma_start3A_71 : memref<1x128x256xf32, #tpu.memory_space<vmem>> -> memref<128x256xf32, #tpu.memory_space<vmem>>
    tpu.enqueue_dma source(%dma_start3A_72 : memref<128x256xf32, #tpu.memory_space<vmem>>) target(%dma_start3A_68 : memref<128x256xf32, #tpu.memory_space<hbm>>) target_semaphore(%dma_start3A_66 : memref<!tpu.dma_semaphore, #tpu.memory_space<semaphore_mem>>)
    %add3A_73 = arith.constant 0 : i32
    %add3A_74 = arith.addi %mul3A_2, %add3A_73 : i32
    %dma_wait3A_75 = arith.constant 0 : i32
    %dma_wait3A_76 = arith.constant 0 : i32
    %dma_wait3A_77 = arith.constant 0 : i32
    %dma_wait3A_78 = arith.constant 0 : i32
    %dma_wait3A_79 = tpu.memref_slice %arg6[%dma_wait3A_75, %dma_wait3A_77, %dma_wait3A_78] : memref<3x128x256xf32, #tpu.memory_space<vmem>> -> memref<1x128x256xf32, #tpu.memory_space<vmem>>
    %dma_wait3A_80 = tpu.memref_squeeze %dma_wait3A_79 : memref<1x128x256xf32, #tpu.memory_space<vmem>> -> memref<128x256xf32, #tpu.memory_space<vmem>>
    %dma_wait3A_81 = arith.constant 0 : i32
    %dma_wait3A_82 = tpu.memref_slice %arg4[%add3A_74, %dma_wait3A_81] : memref<16384x256xf32, #tpu.memory_space<hbm>> -> memref<128x256xf32, #tpu.memory_space<hbm>>
    %dma_wait3A_83 = tpu.memref_slice %arg8[%dma_wait3A_76] : memref<3x!tpu.dma_semaphore, #tpu.memory_space<semaphore_mem>> -> memref<1x!tpu.dma_semaphore, #tpu.memory_space<semaphore_mem>>
    %dma_wait3A_84 = tpu.memref_squeeze %dma_wait3A_83 : memref<1x!tpu.dma_semaphore, #tpu.memory_space<semaphore_mem>> -> memref<!tpu.dma_semaphore, #tpu.memory_space<semaphore_mem>>
    %dma_wait3A_85 = arith.constant 0 : i32
    %dma_wait3A_86 = tpu.memref_slice %arg4[%add3A_74, %dma_wait3A_85] : memref<16384x256xf32, #tpu.memory_space<hbm>> -> memref<128x256xf32, #tpu.memory_space<hbm>>
    %dma_wait3A_87 = arith.constant 0 : i32
    %dma_wait3A_88 = arith.constant 0 : i32
    %dma_wait3A_89 = tpu.memref_slice %arg6[%dma_wait3A_75, %dma_wait3A_87, %dma_wait3A_88] : memref<3x128x256xf32, #tpu.memory_space<vmem>> -> memref<1x128x256xf32, #tpu.memory_space<vmem>>
    %dma_wait3A_90 = tpu.memref_squeeze %dma_wait3A_89 : memref<1x128x256xf32, #tpu.memory_space<vmem>> -> memref<128x256xf32, #tpu.memory_space<vmem>>
    tpu.wait_dma2 semaphore(%dma_wait3A_84 : memref<!tpu.dma_semaphore, #tpu.memory_space<semaphore_mem>>) src(%dma_wait3A_90 : memref<128x256xf32, #tpu.memory_space<vmem>>) dst(%dma_wait3A_86 : memref<128x256xf32, #tpu.memory_space<hbm>>)
    %dma_start3A_91 = arith.constant 0 : i32
    %dma_start3A_92 = arith.constant 0 : i32
    %dma_start3A_93 = arith.constant 0 : i32
    %dma_start3A_94 = arith.constant 0 : i32
    %dma_start3A_95 = tpu.memref_slice %arg6[%dma_start3A_91, %dma_start3A_93, %dma_start3A_94] : memref<3x128x256xf32, #tpu.memory_space<vmem>> -> memref<1x128x256xf32, #tpu.memory_space<vmem>>
    %dma_start3A_96 = tpu.memref_squeeze %dma_start3A_95 : memref<1x128x256xf32, #tpu.memory_space<vmem>> -> memref<128x256xf32, #tpu.memory_space<vmem>>
    %dma_start3A_97 = arith.constant 384 : i32
    %dma_start3A_98 = tpu.memref_slice %arg5[%dma_start3A_97] : memref<512xi32, #tpu.memory_space<vmem>> -> memref<128xi32, #tpu.memory_space<vmem>>
    %dma_start3A_99 = arith.constant 0 : i32
    %dma_start3A_100 = arith.constant 0 : i32
    %dma_start3A_101 = tpu.memref_slice %arg2[%dma_start3A_99, %dma_start3A_100] : memref<30000x256xf32, #tpu.memory_space<hbm>> -> memref<30000x256xf32, #tpu.memory_space<hbm>>
    %dma_start3A_102 = tpu.memref_slice %arg7[%dma_start3A_92] : memref<3x!tpu.dma_semaphore, #tpu.memory_space<semaphore_mem>> -> memref<1x!tpu.dma_semaphore, #tpu.memory_space<semaphore_mem>>
    %dma_start3A_103 = tpu.memref_squeeze %dma_start3A_102 : memref<1x!tpu.dma_semaphore, #tpu.memory_space<semaphore_mem>> -> memref<!tpu.dma_semaphore, #tpu.memory_space<semaphore_mem>>
    tpu.enqueue_indirect_dma source(%dma_start3A_101 : memref<30000x256xf32, #tpu.memory_space<hbm>>) target(%dma_start3A_96 : memref<128x256xf32, #tpu.memory_space<vmem>>) offsets(%dma_start3A_98 : memref<128xi32, #tpu.memory_space<vmem>>) semaphore(%dma_start3A_103 : memref<!tpu.dma_semaphore, #tpu.memory_space<semaphore_mem>>)
    %dma_wait3A_104 = arith.constant 1 : i32
    %dma_wait3A_105 = arith.constant 1 : i32
    %dma_wait3A_106 = arith.constant 0 : i32
    %dma_wait3A_107 = arith.constant 0 : i32
    %dma_wait3A_108 = tpu.memref_slice %arg6[%dma_wait3A_104, %dma_wait3A_106, %dma_wait3A_107] : memref<3x128x256xf32, #tpu.memory_space<vmem>> -> memref<1x128x256xf32, #tpu.memory_space<vmem>>
    %dma_wait3A_109 = tpu.memref_squeeze %dma_wait3A_108 : memref<1x128x256xf32, #tpu.memory_space<vmem>> -> memref<128x256xf32, #tpu.memory_space<vmem>>
    %dma_wait3A_110 = arith.constant 128 : i32
    %dma_wait3A_111 = tpu.memref_slice %arg5[%dma_wait3A_110] : memref<512xi32, #tpu.memory_space<vmem>> -> memref<128xi32, #tpu.memory_space<vmem>>
    %dma_wait3A_112 = arith.constant 0 : i32
    %dma_wait3A_113 = arith.constant 0 : i32
    %dma_wait3A_114 = tpu.memref_slice %arg2[%dma_wait3A_112, %dma_wait3A_113] : memref<30000x256xf32, #tpu.memory_space<hbm>> -> memref<30000x256xf32, #tpu.memory_space<hbm>>
    %dma_wait3A_115 = tpu.memref_slice %arg7[%dma_wait3A_105] : memref<3x!tpu.dma_semaphore, #tpu.memory_space<semaphore_mem>> -> memref<1x!tpu.dma_semaphore, #tpu.memory_space<semaphore_mem>>
    %dma_wait3A_116 = tpu.memref_squeeze %dma_wait3A_115 : memref<1x!tpu.dma_semaphore, #tpu.memory_space<semaphore_mem>> -> memref<!tpu.dma_semaphore, #tpu.memory_space<semaphore_mem>>
    tpu.wait_indirect_dma semaphore(%dma_wait3A_116 : memref<!tpu.dma_semaphore, #tpu.memory_space<semaphore_mem>>) src(%dma_wait3A_114 : memref<30000x256xf32, #tpu.memory_space<hbm>>) dst(%dma_wait3A_109 : memref<128x256xf32, #tpu.memory_space<vmem>>)
    %add3A_117 = arith.constant 128 : i32
    %add3A_118 = arith.addi %mul3A_2, %add3A_117 : i32
    %dma_start3A_119 = arith.constant 1 : i32
    %dma_start3A_120 = arith.constant 1 : i32
    %dma_start3A_121 = arith.constant 0 : i32
    %dma_start3A_122 = arith.constant 0 : i32
    %dma_start3A_123 = tpu.memref_slice %arg6[%dma_start3A_119, %dma_start3A_121, %dma_start3A_122] : memref<3x128x256xf32, #tpu.memory_space<vmem>> -> memref<1x128x256xf32, #tpu.memory_space<vmem>>
    %dma_start3A_124 = tpu.memref_squeeze %dma_start3A_123 : memref<1x128x256xf32, #tpu.memory_space<vmem>> -> memref<128x256xf32, #tpu.memory_space<vmem>>
    %dma_start3A_125 = arith.constant 0 : i32
    %dma_start3A_126 = tpu.memref_slice %arg4[%add3A_118, %dma_start3A_125] : memref<16384x256xf32, #tpu.memory_space<hbm>> -> memref<128x256xf32, #tpu.memory_space<hbm>>
    %dma_start3A_127 = tpu.memref_slice %arg8[%dma_start3A_120] : memref<3x!tpu.dma_semaphore, #tpu.memory_space<semaphore_mem>> -> memref<1x!tpu.dma_semaphore, #tpu.memory_space<semaphore_mem>>
    %dma_start3A_128 = tpu.memref_squeeze %dma_start3A_127 : memref<1x!tpu.dma_semaphore, #tpu.memory_space<semaphore_mem>> -> memref<!tpu.dma_semaphore, #tpu.memory_space<semaphore_mem>>
    %dma_start3A_129 = arith.constant 0 : i32
    %dma_start3A_130 = tpu.memref_slice %arg4[%add3A_118, %dma_start3A_129] : memref<16384x256xf32, #tpu.memory_space<hbm>> -> memref<128x256xf32, #tpu.memory_space<hbm>>
    %dma_start3A_131 = arith.constant 0 : i32
    %dma_start3A_132 = arith.constant 0 : i32
    %dma_start3A_133 = tpu.memref_slice %arg6[%dma_start3A_119, %dma_start3A_131, %dma_start3A_132] : memref<3x128x256xf32, #tpu.memory_space<vmem>> -> memref<1x128x256xf32, #tpu.memory_space<vmem>>
    %dma_start3A_134 = tpu.memref_squeeze %dma_start3A_133 : memref<1x128x256xf32, #tpu.memory_space<vmem>> -> memref<128x256xf32, #tpu.memory_space<vmem>>
    tpu.enqueue_dma source(%dma_start3A_134 : memref<128x256xf32, #tpu.memory_space<vmem>>) target(%dma_start3A_130 : memref<128x256xf32, #tpu.memory_space<hbm>>) target_semaphore(%dma_start3A_128 : memref<!tpu.dma_semaphore, #tpu.memory_space<semaphore_mem>>)
    %dma_wait3A_135 = arith.constant 2 : i32
    %dma_wait3A_136 = arith.constant 2 : i32
    %dma_wait3A_137 = arith.constant 0 : i32
    %dma_wait3A_138 = arith.constant 0 : i32
    %dma_wait3A_139 = tpu.memref_slice %arg6[%dma_wait3A_135, %dma_wait3A_137, %dma_wait3A_138] : memref<3x128x256xf32, #tpu.memory_space<vmem>> -> memref<1x128x256xf32, #tpu.memory_space<vmem>>
    %dma_wait3A_140 = tpu.memref_squeeze %dma_wait3A_139 : memref<1x128x256xf32, #tpu.memory_space<vmem>> -> memref<128x256xf32, #tpu.memory_space<vmem>>
    %dma_wait3A_141 = arith.constant 256 : i32
    %dma_wait3A_142 = tpu.memref_slice %arg5[%dma_wait3A_141] : memref<512xi32, #tpu.memory_space<vmem>> -> memref<128xi32, #tpu.memory_space<vmem>>
    %dma_wait3A_143 = arith.constant 0 : i32
    %dma_wait3A_144 = arith.constant 0 : i32
    %dma_wait3A_145 = tpu.memref_slice %arg2[%dma_wait3A_143, %dma_wait3A_144] : memref<30000x256xf32, #tpu.memory_space<hbm>> -> memref<30000x256xf32, #tpu.memory_space<hbm>>
    %dma_wait3A_146 = tpu.memref_slice %arg7[%dma_wait3A_136] : memref<3x!tpu.dma_semaphore, #tpu.memory_space<semaphore_mem>> -> memref<1x!tpu.dma_semaphore, #tpu.memory_space<semaphore_mem>>
    %dma_wait3A_147 = tpu.memref_squeeze %dma_wait3A_146 : memref<1x!tpu.dma_semaphore, #tpu.memory_space<semaphore_mem>> -> memref<!tpu.dma_semaphore, #tpu.memory_space<semaphore_mem>>
    tpu.wait_indirect_dma semaphore(%dma_wait3A_147 : memref<!tpu.dma_semaphore, #tpu.memory_space<semaphore_mem>>) src(%dma_wait3A_145 : memref<30000x256xf32, #tpu.memory_space<hbm>>) dst(%dma_wait3A_140 : memref<128x256xf32, #tpu.memory_space<vmem>>)
    %add3A_148 = arith.constant 256 : i32
    %add3A_149 = arith.addi %mul3A_2, %add3A_148 : i32
    %dma_start3A_150 = arith.constant 2 : i32
    %dma_start3A_151 = arith.constant 2 : i32
    %dma_start3A_152 = arith.constant 0 : i32
    %dma_start3A_153 = arith.constant 0 : i32
    %dma_start3A_154 = tpu.memref_slice %arg6[%dma_start3A_150, %dma_start3A_152, %dma_start3A_153] : memref<3x128x256xf32, #tpu.memory_space<vmem>> -> memref<1x128x256xf32, #tpu.memory_space<vmem>>
    %dma_start3A_155 = tpu.memref_squeeze %dma_start3A_154 : memref<1x128x256xf32, #tpu.memory_space<vmem>> -> memref<128x256xf32, #tpu.memory_space<vmem>>
    %dma_start3A_156 = arith.constant 0 : i32
    %dma_start3A_157 = tpu.memref_slice %arg4[%add3A_149, %dma_start3A_156] : memref<16384x256xf32, #tpu.memory_space<hbm>> -> memref<128x256xf32, #tpu.memory_space<hbm>>
    %dma_start3A_158 = tpu.memref_slice %arg8[%dma_start3A_151] : memref<3x!tpu.dma_semaphore, #tpu.memory_space<semaphore_mem>> -> memref<1x!tpu.dma_semaphore, #tpu.memory_space<semaphore_mem>>
    %dma_start3A_159 = tpu.memref_squeeze %dma_start3A_158 : memref<1x!tpu.dma_semaphore, #tpu.memory_space<semaphore_mem>> -> memref<!tpu.dma_semaphore, #tpu.memory_space<semaphore_mem>>
    %dma_start3A_160 = arith.constant 0 : i32
    %dma_start3A_161 = tpu.memref_slice %arg4[%add3A_149, %dma_start3A_160] : memref<16384x256xf32, #tpu.memory_space<hbm>> -> memref<128x256xf32, #tpu.memory_space<hbm>>
    %dma_start3A_162 = arith.constant 0 : i32
    %dma_start3A_163 = arith.constant 0 : i32
    %dma_start3A_164 = tpu.memref_slice %arg6[%dma_start3A_150, %dma_start3A_162, %dma_start3A_163] : memref<3x128x256xf32, #tpu.memory_space<vmem>> -> memref<1x128x256xf32, #tpu.memory_space<vmem>>
    %dma_start3A_165 = tpu.memref_squeeze %dma_start3A_164 : memref<1x128x256xf32, #tpu.memory_space<vmem>> -> memref<128x256xf32, #tpu.memory_space<vmem>>
    tpu.enqueue_dma source(%dma_start3A_165 : memref<128x256xf32, #tpu.memory_space<vmem>>) target(%dma_start3A_161 : memref<128x256xf32, #tpu.memory_space<hbm>>) target_semaphore(%dma_start3A_159 : memref<!tpu.dma_semaphore, #tpu.memory_space<semaphore_mem>>)
    %dma_wait3A_166 = arith.constant 0 : i32
    %dma_wait3A_167 = arith.constant 0 : i32
    %dma_wait3A_168 = arith.constant 0 : i32
    %dma_wait3A_169 = arith.constant 0 : i32
    %dma_wait3A_170 = tpu.memref_slice %arg6[%dma_wait3A_166, %dma_wait3A_168, %dma_wait3A_169] : memref<3x128x256xf32, #tpu.memory_space<vmem>> -> memref<1x128x256xf32, #tpu.memory_space<vmem>>
    %dma_wait3A_171 = tpu.memref_squeeze %dma_wait3A_170 : memref<1x128x256xf32, #tpu.memory_space<vmem>> -> memref<128x256xf32, #tpu.memory_space<vmem>>
    %dma_wait3A_172 = arith.constant 384 : i32
    %dma_wait3A_173 = tpu.memref_slice %arg5[%dma_wait3A_172] : memref<512xi32, #tpu.memory_space<vmem>> -> memref<128xi32, #tpu.memory_space<vmem>>
    %dma_wait3A_174 = arith.constant 0 : i32
    %dma_wait3A_175 = arith.constant 0 : i32
    %dma_wait3A_176 = tpu.memref_slice %arg2[%dma_wait3A_174, %dma_wait3A_175] : memref<30000x256xf32, #tpu.memory_space<hbm>> -> memref<30000x256xf32, #tpu.memory_space<hbm>>
    %dma_wait3A_177 = tpu.memref_slice %arg7[%dma_wait3A_167] : memref<3x!tpu.dma_semaphore, #tpu.memory_space<semaphore_mem>> -> memref<1x!tpu.dma_semaphore, #tpu.memory_space<semaphore_mem>>
    %dma_wait3A_178 = tpu.memref_squeeze %dma_wait3A_177 : memref<1x!tpu.dma_semaphore, #tpu.memory_space<semaphore_mem>> -> memref<!tpu.dma_semaphore, #tpu.memory_space<semaphore_mem>>
    tpu.wait_indirect_dma semaphore(%dma_wait3A_178 : memref<!tpu.dma_semaphore, #tpu.memory_space<semaphore_mem>>) src(%dma_wait3A_176 : memref<30000x256xf32, #tpu.memory_space<hbm>>) dst(%dma_wait3A_171 : memref<128x256xf32, #tpu.memory_space<vmem>>)
    %add3A_179 = arith.constant 384 : i32
    %add3A_180 = arith.addi %mul3A_2, %add3A_179 : i32
    %dma_start3A_181 = arith.constant 0 : i32
    %dma_start3A_182 = arith.constant 0 : i32
    %dma_start3A_183 = arith.constant 0 : i32
    %dma_start3A_184 = arith.constant 0 : i32
    %dma_start3A_185 = tpu.memref_slice %arg6[%dma_start3A_181, %dma_start3A_183, %dma_start3A_184] : memref<3x128x256xf32, #tpu.memory_space<vmem>> -> memref<1x128x256xf32, #tpu.memory_space<vmem>>
    %dma_start3A_186 = tpu.memref_squeeze %dma_start3A_185 : memref<1x128x256xf32, #tpu.memory_space<vmem>> -> memref<128x256xf32, #tpu.memory_space<vmem>>
    %dma_start3A_187 = arith.constant 0 : i32
    %dma_start3A_188 = tpu.memref_slice %arg4[%add3A_180, %dma_start3A_187] : memref<16384x256xf32, #tpu.memory_space<hbm>> -> memref<128x256xf32, #tpu.memory_space<hbm>>
    %dma_start3A_189 = tpu.memref_slice %arg8[%dma_start3A_182] : memref<3x!tpu.dma_semaphore, #tpu.memory_space<semaphore_mem>> -> memref<1x!tpu.dma_semaphore, #tpu.memory_space<semaphore_mem>>
    %dma_start3A_190 = tpu.memref_squeeze %dma_start3A_189 : memref<1x!tpu.dma_semaphore, #tpu.memory_space<semaphore_mem>> -> memref<!tpu.dma_semaphore, #tpu.memory_space<semaphore_mem>>
    %dma_start3A_191 = arith.constant 0 : i32
    %dma_start3A_192 = tpu.memref_slice %arg4[%add3A_180, %dma_start3A_191] : memref<16384x256xf32, #tpu.memory_space<hbm>> -> memref<128x256xf32, #tpu.memory_space<hbm>>
    %dma_start3A_193 = arith.constant 0 : i32
    %dma_start3A_194 = arith.constant 0 : i32
    %dma_start3A_195 = tpu.memref_slice %arg6[%dma_start3A_181, %dma_start3A_193, %dma_start3A_194] : memref<3x128x256xf32, #tpu.memory_space<vmem>> -> memref<1x128x256xf32, #tpu.memory_space<vmem>>
    %dma_start3A_196 = tpu.memref_squeeze %dma_start3A_195 : memref<1x128x256xf32, #tpu.memory_space<vmem>> -> memref<128x256xf32, #tpu.memory_space<vmem>>
    tpu.enqueue_dma source(%dma_start3A_196 : memref<128x256xf32, #tpu.memory_space<vmem>>) target(%dma_start3A_192 : memref<128x256xf32, #tpu.memory_space<hbm>>) target_semaphore(%dma_start3A_190 : memref<!tpu.dma_semaphore, #tpu.memory_space<semaphore_mem>>)
    %add3A_197 = arith.constant 128 : i32
    %add3A_198 = arith.addi %mul3A_2, %add3A_197 : i32
    %dma_wait3A_199 = arith.constant 1 : i32
    %dma_wait3A_200 = arith.constant 1 : i32
    %dma_wait3A_201 = arith.constant 0 : i32
    %dma_wait3A_202 = arith.constant 0 : i32
    %dma_wait3A_203 = tpu.memref_slice %arg6[%dma_wait3A_199, %dma_wait3A_201, %dma_wait3A_202] : memref<3x128x256xf32, #tpu.memory_space<vmem>> -> memref<1x128x256xf32, #tpu.memory_space<vmem>>
    %dma_wait3A_204 = tpu.memref_squeeze %dma_wait3A_203 : memref<1x128x256xf32, #tpu.memory_space<vmem>> -> memref<128x256xf32, #tpu.memory_space<vmem>>
    %dma_wait3A_205 = arith.constant 0 : i32
    %dma_wait3A_206 = tpu.memref_slice %arg4[%add3A_198, %dma_wait3A_205] : memref<16384x256xf32, #tpu.memory_space<hbm>> -> memref<128x256xf32, #tpu.memory_space<hbm>>
    %dma_wait3A_207 = tpu.memref_slice %arg8[%dma_wait3A_200] : memref<3x!tpu.dma_semaphore, #tpu.memory_space<semaphore_mem>> -> memref<1x!tpu.dma_semaphore, #tpu.memory_space<semaphore_mem>>
    %dma_wait3A_208 = tpu.memref_squeeze %dma_wait3A_207 : memref<1x!tpu.dma_semaphore, #tpu.memory_space<semaphore_mem>> -> memref<!tpu.dma_semaphore, #tpu.memory_space<semaphore_mem>>
    %dma_wait3A_209 = arith.constant 0 : i32
    %dma_wait3A_210 = tpu.memref_slice %arg4[%add3A_198, %dma_wait3A_209] : memref<16384x256xf32, #tpu.memory_space<hbm>> -> memref<128x256xf32, #tpu.memory_space<hbm>>
    %dma_wait3A_211 = arith.constant 0 : i32
    %dma_wait3A_212 = arith.constant 0 : i32
    %dma_wait3A_213 = tpu.memref_slice %arg6[%dma_wait3A_199, %dma_wait3A_211, %dma_wait3A_212] : memref<3x128x256xf32, #tpu.memory_space<vmem>> -> memref<1x128x256xf32, #tpu.memory_space<vmem>>
    %dma_wait3A_214 = tpu.memref_squeeze %dma_wait3A_213 : memref<1x128x256xf32, #tpu.memory_space<vmem>> -> memref<128x256xf32, #tpu.memory_space<vmem>>
    tpu.wait_dma2 semaphore(%dma_wait3A_208 : memref<!tpu.dma_semaphore, #tpu.memory_space<semaphore_mem>>) src(%dma_wait3A_214 : memref<128x256xf32, #tpu.memory_space<vmem>>) dst(%dma_wait3A_210 : memref<128x256xf32, #tpu.memory_space<hbm>>)
    %add3A_215 = arith.constant 256 : i32
    %add3A_216 = arith.addi %mul3A_2, %add3A_215 : i32
    %dma_wait3A_217 = arith.constant 2 : i32
    %dma_wait3A_218 = arith.constant 2 : i32
    %dma_wait3A_219 = arith.constant 0 : i32
    %dma_wait3A_220 = arith.constant 0 : i32
    %dma_wait3A_221 = tpu.memref_slice %arg6[%dma_wait3A_217, %dma_wait3A_219, %dma_wait3A_220] : memref<3x128x256xf32, #tpu.memory_space<vmem>> -> memref<1x128x256xf32, #tpu.memory_space<vmem>>
    %dma_wait3A_222 = tpu.memref_squeeze %dma_wait3A_221 : memref<1x128x256xf32, #tpu.memory_space<vmem>> -> memref<128x256xf32, #tpu.memory_space<vmem>>
    %dma_wait3A_223 = arith.constant 0 : i32
    %dma_wait3A_224 = tpu.memref_slice %arg4[%add3A_216, %dma_wait3A_223] : memref<16384x256xf32, #tpu.memory_space<hbm>> -> memref<128x256xf32, #tpu.memory_space<hbm>>
    %dma_wait3A_225 = tpu.memref_slice %arg8[%dma_wait3A_218] : memref<3x!tpu.dma_semaphore, #tpu.memory_space<semaphore_mem>> -> memref<1x!tpu.dma_semaphore, #tpu.memory_space<semaphore_mem>>
    %dma_wait3A_226 = tpu.memref_squeeze %dma_wait3A_225 : memref<1x!tpu.dma_semaphore, #tpu.memory_space<semaphore_mem>> -> memref<!tpu.dma_semaphore, #tpu.memory_space<semaphore_mem>>
    %dma_wait3A_227 = arith.constant 0 : i32
    %dma_wait3A_228 = tpu.memref_slice %arg4[%add3A_216, %dma_wait3A_227] : memref<16384x256xf32, #tpu.memory_space<hbm>> -> memref<128x256xf32, #tpu.memory_space<hbm>>
    %dma_wait3A_229 = arith.constant 0 : i32
    %dma_wait3A_230 = arith.constant 0 : i32
    %dma_wait3A_231 = tpu.memref_slice %arg6[%dma_wait3A_217, %dma_wait3A_229, %dma_wait3A_230] : memref<3x128x256xf32, #tpu.memory_space<vmem>> -> memref<1x128x256xf32, #tpu.memory_space<vmem>>
    %dma_wait3A_232 = tpu.memref_squeeze %dma_wait3A_231 : memref<1x128x256xf32, #tpu.memory_space<vmem>> -> memref<128x256xf32, #tpu.memory_space<vmem>>
    tpu.wait_dma2 semaphore(%dma_wait3A_226 : memref<!tpu.dma_semaphore, #tpu.memory_space<semaphore_mem>>) src(%dma_wait3A_232 : memref<128x256xf32, #tpu.memory_space<vmem>>) dst(%dma_wait3A_228 : memref<128x256xf32, #tpu.memory_space<hbm>>)
    %add3A_233 = arith.constant 384 : i32
    %add3A_234 = arith.addi %mul3A_2, %add3A_233 : i32
    %dma_wait3A_235 = arith.constant 0 : i32
    %dma_wait3A_236 = arith.constant 0 : i32
    %dma_wait3A_237 = arith.constant 0 : i32
    %dma_wait3A_238 = arith.constant 0 : i32
    %dma_wait3A_239 = tpu.memref_slice %arg6[%dma_wait3A_235, %dma_wait3A_237, %dma_wait3A_238] : memref<3x128x256xf32, #tpu.memory_space<vmem>> -> memref<1x128x256xf32, #tpu.memory_space<vmem>>
    %dma_wait3A_240 = tpu.memref_squeeze %dma_wait3A_239 : memref<1x128x256xf32, #tpu.memory_space<vmem>> -> memref<128x256xf32, #tpu.memory_space<vmem>>
    %dma_wait3A_241 = arith.constant 0 : i32
    %dma_wait3A_242 = tpu.memref_slice %arg4[%add3A_234, %dma_wait3A_241] : memref<16384x256xf32, #tpu.memory_space<hbm>> -> memref<128x256xf32, #tpu.memory_space<hbm>>
    %dma_wait3A_243 = tpu.memref_slice %arg8[%dma_wait3A_236] : memref<3x!tpu.dma_semaphore, #tpu.memory_space<semaphore_mem>> -> memref<1x!tpu.dma_semaphore, #tpu.memory_space<semaphore_mem>>
    %dma_wait3A_244 = tpu.memref_squeeze %dma_wait3A_243 : memref<1x!tpu.dma_semaphore, #tpu.memory_space<semaphore_mem>> -> memref<!tpu.dma_semaphore, #tpu.memory_space<semaphore_mem>>
    %dma_wait3A_245 = arith.constant 0 : i32
    %dma_wait3A_246 = tpu.memref_slice %arg4[%add3A_234, %dma_wait3A_245] : memref<16384x256xf32, #tpu.memory_space<hbm>> -> memref<128x256xf32, #tpu.memory_space<hbm>>
    %dma_wait3A_247 = arith.constant 0 : i32
    %dma_wait3A_248 = arith.constant 0 : i32
    %dma_wait3A_249 = tpu.memref_slice %arg6[%dma_wait3A_235, %dma_wait3A_247, %dma_wait3A_248] : memref<3x128x256xf32, #tpu.memory_space<vmem>> -> memref<1x128x256xf32, #tpu.memory_space<vmem>>
    %dma_wait3A_250 = tpu.memref_squeeze %dma_wait3A_249 : memref<1x128x256xf32, #tpu.memory_space<vmem>> -> memref<128x256xf32, #tpu.memory_space<vmem>>
    tpu.wait_dma2 semaphore(%dma_wait3A_244 : memref<!tpu.dma_semaphore, #tpu.memory_space<semaphore_mem>>) src(%dma_wait3A_250 : memref<128x256xf32, #tpu.memory_space<vmem>>) dst(%dma_wait3A_246 : memref<128x256xf32, #tpu.memory_space<hbm>>)
    return
  }
}

#map = affine_map<(d0, d1) -> (0, 0)>
#map1 = affine_map<(d0, d1) -> (0)>
module attributes {stable_mosaic.version = 14 : i64} {
  func.func @k(%arg0: i32, %arg1: i32, %arg2: memref<30000x256xf32, #tpu.memory_space<hbm>>, %arg3: memref<16384xi32, #tpu.memory_space<hbm>>, %arg4: memref<4096xi32, #tpu.memory_space<hbm>>, %arg5: memref<16384x256xf32, #tpu.memory_space<hbm>>, %arg6: memref<4096x256xf32, #tpu.memory_space<hbm>>, %arg7: memref<640xi32, #tpu.memory_space<vmem>>, %arg8: memref<3x128x256xf32, #tpu.memory_space<vmem>>, %arg9: memref<3x!tpu.dma_semaphore, #tpu.memory_space<semaphore_mem>>, %arg10: memref<3x!tpu.dma_semaphore, #tpu.memory_space<semaphore_mem>>) attributes {dimension_semantics = [#tpu.dimension_semantics<core_parallel>, #tpu.dimension_semantics<subcore_parallel>], iteration_bounds = array<i64: 2, 16>, scalar_prefetch = 0 : i64, scratch_operands = 4 : i64, tpu.core_type = #tpu.core_type<sc_vector_subcore>, window_params = [{transform_indices = #map}, {transform_indices = #map1}, {transform_indices = #map1}, {transform_indices = #map}, {transform_indices = #map}]} {
    %mul3A = arith.constant 2 : i32
    %mul3A_0 = arith.muli %arg1, %mul3A : i32
    %add3A = arith.addi %mul3A_0, %arg0 : i32
    %mul3A_1 = arith.constant 512 : i32
    %mul3A_2 = arith.muli %add3A, %mul3A_1 : i32
    %mul3A_3 = arith.constant 128 : i32
    %mul3A_4 = arith.muli %add3A, %mul3A_3 : i32
    "tpu.region"() ({
      %run_scoped3A = tpu.sem_alloc : memref<!tpu.dma_semaphore, #tpu.memory_space<semaphore_mem>>
      %dma_start3A_313 = arith.constant 0 : i32
      %dma_start3A_314 = tpu.memref_slice %arg7[%dma_start3A_313] : memref<640xi32, #tpu.memory_space<vmem>> -> memref<512xi32, #tpu.memory_space<vmem>>
      %dma_start3A_315 = tpu.memref_slice %arg3[%mul3A_2] : memref<16384xi32, #tpu.memory_space<hbm>> -> memref<512xi32, #tpu.memory_space<hbm>>
      %dma_start3A_316 = arith.constant 0 : i32
      %dma_start3A_317 = tpu.memref_slice %arg7[%dma_start3A_316] : memref<640xi32, #tpu.memory_space<vmem>> -> memref<512xi32, #tpu.memory_space<vmem>>
      %dma_start3A_318 = tpu.memref_slice %arg3[%mul3A_2] : memref<16384xi32, #tpu.memory_space<hbm>> -> memref<512xi32, #tpu.memory_space<hbm>>
      tpu.enqueue_dma source(%dma_start3A_318 : memref<512xi32, #tpu.memory_space<hbm>>) target(%dma_start3A_317 : memref<512xi32, #tpu.memory_space<vmem>>) target_semaphore(%run_scoped3A : memref<!tpu.dma_semaphore, #tpu.memory_space<semaphore_mem>>)
      %dma_wait3A_319 = arith.constant 0 : i32
      %dma_wait3A_320 = tpu.memref_slice %arg7[%dma_wait3A_319] : memref<640xi32, #tpu.memory_space<vmem>> -> memref<512xi32, #tpu.memory_space<vmem>>
      %dma_wait3A_321 = tpu.memref_slice %arg3[%mul3A_2] : memref<16384xi32, #tpu.memory_space<hbm>> -> memref<512xi32, #tpu.memory_space<hbm>>
      %dma_wait3A_322 = arith.constant 0 : i32
      %dma_wait3A_323 = tpu.memref_slice %arg7[%dma_wait3A_322] : memref<640xi32, #tpu.memory_space<vmem>> -> memref<512xi32, #tpu.memory_space<vmem>>
      %dma_wait3A_324 = tpu.memref_slice %arg3[%mul3A_2] : memref<16384xi32, #tpu.memory_space<hbm>> -> memref<512xi32, #tpu.memory_space<hbm>>
      tpu.wait_dma2 semaphore(%run_scoped3A : memref<!tpu.dma_semaphore, #tpu.memory_space<semaphore_mem>>) src(%dma_wait3A_324 : memref<512xi32, #tpu.memory_space<hbm>>) dst(%dma_wait3A_323 : memref<512xi32, #tpu.memory_space<vmem>>)
      tpu.yield
    }) : () -> ()
    "tpu.region"() ({
      %run_scoped3A = tpu.sem_alloc : memref<!tpu.dma_semaphore, #tpu.memory_space<semaphore_mem>>
      %dma_start3A_313 = arith.constant 512 : i32
      %dma_start3A_314 = tpu.memref_slice %arg7[%dma_start3A_313] : memref<640xi32, #tpu.memory_space<vmem>> -> memref<128xi32, #tpu.memory_space<vmem>>
      %dma_start3A_315 = tpu.memref_slice %arg4[%mul3A_4] : memref<4096xi32, #tpu.memory_space<hbm>> -> memref<128xi32, #tpu.memory_space<hbm>>
      %dma_start3A_316 = arith.constant 512 : i32
      %dma_start3A_317 = tpu.memref_slice %arg7[%dma_start3A_316] : memref<640xi32, #tpu.memory_space<vmem>> -> memref<128xi32, #tpu.memory_space<vmem>>
      %dma_start3A_318 = tpu.memref_slice %arg4[%mul3A_4] : memref<4096xi32, #tpu.memory_space<hbm>> -> memref<128xi32, #tpu.memory_space<hbm>>
      tpu.enqueue_dma source(%dma_start3A_318 : memref<128xi32, #tpu.memory_space<hbm>>) target(%dma_start3A_317 : memref<128xi32, #tpu.memory_space<vmem>>) target_semaphore(%run_scoped3A : memref<!tpu.dma_semaphore, #tpu.memory_space<semaphore_mem>>)
      %dma_wait3A_319 = arith.constant 512 : i32
      %dma_wait3A_320 = tpu.memref_slice %arg7[%dma_wait3A_319] : memref<640xi32, #tpu.memory_space<vmem>> -> memref<128xi32, #tpu.memory_space<vmem>>
      %dma_wait3A_321 = tpu.memref_slice %arg4[%mul3A_4] : memref<4096xi32, #tpu.memory_space<hbm>> -> memref<128xi32, #tpu.memory_space<hbm>>
      %dma_wait3A_322 = arith.constant 512 : i32
      %dma_wait3A_323 = tpu.memref_slice %arg7[%dma_wait3A_322] : memref<640xi32, #tpu.memory_space<vmem>> -> memref<128xi32, #tpu.memory_space<vmem>>
      %dma_wait3A_324 = tpu.memref_slice %arg4[%mul3A_4] : memref<4096xi32, #tpu.memory_space<hbm>> -> memref<128xi32, #tpu.memory_space<hbm>>
      tpu.wait_dma2 semaphore(%run_scoped3A : memref<!tpu.dma_semaphore, #tpu.memory_space<semaphore_mem>>) src(%dma_wait3A_324 : memref<128xi32, #tpu.memory_space<hbm>>) dst(%dma_wait3A_323 : memref<128xi32, #tpu.memory_space<vmem>>)
      tpu.yield
    }) : () -> ()
    %dma_start3A = arith.constant 0 : i32
    %dma_start3A_5 = arith.constant 0 : i32
    %dma_start3A_6 = arith.constant 0 : i32
    %dma_start3A_7 = arith.constant 0 : i32
    %dma_start3A_8 = tpu.memref_slice %arg8[%dma_start3A, %dma_start3A_6, %dma_start3A_7] : memref<3x128x256xf32, #tpu.memory_space<vmem>> -> memref<1x128x256xf32, #tpu.memory_space<vmem>>
    %dma_start3A_9 = tpu.memref_squeeze %dma_start3A_8 : memref<1x128x256xf32, #tpu.memory_space<vmem>> -> memref<128x256xf32, #tpu.memory_space<vmem>>
    %dma_start3A_10 = arith.constant 0 : i32
    %dma_start3A_11 = tpu.memref_slice %arg7[%dma_start3A_10] : memref<640xi32, #tpu.memory_space<vmem>> -> memref<128xi32, #tpu.memory_space<vmem>>
    %dma_start3A_12 = arith.constant 0 : i32
    %dma_start3A_13 = arith.constant 0 : i32
    %dma_start3A_14 = tpu.memref_slice %arg2[%dma_start3A_12, %dma_start3A_13] : memref<30000x256xf32, #tpu.memory_space<hbm>> -> memref<30000x256xf32, #tpu.memory_space<hbm>>
    %dma_start3A_15 = tpu.memref_slice %arg9[%dma_start3A_5] : memref<3x!tpu.dma_semaphore, #tpu.memory_space<semaphore_mem>> -> memref<1x!tpu.dma_semaphore, #tpu.memory_space<semaphore_mem>>
    %dma_start3A_16 = tpu.memref_squeeze %dma_start3A_15 : memref<1x!tpu.dma_semaphore, #tpu.memory_space<semaphore_mem>> -> memref<!tpu.dma_semaphore, #tpu.memory_space<semaphore_mem>>
    tpu.enqueue_indirect_dma source(%dma_start3A_14 : memref<30000x256xf32, #tpu.memory_space<hbm>>) target(%dma_start3A_9 : memref<128x256xf32, #tpu.memory_space<vmem>>) offsets(%dma_start3A_11 : memref<128xi32, #tpu.memory_space<vmem>>) semaphore(%dma_start3A_16 : memref<!tpu.dma_semaphore, #tpu.memory_space<semaphore_mem>>)
    %dma_start3A_17 = arith.constant 1 : i32
    %dma_start3A_18 = arith.constant 1 : i32
    %dma_start3A_19 = arith.constant 0 : i32
    %dma_start3A_20 = arith.constant 0 : i32
    %dma_start3A_21 = tpu.memref_slice %arg8[%dma_start3A_17, %dma_start3A_19, %dma_start3A_20] : memref<3x128x256xf32, #tpu.memory_space<vmem>> -> memref<1x128x256xf32, #tpu.memory_space<vmem>>
    %dma_start3A_22 = tpu.memref_squeeze %dma_start3A_21 : memref<1x128x256xf32, #tpu.memory_space<vmem>> -> memref<128x256xf32, #tpu.memory_space<vmem>>
    %dma_start3A_23 = arith.constant 128 : i32
    %dma_start3A_24 = tpu.memref_slice %arg7[%dma_start3A_23] : memref<640xi32, #tpu.memory_space<vmem>> -> memref<128xi32, #tpu.memory_space<vmem>>
    %dma_start3A_25 = arith.constant 0 : i32
    %dma_start3A_26 = arith.constant 0 : i32
    %dma_start3A_27 = tpu.memref_slice %arg2[%dma_start3A_25, %dma_start3A_26] : memref<30000x256xf32, #tpu.memory_space<hbm>> -> memref<30000x256xf32, #tpu.memory_space<hbm>>
    %dma_start3A_28 = tpu.memref_slice %arg9[%dma_start3A_18] : memref<3x!tpu.dma_semaphore, #tpu.memory_space<semaphore_mem>> -> memref<1x!tpu.dma_semaphore, #tpu.memory_space<semaphore_mem>>
    %dma_start3A_29 = tpu.memref_squeeze %dma_start3A_28 : memref<1x!tpu.dma_semaphore, #tpu.memory_space<semaphore_mem>> -> memref<!tpu.dma_semaphore, #tpu.memory_space<semaphore_mem>>
    tpu.enqueue_indirect_dma source(%dma_start3A_27 : memref<30000x256xf32, #tpu.memory_space<hbm>>) target(%dma_start3A_22 : memref<128x256xf32, #tpu.memory_space<vmem>>) offsets(%dma_start3A_24 : memref<128xi32, #tpu.memory_space<vmem>>) semaphore(%dma_start3A_29 : memref<!tpu.dma_semaphore, #tpu.memory_space<semaphore_mem>>)
    %dma_start3A_30 = arith.constant 2 : i32
    %dma_start3A_31 = arith.constant 2 : i32
    %dma_start3A_32 = arith.constant 0 : i32
    %dma_start3A_33 = arith.constant 0 : i32
    %dma_start3A_34 = tpu.memref_slice %arg8[%dma_start3A_30, %dma_start3A_32, %dma_start3A_33] : memref<3x128x256xf32, #tpu.memory_space<vmem>> -> memref<1x128x256xf32, #tpu.memory_space<vmem>>
    %dma_start3A_35 = tpu.memref_squeeze %dma_start3A_34 : memref<1x128x256xf32, #tpu.memory_space<vmem>> -> memref<128x256xf32, #tpu.memory_space<vmem>>
    %dma_start3A_36 = arith.constant 256 : i32
    %dma_start3A_37 = tpu.memref_slice %arg7[%dma_start3A_36] : memref<640xi32, #tpu.memory_space<vmem>> -> memref<128xi32, #tpu.memory_space<vmem>>
    %dma_start3A_38 = arith.constant 0 : i32
    %dma_start3A_39 = arith.constant 0 : i32
    %dma_start3A_40 = tpu.memref_slice %arg2[%dma_start3A_38, %dma_start3A_39] : memref<30000x256xf32, #tpu.memory_space<hbm>> -> memref<30000x256xf32, #tpu.memory_space<hbm>>
    %dma_start3A_41 = tpu.memref_slice %arg9[%dma_start3A_31] : memref<3x!tpu.dma_semaphore, #tpu.memory_space<semaphore_mem>> -> memref<1x!tpu.dma_semaphore, #tpu.memory_space<semaphore_mem>>
    %dma_start3A_42 = tpu.memref_squeeze %dma_start3A_41 : memref<1x!tpu.dma_semaphore, #tpu.memory_space<semaphore_mem>> -> memref<!tpu.dma_semaphore, #tpu.memory_space<semaphore_mem>>
    tpu.enqueue_indirect_dma source(%dma_start3A_40 : memref<30000x256xf32, #tpu.memory_space<hbm>>) target(%dma_start3A_35 : memref<128x256xf32, #tpu.memory_space<vmem>>) offsets(%dma_start3A_37 : memref<128xi32, #tpu.memory_space<vmem>>) semaphore(%dma_start3A_42 : memref<!tpu.dma_semaphore, #tpu.memory_space<semaphore_mem>>)
    %dma_wait3A = arith.constant 0 : i32
    %dma_wait3A_43 = arith.constant 0 : i32
    %dma_wait3A_44 = arith.constant 0 : i32
    %dma_wait3A_45 = arith.constant 0 : i32
    %dma_wait3A_46 = tpu.memref_slice %arg8[%dma_wait3A, %dma_wait3A_44, %dma_wait3A_45] : memref<3x128x256xf32, #tpu.memory_space<vmem>> -> memref<1x128x256xf32, #tpu.memory_space<vmem>>
    %dma_wait3A_47 = tpu.memref_squeeze %dma_wait3A_46 : memref<1x128x256xf32, #tpu.memory_space<vmem>> -> memref<128x256xf32, #tpu.memory_space<vmem>>
    %dma_wait3A_48 = arith.constant 0 : i32
    %dma_wait3A_49 = tpu.memref_slice %arg7[%dma_wait3A_48] : memref<640xi32, #tpu.memory_space<vmem>> -> memref<128xi32, #tpu.memory_space<vmem>>
    %dma_wait3A_50 = arith.constant 0 : i32
    %dma_wait3A_51 = arith.constant 0 : i32
    %dma_wait3A_52 = tpu.memref_slice %arg2[%dma_wait3A_50, %dma_wait3A_51] : memref<30000x256xf32, #tpu.memory_space<hbm>> -> memref<30000x256xf32, #tpu.memory_space<hbm>>
    %dma_wait3A_53 = tpu.memref_slice %arg9[%dma_wait3A_43] : memref<3x!tpu.dma_semaphore, #tpu.memory_space<semaphore_mem>> -> memref<1x!tpu.dma_semaphore, #tpu.memory_space<semaphore_mem>>
    %dma_wait3A_54 = tpu.memref_squeeze %dma_wait3A_53 : memref<1x!tpu.dma_semaphore, #tpu.memory_space<semaphore_mem>> -> memref<!tpu.dma_semaphore, #tpu.memory_space<semaphore_mem>>
    tpu.wait_indirect_dma semaphore(%dma_wait3A_54 : memref<!tpu.dma_semaphore, #tpu.memory_space<semaphore_mem>>) src(%dma_wait3A_52 : memref<30000x256xf32, #tpu.memory_space<hbm>>) dst(%dma_wait3A_47 : memref<128x256xf32, #tpu.memory_space<vmem>>)
    %add3A_55 = arith.constant 0 : i32
    %add3A_56 = arith.addi %mul3A_2, %add3A_55 : i32
    %dma_start3A_57 = arith.constant 0 : i32
    %dma_start3A_58 = arith.constant 0 : i32
    %dma_start3A_59 = arith.constant 0 : i32
    %dma_start3A_60 = arith.constant 0 : i32
    %dma_start3A_61 = tpu.memref_slice %arg8[%dma_start3A_57, %dma_start3A_59, %dma_start3A_60] : memref<3x128x256xf32, #tpu.memory_space<vmem>> -> memref<1x128x256xf32, #tpu.memory_space<vmem>>
    %dma_start3A_62 = tpu.memref_squeeze %dma_start3A_61 : memref<1x128x256xf32, #tpu.memory_space<vmem>> -> memref<128x256xf32, #tpu.memory_space<vmem>>
    %dma_start3A_63 = arith.constant 0 : i32
    %dma_start3A_64 = tpu.memref_slice %arg5[%add3A_56, %dma_start3A_63] : memref<16384x256xf32, #tpu.memory_space<hbm>> -> memref<128x256xf32, #tpu.memory_space<hbm>>
    %dma_start3A_65 = tpu.memref_slice %arg10[%dma_start3A_58] : memref<3x!tpu.dma_semaphore, #tpu.memory_space<semaphore_mem>> -> memref<1x!tpu.dma_semaphore, #tpu.memory_space<semaphore_mem>>
    %dma_start3A_66 = tpu.memref_squeeze %dma_start3A_65 : memref<1x!tpu.dma_semaphore, #tpu.memory_space<semaphore_mem>> -> memref<!tpu.dma_semaphore, #tpu.memory_space<semaphore_mem>>
    %dma_start3A_67 = arith.constant 0 : i32
    %dma_start3A_68 = tpu.memref_slice %arg5[%add3A_56, %dma_start3A_67] : memref<16384x256xf32, #tpu.memory_space<hbm>> -> memref<128x256xf32, #tpu.memory_space<hbm>>
    %dma_start3A_69 = arith.constant 0 : i32
    %dma_start3A_70 = arith.constant 0 : i32
    %dma_start3A_71 = tpu.memref_slice %arg8[%dma_start3A_57, %dma_start3A_69, %dma_start3A_70] : memref<3x128x256xf32, #tpu.memory_space<vmem>> -> memref<1x128x256xf32, #tpu.memory_space<vmem>>
    %dma_start3A_72 = tpu.memref_squeeze %dma_start3A_71 : memref<1x128x256xf32, #tpu.memory_space<vmem>> -> memref<128x256xf32, #tpu.memory_space<vmem>>
    tpu.enqueue_dma source(%dma_start3A_72 : memref<128x256xf32, #tpu.memory_space<vmem>>) target(%dma_start3A_68 : memref<128x256xf32, #tpu.memory_space<hbm>>) target_semaphore(%dma_start3A_66 : memref<!tpu.dma_semaphore, #tpu.memory_space<semaphore_mem>>)
    %add3A_73 = arith.constant 0 : i32
    %add3A_74 = arith.addi %mul3A_2, %add3A_73 : i32
    %dma_wait3A_75 = arith.constant 0 : i32
    %dma_wait3A_76 = arith.constant 0 : i32
    %dma_wait3A_77 = arith.constant 0 : i32
    %dma_wait3A_78 = arith.constant 0 : i32
    %dma_wait3A_79 = tpu.memref_slice %arg8[%dma_wait3A_75, %dma_wait3A_77, %dma_wait3A_78] : memref<3x128x256xf32, #tpu.memory_space<vmem>> -> memref<1x128x256xf32, #tpu.memory_space<vmem>>
    %dma_wait3A_80 = tpu.memref_squeeze %dma_wait3A_79 : memref<1x128x256xf32, #tpu.memory_space<vmem>> -> memref<128x256xf32, #tpu.memory_space<vmem>>
    %dma_wait3A_81 = arith.constant 0 : i32
    %dma_wait3A_82 = tpu.memref_slice %arg5[%add3A_74, %dma_wait3A_81] : memref<16384x256xf32, #tpu.memory_space<hbm>> -> memref<128x256xf32, #tpu.memory_space<hbm>>
    %dma_wait3A_83 = tpu.memref_slice %arg10[%dma_wait3A_76] : memref<3x!tpu.dma_semaphore, #tpu.memory_space<semaphore_mem>> -> memref<1x!tpu.dma_semaphore, #tpu.memory_space<semaphore_mem>>
    %dma_wait3A_84 = tpu.memref_squeeze %dma_wait3A_83 : memref<1x!tpu.dma_semaphore, #tpu.memory_space<semaphore_mem>> -> memref<!tpu.dma_semaphore, #tpu.memory_space<semaphore_mem>>
    %dma_wait3A_85 = arith.constant 0 : i32
    %dma_wait3A_86 = tpu.memref_slice %arg5[%add3A_74, %dma_wait3A_85] : memref<16384x256xf32, #tpu.memory_space<hbm>> -> memref<128x256xf32, #tpu.memory_space<hbm>>
    %dma_wait3A_87 = arith.constant 0 : i32
    %dma_wait3A_88 = arith.constant 0 : i32
    %dma_wait3A_89 = tpu.memref_slice %arg8[%dma_wait3A_75, %dma_wait3A_87, %dma_wait3A_88] : memref<3x128x256xf32, #tpu.memory_space<vmem>> -> memref<1x128x256xf32, #tpu.memory_space<vmem>>
    %dma_wait3A_90 = tpu.memref_squeeze %dma_wait3A_89 : memref<1x128x256xf32, #tpu.memory_space<vmem>> -> memref<128x256xf32, #tpu.memory_space<vmem>>
    tpu.wait_dma2 semaphore(%dma_wait3A_84 : memref<!tpu.dma_semaphore, #tpu.memory_space<semaphore_mem>>) src(%dma_wait3A_90 : memref<128x256xf32, #tpu.memory_space<vmem>>) dst(%dma_wait3A_86 : memref<128x256xf32, #tpu.memory_space<hbm>>)
    %dma_start3A_91 = arith.constant 0 : i32
    %dma_start3A_92 = arith.constant 0 : i32
    %dma_start3A_93 = arith.constant 0 : i32
    %dma_start3A_94 = arith.constant 0 : i32
    %dma_start3A_95 = tpu.memref_slice %arg8[%dma_start3A_91, %dma_start3A_93, %dma_start3A_94] : memref<3x128x256xf32, #tpu.memory_space<vmem>> -> memref<1x128x256xf32, #tpu.memory_space<vmem>>
    %dma_start3A_96 = tpu.memref_squeeze %dma_start3A_95 : memref<1x128x256xf32, #tpu.memory_space<vmem>> -> memref<128x256xf32, #tpu.memory_space<vmem>>
    %dma_start3A_97 = arith.constant 384 : i32
    %dma_start3A_98 = tpu.memref_slice %arg7[%dma_start3A_97] : memref<640xi32, #tpu.memory_space<vmem>> -> memref<128xi32, #tpu.memory_space<vmem>>
    %dma_start3A_99 = arith.constant 0 : i32
    %dma_start3A_100 = arith.constant 0 : i32
    %dma_start3A_101 = tpu.memref_slice %arg2[%dma_start3A_99, %dma_start3A_100] : memref<30000x256xf32, #tpu.memory_space<hbm>> -> memref<30000x256xf32, #tpu.memory_space<hbm>>
    %dma_start3A_102 = tpu.memref_slice %arg9[%dma_start3A_92] : memref<3x!tpu.dma_semaphore, #tpu.memory_space<semaphore_mem>> -> memref<1x!tpu.dma_semaphore, #tpu.memory_space<semaphore_mem>>
    %dma_start3A_103 = tpu.memref_squeeze %dma_start3A_102 : memref<1x!tpu.dma_semaphore, #tpu.memory_space<semaphore_mem>> -> memref<!tpu.dma_semaphore, #tpu.memory_space<semaphore_mem>>
    tpu.enqueue_indirect_dma source(%dma_start3A_101 : memref<30000x256xf32, #tpu.memory_space<hbm>>) target(%dma_start3A_96 : memref<128x256xf32, #tpu.memory_space<vmem>>) offsets(%dma_start3A_98 : memref<128xi32, #tpu.memory_space<vmem>>) semaphore(%dma_start3A_103 : memref<!tpu.dma_semaphore, #tpu.memory_space<semaphore_mem>>)
    %dma_wait3A_104 = arith.constant 1 : i32
    %dma_wait3A_105 = arith.constant 1 : i32
    %dma_wait3A_106 = arith.constant 0 : i32
    %dma_wait3A_107 = arith.constant 0 : i32
    %dma_wait3A_108 = tpu.memref_slice %arg8[%dma_wait3A_104, %dma_wait3A_106, %dma_wait3A_107] : memref<3x128x256xf32, #tpu.memory_space<vmem>> -> memref<1x128x256xf32, #tpu.memory_space<vmem>>
    %dma_wait3A_109 = tpu.memref_squeeze %dma_wait3A_108 : memref<1x128x256xf32, #tpu.memory_space<vmem>> -> memref<128x256xf32, #tpu.memory_space<vmem>>
    %dma_wait3A_110 = arith.constant 128 : i32
    %dma_wait3A_111 = tpu.memref_slice %arg7[%dma_wait3A_110] : memref<640xi32, #tpu.memory_space<vmem>> -> memref<128xi32, #tpu.memory_space<vmem>>
    %dma_wait3A_112 = arith.constant 0 : i32
    %dma_wait3A_113 = arith.constant 0 : i32
    %dma_wait3A_114 = tpu.memref_slice %arg2[%dma_wait3A_112, %dma_wait3A_113] : memref<30000x256xf32, #tpu.memory_space<hbm>> -> memref<30000x256xf32, #tpu.memory_space<hbm>>
    %dma_wait3A_115 = tpu.memref_slice %arg9[%dma_wait3A_105] : memref<3x!tpu.dma_semaphore, #tpu.memory_space<semaphore_mem>> -> memref<1x!tpu.dma_semaphore, #tpu.memory_space<semaphore_mem>>
    %dma_wait3A_116 = tpu.memref_squeeze %dma_wait3A_115 : memref<1x!tpu.dma_semaphore, #tpu.memory_space<semaphore_mem>> -> memref<!tpu.dma_semaphore, #tpu.memory_space<semaphore_mem>>
    tpu.wait_indirect_dma semaphore(%dma_wait3A_116 : memref<!tpu.dma_semaphore, #tpu.memory_space<semaphore_mem>>) src(%dma_wait3A_114 : memref<30000x256xf32, #tpu.memory_space<hbm>>) dst(%dma_wait3A_109 : memref<128x256xf32, #tpu.memory_space<vmem>>)
    %add3A_117 = arith.constant 128 : i32
    %add3A_118 = arith.addi %mul3A_2, %add3A_117 : i32
    %dma_start3A_119 = arith.constant 1 : i32
    %dma_start3A_120 = arith.constant 1 : i32
    %dma_start3A_121 = arith.constant 0 : i32
    %dma_start3A_122 = arith.constant 0 : i32
    %dma_start3A_123 = tpu.memref_slice %arg8[%dma_start3A_119, %dma_start3A_121, %dma_start3A_122] : memref<3x128x256xf32, #tpu.memory_space<vmem>> -> memref<1x128x256xf32, #tpu.memory_space<vmem>>
    %dma_start3A_124 = tpu.memref_squeeze %dma_start3A_123 : memref<1x128x256xf32, #tpu.memory_space<vmem>> -> memref<128x256xf32, #tpu.memory_space<vmem>>
    %dma_start3A_125 = arith.constant 0 : i32
    %dma_start3A_126 = tpu.memref_slice %arg5[%add3A_118, %dma_start3A_125] : memref<16384x256xf32, #tpu.memory_space<hbm>> -> memref<128x256xf32, #tpu.memory_space<hbm>>
    %dma_start3A_127 = tpu.memref_slice %arg10[%dma_start3A_120] : memref<3x!tpu.dma_semaphore, #tpu.memory_space<semaphore_mem>> -> memref<1x!tpu.dma_semaphore, #tpu.memory_space<semaphore_mem>>
    %dma_start3A_128 = tpu.memref_squeeze %dma_start3A_127 : memref<1x!tpu.dma_semaphore, #tpu.memory_space<semaphore_mem>> -> memref<!tpu.dma_semaphore, #tpu.memory_space<semaphore_mem>>
    %dma_start3A_129 = arith.constant 0 : i32
    %dma_start3A_130 = tpu.memref_slice %arg5[%add3A_118, %dma_start3A_129] : memref<16384x256xf32, #tpu.memory_space<hbm>> -> memref<128x256xf32, #tpu.memory_space<hbm>>
    %dma_start3A_131 = arith.constant 0 : i32
    %dma_start3A_132 = arith.constant 0 : i32
    %dma_start3A_133 = tpu.memref_slice %arg8[%dma_start3A_119, %dma_start3A_131, %dma_start3A_132] : memref<3x128x256xf32, #tpu.memory_space<vmem>> -> memref<1x128x256xf32, #tpu.memory_space<vmem>>
    %dma_start3A_134 = tpu.memref_squeeze %dma_start3A_133 : memref<1x128x256xf32, #tpu.memory_space<vmem>> -> memref<128x256xf32, #tpu.memory_space<vmem>>
    tpu.enqueue_dma source(%dma_start3A_134 : memref<128x256xf32, #tpu.memory_space<vmem>>) target(%dma_start3A_130 : memref<128x256xf32, #tpu.memory_space<hbm>>) target_semaphore(%dma_start3A_128 : memref<!tpu.dma_semaphore, #tpu.memory_space<semaphore_mem>>)
    %add3A_135 = arith.constant 128 : i32
    %add3A_136 = arith.addi %mul3A_2, %add3A_135 : i32
    %dma_wait3A_137 = arith.constant 1 : i32
    %dma_wait3A_138 = arith.constant 1 : i32
    %dma_wait3A_139 = arith.constant 0 : i32
    %dma_wait3A_140 = arith.constant 0 : i32
    %dma_wait3A_141 = tpu.memref_slice %arg8[%dma_wait3A_137, %dma_wait3A_139, %dma_wait3A_140] : memref<3x128x256xf32, #tpu.memory_space<vmem>> -> memref<1x128x256xf32, #tpu.memory_space<vmem>>
    %dma_wait3A_142 = tpu.memref_squeeze %dma_wait3A_141 : memref<1x128x256xf32, #tpu.memory_space<vmem>> -> memref<128x256xf32, #tpu.memory_space<vmem>>
    %dma_wait3A_143 = arith.constant 0 : i32
    %dma_wait3A_144 = tpu.memref_slice %arg5[%add3A_136, %dma_wait3A_143] : memref<16384x256xf32, #tpu.memory_space<hbm>> -> memref<128x256xf32, #tpu.memory_space<hbm>>
    %dma_wait3A_145 = tpu.memref_slice %arg10[%dma_wait3A_138] : memref<3x!tpu.dma_semaphore, #tpu.memory_space<semaphore_mem>> -> memref<1x!tpu.dma_semaphore, #tpu.memory_space<semaphore_mem>>
    %dma_wait3A_146 = tpu.memref_squeeze %dma_wait3A_145 : memref<1x!tpu.dma_semaphore, #tpu.memory_space<semaphore_mem>> -> memref<!tpu.dma_semaphore, #tpu.memory_space<semaphore_mem>>
    %dma_wait3A_147 = arith.constant 0 : i32
    %dma_wait3A_148 = tpu.memref_slice %arg5[%add3A_136, %dma_wait3A_147] : memref<16384x256xf32, #tpu.memory_space<hbm>> -> memref<128x256xf32, #tpu.memory_space<hbm>>
    %dma_wait3A_149 = arith.constant 0 : i32
    %dma_wait3A_150 = arith.constant 0 : i32
    %dma_wait3A_151 = tpu.memref_slice %arg8[%dma_wait3A_137, %dma_wait3A_149, %dma_wait3A_150] : memref<3x128x256xf32, #tpu.memory_space<vmem>> -> memref<1x128x256xf32, #tpu.memory_space<vmem>>
    %dma_wait3A_152 = tpu.memref_squeeze %dma_wait3A_151 : memref<1x128x256xf32, #tpu.memory_space<vmem>> -> memref<128x256xf32, #tpu.memory_space<vmem>>
    tpu.wait_dma2 semaphore(%dma_wait3A_146 : memref<!tpu.dma_semaphore, #tpu.memory_space<semaphore_mem>>) src(%dma_wait3A_152 : memref<128x256xf32, #tpu.memory_space<vmem>>) dst(%dma_wait3A_148 : memref<128x256xf32, #tpu.memory_space<hbm>>)
    %dma_start3A_153 = arith.constant 1 : i32
    %dma_start3A_154 = arith.constant 1 : i32
    %dma_start3A_155 = arith.constant 0 : i32
    %dma_start3A_156 = arith.constant 0 : i32
    %dma_start3A_157 = tpu.memref_slice %arg8[%dma_start3A_153, %dma_start3A_155, %dma_start3A_156] : memref<3x128x256xf32, #tpu.memory_space<vmem>> -> memref<1x128x256xf32, #tpu.memory_space<vmem>>
    %dma_start3A_158 = tpu.memref_squeeze %dma_start3A_157 : memref<1x128x256xf32, #tpu.memory_space<vmem>> -> memref<128x256xf32, #tpu.memory_space<vmem>>
    %dma_start3A_159 = arith.constant 512 : i32
    %dma_start3A_160 = tpu.memref_slice %arg7[%dma_start3A_159] : memref<640xi32, #tpu.memory_space<vmem>> -> memref<128xi32, #tpu.memory_space<vmem>>
    %dma_start3A_161 = arith.constant 0 : i32
    %dma_start3A_162 = arith.constant 0 : i32
    %dma_start3A_163 = tpu.memref_slice %arg2[%dma_start3A_161, %dma_start3A_162] : memref<30000x256xf32, #tpu.memory_space<hbm>> -> memref<30000x256xf32, #tpu.memory_space<hbm>>
    %dma_start3A_164 = tpu.memref_slice %arg9[%dma_start3A_154] : memref<3x!tpu.dma_semaphore, #tpu.memory_space<semaphore_mem>> -> memref<1x!tpu.dma_semaphore, #tpu.memory_space<semaphore_mem>>
    %dma_start3A_165 = tpu.memref_squeeze %dma_start3A_164 : memref<1x!tpu.dma_semaphore, #tpu.memory_space<semaphore_mem>> -> memref<!tpu.dma_semaphore, #tpu.memory_space<semaphore_mem>>
    tpu.enqueue_indirect_dma source(%dma_start3A_163 : memref<30000x256xf32, #tpu.memory_space<hbm>>) target(%dma_start3A_158 : memref<128x256xf32, #tpu.memory_space<vmem>>) offsets(%dma_start3A_160 : memref<128xi32, #tpu.memory_space<vmem>>) semaphore(%dma_start3A_165 : memref<!tpu.dma_semaphore, #tpu.memory_space<semaphore_mem>>)
    %dma_wait3A_166 = arith.constant 2 : i32
    %dma_wait3A_167 = arith.constant 2 : i32
    %dma_wait3A_168 = arith.constant 0 : i32
    %dma_wait3A_169 = arith.constant 0 : i32
    %dma_wait3A_170 = tpu.memref_slice %arg8[%dma_wait3A_166, %dma_wait3A_168, %dma_wait3A_169] : memref<3x128x256xf32, #tpu.memory_space<vmem>> -> memref<1x128x256xf32, #tpu.memory_space<vmem>>
    %dma_wait3A_171 = tpu.memref_squeeze %dma_wait3A_170 : memref<1x128x256xf32, #tpu.memory_space<vmem>> -> memref<128x256xf32, #tpu.memory_space<vmem>>
    %dma_wait3A_172 = arith.constant 256 : i32
    %dma_wait3A_173 = tpu.memref_slice %arg7[%dma_wait3A_172] : memref<640xi32, #tpu.memory_space<vmem>> -> memref<128xi32, #tpu.memory_space<vmem>>
    %dma_wait3A_174 = arith.constant 0 : i32
    %dma_wait3A_175 = arith.constant 0 : i32
    %dma_wait3A_176 = tpu.memref_slice %arg2[%dma_wait3A_174, %dma_wait3A_175] : memref<30000x256xf32, #tpu.memory_space<hbm>> -> memref<30000x256xf32, #tpu.memory_space<hbm>>
    %dma_wait3A_177 = tpu.memref_slice %arg9[%dma_wait3A_167] : memref<3x!tpu.dma_semaphore, #tpu.memory_space<semaphore_mem>> -> memref<1x!tpu.dma_semaphore, #tpu.memory_space<semaphore_mem>>
    %dma_wait3A_178 = tpu.memref_squeeze %dma_wait3A_177 : memref<1x!tpu.dma_semaphore, #tpu.memory_space<semaphore_mem>> -> memref<!tpu.dma_semaphore, #tpu.memory_space<semaphore_mem>>
    tpu.wait_indirect_dma semaphore(%dma_wait3A_178 : memref<!tpu.dma_semaphore, #tpu.memory_space<semaphore_mem>>) src(%dma_wait3A_176 : memref<30000x256xf32, #tpu.memory_space<hbm>>) dst(%dma_wait3A_171 : memref<128x256xf32, #tpu.memory_space<vmem>>)
    %add3A_179 = arith.constant 256 : i32
    %add3A_180 = arith.addi %mul3A_2, %add3A_179 : i32
    %dma_start3A_181 = arith.constant 2 : i32
    %dma_start3A_182 = arith.constant 2 : i32
    %dma_start3A_183 = arith.constant 0 : i32
    %dma_start3A_184 = arith.constant 0 : i32
    %dma_start3A_185 = tpu.memref_slice %arg8[%dma_start3A_181, %dma_start3A_183, %dma_start3A_184] : memref<3x128x256xf32, #tpu.memory_space<vmem>> -> memref<1x128x256xf32, #tpu.memory_space<vmem>>
    %dma_start3A_186 = tpu.memref_squeeze %dma_start3A_185 : memref<1x128x256xf32, #tpu.memory_space<vmem>> -> memref<128x256xf32, #tpu.memory_space<vmem>>
    %dma_start3A_187 = arith.constant 0 : i32
    %dma_start3A_188 = tpu.memref_slice %arg5[%add3A_180, %dma_start3A_187] : memref<16384x256xf32, #tpu.memory_space<hbm>> -> memref<128x256xf32, #tpu.memory_space<hbm>>
    %dma_start3A_189 = tpu.memref_slice %arg10[%dma_start3A_182] : memref<3x!tpu.dma_semaphore, #tpu.memory_space<semaphore_mem>> -> memref<1x!tpu.dma_semaphore, #tpu.memory_space<semaphore_mem>>
    %dma_start3A_190 = tpu.memref_squeeze %dma_start3A_189 : memref<1x!tpu.dma_semaphore, #tpu.memory_space<semaphore_mem>> -> memref<!tpu.dma_semaphore, #tpu.memory_space<semaphore_mem>>
    %dma_start3A_191 = arith.constant 0 : i32
    %dma_start3A_192 = tpu.memref_slice %arg5[%add3A_180, %dma_start3A_191] : memref<16384x256xf32, #tpu.memory_space<hbm>> -> memref<128x256xf32, #tpu.memory_space<hbm>>
    %dma_start3A_193 = arith.constant 0 : i32
    %dma_start3A_194 = arith.constant 0 : i32
    %dma_start3A_195 = tpu.memref_slice %arg8[%dma_start3A_181, %dma_start3A_193, %dma_start3A_194] : memref<3x128x256xf32, #tpu.memory_space<vmem>> -> memref<1x128x256xf32, #tpu.memory_space<vmem>>
    %dma_start3A_196 = tpu.memref_squeeze %dma_start3A_195 : memref<1x128x256xf32, #tpu.memory_space<vmem>> -> memref<128x256xf32, #tpu.memory_space<vmem>>
    tpu.enqueue_dma source(%dma_start3A_196 : memref<128x256xf32, #tpu.memory_space<vmem>>) target(%dma_start3A_192 : memref<128x256xf32, #tpu.memory_space<hbm>>) target_semaphore(%dma_start3A_190 : memref<!tpu.dma_semaphore, #tpu.memory_space<semaphore_mem>>)
    %dma_wait3A_197 = arith.constant 0 : i32
    %dma_wait3A_198 = arith.constant 0 : i32
    %dma_wait3A_199 = arith.constant 0 : i32
    %dma_wait3A_200 = arith.constant 0 : i32
    %dma_wait3A_201 = tpu.memref_slice %arg8[%dma_wait3A_197, %dma_wait3A_199, %dma_wait3A_200] : memref<3x128x256xf32, #tpu.memory_space<vmem>> -> memref<1x128x256xf32, #tpu.memory_space<vmem>>
    %dma_wait3A_202 = tpu.memref_squeeze %dma_wait3A_201 : memref<1x128x256xf32, #tpu.memory_space<vmem>> -> memref<128x256xf32, #tpu.memory_space<vmem>>
    %dma_wait3A_203 = arith.constant 384 : i32
    %dma_wait3A_204 = tpu.memref_slice %arg7[%dma_wait3A_203] : memref<640xi32, #tpu.memory_space<vmem>> -> memref<128xi32, #tpu.memory_space<vmem>>
    %dma_wait3A_205 = arith.constant 0 : i32
    %dma_wait3A_206 = arith.constant 0 : i32
    %dma_wait3A_207 = tpu.memref_slice %arg2[%dma_wait3A_205, %dma_wait3A_206] : memref<30000x256xf32, #tpu.memory_space<hbm>> -> memref<30000x256xf32, #tpu.memory_space<hbm>>
    %dma_wait3A_208 = tpu.memref_slice %arg9[%dma_wait3A_198] : memref<3x!tpu.dma_semaphore, #tpu.memory_space<semaphore_mem>> -> memref<1x!tpu.dma_semaphore, #tpu.memory_space<semaphore_mem>>
    %dma_wait3A_209 = tpu.memref_squeeze %dma_wait3A_208 : memref<1x!tpu.dma_semaphore, #tpu.memory_space<semaphore_mem>> -> memref<!tpu.dma_semaphore, #tpu.memory_space<semaphore_mem>>
    tpu.wait_indirect_dma semaphore(%dma_wait3A_209 : memref<!tpu.dma_semaphore, #tpu.memory_space<semaphore_mem>>) src(%dma_wait3A_207 : memref<30000x256xf32, #tpu.memory_space<hbm>>) dst(%dma_wait3A_202 : memref<128x256xf32, #tpu.memory_space<vmem>>)
    %add3A_210 = arith.constant 384 : i32
    %add3A_211 = arith.addi %mul3A_2, %add3A_210 : i32
    %dma_start3A_212 = arith.constant 0 : i32
    %dma_start3A_213 = arith.constant 0 : i32
    %dma_start3A_214 = arith.constant 0 : i32
    %dma_start3A_215 = arith.constant 0 : i32
    %dma_start3A_216 = tpu.memref_slice %arg8[%dma_start3A_212, %dma_start3A_214, %dma_start3A_215] : memref<3x128x256xf32, #tpu.memory_space<vmem>> -> memref<1x128x256xf32, #tpu.memory_space<vmem>>
    %dma_start3A_217 = tpu.memref_squeeze %dma_start3A_216 : memref<1x128x256xf32, #tpu.memory_space<vmem>> -> memref<128x256xf32, #tpu.memory_space<vmem>>
    %dma_start3A_218 = arith.constant 0 : i32
    %dma_start3A_219 = tpu.memref_slice %arg5[%add3A_211, %dma_start3A_218] : memref<16384x256xf32, #tpu.memory_space<hbm>> -> memref<128x256xf32, #tpu.memory_space<hbm>>
    %dma_start3A_220 = tpu.memref_slice %arg10[%dma_start3A_213] : memref<3x!tpu.dma_semaphore, #tpu.memory_space<semaphore_mem>> -> memref<1x!tpu.dma_semaphore, #tpu.memory_space<semaphore_mem>>
    %dma_start3A_221 = tpu.memref_squeeze %dma_start3A_220 : memref<1x!tpu.dma_semaphore, #tpu.memory_space<semaphore_mem>> -> memref<!tpu.dma_semaphore, #tpu.memory_space<semaphore_mem>>
    %dma_start3A_222 = arith.constant 0 : i32
    %dma_start3A_223 = tpu.memref_slice %arg5[%add3A_211, %dma_start3A_222] : memref<16384x256xf32, #tpu.memory_space<hbm>> -> memref<128x256xf32, #tpu.memory_space<hbm>>
    %dma_start3A_224 = arith.constant 0 : i32
    %dma_start3A_225 = arith.constant 0 : i32
    %dma_start3A_226 = tpu.memref_slice %arg8[%dma_start3A_212, %dma_start3A_224, %dma_start3A_225] : memref<3x128x256xf32, #tpu.memory_space<vmem>> -> memref<1x128x256xf32, #tpu.memory_space<vmem>>
    %dma_start3A_227 = tpu.memref_squeeze %dma_start3A_226 : memref<1x128x256xf32, #tpu.memory_space<vmem>> -> memref<128x256xf32, #tpu.memory_space<vmem>>
    tpu.enqueue_dma source(%dma_start3A_227 : memref<128x256xf32, #tpu.memory_space<vmem>>) target(%dma_start3A_223 : memref<128x256xf32, #tpu.memory_space<hbm>>) target_semaphore(%dma_start3A_221 : memref<!tpu.dma_semaphore, #tpu.memory_space<semaphore_mem>>)
    %dma_wait3A_228 = arith.constant 1 : i32
    %dma_wait3A_229 = arith.constant 1 : i32
    %dma_wait3A_230 = arith.constant 0 : i32
    %dma_wait3A_231 = arith.constant 0 : i32
    %dma_wait3A_232 = tpu.memref_slice %arg8[%dma_wait3A_228, %dma_wait3A_230, %dma_wait3A_231] : memref<3x128x256xf32, #tpu.memory_space<vmem>> -> memref<1x128x256xf32, #tpu.memory_space<vmem>>
    %dma_wait3A_233 = tpu.memref_squeeze %dma_wait3A_232 : memref<1x128x256xf32, #tpu.memory_space<vmem>> -> memref<128x256xf32, #tpu.memory_space<vmem>>
    %dma_wait3A_234 = arith.constant 512 : i32
    %dma_wait3A_235 = tpu.memref_slice %arg7[%dma_wait3A_234] : memref<640xi32, #tpu.memory_space<vmem>> -> memref<128xi32, #tpu.memory_space<vmem>>
    %dma_wait3A_236 = arith.constant 0 : i32
    %dma_wait3A_237 = arith.constant 0 : i32
    %dma_wait3A_238 = tpu.memref_slice %arg2[%dma_wait3A_236, %dma_wait3A_237] : memref<30000x256xf32, #tpu.memory_space<hbm>> -> memref<30000x256xf32, #tpu.memory_space<hbm>>
    %dma_wait3A_239 = tpu.memref_slice %arg9[%dma_wait3A_229] : memref<3x!tpu.dma_semaphore, #tpu.memory_space<semaphore_mem>> -> memref<1x!tpu.dma_semaphore, #tpu.memory_space<semaphore_mem>>
    %dma_wait3A_240 = tpu.memref_squeeze %dma_wait3A_239 : memref<1x!tpu.dma_semaphore, #tpu.memory_space<semaphore_mem>> -> memref<!tpu.dma_semaphore, #tpu.memory_space<semaphore_mem>>
    tpu.wait_indirect_dma semaphore(%dma_wait3A_240 : memref<!tpu.dma_semaphore, #tpu.memory_space<semaphore_mem>>) src(%dma_wait3A_238 : memref<30000x256xf32, #tpu.memory_space<hbm>>) dst(%dma_wait3A_233 : memref<128x256xf32, #tpu.memory_space<vmem>>)
    %add3A_241 = arith.constant 0 : i32
    %add3A_242 = arith.addi %mul3A_4, %add3A_241 : i32
    %dma_start3A_243 = arith.constant 1 : i32
    %dma_start3A_244 = arith.constant 1 : i32
    %dma_start3A_245 = arith.constant 0 : i32
    %dma_start3A_246 = arith.constant 0 : i32
    %dma_start3A_247 = tpu.memref_slice %arg8[%dma_start3A_243, %dma_start3A_245, %dma_start3A_246] : memref<3x128x256xf32, #tpu.memory_space<vmem>> -> memref<1x128x256xf32, #tpu.memory_space<vmem>>
    %dma_start3A_248 = tpu.memref_squeeze %dma_start3A_247 : memref<1x128x256xf32, #tpu.memory_space<vmem>> -> memref<128x256xf32, #tpu.memory_space<vmem>>
    %dma_start3A_249 = arith.constant 0 : i32
    %dma_start3A_250 = tpu.memref_slice %arg6[%add3A_242, %dma_start3A_249] : memref<4096x256xf32, #tpu.memory_space<hbm>> -> memref<128x256xf32, #tpu.memory_space<hbm>>
    %dma_start3A_251 = tpu.memref_slice %arg10[%dma_start3A_244] : memref<3x!tpu.dma_semaphore, #tpu.memory_space<semaphore_mem>> -> memref<1x!tpu.dma_semaphore, #tpu.memory_space<semaphore_mem>>
    %dma_start3A_252 = tpu.memref_squeeze %dma_start3A_251 : memref<1x!tpu.dma_semaphore, #tpu.memory_space<semaphore_mem>> -> memref<!tpu.dma_semaphore, #tpu.memory_space<semaphore_mem>>
    %dma_start3A_253 = arith.constant 0 : i32
    %dma_start3A_254 = tpu.memref_slice %arg6[%add3A_242, %dma_start3A_253] : memref<4096x256xf32, #tpu.memory_space<hbm>> -> memref<128x256xf32, #tpu.memory_space<hbm>>
    %dma_start3A_255 = arith.constant 0 : i32
    %dma_start3A_256 = arith.constant 0 : i32
    %dma_start3A_257 = tpu.memref_slice %arg8[%dma_start3A_243, %dma_start3A_255, %dma_start3A_256] : memref<3x128x256xf32, #tpu.memory_space<vmem>> -> memref<1x128x256xf32, #tpu.memory_space<vmem>>
    %dma_start3A_258 = tpu.memref_squeeze %dma_start3A_257 : memref<1x128x256xf32, #tpu.memory_space<vmem>> -> memref<128x256xf32, #tpu.memory_space<vmem>>
    tpu.enqueue_dma source(%dma_start3A_258 : memref<128x256xf32, #tpu.memory_space<vmem>>) target(%dma_start3A_254 : memref<128x256xf32, #tpu.memory_space<hbm>>) target_semaphore(%dma_start3A_252 : memref<!tpu.dma_semaphore, #tpu.memory_space<semaphore_mem>>)
    %add3A_259 = arith.constant 256 : i32
    %add3A_260 = arith.addi %mul3A_2, %add3A_259 : i32
    %dma_wait3A_261 = arith.constant 2 : i32
    %dma_wait3A_262 = arith.constant 2 : i32
    %dma_wait3A_263 = arith.constant 0 : i32
    %dma_wait3A_264 = arith.constant 0 : i32
    %dma_wait3A_265 = tpu.memref_slice %arg8[%dma_wait3A_261, %dma_wait3A_263, %dma_wait3A_264] : memref<3x128x256xf32, #tpu.memory_space<vmem>> -> memref<1x128x256xf32, #tpu.memory_space<vmem>>
    %dma_wait3A_266 = tpu.memref_squeeze %dma_wait3A_265 : memref<1x128x256xf32, #tpu.memory_space<vmem>> -> memref<128x256xf32, #tpu.memory_space<vmem>>
    %dma_wait3A_267 = arith.constant 0 : i32
    %dma_wait3A_268 = tpu.memref_slice %arg5[%add3A_260, %dma_wait3A_267] : memref<16384x256xf32, #tpu.memory_space<hbm>> -> memref<128x256xf32, #tpu.memory_space<hbm>>
    %dma_wait3A_269 = tpu.memref_slice %arg10[%dma_wait3A_262] : memref<3x!tpu.dma_semaphore, #tpu.memory_space<semaphore_mem>> -> memref<1x!tpu.dma_semaphore, #tpu.memory_space<semaphore_mem>>
    %dma_wait3A_270 = tpu.memref_squeeze %dma_wait3A_269 : memref<1x!tpu.dma_semaphore, #tpu.memory_space<semaphore_mem>> -> memref<!tpu.dma_semaphore, #tpu.memory_space<semaphore_mem>>
    %dma_wait3A_271 = arith.constant 0 : i32
    %dma_wait3A_272 = tpu.memref_slice %arg5[%add3A_260, %dma_wait3A_271] : memref<16384x256xf32, #tpu.memory_space<hbm>> -> memref<128x256xf32, #tpu.memory_space<hbm>>
    %dma_wait3A_273 = arith.constant 0 : i32
    %dma_wait3A_274 = arith.constant 0 : i32
    %dma_wait3A_275 = tpu.memref_slice %arg8[%dma_wait3A_261, %dma_wait3A_273, %dma_wait3A_274] : memref<3x128x256xf32, #tpu.memory_space<vmem>> -> memref<1x128x256xf32, #tpu.memory_space<vmem>>
    %dma_wait3A_276 = tpu.memref_squeeze %dma_wait3A_275 : memref<1x128x256xf32, #tpu.memory_space<vmem>> -> memref<128x256xf32, #tpu.memory_space<vmem>>
    tpu.wait_dma2 semaphore(%dma_wait3A_270 : memref<!tpu.dma_semaphore, #tpu.memory_space<semaphore_mem>>) src(%dma_wait3A_276 : memref<128x256xf32, #tpu.memory_space<vmem>>) dst(%dma_wait3A_272 : memref<128x256xf32, #tpu.memory_space<hbm>>)
    %add3A_277 = arith.constant 384 : i32
    %add3A_278 = arith.addi %mul3A_2, %add3A_277 : i32
    %dma_wait3A_279 = arith.constant 0 : i32
    %dma_wait3A_280 = arith.constant 0 : i32
    %dma_wait3A_281 = arith.constant 0 : i32
    %dma_wait3A_282 = arith.constant 0 : i32
    %dma_wait3A_283 = tpu.memref_slice %arg8[%dma_wait3A_279, %dma_wait3A_281, %dma_wait3A_282] : memref<3x128x256xf32, #tpu.memory_space<vmem>> -> memref<1x128x256xf32, #tpu.memory_space<vmem>>
    %dma_wait3A_284 = tpu.memref_squeeze %dma_wait3A_283 : memref<1x128x256xf32, #tpu.memory_space<vmem>> -> memref<128x256xf32, #tpu.memory_space<vmem>>
    %dma_wait3A_285 = arith.constant 0 : i32
    %dma_wait3A_286 = tpu.memref_slice %arg5[%add3A_278, %dma_wait3A_285] : memref<16384x256xf32, #tpu.memory_space<hbm>> -> memref<128x256xf32, #tpu.memory_space<hbm>>
    %dma_wait3A_287 = tpu.memref_slice %arg10[%dma_wait3A_280] : memref<3x!tpu.dma_semaphore, #tpu.memory_space<semaphore_mem>> -> memref<1x!tpu.dma_semaphore, #tpu.memory_space<semaphore_mem>>
    %dma_wait3A_288 = tpu.memref_squeeze %dma_wait3A_287 : memref<1x!tpu.dma_semaphore, #tpu.memory_space<semaphore_mem>> -> memref<!tpu.dma_semaphore, #tpu.memory_space<semaphore_mem>>
    %dma_wait3A_289 = arith.constant 0 : i32
    %dma_wait3A_290 = tpu.memref_slice %arg5[%add3A_278, %dma_wait3A_289] : memref<16384x256xf32, #tpu.memory_space<hbm>> -> memref<128x256xf32, #tpu.memory_space<hbm>>
    %dma_wait3A_291 = arith.constant 0 : i32
    %dma_wait3A_292 = arith.constant 0 : i32
    %dma_wait3A_293 = tpu.memref_slice %arg8[%dma_wait3A_279, %dma_wait3A_291, %dma_wait3A_292] : memref<3x128x256xf32, #tpu.memory_space<vmem>> -> memref<1x128x256xf32, #tpu.memory_space<vmem>>
    %dma_wait3A_294 = tpu.memref_squeeze %dma_wait3A_293 : memref<1x128x256xf32, #tpu.memory_space<vmem>> -> memref<128x256xf32, #tpu.memory_space<vmem>>
    tpu.wait_dma2 semaphore(%dma_wait3A_288 : memref<!tpu.dma_semaphore, #tpu.memory_space<semaphore_mem>>) src(%dma_wait3A_294 : memref<128x256xf32, #tpu.memory_space<vmem>>) dst(%dma_wait3A_290 : memref<128x256xf32, #tpu.memory_space<hbm>>)
    %add3A_295 = arith.constant 0 : i32
    %add3A_296 = arith.addi %mul3A_4, %add3A_295 : i32
    %dma_wait3A_297 = arith.constant 1 : i32
    %dma_wait3A_298 = arith.constant 1 : i32
    %dma_wait3A_299 = arith.constant 0 : i32
    %dma_wait3A_300 = arith.constant 0 : i32
    %dma_wait3A_301 = tpu.memref_slice %arg8[%dma_wait3A_297, %dma_wait3A_299, %dma_wait3A_300] : memref<3x128x256xf32, #tpu.memory_space<vmem>> -> memref<1x128x256xf32, #tpu.memory_space<vmem>>
    %dma_wait3A_302 = tpu.memref_squeeze %dma_wait3A_301 : memref<1x128x256xf32, #tpu.memory_space<vmem>> -> memref<128x256xf32, #tpu.memory_space<vmem>>
    %dma_wait3A_303 = arith.constant 0 : i32
    %dma_wait3A_304 = tpu.memref_slice %arg6[%add3A_296, %dma_wait3A_303] : memref<4096x256xf32, #tpu.memory_space<hbm>> -> memref<128x256xf32, #tpu.memory_space<hbm>>
    %dma_wait3A_305 = tpu.memref_slice %arg10[%dma_wait3A_298] : memref<3x!tpu.dma_semaphore, #tpu.memory_space<semaphore_mem>> -> memref<1x!tpu.dma_semaphore, #tpu.memory_space<semaphore_mem>>
    %dma_wait3A_306 = tpu.memref_squeeze %dma_wait3A_305 : memref<1x!tpu.dma_semaphore, #tpu.memory_space<semaphore_mem>> -> memref<!tpu.dma_semaphore, #tpu.memory_space<semaphore_mem>>
    %dma_wait3A_307 = arith.constant 0 : i32
    %dma_wait3A_308 = tpu.memref_slice %arg6[%add3A_296, %dma_wait3A_307] : memref<4096x256xf32, #tpu.memory_space<hbm>> -> memref<128x256xf32, #tpu.memory_space<hbm>>
    %dma_wait3A_309 = arith.constant 0 : i32
    %dma_wait3A_310 = arith.constant 0 : i32
    %dma_wait3A_311 = tpu.memref_slice %arg8[%dma_wait3A_297, %dma_wait3A_309, %dma_wait3A_310] : memref<3x128x256xf32, #tpu.memory_space<vmem>> -> memref<1x128x256xf32, #tpu.memory_space<vmem>>
    %dma_wait3A_312 = tpu.memref_squeeze %dma_wait3A_311 : memref<1x128x256xf32, #tpu.memory_space<vmem>> -> memref<128x256xf32, #tpu.memory_space<vmem>>
    tpu.wait_dma2 semaphore(%dma_wait3A_306 : memref<!tpu.dma_semaphore, #tpu.memory_space<semaphore_mem>>) src(%dma_wait3A_312 : memref<128x256xf32, #tpu.memory_space<vmem>>) dst(%dma_wait3A_308 : memref<128x256xf32, #tpu.memory_space<hbm>>)
    return
  }
}

module attributes {stable_mosaic.version = 14 : i64} {
  func.func @_tc_body(%arg0: i32, %arg1: memref<8x512x256xf32, #tpu.memory_space<vmem>>, %arg2: memref<8x64x256xf32, #tpu.memory_space<vmem>>, %arg3: memref<8x512xi32, #tpu.memory_space<vmem>>, %arg4: memref<8x512xi32, #tpu.memory_space<vmem>>, %arg5: memref<256x256xf32, #tpu.memory_space<vmem>>, %arg6: memref<256x256xf32, #tpu.memory_space<vmem>>, %arg7: memref<256x256xf32, #tpu.memory_space<vmem>>, %arg8: memref<2x256xf32, #tpu.memory_space<vmem>>, %arg9: memref<1x256xf32, #tpu.memory_space<vmem>>, %arg10: memref<256x1xf32, #tpu.memory_space<vmem>>, %arg11: memref<1x1xf32, #tpu.memory_space<vmem>>, %arg12: memref<8x50x256xf32, #tpu.memory_space<vmem>>, %arg13: memref<8x1x1xf32, #tpu.memory_space<vmem>>) attributes {dimension_semantics = [#tpu.dimension_semantics<arbitrary>], iteration_bounds = array<i64: 4>, scalar_prefetch = 0 : i64, scratch_operands = 0 : i64, tpu.core_type = #tpu.core_type<tc>, window_params = [{transform_indices = @transform_0, window_bounds = array<i64: 8, 512, 256>}, {transform_indices = @transform_1, window_bounds = array<i64: 8, 64, 256>}, {transform_indices = @transform_2, window_bounds = array<i64: 8, 512>}, {transform_indices = @transform_3, window_bounds = array<i64: 8, 512>}, {pipeline_mode = #tpu.pipeline_mode<synchronous>, transform_indices = @transform_4, window_bounds = array<i64: 256, 256>}, {pipeline_mode = #tpu.pipeline_mode<synchronous>, transform_indices = @transform_5, window_bounds = array<i64: 256, 256>}, {pipeline_mode = #tpu.pipeline_mode<synchronous>, transform_indices = @transform_6, window_bounds = array<i64: 256, 256>}, {pipeline_mode = #tpu.pipeline_mode<synchronous>, transform_indices = @transform_7, window_bounds = array<i64: 2, 256>}, {pipeline_mode = #tpu.pipeline_mode<synchronous>, transform_indices = @transform_8, window_bounds = array<i64: 1, 256>}, {pipeline_mode = #tpu.pipeline_mode<synchronous>, transform_indices = @transform_9, window_bounds = array<i64: 256, 1>}, {pipeline_mode = #tpu.pipeline_mode<synchronous>, transform_indices = @transform_10, window_bounds = array<i64: 1, 1>}, {transform_indices = @transform_11, window_bounds = array<i64: 8, 50, 256>}, {transform_indices = @transform_12, window_bounds = array<i64: 8, 1, 1>}]} {
    %iota3A = tpu.iota {dimensions = array<i32: 0>} : vector<64x512xi32>
    %iota3A_0 = tpu.iota {dimensions = array<i32: 0>} : vector<64x64xi32>
    %iota3A_1 = tpu.iota {dimensions = array<i32: 1>} : vector<64x64xi32>
    %lt3A = arith.cmpi slt, %iota3A_1, %iota3A_0 : vector<64x64xi32>
    %convert_element_type3A = arith.extui %lt3A : vector<64x64xi1> to vector<64x64xi32>
    %convert_element_type3A_2 = arith.sitofp %convert_element_type3A : vector<64x64xi32> to vector<64x64xf32>
    %convert_element_type3A_3 = arith.truncf %convert_element_type3A_2 : vector<64x64xf32> to vector<64x64xbf16>
    %iota3A_4 = tpu.iota {dimensions = array<i32: 0>} : vector<64x512xi32>
    %convert_element_type3A_5 = arith.sitofp %iota3A_4 : vector<64x512xi32> to vector<64x512xf32>
    %iota3A_6 = tpu.iota {dimensions = array<i32: 0>} : vector<64x64xi32>
    %iota3A_7 = tpu.iota {dimensions = array<i32: 1>} : vector<64x64xi32>
    %sub3A = arith.constant 1 : i32
    %sub3A_8 = vector.broadcast %sub3A : i32 to vector<64x64xi32>
    %sub3A_9 = arith.subi %iota3A_6, %sub3A_8 : vector<64x64xi32>
    %eq3A = arith.cmpi eq, %iota3A_7, %sub3A_9 : vector<64x64xi32>
    %convert_element_type3A_10 = arith.sitofp %iota3A_6 : vector<64x64xi32> to vector<64x64xf32>
    %iota3A_11 = tpu.iota {dimensions = array<i32: 0>} : vector<64x256xi32>
    %convert_element_type3A_12 = arith.sitofp %iota3A_11 : vector<64x256xi32> to vector<64x256xf32>
    %iota3A_13 = tpu.iota {dimensions = array<i32: 0>} : vector<256x8xi32>
    %jit3A = arith.constant 32 : i32
    %div3A = vector.broadcast %jit3A : i32 to vector<256x8xi32>
    %div3A_14 = arith.divsi %iota3A_13, %div3A : vector<256x8xi32>
    %sign3A = arith.constant 0 : i32
    %sign3A_15 = vector.broadcast %sign3A : i32 to vector<256x8xi32>
    %sign3A_16 = arith.cmpi sgt, %iota3A_13, %sign3A_15 : vector<256x8xi32>
    %sign3A_17 = arith.extui %sign3A_16 : vector<256x8xi1> to vector<256x8xi32>
    %sign3A_18 = arith.constant 0 : i32
    %sign3A_19 = vector.broadcast %sign3A_18 : i32 to vector<256x8xi32>
    %sign3A_20 = arith.cmpi slt, %iota3A_13, %sign3A_19 : vector<256x8xi32>
    %sign3A_21 = arith.extui %sign3A_20 : vector<256x8xi1> to vector<256x8xi32>
    %sign3A_22 = arith.subi %sign3A_17, %sign3A_21 : vector<256x8xi32>
    %sign3A_23 = arith.constant 0 : i32
    %sign3A_24 = arith.cmpi sgt, %jit3A, %sign3A_23 : i32
    %sign3A_25 = arith.extui %sign3A_24 : i1 to i32
    %sign3A_26 = arith.constant 0 : i32
    %sign3A_27 = arith.cmpi slt, %jit3A, %sign3A_26 : i32
    %sign3A_28 = arith.extui %sign3A_27 : i1 to i32
    %sign3A_29 = arith.subi %sign3A_25, %sign3A_28 : i32
    %ne3A = vector.broadcast %sign3A_29 : i32 to vector<256x8xi32>
    %ne3A_30 = arith.cmpi ne, %sign3A_22, %ne3A : vector<256x8xi32>
    %rem3A = vector.broadcast %jit3A : i32 to vector<256x8xi32>
    %rem3A_31 = arith.remsi %iota3A_13, %rem3A : vector<256x8xi32>
    %ne3A_32 = arith.constant 0 : i32
    %ne3A_33 = vector.broadcast %ne3A_32 : i32 to vector<256x8xi32>
    %ne3A_34 = arith.cmpi ne, %rem3A_31, %ne3A_33 : vector<256x8xi32>
    %and3A = arith.andi %ne3A_30, %ne3A_34 : vector<256x8xi1>
    %sub3A_35 = arith.constant 1 : i32
    %sub3A_36 = vector.broadcast %sub3A_35 : i32 to vector<256x8xi32>
    %sub3A_37 = arith.subi %div3A_14, %sub3A_36 : vector<256x8xi32>
    %select_n3A = arith.select %and3A, %sub3A_37, %div3A_14 : vector<256x8xi1>, vector<256x8xi32>
    %iota3A_38 = tpu.iota {dimensions = array<i32: 1>} : vector<256x8xi32>
    %eq3A_39 = arith.cmpi eq, %select_n3A, %iota3A_38 : vector<256x8xi32>
    %convert_element_type3A_40 = arith.extui %eq3A_39 : vector<256x8xi1> to vector<256x8xi32>
    %convert_element_type3A_41 = arith.sitofp %convert_element_type3A_40 : vector<256x8xi32> to vector<256x8xf32>
    %convert_element_type3A_42 = arith.truncf %convert_element_type3A_41 : vector<256x8xf32> to vector<256x8xbf16>
    %iota3A_43 = tpu.iota {dimensions = array<i32: 1>} : vector<8x256xi32>
    %jit3A_44 = arith.constant 32 : i32
    %div3A_45 = vector.broadcast %jit3A_44 : i32 to vector<8x256xi32>
    %div3A_46 = arith.divsi %iota3A_43, %div3A_45 : vector<8x256xi32>
    %sign3A_47 = arith.constant 0 : i32
    %sign3A_48 = vector.broadcast %sign3A_47 : i32 to vector<8x256xi32>
    %sign3A_49 = arith.cmpi sgt, %iota3A_43, %sign3A_48 : vector<8x256xi32>
    %sign3A_50 = arith.extui %sign3A_49 : vector<8x256xi1> to vector<8x256xi32>
    %sign3A_51 = arith.constant 0 : i32
    %sign3A_52 = vector.broadcast %sign3A_51 : i32 to vector<8x256xi32>
    %sign3A_53 = arith.cmpi slt, %iota3A_43, %sign3A_52 : vector<8x256xi32>
    %sign3A_54 = arith.extui %sign3A_53 : vector<8x256xi1> to vector<8x256xi32>
    %sign3A_55 = arith.subi %sign3A_50, %sign3A_54 : vector<8x256xi32>
    %sign3A_56 = arith.constant 0 : i32
    %sign3A_57 = arith.cmpi sgt, %jit3A_44, %sign3A_56 : i32
    %sign3A_58 = arith.extui %sign3A_57 : i1 to i32
    %sign3A_59 = arith.constant 0 : i32
    %sign3A_60 = arith.cmpi slt, %jit3A_44, %sign3A_59 : i32
    %sign3A_61 = arith.extui %sign3A_60 : i1 to i32
    %sign3A_62 = arith.subi %sign3A_58, %sign3A_61 : i32
    %ne3A_63 = vector.broadcast %sign3A_62 : i32 to vector<8x256xi32>
    %ne3A_64 = arith.cmpi ne, %sign3A_55, %ne3A_63 : vector<8x256xi32>
    %rem3A_65 = vector.broadcast %jit3A_44 : i32 to vector<8x256xi32>
    %rem3A_66 = arith.remsi %iota3A_43, %rem3A_65 : vector<8x256xi32>
    %ne3A_67 = arith.constant 0 : i32
    %ne3A_68 = vector.broadcast %ne3A_67 : i32 to vector<8x256xi32>
    %ne3A_69 = arith.cmpi ne, %rem3A_66, %ne3A_68 : vector<8x256xi32>
    %and3A_70 = arith.andi %ne3A_64, %ne3A_69 : vector<8x256xi1>
    %sub3A_71 = arith.constant 1 : i32
    %sub3A_72 = vector.broadcast %sub3A_71 : i32 to vector<8x256xi32>
    %sub3A_73 = arith.subi %div3A_46, %sub3A_72 : vector<8x256xi32>
    %select_n3A_74 = arith.select %and3A_70, %sub3A_73, %div3A_46 : vector<8x256xi1>, vector<8x256xi32>
    %iota3A_75 = tpu.iota {dimensions = array<i32: 0>} : vector<8x256xi32>
    %eq3A_76 = arith.cmpi eq, %select_n3A_74, %iota3A_75 : vector<8x256xi32>
    %convert_element_type3A_77 = arith.extui %eq3A_76 : vector<8x256xi1> to vector<8x256xi32>
    %convert_element_type3A_78 = arith.sitofp %convert_element_type3A_77 : vector<8x256xi32> to vector<8x256xf32>
    %convert_element_type3A_79 = arith.truncf %convert_element_type3A_78 : vector<8x256xf32> to vector<8x256xbf16>
    %get3A = arith.constant 0 : index
    %get3A_80 = arith.constant 0 : index
    %get3A_81 = vector.load %arg5[%get3A, %get3A_80] : memref<256x256xf32, #tpu.memory_space<vmem>>, vector<256x256xf32>
    %convert_element_type3A_82 = arith.truncf %get3A_81 : vector<256x256xf32> to vector<256x256xbf16>
    %get3A_83 = arith.constant 0 : index
    %get3A_84 = arith.constant 0 : index
    %get3A_85 = vector.load %arg6[%get3A_83, %get3A_84] : memref<256x256xf32, #tpu.memory_space<vmem>>, vector<256x256xf32>
    %convert_element_type3A_86 = arith.truncf %get3A_85 : vector<256x256xf32> to vector<256x256xbf16>
    %get3A_87 = arith.constant 0 : index
    %get3A_88 = arith.constant 0 : index
    %get3A_89 = vector.load %arg7[%get3A_87, %get3A_88] : memref<256x256xf32, #tpu.memory_space<vmem>>, vector<256x256xf32>
    %convert_element_type3A_90 = arith.truncf %get3A_89 : vector<256x256xf32> to vector<256x256xbf16>
    %get3A_91 = arith.constant 0 : index
    %get3A_92 = arith.constant 0 : index
    %get3A_93 = vector.load %arg8[%get3A_91, %get3A_92] : memref<2x256xf32, #tpu.memory_space<vmem>>, vector<1x256xf32>
    %get3A_94 = arith.constant 1 : index
    %get3A_95 = arith.constant 0 : index
    %get3A_96 = vector.load %arg8[%get3A_94, %get3A_95] : memref<2x256xf32, #tpu.memory_space<vmem>>, vector<1x256xf32>
    %get3A_97 = arith.constant 0 : index
    %get3A_98 = arith.constant 0 : index
    %get3A_99 = vector.load %arg9[%get3A_97, %get3A_98] : memref<1x256xf32, #tpu.memory_space<vmem>>, vector<1x256xf32>
    %convert_element_type3A_100 = arith.truncf %get3A_99 : vector<1x256xf32> to vector<1x256xbf16>
    %get3A_101 = arith.constant 0 : index
    %get3A_102 = arith.constant 0 : index
    %get3A_103 = vector.load %arg10[%get3A_101, %get3A_102] : memref<256x1xf32, #tpu.memory_space<vmem>>, vector<256x1xf32>
    %convert_element_type3A_104 = arith.truncf %get3A_103 : vector<256x1xf32> to vector<256x1xbf16>
    %dot_general3A = arith.constant dense<0.000000e+00> : vector<1x1xf32>
    %dot_general3A_105 = tpu.matmul %convert_element_type3A_100, %convert_element_type3A_104, %dot_general3A {dimension_numbers = #tpu.dot_dimension_numbers<[1], [0], [0], [1], [0, 0, 1, 1], [], []>, transpose_lhs_hint = false} : vector<1x256xbf16>, vector<256x1xbf16>, vector<1x1xf32> -> vector<1x1xf32>
    %get3A_106 = arith.constant 0 : index
    %get3A_107 = arith.constant 0 : index
    %get3A_108 = vector.load %arg11[%get3A_106, %get3A_107] : memref<1x1xf32, #tpu.memory_space<vmem>>, vector<1x1xf32>
    %add3A = arith.addf %dot_general3A_105, %get3A_108 : vector<1x1xf32>
    %get3A_109 = arith.constant 0 : index
    %get3A_110 = arith.constant 0 : index
    %get3A_111 = arith.constant 0 : index
    %get3A_112 = vector.load %arg1[%get3A_109, %get3A_110, %get3A_111] : memref<8x512x256xf32, #tpu.memory_space<vmem>>, vector<1x512x256xf32>
    %get3A_113 = vector.shape_cast %get3A_112 : vector<1x512x256xf32> to vector<512x256xf32>
    %convert_element_type3A_114 = arith.truncf %get3A_113 : vector<512x256xf32> to vector<512x256xbf16>
    %get3A_115 = arith.constant 0 : index
    %get3A_116 = arith.constant 0 : index
    %get3A_117 = arith.constant 0 : index
    %get3A_118 = vector.load %arg2[%get3A_115, %get3A_116, %get3A_117] : memref<8x64x256xf32, #tpu.memory_space<vmem>>, vector<1x64x256xf32>
    %get3A_119 = vector.shape_cast %get3A_118 : vector<1x64x256xf32> to vector<64x256xf32>
    %convert_element_type3A_120 = arith.truncf %get3A_119 : vector<64x256xf32> to vector<64x256xbf16>
    %get3A_121 = arith.constant 0 : index
    %get3A_122 = arith.constant 0 : index
    %get3A_123 = vector.load %arg3[%get3A_121, %get3A_122] : memref<8x512xi32, #tpu.memory_space<vmem>>, vector<1x512xi32>
    %get3A_124 = arith.constant 0 : index
    %get3A_125 = arith.constant 0 : index
    %get3A_126 = vector.load %arg4[%get3A_124, %get3A_125] : memref<8x512xi32, #tpu.memory_space<vmem>>, vector<1x512xi32>
    %ne3A_127 = arith.constant 5 : i32
    %ne3A_128 = vector.broadcast %ne3A_127 : i32 to vector<1x512xi32>
    %ne3A_129 = arith.cmpi ne, %get3A_123, %ne3A_128 : vector<1x512xi32>
    %ne3A_130 = arith.constant 0 : i32
    %ne3A_131 = vector.broadcast %ne3A_130 : i32 to vector<1x512xi32>
    %ne3A_132 = arith.cmpi ne, %get3A_126, %ne3A_131 : vector<1x512xi32>
    %and3A_133 = arith.andi %ne3A_129, %ne3A_132 : vector<1x512xi1>
    %eq3A_134 = arith.constant 1 : i32
    %eq3A_135 = vector.broadcast %eq3A_134 : i32 to vector<1x512xi32>
    %eq3A_136 = arith.cmpi eq, %get3A_123, %eq3A_135 : vector<1x512xi32>
    %and3A_137 = arith.andi %and3A_133, %eq3A_136 : vector<1x512xi1>
    %eq3A_138 = vector.broadcast %get3A_126 : vector<1x512xi32> to vector<64x512xi32>
    %eq3A_139 = arith.cmpi eq, %eq3A_138, %iota3A : vector<64x512xi32>
    %and3A_140 = vector.broadcast %and3A_133 : vector<1x512xi1> to vector<64x512xi1>
    %and3A_141 = arith.andi %eq3A_139, %and3A_140 : vector<64x512xi1>
    %convert_element_type3A_142 = arith.extui %and3A_141 : vector<64x512xi1> to vector<64x512xi32>
    %convert_element_type3A_143 = arith.sitofp %convert_element_type3A_142 : vector<64x512xi32> to vector<64x512xf32>
    %reduce_max3A = arith.constant dense<0xFF800000> : vector<64xf32>
    %reduce_max3A_144 = vector.multi_reduction <maximumf>, %convert_element_type3A_143, %reduce_max3A [1] : vector<64x512xf32> to vector<64xf32>
    %broadcast_in_dim3A = vector.shape_cast %reduce_max3A_144 : vector<64xf32> to vector<64x1xf32>
    %convert_element_type3A_145 = arith.truncf %broadcast_in_dim3A : vector<64x1xf32> to vector<64x1xbf16>
    %dot_general3A_146 = arith.constant dense<0.000000e+00> : vector<64x1xf32>
    %dot_general3A_147 = tpu.matmul %convert_element_type3A_3, %convert_element_type3A_145, %dot_general3A_146 {dimension_numbers = #tpu.dot_dimension_numbers<[1], [0], [0], [1], [0, 0, 1, 1], [], []>, transpose_lhs_hint = false} : vector<64x64xbf16>, vector<64x1xbf16>, vector<64x1xf32> -> vector<64x1xf32>
    %reduce_sum3A = vector.shape_cast %broadcast_in_dim3A : vector<64x1xf32> to vector<1x64x1xf32>
    %reduce_sum3A_148 = arith.constant dense<0.000000e+00> : vector<1xf32>
    %reduce_sum3A_149 = vector.multi_reduction <add>, %reduce_sum3A, %reduce_sum3A_148 [1, 2] : vector<1x64x1xf32> to vector<1xf32>
    %reduce_sum3A_150 = vector.shape_cast %reduce_sum3A_149 : vector<1xf32> to vector<1x1x1xf32>
    %reduce_sum3A_151 = vector.extract %reduce_sum3A_150[0, 0, 0] : f32 from vector<1x1x1xf32>
    %mul3A = vector.broadcast %dot_general3A_147 : vector<64x1xf32> to vector<64x512xf32>
    %mul3A_152 = arith.mulf %convert_element_type3A_143, %mul3A : vector<64x512xf32>
    %reduce_sum3A_153 = arith.constant dense<0.000000e+00> : vector<512xf32>
    %reduce_sum3A_154 = vector.multi_reduction <add>, %mul3A_152, %reduce_sum3A_153 [0] : vector<64x512xf32> to vector<512xf32>
    %broadcast_in_dim3A_155 = vector.shape_cast %reduce_sum3A_154 : vector<512xf32> to vector<1x512xf32>
    %eq3A_156 = vector.broadcast %broadcast_in_dim3A_155 : vector<1x512xf32> to vector<64x512xf32>
    %eq3A_157 = arith.cmpf oeq, %eq3A_156, %convert_element_type3A_5 : vector<64x512xf32>
    %and3A_158 = vector.broadcast %and3A_137 : vector<1x512xi1> to vector<64x512xi1>
    %and3A_159 = arith.andi %eq3A_157, %and3A_158 : vector<64x512xi1>
    %convert_element_type3A_160 = arith.extui %and3A_159 : vector<64x512xi1> to vector<64x512xi32>
    %convert_element_type3A_161 = arith.sitofp %convert_element_type3A_160 : vector<64x512xi32> to vector<64x512xf32>
    %convert_element_type3A_162 = arith.extui %and3A_159 : vector<64x512xi1> to vector<64x512xi32>
    %convert_element_type3A_163 = arith.sitofp %convert_element_type3A_162 : vector<64x512xi32> to vector<64x512xf32>
    %convert_element_type3A_164 = arith.truncf %convert_element_type3A_163 : vector<64x512xf32> to vector<64x512xbf16>
    %transpose3A = tpu.transpose %convert_element_type3A_161, [1, 0] : vector<64x512xf32> -> vector<512x64xf32>
    %gt3A = arith.constant 5.000000e-01 : f32
    %gt3A_165 = vector.broadcast %gt3A : f32 to vector<512x64xf32>
    %gt3A_166 = arith.cmpf ogt, %transpose3A, %gt3A_165 : vector<512x64xf32>
    %convert_element_type3A_167 = arith.truncf %transpose3A : vector<512x64xf32> to vector<512x64xbf16>
    %reduce_sum3A_168 = arith.constant dense<0.000000e+00> : vector<512xf32>
    %reduce_sum3A_169 = vector.multi_reduction <add>, %transpose3A, %reduce_sum3A_168 [1] : vector<512x64xf32> to vector<512xf32>
    %broadcast_in_dim3A_170 = vector.shape_cast %reduce_sum3A_169 : vector<512xf32> to vector<512x1xf32>
    %dot_general3A_171 = arith.constant dense<0.000000e+00> : vector<512x256xf32>
    %dot_general3A_172 = tpu.matmul %convert_element_type3A_114, %convert_element_type3A_82, %dot_general3A_171 {dimension_numbers = #tpu.dot_dimension_numbers<[1], [0], [0], [1], [0, 0, 1, 1], [], []>, transpose_lhs_hint = false} : vector<512x256xbf16>, vector<256x256xbf16>, vector<512x256xf32> -> vector<512x256xf32>
    %dot_general3A_173 = arith.constant dense<0.000000e+00> : vector<64x256xf32>
    %dot_general3A_174 = tpu.matmul %convert_element_type3A_120, %convert_element_type3A_86, %dot_general3A_173 {dimension_numbers = #tpu.dot_dimension_numbers<[1], [0], [0], [1], [0, 0, 1, 1], [], []>, transpose_lhs_hint = false} : vector<64x256xbf16>, vector<256x256xbf16>, vector<64x256xf32> -> vector<64x256xf32>
    %dot_general3A_175 = arith.constant dense<0.000000e+00> : vector<64x256xf32>
    %dot_general3A_176 = tpu.matmul %convert_element_type3A_120, %convert_element_type3A_90, %dot_general3A_175 {dimension_numbers = #tpu.dot_dimension_numbers<[1], [0], [0], [1], [0, 0, 1, 1], [], []>, transpose_lhs_hint = false} : vector<64x256xbf16>, vector<256x256xbf16>, vector<64x256xf32> -> vector<64x256xf32>
    %mul3A_177 = vector.broadcast %get3A_93 : vector<1x256xf32> to vector<512x256xf32>
    %mul3A_178 = arith.mulf %dot_general3A_172, %mul3A_177 : vector<512x256xf32>
    %convert_element_type3A_179 = arith.truncf %mul3A_178 : vector<512x256xf32> to vector<512x256xbf16>
    %convert_element_type3A_180 = arith.extf %convert_element_type3A_179 : vector<512x256xbf16> to vector<512x256xf32>
    %sub3A_181 = arith.subf %mul3A_178, %convert_element_type3A_180 : vector<512x256xf32>
    %convert_element_type3A_182 = arith.truncf %sub3A_181 : vector<512x256xf32> to vector<512x256xbf16>
    %dot_general3A_183 = arith.constant dense<0.000000e+00> : vector<512x8xf32>
    %dot_general3A_184 = tpu.matmul %convert_element_type3A_179, %convert_element_type3A_42, %dot_general3A_183 {dimension_numbers = #tpu.dot_dimension_numbers<[1], [0], [0], [1], [0, 0, 1, 1], [], []>, transpose_lhs_hint = false} : vector<512x256xbf16>, vector<256x8xbf16>, vector<512x8xf32> -> vector<512x8xf32>
    %dot_general3A_185 = arith.constant dense<0.000000e+00> : vector<512x8xf32>
    %dot_general3A_186 = tpu.matmul %convert_element_type3A_182, %convert_element_type3A_42, %dot_general3A_185 {dimension_numbers = #tpu.dot_dimension_numbers<[1], [0], [0], [1], [0, 0, 1, 1], [], []>, transpose_lhs_hint = false} : vector<512x256xbf16>, vector<256x8xbf16>, vector<512x8xf32> -> vector<512x8xf32>
    %add3A_187 = arith.addf %dot_general3A_184, %dot_general3A_186 : vector<512x8xf32>
    %mul3A_188 = vector.broadcast %get3A_96 : vector<1x256xf32> to vector<64x256xf32>
    %mul3A_189 = arith.mulf %dot_general3A_174, %mul3A_188 : vector<64x256xf32>
    %convert_element_type3A_190 = arith.truncf %mul3A_189 : vector<64x256xf32> to vector<64x256xbf16>
    %convert_element_type3A_191 = arith.extf %convert_element_type3A_190 : vector<64x256xbf16> to vector<64x256xf32>
    %sub3A_192 = arith.subf %mul3A_189, %convert_element_type3A_191 : vector<64x256xf32>
    %convert_element_type3A_193 = arith.truncf %sub3A_192 : vector<64x256xf32> to vector<64x256xbf16>
    %dot_general3A_194 = arith.constant dense<0.000000e+00> : vector<64x8xf32>
    %dot_general3A_195 = tpu.matmul %convert_element_type3A_190, %convert_element_type3A_42, %dot_general3A_194 {dimension_numbers = #tpu.dot_dimension_numbers<[1], [0], [0], [1], [0, 0, 1, 1], [], []>, transpose_lhs_hint = false} : vector<64x256xbf16>, vector<256x8xbf16>, vector<64x8xf32> -> vector<64x8xf32>
    %dot_general3A_196 = arith.constant dense<0.000000e+00> : vector<64x8xf32>
    %dot_general3A_197 = tpu.matmul %convert_element_type3A_193, %convert_element_type3A_42, %dot_general3A_196 {dimension_numbers = #tpu.dot_dimension_numbers<[1], [0], [0], [1], [0, 0, 1, 1], [], []>, transpose_lhs_hint = false} : vector<64x256xbf16>, vector<256x8xbf16>, vector<64x8xf32> -> vector<64x8xf32>
    %add3A_198 = arith.addf %dot_general3A_195, %dot_general3A_197 : vector<64x8xf32>
    %convert_element_type3A_199 = arith.truncf %add3A_198 : vector<64x8xf32> to vector<64x8xbf16>
    %convert_element_type3A_200 = arith.extf %convert_element_type3A_199 : vector<64x8xbf16> to vector<64x8xf32>
    %sub3A_201 = arith.subf %add3A_198, %convert_element_type3A_200 : vector<64x8xf32>
    %convert_element_type3A_202 = arith.truncf %sub3A_201 : vector<64x8xf32> to vector<64x8xbf16>
    %dot_general3A_203 = arith.constant dense<0.000000e+00> : vector<512x8xf32>
    %dot_general3A_204 = tpu.matmul %convert_element_type3A_167, %convert_element_type3A_199, %dot_general3A_203 {dimension_numbers = #tpu.dot_dimension_numbers<[1], [0], [0], [1], [0, 0, 1, 1], [], []>, transpose_lhs_hint = false} : vector<512x64xbf16>, vector<64x8xbf16>, vector<512x8xf32> -> vector<512x8xf32>
    %dot_general3A_205 = arith.constant dense<0.000000e+00> : vector<512x8xf32>
    %dot_general3A_206 = tpu.matmul %convert_element_type3A_167, %convert_element_type3A_202, %dot_general3A_205 {dimension_numbers = #tpu.dot_dimension_numbers<[1], [0], [0], [1], [0, 0, 1, 1], [], []>, transpose_lhs_hint = false} : vector<512x64xbf16>, vector<64x8xbf16>, vector<512x8xf32> -> vector<512x8xf32>
    %add3A_207 = arith.addf %dot_general3A_204, %dot_general3A_206 : vector<512x8xf32>
    %add3A_208 = arith.addf %add3A_187, %add3A_207 : vector<512x8xf32>
    %gt3A_209 = arith.constant 0.000000e+00 : f32
    %gt3A_210 = vector.broadcast %gt3A_209 : f32 to vector<512x8xf32>
    %gt3A_211 = arith.cmpf ogt, %add3A_208, %gt3A_210 : vector<512x8xf32>
    %mul3A_212 = arith.constant 2.000000e-01 : f32
    %mul3A_213 = vector.broadcast %mul3A_212 : f32 to vector<512x8xf32>
    %mul3A_214 = arith.mulf %mul3A_213, %add3A_208 : vector<512x8xf32>
    %select_n3A_215 = arith.select %gt3A_211, %add3A_208, %mul3A_214 : vector<512x8xi1>, vector<512x8xf32>
    %reduce_max3A_216 = arith.constant dense<0xFF800000> : vector<512xf32>
    %reduce_max3A_217 = vector.multi_reduction <maximumf>, %select_n3A_215, %reduce_max3A_216 [1] : vector<512x8xf32> to vector<512xf32>
    %broadcast_in_dim3A_218 = vector.shape_cast %reduce_max3A_217 : vector<512xf32> to vector<512x1xf32>
    %jit3A_219 = arith.constant -1.000000e+30 : f32
    %broadcast_in_dim3A_220 = vector.shape_cast %broadcast_in_dim3A_218 : vector<512x1xf32> to vector<512x1xf32>
    %broadcast_in_dim3A_221 = vector.broadcast %broadcast_in_dim3A_220 : vector<512x1xf32> to vector<512x64xf32>
    %broadcast_in_dim3A_222 = vector.broadcast %jit3A_219 : f32 to vector<512x64xf32>
    %select_n3A_223 = arith.select %gt3A_166, %broadcast_in_dim3A_221, %broadcast_in_dim3A_222 : vector<512x64xi1>, vector<512x64xf32>
    %reduce_max3A_224 = arith.constant dense<0xFF800000> : vector<64xf32>
    %reduce_max3A_225 = vector.multi_reduction <maximumf>, %select_n3A_223, %reduce_max3A_224 [0] : vector<512x64xf32> to vector<64xf32>
    %broadcast_in_dim3A_226 = vector.shape_cast %reduce_max3A_225 : vector<64xf32> to vector<1x64xf32>
    %gt3A_227 = arith.constant -1.000000e+29 : f32
    %gt3A_228 = vector.broadcast %gt3A_227 : f32 to vector<1x64xf32>
    %gt3A_229 = arith.cmpf ogt, %broadcast_in_dim3A_226, %gt3A_228 : vector<1x64xf32>
    %jit3A_230 = arith.constant 0.000000e+00 : f32
    %broadcast_in_dim3A_231 = vector.broadcast %jit3A_230 : f32 to vector<1x64xf32>
    %select_n3A_232 = arith.select %gt3A_229, %broadcast_in_dim3A_226, %broadcast_in_dim3A_231 : vector<1x64xi1>, vector<1x64xf32>
    %mul3A_233 = vector.broadcast %select_n3A_232 : vector<1x64xf32> to vector<512x64xf32>
    %mul3A_234 = arith.mulf %transpose3A, %mul3A_233 : vector<512x64xf32>
    %reduce_sum3A_235 = arith.constant dense<0.000000e+00> : vector<512xf32>
    %reduce_sum3A_236 = vector.multi_reduction <add>, %mul3A_234, %reduce_sum3A_235 [1] : vector<512x64xf32> to vector<512xf32>
    %broadcast_in_dim3A_237 = vector.shape_cast %reduce_sum3A_236 : vector<512xf32> to vector<512x1xf32>
    %sub3A_238 = vector.broadcast %broadcast_in_dim3A_237 : vector<512x1xf32> to vector<512x8xf32>
    %sub3A_239 = arith.subf %select_n3A_215, %sub3A_238 : vector<512x8xf32>
    %exp3A = math.exp %sub3A_239 : vector<512x8xf32>
    %mul3A_240 = vector.broadcast %broadcast_in_dim3A_170 : vector<512x1xf32> to vector<512x8xf32>
    %mul3A_241 = arith.mulf %exp3A, %mul3A_240 : vector<512x8xf32>
    %convert_element_type3A_242 = arith.truncf %mul3A_241 : vector<512x8xf32> to vector<512x8xbf16>
    %convert_element_type3A_243 = arith.extf %convert_element_type3A_242 : vector<512x8xbf16> to vector<512x8xf32>
    %sub3A_244 = arith.subf %mul3A_241, %convert_element_type3A_243 : vector<512x8xf32>
    %convert_element_type3A_245 = arith.truncf %sub3A_244 : vector<512x8xf32> to vector<512x8xbf16>
    %dot_general3A_246 = arith.constant dense<0.000000e+00> : vector<64x8xf32>
    %dot_general3A_247 = tpu.matmul %convert_element_type3A_164, %convert_element_type3A_242, %dot_general3A_246 {dimension_numbers = #tpu.dot_dimension_numbers<[1], [0], [0], [1], [0, 0, 1, 1], [], []>, transpose_lhs_hint = false} : vector<64x512xbf16>, vector<512x8xbf16>, vector<64x8xf32> -> vector<64x8xf32>
    %dot_general3A_248 = arith.constant dense<0.000000e+00> : vector<64x8xf32>
    %dot_general3A_249 = tpu.matmul %convert_element_type3A_164, %convert_element_type3A_245, %dot_general3A_248 {dimension_numbers = #tpu.dot_dimension_numbers<[1], [0], [0], [1], [0, 0, 1, 1], [], []>, transpose_lhs_hint = false} : vector<64x512xbf16>, vector<512x8xbf16>, vector<64x8xf32> -> vector<64x8xf32>
    %add3A_250 = arith.addf %dot_general3A_247, %dot_general3A_249 : vector<64x8xf32>
    %convert_element_type3A_251 = arith.truncf %mul3A_241 : vector<512x8xf32> to vector<512x8xbf16>
    %convert_element_type3A_252 = arith.extf %convert_element_type3A_251 : vector<512x8xbf16> to vector<512x8xf32>
    %sub3A_253 = arith.subf %mul3A_241, %convert_element_type3A_252 : vector<512x8xf32>
    %convert_element_type3A_254 = arith.truncf %sub3A_253 : vector<512x8xf32> to vector<512x8xbf16>
    %dot_general3A_255 = arith.constant dense<0.000000e+00> : vector<512x256xf32>
    %dot_general3A_256 = tpu.matmul %convert_element_type3A_251, %convert_element_type3A_79, %dot_general3A_255 {dimension_numbers = #tpu.dot_dimension_numbers<[1], [0], [0], [1], [0, 0, 1, 1], [], []>, transpose_lhs_hint = false} : vector<512x8xbf16>, vector<8x256xbf16>, vector<512x256xf32> -> vector<512x256xf32>
    %dot_general3A_257 = arith.constant dense<0.000000e+00> : vector<512x256xf32>
    %dot_general3A_258 = tpu.matmul %convert_element_type3A_254, %convert_element_type3A_79, %dot_general3A_257 {dimension_numbers = #tpu.dot_dimension_numbers<[1], [0], [0], [1], [0, 0, 1, 1], [], []>, transpose_lhs_hint = false} : vector<512x8xbf16>, vector<8x256xbf16>, vector<512x256xf32> -> vector<512x256xf32>
    %add3A_259 = arith.addf %dot_general3A_256, %dot_general3A_258 : vector<512x256xf32>
    %mul3A_260 = arith.mulf %add3A_259, %dot_general3A_172 : vector<512x256xf32>
    %convert_element_type3A_261 = arith.truncf %mul3A_260 : vector<512x256xf32> to vector<512x256xbf16>
    %convert_element_type3A_262 = arith.extf %convert_element_type3A_261 : vector<512x256xbf16> to vector<512x256xf32>
    %sub3A_263 = arith.subf %mul3A_260, %convert_element_type3A_262 : vector<512x256xf32>
    %convert_element_type3A_264 = arith.truncf %sub3A_263 : vector<512x256xf32> to vector<512x256xbf16>
    %dot_general3A_265 = arith.constant dense<0.000000e+00> : vector<64x256xf32>
    %dot_general3A_266 = tpu.matmul %convert_element_type3A_164, %convert_element_type3A_261, %dot_general3A_265 {dimension_numbers = #tpu.dot_dimension_numbers<[1], [0], [0], [1], [0, 0, 1, 1], [], []>, transpose_lhs_hint = false} : vector<64x512xbf16>, vector<512x256xbf16>, vector<64x256xf32> -> vector<64x256xf32>
    %dot_general3A_267 = arith.constant dense<0.000000e+00> : vector<64x256xf32>
    %dot_general3A_268 = tpu.matmul %convert_element_type3A_164, %convert_element_type3A_264, %dot_general3A_267 {dimension_numbers = #tpu.dot_dimension_numbers<[1], [0], [0], [1], [0, 0, 1, 1], [], []>, transpose_lhs_hint = false} : vector<64x512xbf16>, vector<512x256xbf16>, vector<64x256xf32> -> vector<64x256xf32>
    %add3A_269 = arith.addf %dot_general3A_266, %dot_general3A_268 : vector<64x256xf32>
    %convert_element_type3A_270 = arith.truncf %add3A_250 : vector<64x8xf32> to vector<64x8xbf16>
    %convert_element_type3A_271 = arith.extf %convert_element_type3A_270 : vector<64x8xbf16> to vector<64x8xf32>
    %sub3A_272 = arith.subf %add3A_250, %convert_element_type3A_271 : vector<64x8xf32>
    %convert_element_type3A_273 = arith.truncf %sub3A_272 : vector<64x8xf32> to vector<64x8xbf16>
    %dot_general3A_274 = arith.constant dense<0.000000e+00> : vector<64x256xf32>
    %dot_general3A_275 = tpu.matmul %convert_element_type3A_270, %convert_element_type3A_79, %dot_general3A_274 {dimension_numbers = #tpu.dot_dimension_numbers<[1], [0], [0], [1], [0, 0, 1, 1], [], []>, transpose_lhs_hint = false} : vector<64x8xbf16>, vector<8x256xbf16>, vector<64x256xf32> -> vector<64x256xf32>
    %dot_general3A_276 = arith.constant dense<0.000000e+00> : vector<64x256xf32>
    %dot_general3A_277 = tpu.matmul %convert_element_type3A_273, %convert_element_type3A_79, %dot_general3A_276 {dimension_numbers = #tpu.dot_dimension_numbers<[1], [0], [0], [1], [0, 0, 1, 1], [], []>, transpose_lhs_hint = false} : vector<64x8xbf16>, vector<8x256xbf16>, vector<64x256xf32> -> vector<64x256xf32>
    %add3A_278 = arith.addf %dot_general3A_275, %dot_general3A_277 : vector<64x256xf32>
    %max3A = arith.constant 9.99999971E-10 : f32
    %max3A_279 = vector.broadcast %max3A : f32 to vector<64x256xf32>
    %max3A_280 = arith.maximumf %add3A_278, %max3A_279 : vector<64x256xf32>
    %div3A_281 = arith.divf %add3A_269, %max3A_280 : vector<64x256xf32>
    %lt3A_282 = vector.broadcast %reduce_sum3A_151 : f32 to vector<64x64xf32>
    %lt3A_283 = arith.cmpf olt, %convert_element_type3A_10, %lt3A_282 : vector<64x64xf32>
    %and3A_284 = arith.andi %eq3A, %lt3A_283 : vector<64x64xi1>
    %convert_element_type3A_285 = arith.extui %and3A_284 : vector<64x64xi1> to vector<64x64xi32>
    %convert_element_type3A_286 = arith.sitofp %convert_element_type3A_285 : vector<64x64xi32> to vector<64x64xf32>
    %convert_element_type3A_287 = arith.truncf %convert_element_type3A_286 : vector<64x64xf32> to vector<64x64xbf16>
    %convert_element_type3A_288 = arith.truncf %dot_general3A_176 : vector<64x256xf32> to vector<64x256xbf16>
    %convert_element_type3A_289 = arith.extf %convert_element_type3A_288 : vector<64x256xbf16> to vector<64x256xf32>
    %sub3A_290 = arith.subf %dot_general3A_176, %convert_element_type3A_289 : vector<64x256xf32>
    %convert_element_type3A_291 = arith.truncf %sub3A_290 : vector<64x256xf32> to vector<64x256xbf16>
    %dot_general3A_292 = arith.constant dense<0.000000e+00> : vector<64x256xf32>
    %dot_general3A_293 = tpu.matmul %convert_element_type3A_287, %convert_element_type3A_288, %dot_general3A_292 {dimension_numbers = #tpu.dot_dimension_numbers<[1], [0], [0], [1], [0, 0, 1, 1], [], []>, transpose_lhs_hint = false} : vector<64x64xbf16>, vector<64x256xbf16>, vector<64x256xf32> -> vector<64x256xf32>
    %dot_general3A_294 = arith.constant dense<0.000000e+00> : vector<64x256xf32>
    %dot_general3A_295 = tpu.matmul %convert_element_type3A_287, %convert_element_type3A_291, %dot_general3A_294 {dimension_numbers = #tpu.dot_dimension_numbers<[1], [0], [0], [1], [0, 0, 1, 1], [], []>, transpose_lhs_hint = false} : vector<64x64xbf16>, vector<64x256xbf16>, vector<64x256xf32> -> vector<64x256xf32>
    %add3A_296 = arith.addf %dot_general3A_293, %dot_general3A_295 : vector<64x256xf32>
    %add3A_297 = arith.addf %div3A_281, %add3A_296 : vector<64x256xf32>
    %add3A_298 = arith.addf %add3A_297, %dot_general3A_174 : vector<64x256xf32>
    %gt3A_299 = arith.constant 0.000000e+00 : f32
    %gt3A_300 = vector.broadcast %gt3A_299 : f32 to vector<64x256xf32>
    %gt3A_301 = arith.cmpf ogt, %add3A_298, %gt3A_300 : vector<64x256xf32>
    %exp3A_302 = math.exp %add3A_298 : vector<64x256xf32>
    %sub3A_303 = arith.constant 1.000000e+00 : f32
    %sub3A_304 = vector.broadcast %sub3A_303 : f32 to vector<64x256xf32>
    %sub3A_305 = arith.subf %exp3A_302, %sub3A_304 : vector<64x256xf32>
    %select_n3A_306 = arith.select %gt3A_301, %add3A_298, %sub3A_305 : vector<64x256xi1>, vector<64x256xf32>
    %lt3A_307 = vector.broadcast %reduce_sum3A_151 : f32 to vector<64x256xf32>
    %lt3A_308 = arith.cmpf olt, %convert_element_type3A_12, %lt3A_307 : vector<64x256xf32>
    %jit3A_309 = arith.constant 0.000000e+00 : f32
    %broadcast_in_dim3A_310 = vector.broadcast %jit3A_309 : f32 to vector<64x256xf32>
    %select_n3A_311 = arith.select %lt3A_308, %select_n3A_306, %broadcast_in_dim3A_310 : vector<64x256xi1>, vector<64x256xf32>
    %slice3A = vector.extract_strided_slice %select_n3A_311 {offsets = [0, 0], sizes = [50, 256], strides = [1, 1]} : vector<64x256xf32> to vector<50x256xf32>
    %swap3A = arith.constant 0 : index
    %swap3A_312 = arith.constant 0 : index
    %swap3A_313 = arith.constant 0 : index
    %swap3A_314 = vector.load %arg12[%swap3A, %swap3A_312, %swap3A_313] : memref<8x50x256xf32, #tpu.memory_space<vmem>>, vector<1x50x256xf32>
    %swap3A_315 = vector.shape_cast %swap3A_314 : vector<1x50x256xf32> to vector<50x256xf32>
    %swap3A_316 = vector.shape_cast %slice3A : vector<50x256xf32> to vector<1x50x256xf32>
    tpu.vector_store %arg12[%swap3A, %swap3A_312, %swap3A_313], %swap3A_316 {strides = array<i32>} : memref<8x50x256xf32, #tpu.memory_space<vmem>>, vector<1x50x256xf32>,
    %swap3A_317 = arith.constant 0 : index
    %swap3A_318 = arith.constant 0 : index
    %swap3A_319 = arith.constant 0 : index
    %swap3A_320 = vector.load %arg13[%swap3A_317, %swap3A_318, %swap3A_319] : memref<8x1x1xf32, #tpu.memory_space<vmem>>, vector<1x1x1xf32>
    %swap3A_321 = vector.shape_cast %swap3A_320 : vector<1x1x1xf32> to vector<1x1xf32>
    %swap3A_322 = vector.shape_cast %add3A : vector<1x1xf32> to vector<1x1x1xf32>
    tpu.vector_store %arg13[%swap3A_317, %swap3A_318, %swap3A_319], %swap3A_322 {strides = array<i32>} : memref<8x1x1xf32, #tpu.memory_space<vmem>>, vector<1x1x1xf32>,
    %get3A_323 = arith.constant 1 : index
    %get3A_324 = arith.constant 0 : index
    %get3A_325 = arith.constant 0 : index
    %get3A_326 = vector.load %arg1[%get3A_323, %get3A_324, %get3A_325] : memref<8x512x256xf32, #tpu.memory_space<vmem>>, vector<1x512x256xf32>
    %get3A_327 = vector.shape_cast %get3A_326 : vector<1x512x256xf32> to vector<512x256xf32>
    %convert_element_type3A_328 = arith.truncf %get3A_327 : vector<512x256xf32> to vector<512x256xbf16>
    %get3A_329 = arith.constant 1 : index
    %get3A_330 = arith.constant 0 : index
    %get3A_331 = arith.constant 0 : index
    %get3A_332 = vector.load %arg2[%get3A_329, %get3A_330, %get3A_331] : memref<8x64x256xf32, #tpu.memory_space<vmem>>, vector<1x64x256xf32>
    %get3A_333 = vector.shape_cast %get3A_332 : vector<1x64x256xf32> to vector<64x256xf32>
    %convert_element_type3A_334 = arith.truncf %get3A_333 : vector<64x256xf32> to vector<64x256xbf16>
    %get3A_335 = arith.constant 1 : index
    %get3A_336 = arith.constant 0 : index
    %get3A_337 = vector.load %arg3[%get3A_335, %get3A_336] : memref<8x512xi32, #tpu.memory_space<vmem>>, vector<1x512xi32>
    %get3A_338 = arith.constant 1 : index
    %get3A_339 = arith.constant 0 : index
    %get3A_340 = vector.load %arg4[%get3A_338, %get3A_339] : memref<8x512xi32, #tpu.memory_space<vmem>>, vector<1x512xi32>
    %ne3A_341 = arith.constant 5 : i32
    %ne3A_342 = vector.broadcast %ne3A_341 : i32 to vector<1x512xi32>
    %ne3A_343 = arith.cmpi ne, %get3A_337, %ne3A_342 : vector<1x512xi32>
    %ne3A_344 = arith.constant 0 : i32
    %ne3A_345 = vector.broadcast %ne3A_344 : i32 to vector<1x512xi32>
    %ne3A_346 = arith.cmpi ne, %get3A_340, %ne3A_345 : vector<1x512xi32>
    %and3A_347 = arith.andi %ne3A_343, %ne3A_346 : vector<1x512xi1>
    %eq3A_348 = arith.constant 1 : i32
    %eq3A_349 = vector.broadcast %eq3A_348 : i32 to vector<1x512xi32>
    %eq3A_350 = arith.cmpi eq, %get3A_337, %eq3A_349 : vector<1x512xi32>
    %and3A_351 = arith.andi %and3A_347, %eq3A_350 : vector<1x512xi1>
    %eq3A_352 = vector.broadcast %get3A_340 : vector<1x512xi32> to vector<64x512xi32>
    %eq3A_353 = arith.cmpi eq, %eq3A_352, %iota3A : vector<64x512xi32>
    %and3A_354 = vector.broadcast %and3A_347 : vector<1x512xi1> to vector<64x512xi1>
    %and3A_355 = arith.andi %eq3A_353, %and3A_354 : vector<64x512xi1>
    %convert_element_type3A_356 = arith.extui %and3A_355 : vector<64x512xi1> to vector<64x512xi32>
    %convert_element_type3A_357 = arith.sitofp %convert_element_type3A_356 : vector<64x512xi32> to vector<64x512xf32>
    %reduce_max3A_358 = arith.constant dense<0xFF800000> : vector<64xf32>
    %reduce_max3A_359 = vector.multi_reduction <maximumf>, %convert_element_type3A_357, %reduce_max3A_358 [1] : vector<64x512xf32> to vector<64xf32>
    %broadcast_in_dim3A_360 = vector.shape_cast %reduce_max3A_359 : vector<64xf32> to vector<64x1xf32>
    %convert_element_type3A_361 = arith.truncf %broadcast_in_dim3A_360 : vector<64x1xf32> to vector<64x1xbf16>
    %dot_general3A_362 = arith.constant dense<0.000000e+00> : vector<64x1xf32>
    %dot_general3A_363 = tpu.matmul %convert_element_type3A_3, %convert_element_type3A_361, %dot_general3A_362 {dimension_numbers = #tpu.dot_dimension_numbers<[1], [0], [0], [1], [0, 0, 1, 1], [], []>, transpose_lhs_hint = false} : vector<64x64xbf16>, vector<64x1xbf16>, vector<64x1xf32> -> vector<64x1xf32>
    %reduce_sum3A_364 = vector.shape_cast %broadcast_in_dim3A_360 : vector<64x1xf32> to vector<1x64x1xf32>
    %reduce_sum3A_365 = arith.constant dense<0.000000e+00> : vector<1xf32>
    %reduce_sum3A_366 = vector.multi_reduction <add>, %reduce_sum3A_364, %reduce_sum3A_365 [1, 2] : vector<1x64x1xf32> to vector<1xf32>
    %reduce_sum3A_367 = vector.shape_cast %reduce_sum3A_366 : vector<1xf32> to vector<1x1x1xf32>
    %reduce_sum3A_368 = vector.extract %reduce_sum3A_367[0, 0, 0] : f32 from vector<1x1x1xf32>
    %mul3A_369 = vector.broadcast %dot_general3A_363 : vector<64x1xf32> to vector<64x512xf32>
    %mul3A_370 = arith.mulf %convert_element_type3A_357, %mul3A_369 : vector<64x512xf32>
    %reduce_sum3A_371 = arith.constant dense<0.000000e+00> : vector<512xf32>
    %reduce_sum3A_372 = vector.multi_reduction <add>, %mul3A_370, %reduce_sum3A_371 [0] : vector<64x512xf32> to vector<512xf32>
    %broadcast_in_dim3A_373 = vector.shape_cast %reduce_sum3A_372 : vector<512xf32> to vector<1x512xf32>
    %eq3A_374 = vector.broadcast %broadcast_in_dim3A_373 : vector<1x512xf32> to vector<64x512xf32>
    %eq3A_375 = arith.cmpf oeq, %eq3A_374, %convert_element_type3A_5 : vector<64x512xf32>
    %and3A_376 = vector.broadcast %and3A_351 : vector<1x512xi1> to vector<64x512xi1>
    %and3A_377 = arith.andi %eq3A_375, %and3A_376 : vector<64x512xi1>
    %convert_element_type3A_378 = arith.extui %and3A_377 : vector<64x512xi1> to vector<64x512xi32>
    %convert_element_type3A_379 = arith.sitofp %convert_element_type3A_378 : vector<64x512xi32> to vector<64x512xf32>
    %convert_element_type3A_380 = arith.extui %and3A_377 : vector<64x512xi1> to vector<64x512xi32>
    %convert_element_type3A_381 = arith.sitofp %convert_element_type3A_380 : vector<64x512xi32> to vector<64x512xf32>
    %convert_element_type3A_382 = arith.truncf %convert_element_type3A_381 : vector<64x512xf32> to vector<64x512xbf16>
    %transpose3A_383 = tpu.transpose %convert_element_type3A_379, [1, 0] : vector<64x512xf32> -> vector<512x64xf32>
    %gt3A_384 = arith.constant 5.000000e-01 : f32
    %gt3A_385 = vector.broadcast %gt3A_384 : f32 to vector<512x64xf32>
    %gt3A_386 = arith.cmpf ogt, %transpose3A_383, %gt3A_385 : vector<512x64xf32>
    %convert_element_type3A_387 = arith.truncf %transpose3A_383 : vector<512x64xf32> to vector<512x64xbf16>
    %reduce_sum3A_388 = arith.constant dense<0.000000e+00> : vector<512xf32>
    %reduce_sum3A_389 = vector.multi_reduction <add>, %transpose3A_383, %reduce_sum3A_388 [1] : vector<512x64xf32> to vector<512xf32>
    %broadcast_in_dim3A_390 = vector.shape_cast %reduce_sum3A_389 : vector<512xf32> to vector<512x1xf32>
    %dot_general3A_391 = arith.constant dense<0.000000e+00> : vector<512x256xf32>
    %dot_general3A_392 = tpu.matmul %convert_element_type3A_328, %convert_element_type3A_82, %dot_general3A_391 {dimension_numbers = #tpu.dot_dimension_numbers<[1], [0], [0], [1], [0, 0, 1, 1], [], []>, transpose_lhs_hint = false} : vector<512x256xbf16>, vector<256x256xbf16>, vector<512x256xf32> -> vector<512x256xf32>
    %dot_general3A_393 = arith.constant dense<0.000000e+00> : vector<64x256xf32>
    %dot_general3A_394 = tpu.matmul %convert_element_type3A_334, %convert_element_type3A_86, %dot_general3A_393 {dimension_numbers = #tpu.dot_dimension_numbers<[1], [0], [0], [1], [0, 0, 1, 1], [], []>, transpose_lhs_hint = false} : vector<64x256xbf16>, vector<256x256xbf16>, vector<64x256xf32> -> vector<64x256xf32>
    %dot_general3A_395 = arith.constant dense<0.000000e+00> : vector<64x256xf32>
    %dot_general3A_396 = tpu.matmul %convert_element_type3A_334, %convert_element_type3A_90, %dot_general3A_395 {dimension_numbers = #tpu.dot_dimension_numbers<[1], [0], [0], [1], [0, 0, 1, 1], [], []>, transpose_lhs_hint = false} : vector<64x256xbf16>, vector<256x256xbf16>, vector<64x256xf32> -> vector<64x256xf32>
    %mul3A_397 = vector.broadcast %get3A_93 : vector<1x256xf32> to vector<512x256xf32>
    %mul3A_398 = arith.mulf %dot_general3A_392, %mul3A_397 : vector<512x256xf32>
    %convert_element_type3A_399 = arith.truncf %mul3A_398 : vector<512x256xf32> to vector<512x256xbf16>
    %convert_element_type3A_400 = arith.extf %convert_element_type3A_399 : vector<512x256xbf16> to vector<512x256xf32>
    %sub3A_401 = arith.subf %mul3A_398, %convert_element_type3A_400 : vector<512x256xf32>
    %convert_element_type3A_402 = arith.truncf %sub3A_401 : vector<512x256xf32> to vector<512x256xbf16>
    %dot_general3A_403 = arith.constant dense<0.000000e+00> : vector<512x8xf32>
    %dot_general3A_404 = tpu.matmul %convert_element_type3A_399, %convert_element_type3A_42, %dot_general3A_403 {dimension_numbers = #tpu.dot_dimension_numbers<[1], [0], [0], [1], [0, 0, 1, 1], [], []>, transpose_lhs_hint = false} : vector<512x256xbf16>, vector<256x8xbf16>, vector<512x8xf32> -> vector<512x8xf32>
    %dot_general3A_405 = arith.constant dense<0.000000e+00> : vector<512x8xf32>
    %dot_general3A_406 = tpu.matmul %convert_element_type3A_402, %convert_element_type3A_42, %dot_general3A_405 {dimension_numbers = #tpu.dot_dimension_numbers<[1], [0], [0], [1], [0, 0, 1, 1], [], []>, transpose_lhs_hint = false} : vector<512x256xbf16>, vector<256x8xbf16>, vector<512x8xf32> -> vector<512x8xf32>
    %add3A_407 = arith.addf %dot_general3A_404, %dot_general3A_406 : vector<512x8xf32>
    %mul3A_408 = vector.broadcast %get3A_96 : vector<1x256xf32> to vector<64x256xf32>
    %mul3A_409 = arith.mulf %dot_general3A_394, %mul3A_408 : vector<64x256xf32>
    %convert_element_type3A_410 = arith.truncf %mul3A_409 : vector<64x256xf32> to vector<64x256xbf16>
    %convert_element_type3A_411 = arith.extf %convert_element_type3A_410 : vector<64x256xbf16> to vector<64x256xf32>
    %sub3A_412 = arith.subf %mul3A_409, %convert_element_type3A_411 : vector<64x256xf32>
    %convert_element_type3A_413 = arith.truncf %sub3A_412 : vector<64x256xf32> to vector<64x256xbf16>
    %dot_general3A_414 = arith.constant dense<0.000000e+00> : vector<64x8xf32>
    %dot_general3A_415 = tpu.matmul %convert_element_type3A_410, %convert_element_type3A_42, %dot_general3A_414 {dimension_numbers = #tpu.dot_dimension_numbers<[1], [0], [0], [1], [0, 0, 1, 1], [], []>, transpose_lhs_hint = false} : vector<64x256xbf16>, vector<256x8xbf16>, vector<64x8xf32> -> vector<64x8xf32>
    %dot_general3A_416 = arith.constant dense<0.000000e+00> : vector<64x8xf32>
    %dot_general3A_417 = tpu.matmul %convert_element_type3A_413, %convert_element_type3A_42, %dot_general3A_416 {dimension_numbers = #tpu.dot_dimension_numbers<[1], [0], [0], [1], [0, 0, 1, 1], [], []>, transpose_lhs_hint = false} : vector<64x256xbf16>, vector<256x8xbf16>, vector<64x8xf32> -> vector<64x8xf32>
    %add3A_418 = arith.addf %dot_general3A_415, %dot_general3A_417 : vector<64x8xf32>
    %convert_element_type3A_419 = arith.truncf %add3A_418 : vector<64x8xf32> to vector<64x8xbf16>
    %convert_element_type3A_420 = arith.extf %convert_element_type3A_419 : vector<64x8xbf16> to vector<64x8xf32>
    %sub3A_421 = arith.subf %add3A_418, %convert_element_type3A_420 : vector<64x8xf32>
    %convert_element_type3A_422 = arith.truncf %sub3A_421 : vector<64x8xf32> to vector<64x8xbf16>
    %dot_general3A_423 = arith.constant dense<0.000000e+00> : vector<512x8xf32>
    %dot_general3A_424 = tpu.matmul %convert_element_type3A_387, %convert_element_type3A_419, %dot_general3A_423 {dimension_numbers = #tpu.dot_dimension_numbers<[1], [0], [0], [1], [0, 0, 1, 1], [], []>, transpose_lhs_hint = false} : vector<512x64xbf16>, vector<64x8xbf16>, vector<512x8xf32> -> vector<512x8xf32>
    %dot_general3A_425 = arith.constant dense<0.000000e+00> : vector<512x8xf32>
    %dot_general3A_426 = tpu.matmul %convert_element_type3A_387, %convert_element_type3A_422, %dot_general3A_425 {dimension_numbers = #tpu.dot_dimension_numbers<[1], [0], [0], [1], [0, 0, 1, 1], [], []>, transpose_lhs_hint = false} : vector<512x64xbf16>, vector<64x8xbf16>, vector<512x8xf32> -> vector<512x8xf32>
    %add3A_427 = arith.addf %dot_general3A_424, %dot_general3A_426 : vector<512x8xf32>
    %add3A_428 = arith.addf %add3A_407, %add3A_427 : vector<512x8xf32>
    %gt3A_429 = arith.constant 0.000000e+00 : f32
    %gt3A_430 = vector.broadcast %gt3A_429 : f32 to vector<512x8xf32>
    %gt3A_431 = arith.cmpf ogt, %add3A_428, %gt3A_430 : vector<512x8xf32>
    %mul3A_432 = arith.constant 2.000000e-01 : f32
    %mul3A_433 = vector.broadcast %mul3A_432 : f32 to vector<512x8xf32>
    %mul3A_434 = arith.mulf %mul3A_433, %add3A_428 : vector<512x8xf32>
    %select_n3A_435 = arith.select %gt3A_431, %add3A_428, %mul3A_434 : vector<512x8xi1>, vector<512x8xf32>
    %reduce_max3A_436 = arith.constant dense<0xFF800000> : vector<512xf32>
    %reduce_max3A_437 = vector.multi_reduction <maximumf>, %select_n3A_435, %reduce_max3A_436 [1] : vector<512x8xf32> to vector<512xf32>
    %broadcast_in_dim3A_438 = vector.shape_cast %reduce_max3A_437 : vector<512xf32> to vector<512x1xf32>
    %jit3A_439 = arith.constant -1.000000e+30 : f32
    %broadcast_in_dim3A_440 = vector.shape_cast %broadcast_in_dim3A_438 : vector<512x1xf32> to vector<512x1xf32>
    %broadcast_in_dim3A_441 = vector.broadcast %broadcast_in_dim3A_440 : vector<512x1xf32> to vector<512x64xf32>
    %broadcast_in_dim3A_442 = vector.broadcast %jit3A_439 : f32 to vector<512x64xf32>
    %select_n3A_443 = arith.select %gt3A_386, %broadcast_in_dim3A_441, %broadcast_in_dim3A_442 : vector<512x64xi1>, vector<512x64xf32>
    %reduce_max3A_444 = arith.constant dense<0xFF800000> : vector<64xf32>
    %reduce_max3A_445 = vector.multi_reduction <maximumf>, %select_n3A_443, %reduce_max3A_444 [0] : vector<512x64xf32> to vector<64xf32>
    %broadcast_in_dim3A_446 = vector.shape_cast %reduce_max3A_445 : vector<64xf32> to vector<1x64xf32>
    %gt3A_447 = arith.constant -1.000000e+29 : f32
    %gt3A_448 = vector.broadcast %gt3A_447 : f32 to vector<1x64xf32>
    %gt3A_449 = arith.cmpf ogt, %broadcast_in_dim3A_446, %gt3A_448 : vector<1x64xf32>
    %jit3A_450 = arith.constant 0.000000e+00 : f32
    %broadcast_in_dim3A_451 = vector.broadcast %jit3A_450 : f32 to vector<1x64xf32>
    %select_n3A_452 = arith.select %gt3A_449, %broadcast_in_dim3A_446, %broadcast_in_dim3A_451 : vector<1x64xi1>, vector<1x64xf32>
    %mul3A_453 = vector.broadcast %select_n3A_452 : vector<1x64xf32> to vector<512x64xf32>
    %mul3A_454 = arith.mulf %transpose3A_383, %mul3A_453 : vector<512x64xf32>
    %reduce_sum3A_455 = arith.constant dense<0.000000e+00> : vector<512xf32>
    %reduce_sum3A_456 = vector.multi_reduction <add>, %mul3A_454, %reduce_sum3A_455 [1] : vector<512x64xf32> to vector<512xf32>
    %broadcast_in_dim3A_457 = vector.shape_cast %reduce_sum3A_456 : vector<512xf32> to vector<512x1xf32>
    %sub3A_458 = vector.broadcast %broadcast_in_dim3A_457 : vector<512x1xf32> to vector<512x8xf32>
    %sub3A_459 = arith.subf %select_n3A_435, %sub3A_458 : vector<512x8xf32>
    %exp3A_460 = math.exp %sub3A_459 : vector<512x8xf32>
    %mul3A_461 = vector.broadcast %broadcast_in_dim3A_390 : vector<512x1xf32> to vector<512x8xf32>
    %mul3A_462 = arith.mulf %exp3A_460, %mul3A_461 : vector<512x8xf32>
    %convert_element_type3A_463 = arith.truncf %mul3A_462 : vector<512x8xf32> to vector<512x8xbf16>
    %convert_element_type3A_464 = arith.extf %convert_element_type3A_463 : vector<512x8xbf16> to vector<512x8xf32>
    %sub3A_465 = arith.subf %mul3A_462, %convert_element_type3A_464 : vector<512x8xf32>
    %convert_element_type3A_466 = arith.truncf %sub3A_465 : vector<512x8xf32> to vector<512x8xbf16>
    %dot_general3A_467 = arith.constant dense<0.000000e+00> : vector<64x8xf32>
    %dot_general3A_468 = tpu.matmul %convert_element_type3A_382, %convert_element_type3A_463, %dot_general3A_467 {dimension_numbers = #tpu.dot_dimension_numbers<[1], [0], [0], [1], [0, 0, 1, 1], [], []>, transpose_lhs_hint = false} : vector<64x512xbf16>, vector<512x8xbf16>, vector<64x8xf32> -> vector<64x8xf32>
    %dot_general3A_469 = arith.constant dense<0.000000e+00> : vector<64x8xf32>
    %dot_general3A_470 = tpu.matmul %convert_element_type3A_382, %convert_element_type3A_466, %dot_general3A_469 {dimension_numbers = #tpu.dot_dimension_numbers<[1], [0], [0], [1], [0, 0, 1, 1], [], []>, transpose_lhs_hint = false} : vector<64x512xbf16>, vector<512x8xbf16>, vector<64x8xf32> -> vector<64x8xf32>
    %add3A_471 = arith.addf %dot_general3A_468, %dot_general3A_470 : vector<64x8xf32>
    %convert_element_type3A_472 = arith.truncf %mul3A_462 : vector<512x8xf32> to vector<512x8xbf16>
    %convert_element_type3A_473 = arith.extf %convert_element_type3A_472 : vector<512x8xbf16> to vector<512x8xf32>
    %sub3A_474 = arith.subf %mul3A_462, %convert_element_type3A_473 : vector<512x8xf32>
    %convert_element_type3A_475 = arith.truncf %sub3A_474 : vector<512x8xf32> to vector<512x8xbf16>
    %dot_general3A_476 = arith.constant dense<0.000000e+00> : vector<512x256xf32>
    %dot_general3A_477 = tpu.matmul %convert_element_type3A_472, %convert_element_type3A_79, %dot_general3A_476 {dimension_numbers = #tpu.dot_dimension_numbers<[1], [0], [0], [1], [0, 0, 1, 1], [], []>, transpose_lhs_hint = false} : vector<512x8xbf16>, vector<8x256xbf16>, vector<512x256xf32> -> vector<512x256xf32>
    %dot_general3A_478 = arith.constant dense<0.000000e+00> : vector<512x256xf32>
    %dot_general3A_479 = tpu.matmul %convert_element_type3A_475, %convert_element_type3A_79, %dot_general3A_478 {dimension_numbers = #tpu.dot_dimension_numbers<[1], [0], [0], [1], [0, 0, 1, 1], [], []>, transpose_lhs_hint = false} : vector<512x8xbf16>, vector<8x256xbf16>, vector<512x256xf32> -> vector<512x256xf32>
    %add3A_480 = arith.addf %dot_general3A_477, %dot_general3A_479 : vector<512x256xf32>
    %mul3A_481 = arith.mulf %add3A_480, %dot_general3A_392 : vector<512x256xf32>
    %convert_element_type3A_482 = arith.truncf %mul3A_481 : vector<512x256xf32> to vector<512x256xbf16>
    %convert_element_type3A_483 = arith.extf %convert_element_type3A_482 : vector<512x256xbf16> to vector<512x256xf32>
    %sub3A_484 = arith.subf %mul3A_481, %convert_element_type3A_483 : vector<512x256xf32>
    %convert_element_type3A_485 = arith.truncf %sub3A_484 : vector<512x256xf32> to vector<512x256xbf16>
    %dot_general3A_486 = arith.constant dense<0.000000e+00> : vector<64x256xf32>
    %dot_general3A_487 = tpu.matmul %convert_element_type3A_382, %convert_element_type3A_482, %dot_general3A_486 {dimension_numbers = #tpu.dot_dimension_numbers<[1], [0], [0], [1], [0, 0, 1, 1], [], []>, transpose_lhs_hint = false} : vector<64x512xbf16>, vector<512x256xbf16>, vector<64x256xf32> -> vector<64x256xf32>
    %dot_general3A_488 = arith.constant dense<0.000000e+00> : vector<64x256xf32>
    %dot_general3A_489 = tpu.matmul %convert_element_type3A_382, %convert_element_type3A_485, %dot_general3A_488 {dimension_numbers = #tpu.dot_dimension_numbers<[1], [0], [0], [1], [0, 0, 1, 1], [], []>, transpose_lhs_hint = false} : vector<64x512xbf16>, vector<512x256xbf16>, vector<64x256xf32> -> vector<64x256xf32>
    %add3A_490 = arith.addf %dot_general3A_487, %dot_general3A_489 : vector<64x256xf32>
    %convert_element_type3A_491 = arith.truncf %add3A_471 : vector<64x8xf32> to vector<64x8xbf16>
    %convert_element_type3A_492 = arith.extf %convert_element_type3A_491 : vector<64x8xbf16> to vector<64x8xf32>
    %sub3A_493 = arith.subf %add3A_471, %convert_element_type3A_492 : vector<64x8xf32>
    %convert_element_type3A_494 = arith.truncf %sub3A_493 : vector<64x8xf32> to vector<64x8xbf16>
    %dot_general3A_495 = arith.constant dense<0.000000e+00> : vector<64x256xf32>
    %dot_general3A_496 = tpu.matmul %convert_element_type3A_491, %convert_element_type3A_79, %dot_general3A_495 {dimension_numbers = #tpu.dot_dimension_numbers<[1], [0], [0], [1], [0, 0, 1, 1], [], []>, transpose_lhs_hint = false} : vector<64x8xbf16>, vector<8x256xbf16>, vector<64x256xf32> -> vector<64x256xf32>
    %dot_general3A_497 = arith.constant dense<0.000000e+00> : vector<64x256xf32>
    %dot_general3A_498 = tpu.matmul %convert_element_type3A_494, %convert_element_type3A_79, %dot_general3A_497 {dimension_numbers = #tpu.dot_dimension_numbers<[1], [0], [0], [1], [0, 0, 1, 1], [], []>, transpose_lhs_hint = false} : vector<64x8xbf16>, vector<8x256xbf16>, vector<64x256xf32> -> vector<64x256xf32>
    %add3A_499 = arith.addf %dot_general3A_496, %dot_general3A_498 : vector<64x256xf32>
    %max3A_500 = arith.constant 9.99999971E-10 : f32
    %max3A_501 = vector.broadcast %max3A_500 : f32 to vector<64x256xf32>
    %max3A_502 = arith.maximumf %add3A_499, %max3A_501 : vector<64x256xf32>
    %div3A_503 = arith.divf %add3A_490, %max3A_502 : vector<64x256xf32>
    %lt3A_504 = vector.broadcast %reduce_sum3A_368 : f32 to vector<64x64xf32>
    %lt3A_505 = arith.cmpf olt, %convert_element_type3A_10, %lt3A_504 : vector<64x64xf32>
    %and3A_506 = arith.andi %eq3A, %lt3A_505 : vector<64x64xi1>
    %convert_element_type3A_507 = arith.extui %and3A_506 : vector<64x64xi1> to vector<64x64xi32>
    %convert_element_type3A_508 = arith.sitofp %convert_element_type3A_507 : vector<64x64xi32> to vector<64x64xf32>
    %convert_element_type3A_509 = arith.truncf %convert_element_type3A_508 : vector<64x64xf32> to vector<64x64xbf16>
    %convert_element_type3A_510 = arith.truncf %dot_general3A_396 : vector<64x256xf32> to vector<64x256xbf16>
    %convert_element_type3A_511 = arith.extf %convert_element_type3A_510 : vector<64x256xbf16> to vector<64x256xf32>
    %sub3A_512 = arith.subf %dot_general3A_396, %convert_element_type3A_511 : vector<64x256xf32>
    %convert_element_type3A_513 = arith.truncf %sub3A_512 : vector<64x256xf32> to vector<64x256xbf16>
    %dot_general3A_514 = arith.constant dense<0.000000e+00> : vector<64x256xf32>
    %dot_general3A_515 = tpu.matmul %convert_element_type3A_509, %convert_element_type3A_510, %dot_general3A_514 {dimension_numbers = #tpu.dot_dimension_numbers<[1], [0], [0], [1], [0, 0, 1, 1], [], []>, transpose_lhs_hint = false} : vector<64x64xbf16>, vector<64x256xbf16>, vector<64x256xf32> -> vector<64x256xf32>
    %dot_general3A_516 = arith.constant dense<0.000000e+00> : vector<64x256xf32>
    %dot_general3A_517 = tpu.matmul %convert_element_type3A_509, %convert_element_type3A_513, %dot_general3A_516 {dimension_numbers = #tpu.dot_dimension_numbers<[1], [0], [0], [1], [0, 0, 1, 1], [], []>, transpose_lhs_hint = false} : vector<64x64xbf16>, vector<64x256xbf16>, vector<64x256xf32> -> vector<64x256xf32>
    %add3A_518 = arith.addf %dot_general3A_515, %dot_general3A_517 : vector<64x256xf32>
    %add3A_519 = arith.addf %div3A_503, %add3A_518 : vector<64x256xf32>
    %add3A_520 = arith.addf %add3A_519, %dot_general3A_394 : vector<64x256xf32>
    %gt3A_521 = arith.constant 0.000000e+00 : f32
    %gt3A_522 = vector.broadcast %gt3A_521 : f32 to vector<64x256xf32>
    %gt3A_523 = arith.cmpf ogt, %add3A_520, %gt3A_522 : vector<64x256xf32>
    %exp3A_524 = math.exp %add3A_520 : vector<64x256xf32>
    %sub3A_525 = arith.constant 1.000000e+00 : f32
    %sub3A_526 = vector.broadcast %sub3A_525 : f32 to vector<64x256xf32>
    %sub3A_527 = arith.subf %exp3A_524, %sub3A_526 : vector<64x256xf32>
    %select_n3A_528 = arith.select %gt3A_523, %add3A_520, %sub3A_527 : vector<64x256xi1>, vector<64x256xf32>
    %lt3A_529 = vector.broadcast %reduce_sum3A_368 : f32 to vector<64x256xf32>
    %lt3A_530 = arith.cmpf olt, %convert_element_type3A_12, %lt3A_529 : vector<64x256xf32>
    %jit3A_531 = arith.constant 0.000000e+00 : f32
    %broadcast_in_dim3A_532 = vector.broadcast %jit3A_531 : f32 to vector<64x256xf32>
    %select_n3A_533 = arith.select %lt3A_530, %select_n3A_528, %broadcast_in_dim3A_532 : vector<64x256xi1>, vector<64x256xf32>
    %slice3A_534 = vector.extract_strided_slice %select_n3A_533 {offsets = [0, 0], sizes = [50, 256], strides = [1, 1]} : vector<64x256xf32> to vector<50x256xf32>
    %swap3A_535 = arith.constant 1 : index
    %swap3A_536 = arith.constant 0 : index
    %swap3A_537 = arith.constant 0 : index
    %swap3A_538 = vector.load %arg12[%swap3A_535, %swap3A_536, %swap3A_537] : memref<8x50x256xf32, #tpu.memory_space<vmem>>, vector<1x50x256xf32>
    %swap3A_539 = vector.shape_cast %swap3A_538 : vector<1x50x256xf32> to vector<50x256xf32>
    %swap3A_540 = vector.shape_cast %slice3A_534 : vector<50x256xf32> to vector<1x50x256xf32>
    tpu.vector_store %arg12[%swap3A_535, %swap3A_536, %swap3A_537], %swap3A_540 {strides = array<i32>} : memref<8x50x256xf32, #tpu.memory_space<vmem>>, vector<1x50x256xf32>,
    %swap3A_541 = arith.constant 1 : index
    %swap3A_542 = arith.constant 0 : index
    %swap3A_543 = arith.constant 0 : index
    %swap3A_544 = vector.load %arg13[%swap3A_541, %swap3A_542, %swap3A_543] : memref<8x1x1xf32, #tpu.memory_space<vmem>>, vector<1x1x1xf32>
    %swap3A_545 = vector.shape_cast %swap3A_544 : vector<1x1x1xf32> to vector<1x1xf32>
    %swap3A_546 = vector.shape_cast %add3A : vector<1x1xf32> to vector<1x1x1xf32>
    tpu.vector_store %arg13[%swap3A_541, %swap3A_542, %swap3A_543], %swap3A_546 {strides = array<i32>} : memref<8x1x1xf32, #tpu.memory_space<vmem>>, vector<1x1x1xf32>,
    %get3A_547 = arith.constant 2 : index
    %get3A_548 = arith.constant 0 : index
    %get3A_549 = arith.constant 0 : index
    %get3A_550 = vector.load %arg1[%get3A_547, %get3A_548, %get3A_549] : memref<8x512x256xf32, #tpu.memory_space<vmem>>, vector<1x512x256xf32>
    %get3A_551 = vector.shape_cast %get3A_550 : vector<1x512x256xf32> to vector<512x256xf32>
    %convert_element_type3A_552 = arith.truncf %get3A_551 : vector<512x256xf32> to vector<512x256xbf16>
    %get3A_553 = arith.constant 2 : index
    %get3A_554 = arith.constant 0 : index
    %get3A_555 = arith.constant 0 : index
    %get3A_556 = vector.load %arg2[%get3A_553, %get3A_554, %get3A_555] : memref<8x64x256xf32, #tpu.memory_space<vmem>>, vector<1x64x256xf32>
    %get3A_557 = vector.shape_cast %get3A_556 : vector<1x64x256xf32> to vector<64x256xf32>
    %convert_element_type3A_558 = arith.truncf %get3A_557 : vector<64x256xf32> to vector<64x256xbf16>
    %get3A_559 = arith.constant 2 : index
    %get3A_560 = arith.constant 0 : index
    %get3A_561 = vector.load %arg3[%get3A_559, %get3A_560] : memref<8x512xi32, #tpu.memory_space<vmem>>, vector<1x512xi32>
    %get3A_562 = arith.constant 2 : index
    %get3A_563 = arith.constant 0 : index
    %get3A_564 = vector.load %arg4[%get3A_562, %get3A_563] : memref<8x512xi32, #tpu.memory_space<vmem>>, vector<1x512xi32>
    %ne3A_565 = arith.constant 5 : i32
    %ne3A_566 = vector.broadcast %ne3A_565 : i32 to vector<1x512xi32>
    %ne3A_567 = arith.cmpi ne, %get3A_561, %ne3A_566 : vector<1x512xi32>
    %ne3A_568 = arith.constant 0 : i32
    %ne3A_569 = vector.broadcast %ne3A_568 : i32 to vector<1x512xi32>
    %ne3A_570 = arith.cmpi ne, %get3A_564, %ne3A_569 : vector<1x512xi32>
    %and3A_571 = arith.andi %ne3A_567, %ne3A_570 : vector<1x512xi1>
    %eq3A_572 = arith.constant 1 : i32
    %eq3A_573 = vector.broadcast %eq3A_572 : i32 to vector<1x512xi32>
    %eq3A_574 = arith.cmpi eq, %get3A_561, %eq3A_573 : vector<1x512xi32>
    %and3A_575 = arith.andi %and3A_571, %eq3A_574 : vector<1x512xi1>
    %eq3A_576 = vector.broadcast %get3A_564 : vector<1x512xi32> to vector<64x512xi32>
    %eq3A_577 = arith.cmpi eq, %eq3A_576, %iota3A : vector<64x512xi32>
    %and3A_578 = vector.broadcast %and3A_571 : vector<1x512xi1> to vector<64x512xi1>
    %and3A_579 = arith.andi %eq3A_577, %and3A_578 : vector<64x512xi1>
    %convert_element_type3A_580 = arith.extui %and3A_579 : vector<64x512xi1> to vector<64x512xi32>
    %convert_element_type3A_581 = arith.sitofp %convert_element_type3A_580 : vector<64x512xi32> to vector<64x512xf32>
    %reduce_max3A_582 = arith.constant dense<0xFF800000> : vector<64xf32>
    %reduce_max3A_583 = vector.multi_reduction <maximumf>, %convert_element_type3A_581, %reduce_max3A_582 [1] : vector<64x512xf32> to vector<64xf32>
    %broadcast_in_dim3A_584 = vector.shape_cast %reduce_max3A_583 : vector<64xf32> to vector<64x1xf32>
    %convert_element_type3A_585 = arith.truncf %broadcast_in_dim3A_584 : vector<64x1xf32> to vector<64x1xbf16>
    %dot_general3A_586 = arith.constant dense<0.000000e+00> : vector<64x1xf32>
    %dot_general3A_587 = tpu.matmul %convert_element_type3A_3, %convert_element_type3A_585, %dot_general3A_586 {dimension_numbers = #tpu.dot_dimension_numbers<[1], [0], [0], [1], [0, 0, 1, 1], [], []>, transpose_lhs_hint = false} : vector<64x64xbf16>, vector<64x1xbf16>, vector<64x1xf32> -> vector<64x1xf32>
    %reduce_sum3A_588 = vector.shape_cast %broadcast_in_dim3A_584 : vector<64x1xf32> to vector<1x64x1xf32>
    %reduce_sum3A_589 = arith.constant dense<0.000000e+00> : vector<1xf32>
    %reduce_sum3A_590 = vector.multi_reduction <add>, %reduce_sum3A_588, %reduce_sum3A_589 [1, 2] : vector<1x64x1xf32> to vector<1xf32>
    %reduce_sum3A_591 = vector.shape_cast %reduce_sum3A_590 : vector<1xf32> to vector<1x1x1xf32>
    %reduce_sum3A_592 = vector.extract %reduce_sum3A_591[0, 0, 0] : f32 from vector<1x1x1xf32>
    %mul3A_593 = vector.broadcast %dot_general3A_587 : vector<64x1xf32> to vector<64x512xf32>
    %mul3A_594 = arith.mulf %convert_element_type3A_581, %mul3A_593 : vector<64x512xf32>
    %reduce_sum3A_595 = arith.constant dense<0.000000e+00> : vector<512xf32>
    %reduce_sum3A_596 = vector.multi_reduction <add>, %mul3A_594, %reduce_sum3A_595 [0] : vector<64x512xf32> to vector<512xf32>
    %broadcast_in_dim3A_597 = vector.shape_cast %reduce_sum3A_596 : vector<512xf32> to vector<1x512xf32>
    %eq3A_598 = vector.broadcast %broadcast_in_dim3A_597 : vector<1x512xf32> to vector<64x512xf32>
    %eq3A_599 = arith.cmpf oeq, %eq3A_598, %convert_element_type3A_5 : vector<64x512xf32>
    %and3A_600 = vector.broadcast %and3A_575 : vector<1x512xi1> to vector<64x512xi1>
    %and3A_601 = arith.andi %eq3A_599, %and3A_600 : vector<64x512xi1>
    %convert_element_type3A_602 = arith.extui %and3A_601 : vector<64x512xi1> to vector<64x512xi32>
    %convert_element_type3A_603 = arith.sitofp %convert_element_type3A_602 : vector<64x512xi32> to vector<64x512xf32>
    %convert_element_type3A_604 = arith.extui %and3A_601 : vector<64x512xi1> to vector<64x512xi32>
    %convert_element_type3A_605 = arith.sitofp %convert_element_type3A_604 : vector<64x512xi32> to vector<64x512xf32>
    %convert_element_type3A_606 = arith.truncf %convert_element_type3A_605 : vector<64x512xf32> to vector<64x512xbf16>
    %transpose3A_607 = tpu.transpose %convert_element_type3A_603, [1, 0] : vector<64x512xf32> -> vector<512x64xf32>
    %gt3A_608 = arith.constant 5.000000e-01 : f32
    %gt3A_609 = vector.broadcast %gt3A_608 : f32 to vector<512x64xf32>
    %gt3A_610 = arith.cmpf ogt, %transpose3A_607, %gt3A_609 : vector<512x64xf32>
    %convert_element_type3A_611 = arith.truncf %transpose3A_607 : vector<512x64xf32> to vector<512x64xbf16>
    %reduce_sum3A_612 = arith.constant dense<0.000000e+00> : vector<512xf32>
    %reduce_sum3A_613 = vector.multi_reduction <add>, %transpose3A_607, %reduce_sum3A_612 [1] : vector<512x64xf32> to vector<512xf32>
    %broadcast_in_dim3A_614 = vector.shape_cast %reduce_sum3A_613 : vector<512xf32> to vector<512x1xf32>
    %dot_general3A_615 = arith.constant dense<0.000000e+00> : vector<512x256xf32>
    %dot_general3A_616 = tpu.matmul %convert_element_type3A_552, %convert_element_type3A_82, %dot_general3A_615 {dimension_numbers = #tpu.dot_dimension_numbers<[1], [0], [0], [1], [0, 0, 1, 1], [], []>, transpose_lhs_hint = false} : vector<512x256xbf16>, vector<256x256xbf16>, vector<512x256xf32> -> vector<512x256xf32>
    %dot_general3A_617 = arith.constant dense<0.000000e+00> : vector<64x256xf32>
    %dot_general3A_618 = tpu.matmul %convert_element_type3A_558, %convert_element_type3A_86, %dot_general3A_617 {dimension_numbers = #tpu.dot_dimension_numbers<[1], [0], [0], [1], [0, 0, 1, 1], [], []>, transpose_lhs_hint = false} : vector<64x256xbf16>, vector<256x256xbf16>, vector<64x256xf32> -> vector<64x256xf32>
    %dot_general3A_619 = arith.constant dense<0.000000e+00> : vector<64x256xf32>
    %dot_general3A_620 = tpu.matmul %convert_element_type3A_558, %convert_element_type3A_90, %dot_general3A_619 {dimension_numbers = #tpu.dot_dimension_numbers<[1], [0], [0], [1], [0, 0, 1, 1], [], []>, transpose_lhs_hint = false} : vector<64x256xbf16>, vector<256x256xbf16>, vector<64x256xf32> -> vector<64x256xf32>
    %mul3A_621 = vector.broadcast %get3A_93 : vector<1x256xf32> to vector<512x256xf32>
    %mul3A_622 = arith.mulf %dot_general3A_616, %mul3A_621 : vector<512x256xf32>
    %convert_element_type3A_623 = arith.truncf %mul3A_622 : vector<512x256xf32> to vector<512x256xbf16>
    %convert_element_type3A_624 = arith.extf %convert_element_type3A_623 : vector<512x256xbf16> to vector<512x256xf32>
    %sub3A_625 = arith.subf %mul3A_622, %convert_element_type3A_624 : vector<512x256xf32>
    %convert_element_type3A_626 = arith.truncf %sub3A_625 : vector<512x256xf32> to vector<512x256xbf16>
    %dot_general3A_627 = arith.constant dense<0.000000e+00> : vector<512x8xf32>
    %dot_general3A_628 = tpu.matmul %convert_element_type3A_623, %convert_element_type3A_42, %dot_general3A_627 {dimension_numbers = #tpu.dot_dimension_numbers<[1], [0], [0], [1], [0, 0, 1, 1], [], []>, transpose_lhs_hint = false} : vector<512x256xbf16>, vector<256x8xbf16>, vector<512x8xf32> -> vector<512x8xf32>
    %dot_general3A_629 = arith.constant dense<0.000000e+00> : vector<512x8xf32>
    %dot_general3A_630 = tpu.matmul %convert_element_type3A_626, %convert_element_type3A_42, %dot_general3A_629 {dimension_numbers = #tpu.dot_dimension_numbers<[1], [0], [0], [1], [0, 0, 1, 1], [], []>, transpose_lhs_hint = false} : vector<512x256xbf16>, vector<256x8xbf16>, vector<512x8xf32> -> vector<512x8xf32>
    %add3A_631 = arith.addf %dot_general3A_628, %dot_general3A_630 : vector<512x8xf32>
    %mul3A_632 = vector.broadcast %get3A_96 : vector<1x256xf32> to vector<64x256xf32>
    %mul3A_633 = arith.mulf %dot_general3A_618, %mul3A_632 : vector<64x256xf32>
    %convert_element_type3A_634 = arith.truncf %mul3A_633 : vector<64x256xf32> to vector<64x256xbf16>
    %convert_element_type3A_635 = arith.extf %convert_element_type3A_634 : vector<64x256xbf16> to vector<64x256xf32>
    %sub3A_636 = arith.subf %mul3A_633, %convert_element_type3A_635 : vector<64x256xf32>
    %convert_element_type3A_637 = arith.truncf %sub3A_636 : vector<64x256xf32> to vector<64x256xbf16>
    %dot_general3A_638 = arith.constant dense<0.000000e+00> : vector<64x8xf32>
    %dot_general3A_639 = tpu.matmul %convert_element_type3A_634, %convert_element_type3A_42, %dot_general3A_638 {dimension_numbers = #tpu.dot_dimension_numbers<[1], [0], [0], [1], [0, 0, 1, 1], [], []>, transpose_lhs_hint = false} : vector<64x256xbf16>, vector<256x8xbf16>, vector<64x8xf32> -> vector<64x8xf32>
    %dot_general3A_640 = arith.constant dense<0.000000e+00> : vector<64x8xf32>
    %dot_general3A_641 = tpu.matmul %convert_element_type3A_637, %convert_element_type3A_42, %dot_general3A_640 {dimension_numbers = #tpu.dot_dimension_numbers<[1], [0], [0], [1], [0, 0, 1, 1], [], []>, transpose_lhs_hint = false} : vector<64x256xbf16>, vector<256x8xbf16>, vector<64x8xf32> -> vector<64x8xf32>
    %add3A_642 = arith.addf %dot_general3A_639, %dot_general3A_641 : vector<64x8xf32>
    %convert_element_type3A_643 = arith.truncf %add3A_642 : vector<64x8xf32> to vector<64x8xbf16>
    %convert_element_type3A_644 = arith.extf %convert_element_type3A_643 : vector<64x8xbf16> to vector<64x8xf32>
    %sub3A_645 = arith.subf %add3A_642, %convert_element_type3A_644 : vector<64x8xf32>
    %convert_element_type3A_646 = arith.truncf %sub3A_645 : vector<64x8xf32> to vector<64x8xbf16>
    %dot_general3A_647 = arith.constant dense<0.000000e+00> : vector<512x8xf32>
    %dot_general3A_648 = tpu.matmul %convert_element_type3A_611, %convert_element_type3A_643, %dot_general3A_647 {dimension_numbers = #tpu.dot_dimension_numbers<[1], [0], [0], [1], [0, 0, 1, 1], [], []>, transpose_lhs_hint = false} : vector<512x64xbf16>, vector<64x8xbf16>, vector<512x8xf32> -> vector<512x8xf32>
    %dot_general3A_649 = arith.constant dense<0.000000e+00> : vector<512x8xf32>
    %dot_general3A_650 = tpu.matmul %convert_element_type3A_611, %convert_element_type3A_646, %dot_general3A_649 {dimension_numbers = #tpu.dot_dimension_numbers<[1], [0], [0], [1], [0, 0, 1, 1], [], []>, transpose_lhs_hint = false} : vector<512x64xbf16>, vector<64x8xbf16>, vector<512x8xf32> -> vector<512x8xf32>
    %add3A_651 = arith.addf %dot_general3A_648, %dot_general3A_650 : vector<512x8xf32>
    %add3A_652 = arith.addf %add3A_631, %add3A_651 : vector<512x8xf32>
    %gt3A_653 = arith.constant 0.000000e+00 : f32
    %gt3A_654 = vector.broadcast %gt3A_653 : f32 to vector<512x8xf32>
    %gt3A_655 = arith.cmpf ogt, %add3A_652, %gt3A_654 : vector<512x8xf32>
    %mul3A_656 = arith.constant 2.000000e-01 : f32
    %mul3A_657 = vector.broadcast %mul3A_656 : f32 to vector<512x8xf32>
    %mul3A_658 = arith.mulf %mul3A_657, %add3A_652 : vector<512x8xf32>
    %select_n3A_659 = arith.select %gt3A_655, %add3A_652, %mul3A_658 : vector<512x8xi1>, vector<512x8xf32>
    %reduce_max3A_660 = arith.constant dense<0xFF800000> : vector<512xf32>
    %reduce_max3A_661 = vector.multi_reduction <maximumf>, %select_n3A_659, %reduce_max3A_660 [1] : vector<512x8xf32> to vector<512xf32>
    %broadcast_in_dim3A_662 = vector.shape_cast %reduce_max3A_661 : vector<512xf32> to vector<512x1xf32>
    %jit3A_663 = arith.constant -1.000000e+30 : f32
    %broadcast_in_dim3A_664 = vector.shape_cast %broadcast_in_dim3A_662 : vector<512x1xf32> to vector<512x1xf32>
    %broadcast_in_dim3A_665 = vector.broadcast %broadcast_in_dim3A_664 : vector<512x1xf32> to vector<512x64xf32>
    %broadcast_in_dim3A_666 = vector.broadcast %jit3A_663 : f32 to vector<512x64xf32>
    %select_n3A_667 = arith.select %gt3A_610, %broadcast_in_dim3A_665, %broadcast_in_dim3A_666 : vector<512x64xi1>, vector<512x64xf32>
    %reduce_max3A_668 = arith.constant dense<0xFF800000> : vector<64xf32>
    %reduce_max3A_669 = vector.multi_reduction <maximumf>, %select_n3A_667, %reduce_max3A_668 [0] : vector<512x64xf32> to vector<64xf32>
    %broadcast_in_dim3A_670 = vector.shape_cast %reduce_max3A_669 : vector<64xf32> to vector<1x64xf32>
    %gt3A_671 = arith.constant -1.000000e+29 : f32
    %gt3A_672 = vector.broadcast %gt3A_671 : f32 to vector<1x64xf32>
    %gt3A_673 = arith.cmpf ogt, %broadcast_in_dim3A_670, %gt3A_672 : vector<1x64xf32>
    %jit3A_674 = arith.constant 0.000000e+00 : f32
    %broadcast_in_dim3A_675 = vector.broadcast %jit3A_674 : f32 to vector<1x64xf32>
    %select_n3A_676 = arith.select %gt3A_673, %broadcast_in_dim3A_670, %broadcast_in_dim3A_675 : vector<1x64xi1>, vector<1x64xf32>
    %mul3A_677 = vector.broadcast %select_n3A_676 : vector<1x64xf32> to vector<512x64xf32>
    %mul3A_678 = arith.mulf %transpose3A_607, %mul3A_677 : vector<512x64xf32>
    %reduce_sum3A_679 = arith.constant dense<0.000000e+00> : vector<512xf32>
    %reduce_sum3A_680 = vector.multi_reduction <add>, %mul3A_678, %reduce_sum3A_679 [1] : vector<512x64xf32> to vector<512xf32>
    %broadcast_in_dim3A_681 = vector.shape_cast %reduce_sum3A_680 : vector<512xf32> to vector<512x1xf32>
    %sub3A_682 = vector.broadcast %broadcast_in_dim3A_681 : vector<512x1xf32> to vector<512x8xf32>
    %sub3A_683 = arith.subf %select_n3A_659, %sub3A_682 : vector<512x8xf32>
    %exp3A_684 = math.exp %sub3A_683 : vector<512x8xf32>
    %mul3A_685 = vector.broadcast %broadcast_in_dim3A_614 : vector<512x1xf32> to vector<512x8xf32>
    %mul3A_686 = arith.mulf %exp3A_684, %mul3A_685 : vector<512x8xf32>
    %convert_element_type3A_687 = arith.truncf %mul3A_686 : vector<512x8xf32> to vector<512x8xbf16>
    %convert_element_type3A_688 = arith.extf %convert_element_type3A_687 : vector<512x8xbf16> to vector<512x8xf32>
    %sub3A_689 = arith.subf %mul3A_686, %convert_element_type3A_688 : vector<512x8xf32>
    %convert_element_type3A_690 = arith.truncf %sub3A_689 : vector<512x8xf32> to vector<512x8xbf16>
    %dot_general3A_691 = arith.constant dense<0.000000e+00> : vector<64x8xf32>
    %dot_general3A_692 = tpu.matmul %convert_element_type3A_606, %convert_element_type3A_687, %dot_general3A_691 {dimension_numbers = #tpu.dot_dimension_numbers<[1], [0], [0], [1], [0, 0, 1, 1], [], []>, transpose_lhs_hint = false} : vector<64x512xbf16>, vector<512x8xbf16>, vector<64x8xf32> -> vector<64x8xf32>
    %dot_general3A_693 = arith.constant dense<0.000000e+00> : vector<64x8xf32>
    %dot_general3A_694 = tpu.matmul %convert_element_type3A_606, %convert_element_type3A_690, %dot_general3A_693 {dimension_numbers = #tpu.dot_dimension_numbers<[1], [0], [0], [1], [0, 0, 1, 1], [], []>, transpose_lhs_hint = false} : vector<64x512xbf16>, vector<512x8xbf16>, vector<64x8xf32> -> vector<64x8xf32>
    %add3A_695 = arith.addf %dot_general3A_692, %dot_general3A_694 : vector<64x8xf32>
    %convert_element_type3A_696 = arith.truncf %mul3A_686 : vector<512x8xf32> to vector<512x8xbf16>
    %convert_element_type3A_697 = arith.extf %convert_element_type3A_696 : vector<512x8xbf16> to vector<512x8xf32>
    %sub3A_698 = arith.subf %mul3A_686, %convert_element_type3A_697 : vector<512x8xf32>
    %convert_element_type3A_699 = arith.truncf %sub3A_698 : vector<512x8xf32> to vector<512x8xbf16>
    %dot_general3A_700 = arith.constant dense<0.000000e+00> : vector<512x256xf32>
    %dot_general3A_701 = tpu.matmul %convert_element_type3A_696, %convert_element_type3A_79, %dot_general3A_700 {dimension_numbers = #tpu.dot_dimension_numbers<[1], [0], [0], [1], [0, 0, 1, 1], [], []>, transpose_lhs_hint = false} : vector<512x8xbf16>, vector<8x256xbf16>, vector<512x256xf32> -> vector<512x256xf32>
    %dot_general3A_702 = arith.constant dense<0.000000e+00> : vector<512x256xf32>
    %dot_general3A_703 = tpu.matmul %convert_element_type3A_699, %convert_element_type3A_79, %dot_general3A_702 {dimension_numbers = #tpu.dot_dimension_numbers<[1], [0], [0], [1], [0, 0, 1, 1], [], []>, transpose_lhs_hint = false} : vector<512x8xbf16>, vector<8x256xbf16>, vector<512x256xf32> -> vector<512x256xf32>
    %add3A_704 = arith.addf %dot_general3A_701, %dot_general3A_703 : vector<512x256xf32>
    %mul3A_705 = arith.mulf %add3A_704, %dot_general3A_616 : vector<512x256xf32>
    %convert_element_type3A_706 = arith.truncf %mul3A_705 : vector<512x256xf32> to vector<512x256xbf16>
    %convert_element_type3A_707 = arith.extf %convert_element_type3A_706 : vector<512x256xbf16> to vector<512x256xf32>
    %sub3A_708 = arith.subf %mul3A_705, %convert_element_type3A_707 : vector<512x256xf32>
    %convert_element_type3A_709 = arith.truncf %sub3A_708 : vector<512x256xf32> to vector<512x256xbf16>
    %dot_general3A_710 = arith.constant dense<0.000000e+00> : vector<64x256xf32>
    %dot_general3A_711 = tpu.matmul %convert_element_type3A_606, %convert_element_type3A_706, %dot_general3A_710 {dimension_numbers = #tpu.dot_dimension_numbers<[1], [0], [0], [1], [0, 0, 1, 1], [], []>, transpose_lhs_hint = false} : vector<64x512xbf16>, vector<512x256xbf16>, vector<64x256xf32> -> vector<64x256xf32>
    %dot_general3A_712 = arith.constant dense<0.000000e+00> : vector<64x256xf32>
    %dot_general3A_713 = tpu.matmul %convert_element_type3A_606, %convert_element_type3A_709, %dot_general3A_712 {dimension_numbers = #tpu.dot_dimension_numbers<[1], [0], [0], [1], [0, 0, 1, 1], [], []>, transpose_lhs_hint = false} : vector<64x512xbf16>, vector<512x256xbf16>, vector<64x256xf32> -> vector<64x256xf32>
    %add3A_714 = arith.addf %dot_general3A_711, %dot_general3A_713 : vector<64x256xf32>
    %convert_element_type3A_715 = arith.truncf %add3A_695 : vector<64x8xf32> to vector<64x8xbf16>
    %convert_element_type3A_716 = arith.extf %convert_element_type3A_715 : vector<64x8xbf16> to vector<64x8xf32>
    %sub3A_717 = arith.subf %add3A_695, %convert_element_type3A_716 : vector<64x8xf32>
    %convert_element_type3A_718 = arith.truncf %sub3A_717 : vector<64x8xf32> to vector<64x8xbf16>
    %dot_general3A_719 = arith.constant dense<0.000000e+00> : vector<64x256xf32>
    %dot_general3A_720 = tpu.matmul %convert_element_type3A_715, %convert_element_type3A_79, %dot_general3A_719 {dimension_numbers = #tpu.dot_dimension_numbers<[1], [0], [0], [1], [0, 0, 1, 1], [], []>, transpose_lhs_hint = false} : vector<64x8xbf16>, vector<8x256xbf16>, vector<64x256xf32> -> vector<64x256xf32>
    %dot_general3A_721 = arith.constant dense<0.000000e+00> : vector<64x256xf32>
    %dot_general3A_722 = tpu.matmul %convert_element_type3A_718, %convert_element_type3A_79, %dot_general3A_721 {dimension_numbers = #tpu.dot_dimension_numbers<[1], [0], [0], [1], [0, 0, 1, 1], [], []>, transpose_lhs_hint = false} : vector<64x8xbf16>, vector<8x256xbf16>, vector<64x256xf32> -> vector<64x256xf32>
    %add3A_723 = arith.addf %dot_general3A_720, %dot_general3A_722 : vector<64x256xf32>
    %max3A_724 = arith.constant 9.99999971E-10 : f32
    %max3A_725 = vector.broadcast %max3A_724 : f32 to vector<64x256xf32>
    %max3A_726 = arith.maximumf %add3A_723, %max3A_725 : vector<64x256xf32>
    %div3A_727 = arith.divf %add3A_714, %max3A_726 : vector<64x256xf32>
    %lt3A_728 = vector.broadcast %reduce_sum3A_592 : f32 to vector<64x64xf32>
    %lt3A_729 = arith.cmpf olt, %convert_element_type3A_10, %lt3A_728 : vector<64x64xf32>
    %and3A_730 = arith.andi %eq3A, %lt3A_729 : vector<64x64xi1>
    %convert_element_type3A_731 = arith.extui %and3A_730 : vector<64x64xi1> to vector<64x64xi32>
    %convert_element_type3A_732 = arith.sitofp %convert_element_type3A_731 : vector<64x64xi32> to vector<64x64xf32>
    %convert_element_type3A_733 = arith.truncf %convert_element_type3A_732 : vector<64x64xf32> to vector<64x64xbf16>
    %convert_element_type3A_734 = arith.truncf %dot_general3A_620 : vector<64x256xf32> to vector<64x256xbf16>
    %convert_element_type3A_735 = arith.extf %convert_element_type3A_734 : vector<64x256xbf16> to vector<64x256xf32>
    %sub3A_736 = arith.subf %dot_general3A_620, %convert_element_type3A_735 : vector<64x256xf32>
    %convert_element_type3A_737 = arith.truncf %sub3A_736 : vector<64x256xf32> to vector<64x256xbf16>
    %dot_general3A_738 = arith.constant dense<0.000000e+00> : vector<64x256xf32>
    %dot_general3A_739 = tpu.matmul %convert_element_type3A_733, %convert_element_type3A_734, %dot_general3A_738 {dimension_numbers = #tpu.dot_dimension_numbers<[1], [0], [0], [1], [0, 0, 1, 1], [], []>, transpose_lhs_hint = false} : vector<64x64xbf16>, vector<64x256xbf16>, vector<64x256xf32> -> vector<64x256xf32>
    %dot_general3A_740 = arith.constant dense<0.000000e+00> : vector<64x256xf32>
    %dot_general3A_741 = tpu.matmul %convert_element_type3A_733, %convert_element_type3A_737, %dot_general3A_740 {dimension_numbers = #tpu.dot_dimension_numbers<[1], [0], [0], [1], [0, 0, 1, 1], [], []>, transpose_lhs_hint = false} : vector<64x64xbf16>, vector<64x256xbf16>, vector<64x256xf32> -> vector<64x256xf32>
    %add3A_742 = arith.addf %dot_general3A_739, %dot_general3A_741 : vector<64x256xf32>
    %add3A_743 = arith.addf %div3A_727, %add3A_742 : vector<64x256xf32>
    %add3A_744 = arith.addf %add3A_743, %dot_general3A_618 : vector<64x256xf32>
    %gt3A_745 = arith.constant 0.000000e+00 : f32
    %gt3A_746 = vector.broadcast %gt3A_745 : f32 to vector<64x256xf32>
    %gt3A_747 = arith.cmpf ogt, %add3A_744, %gt3A_746 : vector<64x256xf32>
    %exp3A_748 = math.exp %add3A_744 : vector<64x256xf32>
    %sub3A_749 = arith.constant 1.000000e+00 : f32
    %sub3A_750 = vector.broadcast %sub3A_749 : f32 to vector<64x256xf32>
    %sub3A_751 = arith.subf %exp3A_748, %sub3A_750 : vector<64x256xf32>
    %select_n3A_752 = arith.select %gt3A_747, %add3A_744, %sub3A_751 : vector<64x256xi1>, vector<64x256xf32>
    %lt3A_753 = vector.broadcast %reduce_sum3A_592 : f32 to vector<64x256xf32>
    %lt3A_754 = arith.cmpf olt, %convert_element_type3A_12, %lt3A_753 : vector<64x256xf32>
    %jit3A_755 = arith.constant 0.000000e+00 : f32
    %broadcast_in_dim3A_756 = vector.broadcast %jit3A_755 : f32 to vector<64x256xf32>
    %select_n3A_757 = arith.select %lt3A_754, %select_n3A_752, %broadcast_in_dim3A_756 : vector<64x256xi1>, vector<64x256xf32>
    %slice3A_758 = vector.extract_strided_slice %select_n3A_757 {offsets = [0, 0], sizes = [50, 256], strides = [1, 1]} : vector<64x256xf32> to vector<50x256xf32>
    %swap3A_759 = arith.constant 2 : index
    %swap3A_760 = arith.constant 0 : index
    %swap3A_761 = arith.constant 0 : index
    %swap3A_762 = vector.load %arg12[%swap3A_759, %swap3A_760, %swap3A_761] : memref<8x50x256xf32, #tpu.memory_space<vmem>>, vector<1x50x256xf32>
    %swap3A_763 = vector.shape_cast %swap3A_762 : vector<1x50x256xf32> to vector<50x256xf32>
    %swap3A_764 = vector.shape_cast %slice3A_758 : vector<50x256xf32> to vector<1x50x256xf32>
    tpu.vector_store %arg12[%swap3A_759, %swap3A_760, %swap3A_761], %swap3A_764 {strides = array<i32>} : memref<8x50x256xf32, #tpu.memory_space<vmem>>, vector<1x50x256xf32>,
    %swap3A_765 = arith.constant 2 : index
    %swap3A_766 = arith.constant 0 : index
    %swap3A_767 = arith.constant 0 : index
    %swap3A_768 = vector.load %arg13[%swap3A_765, %swap3A_766, %swap3A_767] : memref<8x1x1xf32, #tpu.memory_space<vmem>>, vector<1x1x1xf32>
    %swap3A_769 = vector.shape_cast %swap3A_768 : vector<1x1x1xf32> to vector<1x1xf32>
    %swap3A_770 = vector.shape_cast %add3A : vector<1x1xf32> to vector<1x1x1xf32>
    tpu.vector_store %arg13[%swap3A_765, %swap3A_766, %swap3A_767], %swap3A_770 {strides = array<i32>} : memref<8x1x1xf32, #tpu.memory_space<vmem>>, vector<1x1x1xf32>,
    %get3A_771 = arith.constant 3 : index
    %get3A_772 = arith.constant 0 : index
    %get3A_773 = arith.constant 0 : index
    %get3A_774 = vector.load %arg1[%get3A_771, %get3A_772, %get3A_773] : memref<8x512x256xf32, #tpu.memory_space<vmem>>, vector<1x512x256xf32>
    %get3A_775 = vector.shape_cast %get3A_774 : vector<1x512x256xf32> to vector<512x256xf32>
    %convert_element_type3A_776 = arith.truncf %get3A_775 : vector<512x256xf32> to vector<512x256xbf16>
    %get3A_777 = arith.constant 3 : index
    %get3A_778 = arith.constant 0 : index
    %get3A_779 = arith.constant 0 : index
    %get3A_780 = vector.load %arg2[%get3A_777, %get3A_778, %get3A_779] : memref<8x64x256xf32, #tpu.memory_space<vmem>>, vector<1x64x256xf32>
    %get3A_781 = vector.shape_cast %get3A_780 : vector<1x64x256xf32> to vector<64x256xf32>
    %convert_element_type3A_782 = arith.truncf %get3A_781 : vector<64x256xf32> to vector<64x256xbf16>
    %get3A_783 = arith.constant 3 : index
    %get3A_784 = arith.constant 0 : index
    %get3A_785 = vector.load %arg3[%get3A_783, %get3A_784] : memref<8x512xi32, #tpu.memory_space<vmem>>, vector<1x512xi32>
    %get3A_786 = arith.constant 3 : index
    %get3A_787 = arith.constant 0 : index
    %get3A_788 = vector.load %arg4[%get3A_786, %get3A_787] : memref<8x512xi32, #tpu.memory_space<vmem>>, vector<1x512xi32>
    %ne3A_789 = arith.constant 5 : i32
    %ne3A_790 = vector.broadcast %ne3A_789 : i32 to vector<1x512xi32>
    %ne3A_791 = arith.cmpi ne, %get3A_785, %ne3A_790 : vector<1x512xi32>
    %ne3A_792 = arith.constant 0 : i32
    %ne3A_793 = vector.broadcast %ne3A_792 : i32 to vector<1x512xi32>
    %ne3A_794 = arith.cmpi ne, %get3A_788, %ne3A_793 : vector<1x512xi32>
    %and3A_795 = arith.andi %ne3A_791, %ne3A_794 : vector<1x512xi1>
    %eq3A_796 = arith.constant 1 : i32
    %eq3A_797 = vector.broadcast %eq3A_796 : i32 to vector<1x512xi32>
    %eq3A_798 = arith.cmpi eq, %get3A_785, %eq3A_797 : vector<1x512xi32>
    %and3A_799 = arith.andi %and3A_795, %eq3A_798 : vector<1x512xi1>
    %eq3A_800 = vector.broadcast %get3A_788 : vector<1x512xi32> to vector<64x512xi32>
    %eq3A_801 = arith.cmpi eq, %eq3A_800, %iota3A : vector<64x512xi32>
    %and3A_802 = vector.broadcast %and3A_795 : vector<1x512xi1> to vector<64x512xi1>
    %and3A_803 = arith.andi %eq3A_801, %and3A_802 : vector<64x512xi1>
    %convert_element_type3A_804 = arith.extui %and3A_803 : vector<64x512xi1> to vector<64x512xi32>
    %convert_element_type3A_805 = arith.sitofp %convert_element_type3A_804 : vector<64x512xi32> to vector<64x512xf32>
    %reduce_max3A_806 = arith.constant dense<0xFF800000> : vector<64xf32>
    %reduce_max3A_807 = vector.multi_reduction <maximumf>, %convert_element_type3A_805, %reduce_max3A_806 [1] : vector<64x512xf32> to vector<64xf32>
    %broadcast_in_dim3A_808 = vector.shape_cast %reduce_max3A_807 : vector<64xf32> to vector<64x1xf32>
    %convert_element_type3A_809 = arith.truncf %broadcast_in_dim3A_808 : vector<64x1xf32> to vector<64x1xbf16>
    %dot_general3A_810 = arith.constant dense<0.000000e+00> : vector<64x1xf32>
    %dot_general3A_811 = tpu.matmul %convert_element_type3A_3, %convert_element_type3A_809, %dot_general3A_810 {dimension_numbers = #tpu.dot_dimension_numbers<[1], [0], [0], [1], [0, 0, 1, 1], [], []>, transpose_lhs_hint = false} : vector<64x64xbf16>, vector<64x1xbf16>, vector<64x1xf32> -> vector<64x1xf32>
    %reduce_sum3A_812 = vector.shape_cast %broadcast_in_dim3A_808 : vector<64x1xf32> to vector<1x64x1xf32>
    %reduce_sum3A_813 = arith.constant dense<0.000000e+00> : vector<1xf32>
    %reduce_sum3A_814 = vector.multi_reduction <add>, %reduce_sum3A_812, %reduce_sum3A_813 [1, 2] : vector<1x64x1xf32> to vector<1xf32>
    %reduce_sum3A_815 = vector.shape_cast %reduce_sum3A_814 : vector<1xf32> to vector<1x1x1xf32>
    %reduce_sum3A_816 = vector.extract %reduce_sum3A_815[0, 0, 0] : f32 from vector<1x1x1xf32>
    %mul3A_817 = vector.broadcast %dot_general3A_811 : vector<64x1xf32> to vector<64x512xf32>
    %mul3A_818 = arith.mulf %convert_element_type3A_805, %mul3A_817 : vector<64x512xf32>
    %reduce_sum3A_819 = arith.constant dense<0.000000e+00> : vector<512xf32>
    %reduce_sum3A_820 = vector.multi_reduction <add>, %mul3A_818, %reduce_sum3A_819 [0] : vector<64x512xf32> to vector<512xf32>
    %broadcast_in_dim3A_821 = vector.shape_cast %reduce_sum3A_820 : vector<512xf32> to vector<1x512xf32>
    %eq3A_822 = vector.broadcast %broadcast_in_dim3A_821 : vector<1x512xf32> to vector<64x512xf32>
    %eq3A_823 = arith.cmpf oeq, %eq3A_822, %convert_element_type3A_5 : vector<64x512xf32>
    %and3A_824 = vector.broadcast %and3A_799 : vector<1x512xi1> to vector<64x512xi1>
    %and3A_825 = arith.andi %eq3A_823, %and3A_824 : vector<64x512xi1>
    %convert_element_type3A_826 = arith.extui %and3A_825 : vector<64x512xi1> to vector<64x512xi32>
    %convert_element_type3A_827 = arith.sitofp %convert_element_type3A_826 : vector<64x512xi32> to vector<64x512xf32>
    %convert_element_type3A_828 = arith.extui %and3A_825 : vector<64x512xi1> to vector<64x512xi32>
    %convert_element_type3A_829 = arith.sitofp %convert_element_type3A_828 : vector<64x512xi32> to vector<64x512xf32>
    %convert_element_type3A_830 = arith.truncf %convert_element_type3A_829 : vector<64x512xf32> to vector<64x512xbf16>
    %transpose3A_831 = tpu.transpose %convert_element_type3A_827, [1, 0] : vector<64x512xf32> -> vector<512x64xf32>
    %gt3A_832 = arith.constant 5.000000e-01 : f32
    %gt3A_833 = vector.broadcast %gt3A_832 : f32 to vector<512x64xf32>
    %gt3A_834 = arith.cmpf ogt, %transpose3A_831, %gt3A_833 : vector<512x64xf32>
    %convert_element_type3A_835 = arith.truncf %transpose3A_831 : vector<512x64xf32> to vector<512x64xbf16>
    %reduce_sum3A_836 = arith.constant dense<0.000000e+00> : vector<512xf32>
    %reduce_sum3A_837 = vector.multi_reduction <add>, %transpose3A_831, %reduce_sum3A_836 [1] : vector<512x64xf32> to vector<512xf32>
    %broadcast_in_dim3A_838 = vector.shape_cast %reduce_sum3A_837 : vector<512xf32> to vector<512x1xf32>
    %dot_general3A_839 = arith.constant dense<0.000000e+00> : vector<512x256xf32>
    %dot_general3A_840 = tpu.matmul %convert_element_type3A_776, %convert_element_type3A_82, %dot_general3A_839 {dimension_numbers = #tpu.dot_dimension_numbers<[1], [0], [0], [1], [0, 0, 1, 1], [], []>, transpose_lhs_hint = false} : vector<512x256xbf16>, vector<256x256xbf16>, vector<512x256xf32> -> vector<512x256xf32>
    %dot_general3A_841 = arith.constant dense<0.000000e+00> : vector<64x256xf32>
    %dot_general3A_842 = tpu.matmul %convert_element_type3A_782, %convert_element_type3A_86, %dot_general3A_841 {dimension_numbers = #tpu.dot_dimension_numbers<[1], [0], [0], [1], [0, 0, 1, 1], [], []>, transpose_lhs_hint = false} : vector<64x256xbf16>, vector<256x256xbf16>, vector<64x256xf32> -> vector<64x256xf32>
    %dot_general3A_843 = arith.constant dense<0.000000e+00> : vector<64x256xf32>
    %dot_general3A_844 = tpu.matmul %convert_element_type3A_782, %convert_element_type3A_90, %dot_general3A_843 {dimension_numbers = #tpu.dot_dimension_numbers<[1], [0], [0], [1], [0, 0, 1, 1], [], []>, transpose_lhs_hint = false} : vector<64x256xbf16>, vector<256x256xbf16>, vector<64x256xf32> -> vector<64x256xf32>
    %mul3A_845 = vector.broadcast %get3A_93 : vector<1x256xf32> to vector<512x256xf32>
    %mul3A_846 = arith.mulf %dot_general3A_840, %mul3A_845 : vector<512x256xf32>
    %convert_element_type3A_847 = arith.truncf %mul3A_846 : vector<512x256xf32> to vector<512x256xbf16>
    %convert_element_type3A_848 = arith.extf %convert_element_type3A_847 : vector<512x256xbf16> to vector<512x256xf32>
    %sub3A_849 = arith.subf %mul3A_846, %convert_element_type3A_848 : vector<512x256xf32>
    %convert_element_type3A_850 = arith.truncf %sub3A_849 : vector<512x256xf32> to vector<512x256xbf16>
    %dot_general3A_851 = arith.constant dense<0.000000e+00> : vector<512x8xf32>
    %dot_general3A_852 = tpu.matmul %convert_element_type3A_847, %convert_element_type3A_42, %dot_general3A_851 {dimension_numbers = #tpu.dot_dimension_numbers<[1], [0], [0], [1], [0, 0, 1, 1], [], []>, transpose_lhs_hint = false} : vector<512x256xbf16>, vector<256x8xbf16>, vector<512x8xf32> -> vector<512x8xf32>
    %dot_general3A_853 = arith.constant dense<0.000000e+00> : vector<512x8xf32>
    %dot_general3A_854 = tpu.matmul %convert_element_type3A_850, %convert_element_type3A_42, %dot_general3A_853 {dimension_numbers = #tpu.dot_dimension_numbers<[1], [0], [0], [1], [0, 0, 1, 1], [], []>, transpose_lhs_hint = false} : vector<512x256xbf16>, vector<256x8xbf16>, vector<512x8xf32> -> vector<512x8xf32>
    %add3A_855 = arith.addf %dot_general3A_852, %dot_general3A_854 : vector<512x8xf32>
    %mul3A_856 = vector.broadcast %get3A_96 : vector<1x256xf32> to vector<64x256xf32>
    %mul3A_857 = arith.mulf %dot_general3A_842, %mul3A_856 : vector<64x256xf32>
    %convert_element_type3A_858 = arith.truncf %mul3A_857 : vector<64x256xf32> to vector<64x256xbf16>
    %convert_element_type3A_859 = arith.extf %convert_element_type3A_858 : vector<64x256xbf16> to vector<64x256xf32>
    %sub3A_860 = arith.subf %mul3A_857, %convert_element_type3A_859 : vector<64x256xf32>
    %convert_element_type3A_861 = arith.truncf %sub3A_860 : vector<64x256xf32> to vector<64x256xbf16>
    %dot_general3A_862 = arith.constant dense<0.000000e+00> : vector<64x8xf32>
    %dot_general3A_863 = tpu.matmul %convert_element_type3A_858, %convert_element_type3A_42, %dot_general3A_862 {dimension_numbers = #tpu.dot_dimension_numbers<[1], [0], [0], [1], [0, 0, 1, 1], [], []>, transpose_lhs_hint = false} : vector<64x256xbf16>, vector<256x8xbf16>, vector<64x8xf32> -> vector<64x8xf32>
    %dot_general3A_864 = arith.constant dense<0.000000e+00> : vector<64x8xf32>
    %dot_general3A_865 = tpu.matmul %convert_element_type3A_861, %convert_element_type3A_42, %dot_general3A_864 {dimension_numbers = #tpu.dot_dimension_numbers<[1], [0], [0], [1], [0, 0, 1, 1], [], []>, transpose_lhs_hint = false} : vector<64x256xbf16>, vector<256x8xbf16>, vector<64x8xf32> -> vector<64x8xf32>
    %add3A_866 = arith.addf %dot_general3A_863, %dot_general3A_865 : vector<64x8xf32>
    %convert_element_type3A_867 = arith.truncf %add3A_866 : vector<64x8xf32> to vector<64x8xbf16>
    %convert_element_type3A_868 = arith.extf %convert_element_type3A_867 : vector<64x8xbf16> to vector<64x8xf32>
    %sub3A_869 = arith.subf %add3A_866, %convert_element_type3A_868 : vector<64x8xf32>
    %convert_element_type3A_870 = arith.truncf %sub3A_869 : vector<64x8xf32> to vector<64x8xbf16>
    %dot_general3A_871 = arith.constant dense<0.000000e+00> : vector<512x8xf32>
    %dot_general3A_872 = tpu.matmul %convert_element_type3A_835, %convert_element_type3A_867, %dot_general3A_871 {dimension_numbers = #tpu.dot_dimension_numbers<[1], [0], [0], [1], [0, 0, 1, 1], [], []>, transpose_lhs_hint = false} : vector<512x64xbf16>, vector<64x8xbf16>, vector<512x8xf32> -> vector<512x8xf32>
    %dot_general3A_873 = arith.constant dense<0.000000e+00> : vector<512x8xf32>
    %dot_general3A_874 = tpu.matmul %convert_element_type3A_835, %convert_element_type3A_870, %dot_general3A_873 {dimension_numbers = #tpu.dot_dimension_numbers<[1], [0], [0], [1], [0, 0, 1, 1], [], []>, transpose_lhs_hint = false} : vector<512x64xbf16>, vector<64x8xbf16>, vector<512x8xf32> -> vector<512x8xf32>
    %add3A_875 = arith.addf %dot_general3A_872, %dot_general3A_874 : vector<512x8xf32>
    %add3A_876 = arith.addf %add3A_855, %add3A_875 : vector<512x8xf32>
    %gt3A_877 = arith.constant 0.000000e+00 : f32
    %gt3A_878 = vector.broadcast %gt3A_877 : f32 to vector<512x8xf32>
    %gt3A_879 = arith.cmpf ogt, %add3A_876, %gt3A_878 : vector<512x8xf32>
    %mul3A_880 = arith.constant 2.000000e-01 : f32
    %mul3A_881 = vector.broadcast %mul3A_880 : f32 to vector<512x8xf32>
    %mul3A_882 = arith.mulf %mul3A_881, %add3A_876 : vector<512x8xf32>
    %select_n3A_883 = arith.select %gt3A_879, %add3A_876, %mul3A_882 : vector<512x8xi1>, vector<512x8xf32>
    %reduce_max3A_884 = arith.constant dense<0xFF800000> : vector<512xf32>
    %reduce_max3A_885 = vector.multi_reduction <maximumf>, %select_n3A_883, %reduce_max3A_884 [1] : vector<512x8xf32> to vector<512xf32>
    %broadcast_in_dim3A_886 = vector.shape_cast %reduce_max3A_885 : vector<512xf32> to vector<512x1xf32>
    %jit3A_887 = arith.constant -1.000000e+30 : f32
    %broadcast_in_dim3A_888 = vector.shape_cast %broadcast_in_dim3A_886 : vector<512x1xf32> to vector<512x1xf32>
    %broadcast_in_dim3A_889 = vector.broadcast %broadcast_in_dim3A_888 : vector<512x1xf32> to vector<512x64xf32>
    %broadcast_in_dim3A_890 = vector.broadcast %jit3A_887 : f32 to vector<512x64xf32>
    %select_n3A_891 = arith.select %gt3A_834, %broadcast_in_dim3A_889, %broadcast_in_dim3A_890 : vector<512x64xi1>, vector<512x64xf32>
    %reduce_max3A_892 = arith.constant dense<0xFF800000> : vector<64xf32>
    %reduce_max3A_893 = vector.multi_reduction <maximumf>, %select_n3A_891, %reduce_max3A_892 [0] : vector<512x64xf32> to vector<64xf32>
    %broadcast_in_dim3A_894 = vector.shape_cast %reduce_max3A_893 : vector<64xf32> to vector<1x64xf32>
    %gt3A_895 = arith.constant -1.000000e+29 : f32
    %gt3A_896 = vector.broadcast %gt3A_895 : f32 to vector<1x64xf32>
    %gt3A_897 = arith.cmpf ogt, %broadcast_in_dim3A_894, %gt3A_896 : vector<1x64xf32>
    %jit3A_898 = arith.constant 0.000000e+00 : f32
    %broadcast_in_dim3A_899 = vector.broadcast %jit3A_898 : f32 to vector<1x64xf32>
    %select_n3A_900 = arith.select %gt3A_897, %broadcast_in_dim3A_894, %broadcast_in_dim3A_899 : vector<1x64xi1>, vector<1x64xf32>
    %mul3A_901 = vector.broadcast %select_n3A_900 : vector<1x64xf32> to vector<512x64xf32>
    %mul3A_902 = arith.mulf %transpose3A_831, %mul3A_901 : vector<512x64xf32>
    %reduce_sum3A_903 = arith.constant dense<0.000000e+00> : vector<512xf32>
    %reduce_sum3A_904 = vector.multi_reduction <add>, %mul3A_902, %reduce_sum3A_903 [1] : vector<512x64xf32> to vector<512xf32>
    %broadcast_in_dim3A_905 = vector.shape_cast %reduce_sum3A_904 : vector<512xf32> to vector<512x1xf32>
    %sub3A_906 = vector.broadcast %broadcast_in_dim3A_905 : vector<512x1xf32> to vector<512x8xf32>
    %sub3A_907 = arith.subf %select_n3A_883, %sub3A_906 : vector<512x8xf32>
    %exp3A_908 = math.exp %sub3A_907 : vector<512x8xf32>
    %mul3A_909 = vector.broadcast %broadcast_in_dim3A_838 : vector<512x1xf32> to vector<512x8xf32>
    %mul3A_910 = arith.mulf %exp3A_908, %mul3A_909 : vector<512x8xf32>
    %convert_element_type3A_911 = arith.truncf %mul3A_910 : vector<512x8xf32> to vector<512x8xbf16>
    %convert_element_type3A_912 = arith.extf %convert_element_type3A_911 : vector<512x8xbf16> to vector<512x8xf32>
    %sub3A_913 = arith.subf %mul3A_910, %convert_element_type3A_912 : vector<512x8xf32>
    %convert_element_type3A_914 = arith.truncf %sub3A_913 : vector<512x8xf32> to vector<512x8xbf16>
    %dot_general3A_915 = arith.constant dense<0.000000e+00> : vector<64x8xf32>
    %dot_general3A_916 = tpu.matmul %convert_element_type3A_830, %convert_element_type3A_911, %dot_general3A_915 {dimension_numbers = #tpu.dot_dimension_numbers<[1], [0], [0], [1], [0, 0, 1, 1], [], []>, transpose_lhs_hint = false} : vector<64x512xbf16>, vector<512x8xbf16>, vector<64x8xf32> -> vector<64x8xf32>
    %dot_general3A_917 = arith.constant dense<0.000000e+00> : vector<64x8xf32>
    %dot_general3A_918 = tpu.matmul %convert_element_type3A_830, %convert_element_type3A_914, %dot_general3A_917 {dimension_numbers = #tpu.dot_dimension_numbers<[1], [0], [0], [1], [0, 0, 1, 1], [], []>, transpose_lhs_hint = false} : vector<64x512xbf16>, vector<512x8xbf16>, vector<64x8xf32> -> vector<64x8xf32>
    %add3A_919 = arith.addf %dot_general3A_916, %dot_general3A_918 : vector<64x8xf32>
    %convert_element_type3A_920 = arith.truncf %mul3A_910 : vector<512x8xf32> to vector<512x8xbf16>
    %convert_element_type3A_921 = arith.extf %convert_element_type3A_920 : vector<512x8xbf16> to vector<512x8xf32>
    %sub3A_922 = arith.subf %mul3A_910, %convert_element_type3A_921 : vector<512x8xf32>
    %convert_element_type3A_923 = arith.truncf %sub3A_922 : vector<512x8xf32> to vector<512x8xbf16>
    %dot_general3A_924 = arith.constant dense<0.000000e+00> : vector<512x256xf32>
    %dot_general3A_925 = tpu.matmul %convert_element_type3A_920, %convert_element_type3A_79, %dot_general3A_924 {dimension_numbers = #tpu.dot_dimension_numbers<[1], [0], [0], [1], [0, 0, 1, 1], [], []>, transpose_lhs_hint = false} : vector<512x8xbf16>, vector<8x256xbf16>, vector<512x256xf32> -> vector<512x256xf32>
    %dot_general3A_926 = arith.constant dense<0.000000e+00> : vector<512x256xf32>
    %dot_general3A_927 = tpu.matmul %convert_element_type3A_923, %convert_element_type3A_79, %dot_general3A_926 {dimension_numbers = #tpu.dot_dimension_numbers<[1], [0], [0], [1], [0, 0, 1, 1], [], []>, transpose_lhs_hint = false} : vector<512x8xbf16>, vector<8x256xbf16>, vector<512x256xf32> -> vector<512x256xf32>
    %add3A_928 = arith.addf %dot_general3A_925, %dot_general3A_927 : vector<512x256xf32>
    %mul3A_929 = arith.mulf %add3A_928, %dot_general3A_840 : vector<512x256xf32>
    %convert_element_type3A_930 = arith.truncf %mul3A_929 : vector<512x256xf32> to vector<512x256xbf16>
    %convert_element_type3A_931 = arith.extf %convert_element_type3A_930 : vector<512x256xbf16> to vector<512x256xf32>
    %sub3A_932 = arith.subf %mul3A_929, %convert_element_type3A_931 : vector<512x256xf32>
    %convert_element_type3A_933 = arith.truncf %sub3A_932 : vector<512x256xf32> to vector<512x256xbf16>
    %dot_general3A_934 = arith.constant dense<0.000000e+00> : vector<64x256xf32>
    %dot_general3A_935 = tpu.matmul %convert_element_type3A_830, %convert_element_type3A_930, %dot_general3A_934 {dimension_numbers = #tpu.dot_dimension_numbers<[1], [0], [0], [1], [0, 0, 1, 1], [], []>, transpose_lhs_hint = false} : vector<64x512xbf16>, vector<512x256xbf16>, vector<64x256xf32> -> vector<64x256xf32>
    %dot_general3A_936 = arith.constant dense<0.000000e+00> : vector<64x256xf32>
    %dot_general3A_937 = tpu.matmul %convert_element_type3A_830, %convert_element_type3A_933, %dot_general3A_936 {dimension_numbers = #tpu.dot_dimension_numbers<[1], [0], [0], [1], [0, 0, 1, 1], [], []>, transpose_lhs_hint = false} : vector<64x512xbf16>, vector<512x256xbf16>, vector<64x256xf32> -> vector<64x256xf32>
    %add3A_938 = arith.addf %dot_general3A_935, %dot_general3A_937 : vector<64x256xf32>
    %convert_element_type3A_939 = arith.truncf %add3A_919 : vector<64x8xf32> to vector<64x8xbf16>
    %convert_element_type3A_940 = arith.extf %convert_element_type3A_939 : vector<64x8xbf16> to vector<64x8xf32>
    %sub3A_941 = arith.subf %add3A_919, %convert_element_type3A_940 : vector<64x8xf32>
    %convert_element_type3A_942 = arith.truncf %sub3A_941 : vector<64x8xf32> to vector<64x8xbf16>
    %dot_general3A_943 = arith.constant dense<0.000000e+00> : vector<64x256xf32>
    %dot_general3A_944 = tpu.matmul %convert_element_type3A_939, %convert_element_type3A_79, %dot_general3A_943 {dimension_numbers = #tpu.dot_dimension_numbers<[1], [0], [0], [1], [0, 0, 1, 1], [], []>, transpose_lhs_hint = false} : vector<64x8xbf16>, vector<8x256xbf16>, vector<64x256xf32> -> vector<64x256xf32>
    %dot_general3A_945 = arith.constant dense<0.000000e+00> : vector<64x256xf32>
    %dot_general3A_946 = tpu.matmul %convert_element_type3A_942, %convert_element_type3A_79, %dot_general3A_945 {dimension_numbers = #tpu.dot_dimension_numbers<[1], [0], [0], [1], [0, 0, 1, 1], [], []>, transpose_lhs_hint = false} : vector<64x8xbf16>, vector<8x256xbf16>, vector<64x256xf32> -> vector<64x256xf32>
    %add3A_947 = arith.addf %dot_general3A_944, %dot_general3A_946 : vector<64x256xf32>
    %max3A_948 = arith.constant 9.99999971E-10 : f32
    %max3A_949 = vector.broadcast %max3A_948 : f32 to vector<64x256xf32>
    %max3A_950 = arith.maximumf %add3A_947, %max3A_949 : vector<64x256xf32>
    %div3A_951 = arith.divf %add3A_938, %max3A_950 : vector<64x256xf32>
    %lt3A_952 = vector.broadcast %reduce_sum3A_816 : f32 to vector<64x64xf32>
    %lt3A_953 = arith.cmpf olt, %convert_element_type3A_10, %lt3A_952 : vector<64x64xf32>
    %and3A_954 = arith.andi %eq3A, %lt3A_953 : vector<64x64xi1>
    %convert_element_type3A_955 = arith.extui %and3A_954 : vector<64x64xi1> to vector<64x64xi32>
    %convert_element_type3A_956 = arith.sitofp %convert_element_type3A_955 : vector<64x64xi32> to vector<64x64xf32>
    %convert_element_type3A_957 = arith.truncf %convert_element_type3A_956 : vector<64x64xf32> to vector<64x64xbf16>
    %convert_element_type3A_958 = arith.truncf %dot_general3A_844 : vector<64x256xf32> to vector<64x256xbf16>
    %convert_element_type3A_959 = arith.extf %convert_element_type3A_958 : vector<64x256xbf16> to vector<64x256xf32>
    %sub3A_960 = arith.subf %dot_general3A_844, %convert_element_type3A_959 : vector<64x256xf32>
    %convert_element_type3A_961 = arith.truncf %sub3A_960 : vector<64x256xf32> to vector<64x256xbf16>
    %dot_general3A_962 = arith.constant dense<0.000000e+00> : vector<64x256xf32>
    %dot_general3A_963 = tpu.matmul %convert_element_type3A_957, %convert_element_type3A_958, %dot_general3A_962 {dimension_numbers = #tpu.dot_dimension_numbers<[1], [0], [0], [1], [0, 0, 1, 1], [], []>, transpose_lhs_hint = false} : vector<64x64xbf16>, vector<64x256xbf16>, vector<64x256xf32> -> vector<64x256xf32>
    %dot_general3A_964 = arith.constant dense<0.000000e+00> : vector<64x256xf32>
    %dot_general3A_965 = tpu.matmul %convert_element_type3A_957, %convert_element_type3A_961, %dot_general3A_964 {dimension_numbers = #tpu.dot_dimension_numbers<[1], [0], [0], [1], [0, 0, 1, 1], [], []>, transpose_lhs_hint = false} : vector<64x64xbf16>, vector<64x256xbf16>, vector<64x256xf32> -> vector<64x256xf32>
    %add3A_966 = arith.addf %dot_general3A_963, %dot_general3A_965 : vector<64x256xf32>
    %add3A_967 = arith.addf %div3A_951, %add3A_966 : vector<64x256xf32>
    %add3A_968 = arith.addf %add3A_967, %dot_general3A_842 : vector<64x256xf32>
    %gt3A_969 = arith.constant 0.000000e+00 : f32
    %gt3A_970 = vector.broadcast %gt3A_969 : f32 to vector<64x256xf32>
    %gt3A_971 = arith.cmpf ogt, %add3A_968, %gt3A_970 : vector<64x256xf32>
    %exp3A_972 = math.exp %add3A_968 : vector<64x256xf32>
    %sub3A_973 = arith.constant 1.000000e+00 : f32
    %sub3A_974 = vector.broadcast %sub3A_973 : f32 to vector<64x256xf32>
    %sub3A_975 = arith.subf %exp3A_972, %sub3A_974 : vector<64x256xf32>
    %select_n3A_976 = arith.select %gt3A_971, %add3A_968, %sub3A_975 : vector<64x256xi1>, vector<64x256xf32>
    %lt3A_977 = vector.broadcast %reduce_sum3A_816 : f32 to vector<64x256xf32>
    %lt3A_978 = arith.cmpf olt, %convert_element_type3A_12, %lt3A_977 : vector<64x256xf32>
    %jit3A_979 = arith.constant 0.000000e+00 : f32
    %broadcast_in_dim3A_980 = vector.broadcast %jit3A_979 : f32 to vector<64x256xf32>
    %select_n3A_981 = arith.select %lt3A_978, %select_n3A_976, %broadcast_in_dim3A_980 : vector<64x256xi1>, vector<64x256xf32>
    %slice3A_982 = vector.extract_strided_slice %select_n3A_981 {offsets = [0, 0], sizes = [50, 256], strides = [1, 1]} : vector<64x256xf32> to vector<50x256xf32>
    %swap3A_983 = arith.constant 3 : index
    %swap3A_984 = arith.constant 0 : index
    %swap3A_985 = arith.constant 0 : index
    %swap3A_986 = vector.load %arg12[%swap3A_983, %swap3A_984, %swap3A_985] : memref<8x50x256xf32, #tpu.memory_space<vmem>>, vector<1x50x256xf32>
    %swap3A_987 = vector.shape_cast %swap3A_986 : vector<1x50x256xf32> to vector<50x256xf32>
    %swap3A_988 = vector.shape_cast %slice3A_982 : vector<50x256xf32> to vector<1x50x256xf32>
    tpu.vector_store %arg12[%swap3A_983, %swap3A_984, %swap3A_985], %swap3A_988 {strides = array<i32>} : memref<8x50x256xf32, #tpu.memory_space<vmem>>, vector<1x50x256xf32>,
    %swap3A_989 = arith.constant 3 : index
    %swap3A_990 = arith.constant 0 : index
    %swap3A_991 = arith.constant 0 : index
    %swap3A_992 = vector.load %arg13[%swap3A_989, %swap3A_990, %swap3A_991] : memref<8x1x1xf32, #tpu.memory_space<vmem>>, vector<1x1x1xf32>
    %swap3A_993 = vector.shape_cast %swap3A_992 : vector<1x1x1xf32> to vector<1x1xf32>
    %swap3A_994 = vector.shape_cast %add3A : vector<1x1xf32> to vector<1x1x1xf32>
    tpu.vector_store %arg13[%swap3A_989, %swap3A_990, %swap3A_991], %swap3A_994 {strides = array<i32>} : memref<8x1x1xf32, #tpu.memory_space<vmem>>, vector<1x1x1xf32>,
    %get3A_995 = arith.constant 4 : index
    %get3A_996 = arith.constant 0 : index
    %get3A_997 = arith.constant 0 : index
    %get3A_998 = vector.load %arg1[%get3A_995, %get3A_996, %get3A_997] : memref<8x512x256xf32, #tpu.memory_space<vmem>>, vector<1x512x256xf32>
    %get3A_999 = vector.shape_cast %get3A_998 : vector<1x512x256xf32> to vector<512x256xf32>
    %convert_element_type3A_1000 = arith.truncf %get3A_999 : vector<512x256xf32> to vector<512x256xbf16>
    %get3A_1001 = arith.constant 4 : index
    %get3A_1002 = arith.constant 0 : index
    %get3A_1003 = arith.constant 0 : index
    %get3A_1004 = vector.load %arg2[%get3A_1001, %get3A_1002, %get3A_1003] : memref<8x64x256xf32, #tpu.memory_space<vmem>>, vector<1x64x256xf32>
    %get3A_1005 = vector.shape_cast %get3A_1004 : vector<1x64x256xf32> to vector<64x256xf32>
    %convert_element_type3A_1006 = arith.truncf %get3A_1005 : vector<64x256xf32> to vector<64x256xbf16>
    %get3A_1007 = arith.constant 4 : index
    %get3A_1008 = arith.constant 0 : index
    %get3A_1009 = vector.load %arg3[%get3A_1007, %get3A_1008] : memref<8x512xi32, #tpu.memory_space<vmem>>, vector<1x512xi32>
    %get3A_1010 = arith.constant 4 : index
    %get3A_1011 = arith.constant 0 : index
    %get3A_1012 = vector.load %arg4[%get3A_1010, %get3A_1011] : memref<8x512xi32, #tpu.memory_space<vmem>>, vector<1x512xi32>
    %ne3A_1013 = arith.constant 5 : i32
    %ne3A_1014 = vector.broadcast %ne3A_1013 : i32 to vector<1x512xi32>
    %ne3A_1015 = arith.cmpi ne, %get3A_1009, %ne3A_1014 : vector<1x512xi32>
    %ne3A_1016 = arith.constant 0 : i32
    %ne3A_1017 = vector.broadcast %ne3A_1016 : i32 to vector<1x512xi32>
    %ne3A_1018 = arith.cmpi ne, %get3A_1012, %ne3A_1017 : vector<1x512xi32>
    %and3A_1019 = arith.andi %ne3A_1015, %ne3A_1018 : vector<1x512xi1>
    %eq3A_1020 = arith.constant 1 : i32
    %eq3A_1021 = vector.broadcast %eq3A_1020 : i32 to vector<1x512xi32>
    %eq3A_1022 = arith.cmpi eq, %get3A_1009, %eq3A_1021 : vector<1x512xi32>
    %and3A_1023 = arith.andi %and3A_1019, %eq3A_1022 : vector<1x512xi1>
    %eq3A_1024 = vector.broadcast %get3A_1012 : vector<1x512xi32> to vector<64x512xi32>
    %eq3A_1025 = arith.cmpi eq, %eq3A_1024, %iota3A : vector<64x512xi32>
    %and3A_1026 = vector.broadcast %and3A_1019 : vector<1x512xi1> to vector<64x512xi1>
    %and3A_1027 = arith.andi %eq3A_1025, %and3A_1026 : vector<64x512xi1>
    %convert_element_type3A_1028 = arith.extui %and3A_1027 : vector<64x512xi1> to vector<64x512xi32>
    %convert_element_type3A_1029 = arith.sitofp %convert_element_type3A_1028 : vector<64x512xi32> to vector<64x512xf32>
    %reduce_max3A_1030 = arith.constant dense<0xFF800000> : vector<64xf32>
    %reduce_max3A_1031 = vector.multi_reduction <maximumf>, %convert_element_type3A_1029, %reduce_max3A_1030 [1] : vector<64x512xf32> to vector<64xf32>
    %broadcast_in_dim3A_1032 = vector.shape_cast %reduce_max3A_1031 : vector<64xf32> to vector<64x1xf32>
    %convert_element_type3A_1033 = arith.truncf %broadcast_in_dim3A_1032 : vector<64x1xf32> to vector<64x1xbf16>
    %dot_general3A_1034 = arith.constant dense<0.000000e+00> : vector<64x1xf32>
    %dot_general3A_1035 = tpu.matmul %convert_element_type3A_3, %convert_element_type3A_1033, %dot_general3A_1034 {dimension_numbers = #tpu.dot_dimension_numbers<[1], [0], [0], [1], [0, 0, 1, 1], [], []>, transpose_lhs_hint = false} : vector<64x64xbf16>, vector<64x1xbf16>, vector<64x1xf32> -> vector<64x1xf32>
    %reduce_sum3A_1036 = vector.shape_cast %broadcast_in_dim3A_1032 : vector<64x1xf32> to vector<1x64x1xf32>
    %reduce_sum3A_1037 = arith.constant dense<0.000000e+00> : vector<1xf32>
    %reduce_sum3A_1038 = vector.multi_reduction <add>, %reduce_sum3A_1036, %reduce_sum3A_1037 [1, 2] : vector<1x64x1xf32> to vector<1xf32>
    %reduce_sum3A_1039 = vector.shape_cast %reduce_sum3A_1038 : vector<1xf32> to vector<1x1x1xf32>
    %reduce_sum3A_1040 = vector.extract %reduce_sum3A_1039[0, 0, 0] : f32 from vector<1x1x1xf32>
    %mul3A_1041 = vector.broadcast %dot_general3A_1035 : vector<64x1xf32> to vector<64x512xf32>
    %mul3A_1042 = arith.mulf %convert_element_type3A_1029, %mul3A_1041 : vector<64x512xf32>
    %reduce_sum3A_1043 = arith.constant dense<0.000000e+00> : vector<512xf32>
    %reduce_sum3A_1044 = vector.multi_reduction <add>, %mul3A_1042, %reduce_sum3A_1043 [0] : vector<64x512xf32> to vector<512xf32>
    %broadcast_in_dim3A_1045 = vector.shape_cast %reduce_sum3A_1044 : vector<512xf32> to vector<1x512xf32>
    %eq3A_1046 = vector.broadcast %broadcast_in_dim3A_1045 : vector<1x512xf32> to vector<64x512xf32>
    %eq3A_1047 = arith.cmpf oeq, %eq3A_1046, %convert_element_type3A_5 : vector<64x512xf32>
    %and3A_1048 = vector.broadcast %and3A_1023 : vector<1x512xi1> to vector<64x512xi1>
    %and3A_1049 = arith.andi %eq3A_1047, %and3A_1048 : vector<64x512xi1>
    %convert_element_type3A_1050 = arith.extui %and3A_1049 : vector<64x512xi1> to vector<64x512xi32>
    %convert_element_type3A_1051 = arith.sitofp %convert_element_type3A_1050 : vector<64x512xi32> to vector<64x512xf32>
    %convert_element_type3A_1052 = arith.extui %and3A_1049 : vector<64x512xi1> to vector<64x512xi32>
    %convert_element_type3A_1053 = arith.sitofp %convert_element_type3A_1052 : vector<64x512xi32> to vector<64x512xf32>
    %convert_element_type3A_1054 = arith.truncf %convert_element_type3A_1053 : vector<64x512xf32> to vector<64x512xbf16>
    %transpose3A_1055 = tpu.transpose %convert_element_type3A_1051, [1, 0] : vector<64x512xf32> -> vector<512x64xf32>
    %gt3A_1056 = arith.constant 5.000000e-01 : f32
    %gt3A_1057 = vector.broadcast %gt3A_1056 : f32 to vector<512x64xf32>
    %gt3A_1058 = arith.cmpf ogt, %transpose3A_1055, %gt3A_1057 : vector<512x64xf32>
    %convert_element_type3A_1059 = arith.truncf %transpose3A_1055 : vector<512x64xf32> to vector<512x64xbf16>
    %reduce_sum3A_1060 = arith.constant dense<0.000000e+00> : vector<512xf32>
    %reduce_sum3A_1061 = vector.multi_reduction <add>, %transpose3A_1055, %reduce_sum3A_1060 [1] : vector<512x64xf32> to vector<512xf32>
    %broadcast_in_dim3A_1062 = vector.shape_cast %reduce_sum3A_1061 : vector<512xf32> to vector<512x1xf32>
    %dot_general3A_1063 = arith.constant dense<0.000000e+00> : vector<512x256xf32>
    %dot_general3A_1064 = tpu.matmul %convert_element_type3A_1000, %convert_element_type3A_82, %dot_general3A_1063 {dimension_numbers = #tpu.dot_dimension_numbers<[1], [0], [0], [1], [0, 0, 1, 1], [], []>, transpose_lhs_hint = false} : vector<512x256xbf16>, vector<256x256xbf16>, vector<512x256xf32> -> vector<512x256xf32>
    %dot_general3A_1065 = arith.constant dense<0.000000e+00> : vector<64x256xf32>
    %dot_general3A_1066 = tpu.matmul %convert_element_type3A_1006, %convert_element_type3A_86, %dot_general3A_1065 {dimension_numbers = #tpu.dot_dimension_numbers<[1], [0], [0], [1], [0, 0, 1, 1], [], []>, transpose_lhs_hint = false} : vector<64x256xbf16>, vector<256x256xbf16>, vector<64x256xf32> -> vector<64x256xf32>
    %dot_general3A_1067 = arith.constant dense<0.000000e+00> : vector<64x256xf32>
    %dot_general3A_1068 = tpu.matmul %convert_element_type3A_1006, %convert_element_type3A_90, %dot_general3A_1067 {dimension_numbers = #tpu.dot_dimension_numbers<[1], [0], [0], [1], [0, 0, 1, 1], [], []>, transpose_lhs_hint = false} : vector<64x256xbf16>, vector<256x256xbf16>, vector<64x256xf32> -> vector<64x256xf32>
    %mul3A_1069 = vector.broadcast %get3A_93 : vector<1x256xf32> to vector<512x256xf32>
    %mul3A_1070 = arith.mulf %dot_general3A_1064, %mul3A_1069 : vector<512x256xf32>
    %convert_element_type3A_1071 = arith.truncf %mul3A_1070 : vector<512x256xf32> to vector<512x256xbf16>
    %convert_element_type3A_1072 = arith.extf %convert_element_type3A_1071 : vector<512x256xbf16> to vector<512x256xf32>
    %sub3A_1073 = arith.subf %mul3A_1070, %convert_element_type3A_1072 : vector<512x256xf32>
    %convert_element_type3A_1074 = arith.truncf %sub3A_1073 : vector<512x256xf32> to vector<512x256xbf16>
    %dot_general3A_1075 = arith.constant dense<0.000000e+00> : vector<512x8xf32>
    %dot_general3A_1076 = tpu.matmul %convert_element_type3A_1071, %convert_element_type3A_42, %dot_general3A_1075 {dimension_numbers = #tpu.dot_dimension_numbers<[1], [0], [0], [1], [0, 0, 1, 1], [], []>, transpose_lhs_hint = false} : vector<512x256xbf16>, vector<256x8xbf16>, vector<512x8xf32> -> vector<512x8xf32>
    %dot_general3A_1077 = arith.constant dense<0.000000e+00> : vector<512x8xf32>
    %dot_general3A_1078 = tpu.matmul %convert_element_type3A_1074, %convert_element_type3A_42, %dot_general3A_1077 {dimension_numbers = #tpu.dot_dimension_numbers<[1], [0], [0], [1], [0, 0, 1, 1], [], []>, transpose_lhs_hint = false} : vector<512x256xbf16>, vector<256x8xbf16>, vector<512x8xf32> -> vector<512x8xf32>
    %add3A_1079 = arith.addf %dot_general3A_1076, %dot_general3A_1078 : vector<512x8xf32>
    %mul3A_1080 = vector.broadcast %get3A_96 : vector<1x256xf32> to vector<64x256xf32>
    %mul3A_1081 = arith.mulf %dot_general3A_1066, %mul3A_1080 : vector<64x256xf32>
    %convert_element_type3A_1082 = arith.truncf %mul3A_1081 : vector<64x256xf32> to vector<64x256xbf16>
    %convert_element_type3A_1083 = arith.extf %convert_element_type3A_1082 : vector<64x256xbf16> to vector<64x256xf32>
    %sub3A_1084 = arith.subf %mul3A_1081, %convert_element_type3A_1083 : vector<64x256xf32>
    %convert_element_type3A_1085 = arith.truncf %sub3A_1084 : vector<64x256xf32> to vector<64x256xbf16>
    %dot_general3A_1086 = arith.constant dense<0.000000e+00> : vector<64x8xf32>
    %dot_general3A_1087 = tpu.matmul %convert_element_type3A_1082, %convert_element_type3A_42, %dot_general3A_1086 {dimension_numbers = #tpu.dot_dimension_numbers<[1], [0], [0], [1], [0, 0, 1, 1], [], []>, transpose_lhs_hint = false} : vector<64x256xbf16>, vector<256x8xbf16>, vector<64x8xf32> -> vector<64x8xf32>
    %dot_general3A_1088 = arith.constant dense<0.000000e+00> : vector<64x8xf32>
    %dot_general3A_1089 = tpu.matmul %convert_element_type3A_1085, %convert_element_type3A_42, %dot_general3A_1088 {dimension_numbers = #tpu.dot_dimension_numbers<[1], [0], [0], [1], [0, 0, 1, 1], [], []>, transpose_lhs_hint = false} : vector<64x256xbf16>, vector<256x8xbf16>, vector<64x8xf32> -> vector<64x8xf32>
    %add3A_1090 = arith.addf %dot_general3A_1087, %dot_general3A_1089 : vector<64x8xf32>
    %convert_element_type3A_1091 = arith.truncf %add3A_1090 : vector<64x8xf32> to vector<64x8xbf16>
    %convert_element_type3A_1092 = arith.extf %convert_element_type3A_1091 : vector<64x8xbf16> to vector<64x8xf32>
    %sub3A_1093 = arith.subf %add3A_1090, %convert_element_type3A_1092 : vector<64x8xf32>
    %convert_element_type3A_1094 = arith.truncf %sub3A_1093 : vector<64x8xf32> to vector<64x8xbf16>
    %dot_general3A_1095 = arith.constant dense<0.000000e+00> : vector<512x8xf32>
    %dot_general3A_1096 = tpu.matmul %convert_element_type3A_1059, %convert_element_type3A_1091, %dot_general3A_1095 {dimension_numbers = #tpu.dot_dimension_numbers<[1], [0], [0], [1], [0, 0, 1, 1], [], []>, transpose_lhs_hint = false} : vector<512x64xbf16>, vector<64x8xbf16>, vector<512x8xf32> -> vector<512x8xf32>
    %dot_general3A_1097 = arith.constant dense<0.000000e+00> : vector<512x8xf32>
    %dot_general3A_1098 = tpu.matmul %convert_element_type3A_1059, %convert_element_type3A_1094, %dot_general3A_1097 {dimension_numbers = #tpu.dot_dimension_numbers<[1], [0], [0], [1], [0, 0, 1, 1], [], []>, transpose_lhs_hint = false} : vector<512x64xbf16>, vector<64x8xbf16>, vector<512x8xf32> -> vector<512x8xf32>
    %add3A_1099 = arith.addf %dot_general3A_1096, %dot_general3A_1098 : vector<512x8xf32>
    %add3A_1100 = arith.addf %add3A_1079, %add3A_1099 : vector<512x8xf32>
    %gt3A_1101 = arith.constant 0.000000e+00 : f32
    %gt3A_1102 = vector.broadcast %gt3A_1101 : f32 to vector<512x8xf32>
    %gt3A_1103 = arith.cmpf ogt, %add3A_1100, %gt3A_1102 : vector<512x8xf32>
    %mul3A_1104 = arith.constant 2.000000e-01 : f32
    %mul3A_1105 = vector.broadcast %mul3A_1104 : f32 to vector<512x8xf32>
    %mul3A_1106 = arith.mulf %mul3A_1105, %add3A_1100 : vector<512x8xf32>
    %select_n3A_1107 = arith.select %gt3A_1103, %add3A_1100, %mul3A_1106 : vector<512x8xi1>, vector<512x8xf32>
    %reduce_max3A_1108 = arith.constant dense<0xFF800000> : vector<512xf32>
    %reduce_max3A_1109 = vector.multi_reduction <maximumf>, %select_n3A_1107, %reduce_max3A_1108 [1] : vector<512x8xf32> to vector<512xf32>
    %broadcast_in_dim3A_1110 = vector.shape_cast %reduce_max3A_1109 : vector<512xf32> to vector<512x1xf32>
    %jit3A_1111 = arith.constant -1.000000e+30 : f32
    %broadcast_in_dim3A_1112 = vector.shape_cast %broadcast_in_dim3A_1110 : vector<512x1xf32> to vector<512x1xf32>
    %broadcast_in_dim3A_1113 = vector.broadcast %broadcast_in_dim3A_1112 : vector<512x1xf32> to vector<512x64xf32>
    %broadcast_in_dim3A_1114 = vector.broadcast %jit3A_1111 : f32 to vector<512x64xf32>
    %select_n3A_1115 = arith.select %gt3A_1058, %broadcast_in_dim3A_1113, %broadcast_in_dim3A_1114 : vector<512x64xi1>, vector<512x64xf32>
    %reduce_max3A_1116 = arith.constant dense<0xFF800000> : vector<64xf32>
    %reduce_max3A_1117 = vector.multi_reduction <maximumf>, %select_n3A_1115, %reduce_max3A_1116 [0] : vector<512x64xf32> to vector<64xf32>
    %broadcast_in_dim3A_1118 = vector.shape_cast %reduce_max3A_1117 : vector<64xf32> to vector<1x64xf32>
    %gt3A_1119 = arith.constant -1.000000e+29 : f32
    %gt3A_1120 = vector.broadcast %gt3A_1119 : f32 to vector<1x64xf32>
    %gt3A_1121 = arith.cmpf ogt, %broadcast_in_dim3A_1118, %gt3A_1120 : vector<1x64xf32>
    %jit3A_1122 = arith.constant 0.000000e+00 : f32
    %broadcast_in_dim3A_1123 = vector.broadcast %jit3A_1122 : f32 to vector<1x64xf32>
    %select_n3A_1124 = arith.select %gt3A_1121, %broadcast_in_dim3A_1118, %broadcast_in_dim3A_1123 : vector<1x64xi1>, vector<1x64xf32>
    %mul3A_1125 = vector.broadcast %select_n3A_1124 : vector<1x64xf32> to vector<512x64xf32>
    %mul3A_1126 = arith.mulf %transpose3A_1055, %mul3A_1125 : vector<512x64xf32>
    %reduce_sum3A_1127 = arith.constant dense<0.000000e+00> : vector<512xf32>
    %reduce_sum3A_1128 = vector.multi_reduction <add>, %mul3A_1126, %reduce_sum3A_1127 [1] : vector<512x64xf32> to vector<512xf32>
    %broadcast_in_dim3A_1129 = vector.shape_cast %reduce_sum3A_1128 : vector<512xf32> to vector<512x1xf32>
    %sub3A_1130 = vector.broadcast %broadcast_in_dim3A_1129 : vector<512x1xf32> to vector<512x8xf32>
    %sub3A_1131 = arith.subf %select_n3A_1107, %sub3A_1130 : vector<512x8xf32>
    %exp3A_1132 = math.exp %sub3A_1131 : vector<512x8xf32>
    %mul3A_1133 = vector.broadcast %broadcast_in_dim3A_1062 : vector<512x1xf32> to vector<512x8xf32>
    %mul3A_1134 = arith.mulf %exp3A_1132, %mul3A_1133 : vector<512x8xf32>
    %convert_element_type3A_1135 = arith.truncf %mul3A_1134 : vector<512x8xf32> to vector<512x8xbf16>
    %convert_element_type3A_1136 = arith.extf %convert_element_type3A_1135 : vector<512x8xbf16> to vector<512x8xf32>
    %sub3A_1137 = arith.subf %mul3A_1134, %convert_element_type3A_1136 : vector<512x8xf32>
    %convert_element_type3A_1138 = arith.truncf %sub3A_1137 : vector<512x8xf32> to vector<512x8xbf16>
    %dot_general3A_1139 = arith.constant dense<0.000000e+00> : vector<64x8xf32>
    %dot_general3A_1140 = tpu.matmul %convert_element_type3A_1054, %convert_element_type3A_1135, %dot_general3A_1139 {dimension_numbers = #tpu.dot_dimension_numbers<[1], [0], [0], [1], [0, 0, 1, 1], [], []>, transpose_lhs_hint = false} : vector<64x512xbf16>, vector<512x8xbf16>, vector<64x8xf32> -> vector<64x8xf32>
    %dot_general3A_1141 = arith.constant dense<0.000000e+00> : vector<64x8xf32>
    %dot_general3A_1142 = tpu.matmul %convert_element_type3A_1054, %convert_element_type3A_1138, %dot_general3A_1141 {dimension_numbers = #tpu.dot_dimension_numbers<[1], [0], [0], [1], [0, 0, 1, 1], [], []>, transpose_lhs_hint = false} : vector<64x512xbf16>, vector<512x8xbf16>, vector<64x8xf32> -> vector<64x8xf32>
    %add3A_1143 = arith.addf %dot_general3A_1140, %dot_general3A_1142 : vector<64x8xf32>
    %convert_element_type3A_1144 = arith.truncf %mul3A_1134 : vector<512x8xf32> to vector<512x8xbf16>
    %convert_element_type3A_1145 = arith.extf %convert_element_type3A_1144 : vector<512x8xbf16> to vector<512x8xf32>
    %sub3A_1146 = arith.subf %mul3A_1134, %convert_element_type3A_1145 : vector<512x8xf32>
    %convert_element_type3A_1147 = arith.truncf %sub3A_1146 : vector<512x8xf32> to vector<512x8xbf16>
    %dot_general3A_1148 = arith.constant dense<0.000000e+00> : vector<512x256xf32>
    %dot_general3A_1149 = tpu.matmul %convert_element_type3A_1144, %convert_element_type3A_79, %dot_general3A_1148 {dimension_numbers = #tpu.dot_dimension_numbers<[1], [0], [0], [1], [0, 0, 1, 1], [], []>, transpose_lhs_hint = false} : vector<512x8xbf16>, vector<8x256xbf16>, vector<512x256xf32> -> vector<512x256xf32>
    %dot_general3A_1150 = arith.constant dense<0.000000e+00> : vector<512x256xf32>
    %dot_general3A_1151 = tpu.matmul %convert_element_type3A_1147, %convert_element_type3A_79, %dot_general3A_1150 {dimension_numbers = #tpu.dot_dimension_numbers<[1], [0], [0], [1], [0, 0, 1, 1], [], []>, transpose_lhs_hint = false} : vector<512x8xbf16>, vector<8x256xbf16>, vector<512x256xf32> -> vector<512x256xf32>
    %add3A_1152 = arith.addf %dot_general3A_1149, %dot_general3A_1151 : vector<512x256xf32>
    %mul3A_1153 = arith.mulf %add3A_1152, %dot_general3A_1064 : vector<512x256xf32>
    %convert_element_type3A_1154 = arith.truncf %mul3A_1153 : vector<512x256xf32> to vector<512x256xbf16>
    %convert_element_type3A_1155 = arith.extf %convert_element_type3A_1154 : vector<512x256xbf16> to vector<512x256xf32>
    %sub3A_1156 = arith.subf %mul3A_1153, %convert_element_type3A_1155 : vector<512x256xf32>
    %convert_element_type3A_1157 = arith.truncf %sub3A_1156 : vector<512x256xf32> to vector<512x256xbf16>
    %dot_general3A_1158 = arith.constant dense<0.000000e+00> : vector<64x256xf32>
    %dot_general3A_1159 = tpu.matmul %convert_element_type3A_1054, %convert_element_type3A_1154, %dot_general3A_1158 {dimension_numbers = #tpu.dot_dimension_numbers<[1], [0], [0], [1], [0, 0, 1, 1], [], []>, transpose_lhs_hint = false} : vector<64x512xbf16>, vector<512x256xbf16>, vector<64x256xf32> -> vector<64x256xf32>
    %dot_general3A_1160 = arith.constant dense<0.000000e+00> : vector<64x256xf32>
    %dot_general3A_1161 = tpu.matmul %convert_element_type3A_1054, %convert_element_type3A_1157, %dot_general3A_1160 {dimension_numbers = #tpu.dot_dimension_numbers<[1], [0], [0], [1], [0, 0, 1, 1], [], []>, transpose_lhs_hint = false} : vector<64x512xbf16>, vector<512x256xbf16>, vector<64x256xf32> -> vector<64x256xf32>
    %add3A_1162 = arith.addf %dot_general3A_1159, %dot_general3A_1161 : vector<64x256xf32>
    %convert_element_type3A_1163 = arith.truncf %add3A_1143 : vector<64x8xf32> to vector<64x8xbf16>
    %convert_element_type3A_1164 = arith.extf %convert_element_type3A_1163 : vector<64x8xbf16> to vector<64x8xf32>
    %sub3A_1165 = arith.subf %add3A_1143, %convert_element_type3A_1164 : vector<64x8xf32>
    %convert_element_type3A_1166 = arith.truncf %sub3A_1165 : vector<64x8xf32> to vector<64x8xbf16>
    %dot_general3A_1167 = arith.constant dense<0.000000e+00> : vector<64x256xf32>
    %dot_general3A_1168 = tpu.matmul %convert_element_type3A_1163, %convert_element_type3A_79, %dot_general3A_1167 {dimension_numbers = #tpu.dot_dimension_numbers<[1], [0], [0], [1], [0, 0, 1, 1], [], []>, transpose_lhs_hint = false} : vector<64x8xbf16>, vector<8x256xbf16>, vector<64x256xf32> -> vector<64x256xf32>
    %dot_general3A_1169 = arith.constant dense<0.000000e+00> : vector<64x256xf32>
    %dot_general3A_1170 = tpu.matmul %convert_element_type3A_1166, %convert_element_type3A_79, %dot_general3A_1169 {dimension_numbers = #tpu.dot_dimension_numbers<[1], [0], [0], [1], [0, 0, 1, 1], [], []>, transpose_lhs_hint = false} : vector<64x8xbf16>, vector<8x256xbf16>, vector<64x256xf32> -> vector<64x256xf32>
    %add3A_1171 = arith.addf %dot_general3A_1168, %dot_general3A_1170 : vector<64x256xf32>
    %max3A_1172 = arith.constant 9.99999971E-10 : f32
    %max3A_1173 = vector.broadcast %max3A_1172 : f32 to vector<64x256xf32>
    %max3A_1174 = arith.maximumf %add3A_1171, %max3A_1173 : vector<64x256xf32>
    %div3A_1175 = arith.divf %add3A_1162, %max3A_1174 : vector<64x256xf32>
    %lt3A_1176 = vector.broadcast %reduce_sum3A_1040 : f32 to vector<64x64xf32>
    %lt3A_1177 = arith.cmpf olt, %convert_element_type3A_10, %lt3A_1176 : vector<64x64xf32>
    %and3A_1178 = arith.andi %eq3A, %lt3A_1177 : vector<64x64xi1>
    %convert_element_type3A_1179 = arith.extui %and3A_1178 : vector<64x64xi1> to vector<64x64xi32>
    %convert_element_type3A_1180 = arith.sitofp %convert_element_type3A_1179 : vector<64x64xi32> to vector<64x64xf32>
    %convert_element_type3A_1181 = arith.truncf %convert_element_type3A_1180 : vector<64x64xf32> to vector<64x64xbf16>
    %convert_element_type3A_1182 = arith.truncf %dot_general3A_1068 : vector<64x256xf32> to vector<64x256xbf16>
    %convert_element_type3A_1183 = arith.extf %convert_element_type3A_1182 : vector<64x256xbf16> to vector<64x256xf32>
    %sub3A_1184 = arith.subf %dot_general3A_1068, %convert_element_type3A_1183 : vector<64x256xf32>
    %convert_element_type3A_1185 = arith.truncf %sub3A_1184 : vector<64x256xf32> to vector<64x256xbf16>
    %dot_general3A_1186 = arith.constant dense<0.000000e+00> : vector<64x256xf32>
    %dot_general3A_1187 = tpu.matmul %convert_element_type3A_1181, %convert_element_type3A_1182, %dot_general3A_1186 {dimension_numbers = #tpu.dot_dimension_numbers<[1], [0], [0], [1], [0, 0, 1, 1], [], []>, transpose_lhs_hint = false} : vector<64x64xbf16>, vector<64x256xbf16>, vector<64x256xf32> -> vector<64x256xf32>
    %dot_general3A_1188 = arith.constant dense<0.000000e+00> : vector<64x256xf32>
    %dot_general3A_1189 = tpu.matmul %convert_element_type3A_1181, %convert_element_type3A_1185, %dot_general3A_1188 {dimension_numbers = #tpu.dot_dimension_numbers<[1], [0], [0], [1], [0, 0, 1, 1], [], []>, transpose_lhs_hint = false} : vector<64x64xbf16>, vector<64x256xbf16>, vector<64x256xf32> -> vector<64x256xf32>
    %add3A_1190 = arith.addf %dot_general3A_1187, %dot_general3A_1189 : vector<64x256xf32>
    %add3A_1191 = arith.addf %div3A_1175, %add3A_1190 : vector<64x256xf32>
    %add3A_1192 = arith.addf %add3A_1191, %dot_general3A_1066 : vector<64x256xf32>
    %gt3A_1193 = arith.constant 0.000000e+00 : f32
    %gt3A_1194 = vector.broadcast %gt3A_1193 : f32 to vector<64x256xf32>
    %gt3A_1195 = arith.cmpf ogt, %add3A_1192, %gt3A_1194 : vector<64x256xf32>
    %exp3A_1196 = math.exp %add3A_1192 : vector<64x256xf32>
    %sub3A_1197 = arith.constant 1.000000e+00 : f32
    %sub3A_1198 = vector.broadcast %sub3A_1197 : f32 to vector<64x256xf32>
    %sub3A_1199 = arith.subf %exp3A_1196, %sub3A_1198 : vector<64x256xf32>
    %select_n3A_1200 = arith.select %gt3A_1195, %add3A_1192, %sub3A_1199 : vector<64x256xi1>, vector<64x256xf32>
    %lt3A_1201 = vector.broadcast %reduce_sum3A_1040 : f32 to vector<64x256xf32>
    %lt3A_1202 = arith.cmpf olt, %convert_element_type3A_12, %lt3A_1201 : vector<64x256xf32>
    %jit3A_1203 = arith.constant 0.000000e+00 : f32
    %broadcast_in_dim3A_1204 = vector.broadcast %jit3A_1203 : f32 to vector<64x256xf32>
    %select_n3A_1205 = arith.select %lt3A_1202, %select_n3A_1200, %broadcast_in_dim3A_1204 : vector<64x256xi1>, vector<64x256xf32>
    %slice3A_1206 = vector.extract_strided_slice %select_n3A_1205 {offsets = [0, 0], sizes = [50, 256], strides = [1, 1]} : vector<64x256xf32> to vector<50x256xf32>
    %swap3A_1207 = arith.constant 4 : index
    %swap3A_1208 = arith.constant 0 : index
    %swap3A_1209 = arith.constant 0 : index
    %swap3A_1210 = vector.load %arg12[%swap3A_1207, %swap3A_1208, %swap3A_1209] : memref<8x50x256xf32, #tpu.memory_space<vmem>>, vector<1x50x256xf32>
    %swap3A_1211 = vector.shape_cast %swap3A_1210 : vector<1x50x256xf32> to vector<50x256xf32>
    %swap3A_1212 = vector.shape_cast %slice3A_1206 : vector<50x256xf32> to vector<1x50x256xf32>
    tpu.vector_store %arg12[%swap3A_1207, %swap3A_1208, %swap3A_1209], %swap3A_1212 {strides = array<i32>} : memref<8x50x256xf32, #tpu.memory_space<vmem>>, vector<1x50x256xf32>,
    %swap3A_1213 = arith.constant 4 : index
    %swap3A_1214 = arith.constant 0 : index
    %swap3A_1215 = arith.constant 0 : index
    %swap3A_1216 = vector.load %arg13[%swap3A_1213, %swap3A_1214, %swap3A_1215] : memref<8x1x1xf32, #tpu.memory_space<vmem>>, vector<1x1x1xf32>
    %swap3A_1217 = vector.shape_cast %swap3A_1216 : vector<1x1x1xf32> to vector<1x1xf32>
    %swap3A_1218 = vector.shape_cast %add3A : vector<1x1xf32> to vector<1x1x1xf32>
    tpu.vector_store %arg13[%swap3A_1213, %swap3A_1214, %swap3A_1215], %swap3A_1218 {strides = array<i32>} : memref<8x1x1xf32, #tpu.memory_space<vmem>>, vector<1x1x1xf32>,
    %get3A_1219 = arith.constant 5 : index
    %get3A_1220 = arith.constant 0 : index
    %get3A_1221 = arith.constant 0 : index
    %get3A_1222 = vector.load %arg1[%get3A_1219, %get3A_1220, %get3A_1221] : memref<8x512x256xf32, #tpu.memory_space<vmem>>, vector<1x512x256xf32>
    %get3A_1223 = vector.shape_cast %get3A_1222 : vector<1x512x256xf32> to vector<512x256xf32>
    %convert_element_type3A_1224 = arith.truncf %get3A_1223 : vector<512x256xf32> to vector<512x256xbf16>
    %get3A_1225 = arith.constant 5 : index
    %get3A_1226 = arith.constant 0 : index
    %get3A_1227 = arith.constant 0 : index
    %get3A_1228 = vector.load %arg2[%get3A_1225, %get3A_1226, %get3A_1227] : memref<8x64x256xf32, #tpu.memory_space<vmem>>, vector<1x64x256xf32>
    %get3A_1229 = vector.shape_cast %get3A_1228 : vector<1x64x256xf32> to vector<64x256xf32>
    %convert_element_type3A_1230 = arith.truncf %get3A_1229 : vector<64x256xf32> to vector<64x256xbf16>
    %get3A_1231 = arith.constant 5 : index
    %get3A_1232 = arith.constant 0 : index
    %get3A_1233 = vector.load %arg3[%get3A_1231, %get3A_1232] : memref<8x512xi32, #tpu.memory_space<vmem>>, vector<1x512xi32>
    %get3A_1234 = arith.constant 5 : index
    %get3A_1235 = arith.constant 0 : index
    %get3A_1236 = vector.load %arg4[%get3A_1234, %get3A_1235] : memref<8x512xi32, #tpu.memory_space<vmem>>, vector<1x512xi32>
    %ne3A_1237 = arith.constant 5 : i32
    %ne3A_1238 = vector.broadcast %ne3A_1237 : i32 to vector<1x512xi32>
    %ne3A_1239 = arith.cmpi ne, %get3A_1233, %ne3A_1238 : vector<1x512xi32>
    %ne3A_1240 = arith.constant 0 : i32
    %ne3A_1241 = vector.broadcast %ne3A_1240 : i32 to vector<1x512xi32>
    %ne3A_1242 = arith.cmpi ne, %get3A_1236, %ne3A_1241 : vector<1x512xi32>
    %and3A_1243 = arith.andi %ne3A_1239, %ne3A_1242 : vector<1x512xi1>
    %eq3A_1244 = arith.constant 1 : i32
    %eq3A_1245 = vector.broadcast %eq3A_1244 : i32 to vector<1x512xi32>
    %eq3A_1246 = arith.cmpi eq, %get3A_1233, %eq3A_1245 : vector<1x512xi32>
    %and3A_1247 = arith.andi %and3A_1243, %eq3A_1246 : vector<1x512xi1>
    %eq3A_1248 = vector.broadcast %get3A_1236 : vector<1x512xi32> to vector<64x512xi32>
    %eq3A_1249 = arith.cmpi eq, %eq3A_1248, %iota3A : vector<64x512xi32>
    %and3A_1250 = vector.broadcast %and3A_1243 : vector<1x512xi1> to vector<64x512xi1>
    %and3A_1251 = arith.andi %eq3A_1249, %and3A_1250 : vector<64x512xi1>
    %convert_element_type3A_1252 = arith.extui %and3A_1251 : vector<64x512xi1> to vector<64x512xi32>
    %convert_element_type3A_1253 = arith.sitofp %convert_element_type3A_1252 : vector<64x512xi32> to vector<64x512xf32>
    %reduce_max3A_1254 = arith.constant dense<0xFF800000> : vector<64xf32>
    %reduce_max3A_1255 = vector.multi_reduction <maximumf>, %convert_element_type3A_1253, %reduce_max3A_1254 [1] : vector<64x512xf32> to vector<64xf32>
    %broadcast_in_dim3A_1256 = vector.shape_cast %reduce_max3A_1255 : vector<64xf32> to vector<64x1xf32>
    %convert_element_type3A_1257 = arith.truncf %broadcast_in_dim3A_1256 : vector<64x1xf32> to vector<64x1xbf16>
    %dot_general3A_1258 = arith.constant dense<0.000000e+00> : vector<64x1xf32>
    %dot_general3A_1259 = tpu.matmul %convert_element_type3A_3, %convert_element_type3A_1257, %dot_general3A_1258 {dimension_numbers = #tpu.dot_dimension_numbers<[1], [0], [0], [1], [0, 0, 1, 1], [], []>, transpose_lhs_hint = false} : vector<64x64xbf16>, vector<64x1xbf16>, vector<64x1xf32> -> vector<64x1xf32>
    %reduce_sum3A_1260 = vector.shape_cast %broadcast_in_dim3A_1256 : vector<64x1xf32> to vector<1x64x1xf32>
    %reduce_sum3A_1261 = arith.constant dense<0.000000e+00> : vector<1xf32>
    %reduce_sum3A_1262 = vector.multi_reduction <add>, %reduce_sum3A_1260, %reduce_sum3A_1261 [1, 2] : vector<1x64x1xf32> to vector<1xf32>
    %reduce_sum3A_1263 = vector.shape_cast %reduce_sum3A_1262 : vector<1xf32> to vector<1x1x1xf32>
    %reduce_sum3A_1264 = vector.extract %reduce_sum3A_1263[0, 0, 0] : f32 from vector<1x1x1xf32>
    %mul3A_1265 = vector.broadcast %dot_general3A_1259 : vector<64x1xf32> to vector<64x512xf32>
    %mul3A_1266 = arith.mulf %convert_element_type3A_1253, %mul3A_1265 : vector<64x512xf32>
    %reduce_sum3A_1267 = arith.constant dense<0.000000e+00> : vector<512xf32>
    %reduce_sum3A_1268 = vector.multi_reduction <add>, %mul3A_1266, %reduce_sum3A_1267 [0] : vector<64x512xf32> to vector<512xf32>
    %broadcast_in_dim3A_1269 = vector.shape_cast %reduce_sum3A_1268 : vector<512xf32> to vector<1x512xf32>
    %eq3A_1270 = vector.broadcast %broadcast_in_dim3A_1269 : vector<1x512xf32> to vector<64x512xf32>
    %eq3A_1271 = arith.cmpf oeq, %eq3A_1270, %convert_element_type3A_5 : vector<64x512xf32>
    %and3A_1272 = vector.broadcast %and3A_1247 : vector<1x512xi1> to vector<64x512xi1>
    %and3A_1273 = arith.andi %eq3A_1271, %and3A_1272 : vector<64x512xi1>
    %convert_element_type3A_1274 = arith.extui %and3A_1273 : vector<64x512xi1> to vector<64x512xi32>
    %convert_element_type3A_1275 = arith.sitofp %convert_element_type3A_1274 : vector<64x512xi32> to vector<64x512xf32>
    %convert_element_type3A_1276 = arith.extui %and3A_1273 : vector<64x512xi1> to vector<64x512xi32>
    %convert_element_type3A_1277 = arith.sitofp %convert_element_type3A_1276 : vector<64x512xi32> to vector<64x512xf32>
    %convert_element_type3A_1278 = arith.truncf %convert_element_type3A_1277 : vector<64x512xf32> to vector<64x512xbf16>
    %transpose3A_1279 = tpu.transpose %convert_element_type3A_1275, [1, 0] : vector<64x512xf32> -> vector<512x64xf32>
    %gt3A_1280 = arith.constant 5.000000e-01 : f32
    %gt3A_1281 = vector.broadcast %gt3A_1280 : f32 to vector<512x64xf32>
    %gt3A_1282 = arith.cmpf ogt, %transpose3A_1279, %gt3A_1281 : vector<512x64xf32>
    %convert_element_type3A_1283 = arith.truncf %transpose3A_1279 : vector<512x64xf32> to vector<512x64xbf16>
    %reduce_sum3A_1284 = arith.constant dense<0.000000e+00> : vector<512xf32>
    %reduce_sum3A_1285 = vector.multi_reduction <add>, %transpose3A_1279, %reduce_sum3A_1284 [1] : vector<512x64xf32> to vector<512xf32>
    %broadcast_in_dim3A_1286 = vector.shape_cast %reduce_sum3A_1285 : vector<512xf32> to vector<512x1xf32>
    %dot_general3A_1287 = arith.constant dense<0.000000e+00> : vector<512x256xf32>
    %dot_general3A_1288 = tpu.matmul %convert_element_type3A_1224, %convert_element_type3A_82, %dot_general3A_1287 {dimension_numbers = #tpu.dot_dimension_numbers<[1], [0], [0], [1], [0, 0, 1, 1], [], []>, transpose_lhs_hint = false} : vector<512x256xbf16>, vector<256x256xbf16>, vector<512x256xf32> -> vector<512x256xf32>
    %dot_general3A_1289 = arith.constant dense<0.000000e+00> : vector<64x256xf32>
    %dot_general3A_1290 = tpu.matmul %convert_element_type3A_1230, %convert_element_type3A_86, %dot_general3A_1289 {dimension_numbers = #tpu.dot_dimension_numbers<[1], [0], [0], [1], [0, 0, 1, 1], [], []>, transpose_lhs_hint = false} : vector<64x256xbf16>, vector<256x256xbf16>, vector<64x256xf32> -> vector<64x256xf32>
    %dot_general3A_1291 = arith.constant dense<0.000000e+00> : vector<64x256xf32>
    %dot_general3A_1292 = tpu.matmul %convert_element_type3A_1230, %convert_element_type3A_90, %dot_general3A_1291 {dimension_numbers = #tpu.dot_dimension_numbers<[1], [0], [0], [1], [0, 0, 1, 1], [], []>, transpose_lhs_hint = false} : vector<64x256xbf16>, vector<256x256xbf16>, vector<64x256xf32> -> vector<64x256xf32>
    %mul3A_1293 = vector.broadcast %get3A_93 : vector<1x256xf32> to vector<512x256xf32>
    %mul3A_1294 = arith.mulf %dot_general3A_1288, %mul3A_1293 : vector<512x256xf32>
    %convert_element_type3A_1295 = arith.truncf %mul3A_1294 : vector<512x256xf32> to vector<512x256xbf16>
    %convert_element_type3A_1296 = arith.extf %convert_element_type3A_1295 : vector<512x256xbf16> to vector<512x256xf32>
    %sub3A_1297 = arith.subf %mul3A_1294, %convert_element_type3A_1296 : vector<512x256xf32>
    %convert_element_type3A_1298 = arith.truncf %sub3A_1297 : vector<512x256xf32> to vector<512x256xbf16>
    %dot_general3A_1299 = arith.constant dense<0.000000e+00> : vector<512x8xf32>
    %dot_general3A_1300 = tpu.matmul %convert_element_type3A_1295, %convert_element_type3A_42, %dot_general3A_1299 {dimension_numbers = #tpu.dot_dimension_numbers<[1], [0], [0], [1], [0, 0, 1, 1], [], []>, transpose_lhs_hint = false} : vector<512x256xbf16>, vector<256x8xbf16>, vector<512x8xf32> -> vector<512x8xf32>
    %dot_general3A_1301 = arith.constant dense<0.000000e+00> : vector<512x8xf32>
    %dot_general3A_1302 = tpu.matmul %convert_element_type3A_1298, %convert_element_type3A_42, %dot_general3A_1301 {dimension_numbers = #tpu.dot_dimension_numbers<[1], [0], [0], [1], [0, 0, 1, 1], [], []>, transpose_lhs_hint = false} : vector<512x256xbf16>, vector<256x8xbf16>, vector<512x8xf32> -> vector<512x8xf32>
    %add3A_1303 = arith.addf %dot_general3A_1300, %dot_general3A_1302 : vector<512x8xf32>
    %mul3A_1304 = vector.broadcast %get3A_96 : vector<1x256xf32> to vector<64x256xf32>
    %mul3A_1305 = arith.mulf %dot_general3A_1290, %mul3A_1304 : vector<64x256xf32>
    %convert_element_type3A_1306 = arith.truncf %mul3A_1305 : vector<64x256xf32> to vector<64x256xbf16>
    %convert_element_type3A_1307 = arith.extf %convert_element_type3A_1306 : vector<64x256xbf16> to vector<64x256xf32>
    %sub3A_1308 = arith.subf %mul3A_1305, %convert_element_type3A_1307 : vector<64x256xf32>
    %convert_element_type3A_1309 = arith.truncf %sub3A_1308 : vector<64x256xf32> to vector<64x256xbf16>
    %dot_general3A_1310 = arith.constant dense<0.000000e+00> : vector<64x8xf32>
    %dot_general3A_1311 = tpu.matmul %convert_element_type3A_1306, %convert_element_type3A_42, %dot_general3A_1310 {dimension_numbers = #tpu.dot_dimension_numbers<[1], [0], [0], [1], [0, 0, 1, 1], [], []>, transpose_lhs_hint = false} : vector<64x256xbf16>, vector<256x8xbf16>, vector<64x8xf32> -> vector<64x8xf32>
    %dot_general3A_1312 = arith.constant dense<0.000000e+00> : vector<64x8xf32>
    %dot_general3A_1313 = tpu.matmul %convert_element_type3A_1309, %convert_element_type3A_42, %dot_general3A_1312 {dimension_numbers = #tpu.dot_dimension_numbers<[1], [0], [0], [1], [0, 0, 1, 1], [], []>, transpose_lhs_hint = false} : vector<64x256xbf16>, vector<256x8xbf16>, vector<64x8xf32> -> vector<64x8xf32>
    %add3A_1314 = arith.addf %dot_general3A_1311, %dot_general3A_1313 : vector<64x8xf32>
    %convert_element_type3A_1315 = arith.truncf %add3A_1314 : vector<64x8xf32> to vector<64x8xbf16>
    %convert_element_type3A_1316 = arith.extf %convert_element_type3A_1315 : vector<64x8xbf16> to vector<64x8xf32>
    %sub3A_1317 = arith.subf %add3A_1314, %convert_element_type3A_1316 : vector<64x8xf32>
    %convert_element_type3A_1318 = arith.truncf %sub3A_1317 : vector<64x8xf32> to vector<64x8xbf16>
    %dot_general3A_1319 = arith.constant dense<0.000000e+00> : vector<512x8xf32>
    %dot_general3A_1320 = tpu.matmul %convert_element_type3A_1283, %convert_element_type3A_1315, %dot_general3A_1319 {dimension_numbers = #tpu.dot_dimension_numbers<[1], [0], [0], [1], [0, 0, 1, 1], [], []>, transpose_lhs_hint = false} : vector<512x64xbf16>, vector<64x8xbf16>, vector<512x8xf32> -> vector<512x8xf32>
    %dot_general3A_1321 = arith.constant dense<0.000000e+00> : vector<512x8xf32>
    %dot_general3A_1322 = tpu.matmul %convert_element_type3A_1283, %convert_element_type3A_1318, %dot_general3A_1321 {dimension_numbers = #tpu.dot_dimension_numbers<[1], [0], [0], [1], [0, 0, 1, 1], [], []>, transpose_lhs_hint = false} : vector<512x64xbf16>, vector<64x8xbf16>, vector<512x8xf32> -> vector<512x8xf32>
    %add3A_1323 = arith.addf %dot_general3A_1320, %dot_general3A_1322 : vector<512x8xf32>
    %add3A_1324 = arith.addf %add3A_1303, %add3A_1323 : vector<512x8xf32>
    %gt3A_1325 = arith.constant 0.000000e+00 : f32
    %gt3A_1326 = vector.broadcast %gt3A_1325 : f32 to vector<512x8xf32>
    %gt3A_1327 = arith.cmpf ogt, %add3A_1324, %gt3A_1326 : vector<512x8xf32>
    %mul3A_1328 = arith.constant 2.000000e-01 : f32
    %mul3A_1329 = vector.broadcast %mul3A_1328 : f32 to vector<512x8xf32>
    %mul3A_1330 = arith.mulf %mul3A_1329, %add3A_1324 : vector<512x8xf32>
    %select_n3A_1331 = arith.select %gt3A_1327, %add3A_1324, %mul3A_1330 : vector<512x8xi1>, vector<512x8xf32>
    %reduce_max3A_1332 = arith.constant dense<0xFF800000> : vector<512xf32>
    %reduce_max3A_1333 = vector.multi_reduction <maximumf>, %select_n3A_1331, %reduce_max3A_1332 [1] : vector<512x8xf32> to vector<512xf32>
    %broadcast_in_dim3A_1334 = vector.shape_cast %reduce_max3A_1333 : vector<512xf32> to vector<512x1xf32>
    %jit3A_1335 = arith.constant -1.000000e+30 : f32
    %broadcast_in_dim3A_1336 = vector.shape_cast %broadcast_in_dim3A_1334 : vector<512x1xf32> to vector<512x1xf32>
    %broadcast_in_dim3A_1337 = vector.broadcast %broadcast_in_dim3A_1336 : vector<512x1xf32> to vector<512x64xf32>
    %broadcast_in_dim3A_1338 = vector.broadcast %jit3A_1335 : f32 to vector<512x64xf32>
    %select_n3A_1339 = arith.select %gt3A_1282, %broadcast_in_dim3A_1337, %broadcast_in_dim3A_1338 : vector<512x64xi1>, vector<512x64xf32>
    %reduce_max3A_1340 = arith.constant dense<0xFF800000> : vector<64xf32>
    %reduce_max3A_1341 = vector.multi_reduction <maximumf>, %select_n3A_1339, %reduce_max3A_1340 [0] : vector<512x64xf32> to vector<64xf32>
    %broadcast_in_dim3A_1342 = vector.shape_cast %reduce_max3A_1341 : vector<64xf32> to vector<1x64xf32>
    %gt3A_1343 = arith.constant -1.000000e+29 : f32
    %gt3A_1344 = vector.broadcast %gt3A_1343 : f32 to vector<1x64xf32>
    %gt3A_1345 = arith.cmpf ogt, %broadcast_in_dim3A_1342, %gt3A_1344 : vector<1x64xf32>
    %jit3A_1346 = arith.constant 0.000000e+00 : f32
    %broadcast_in_dim3A_1347 = vector.broadcast %jit3A_1346 : f32 to vector<1x64xf32>
    %select_n3A_1348 = arith.select %gt3A_1345, %broadcast_in_dim3A_1342, %broadcast_in_dim3A_1347 : vector<1x64xi1>, vector<1x64xf32>
    %mul3A_1349 = vector.broadcast %select_n3A_1348 : vector<1x64xf32> to vector<512x64xf32>
    %mul3A_1350 = arith.mulf %transpose3A_1279, %mul3A_1349 : vector<512x64xf32>
    %reduce_sum3A_1351 = arith.constant dense<0.000000e+00> : vector<512xf32>
    %reduce_sum3A_1352 = vector.multi_reduction <add>, %mul3A_1350, %reduce_sum3A_1351 [1] : vector<512x64xf32> to vector<512xf32>
    %broadcast_in_dim3A_1353 = vector.shape_cast %reduce_sum3A_1352 : vector<512xf32> to vector<512x1xf32>
    %sub3A_1354 = vector.broadcast %broadcast_in_dim3A_1353 : vector<512x1xf32> to vector<512x8xf32>
    %sub3A_1355 = arith.subf %select_n3A_1331, %sub3A_1354 : vector<512x8xf32>
    %exp3A_1356 = math.exp %sub3A_1355 : vector<512x8xf32>
    %mul3A_1357 = vector.broadcast %broadcast_in_dim3A_1286 : vector<512x1xf32> to vector<512x8xf32>
    %mul3A_1358 = arith.mulf %exp3A_1356, %mul3A_1357 : vector<512x8xf32>
    %convert_element_type3A_1359 = arith.truncf %mul3A_1358 : vector<512x8xf32> to vector<512x8xbf16>
    %convert_element_type3A_1360 = arith.extf %convert_element_type3A_1359 : vector<512x8xbf16> to vector<512x8xf32>
    %sub3A_1361 = arith.subf %mul3A_1358, %convert_element_type3A_1360 : vector<512x8xf32>
    %convert_element_type3A_1362 = arith.truncf %sub3A_1361 : vector<512x8xf32> to vector<512x8xbf16>
    %dot_general3A_1363 = arith.constant dense<0.000000e+00> : vector<64x8xf32>
    %dot_general3A_1364 = tpu.matmul %convert_element_type3A_1278, %convert_element_type3A_1359, %dot_general3A_1363 {dimension_numbers = #tpu.dot_dimension_numbers<[1], [0], [0], [1], [0, 0, 1, 1], [], []>, transpose_lhs_hint = false} : vector<64x512xbf16>, vector<512x8xbf16>, vector<64x8xf32> -> vector<64x8xf32>
    %dot_general3A_1365 = arith.constant dense<0.000000e+00> : vector<64x8xf32>
    %dot_general3A_1366 = tpu.matmul %convert_element_type3A_1278, %convert_element_type3A_1362, %dot_general3A_1365 {dimension_numbers = #tpu.dot_dimension_numbers<[1], [0], [0], [1], [0, 0, 1, 1], [], []>, transpose_lhs_hint = false} : vector<64x512xbf16>, vector<512x8xbf16>, vector<64x8xf32> -> vector<64x8xf32>
    %add3A_1367 = arith.addf %dot_general3A_1364, %dot_general3A_1366 : vector<64x8xf32>
    %convert_element_type3A_1368 = arith.truncf %mul3A_1358 : vector<512x8xf32> to vector<512x8xbf16>
    %convert_element_type3A_1369 = arith.extf %convert_element_type3A_1368 : vector<512x8xbf16> to vector<512x8xf32>
    %sub3A_1370 = arith.subf %mul3A_1358, %convert_element_type3A_1369 : vector<512x8xf32>
    %convert_element_type3A_1371 = arith.truncf %sub3A_1370 : vector<512x8xf32> to vector<512x8xbf16>
    %dot_general3A_1372 = arith.constant dense<0.000000e+00> : vector<512x256xf32>
    %dot_general3A_1373 = tpu.matmul %convert_element_type3A_1368, %convert_element_type3A_79, %dot_general3A_1372 {dimension_numbers = #tpu.dot_dimension_numbers<[1], [0], [0], [1], [0, 0, 1, 1], [], []>, transpose_lhs_hint = false} : vector<512x8xbf16>, vector<8x256xbf16>, vector<512x256xf32> -> vector<512x256xf32>
    %dot_general3A_1374 = arith.constant dense<0.000000e+00> : vector<512x256xf32>
    %dot_general3A_1375 = tpu.matmul %convert_element_type3A_1371, %convert_element_type3A_79, %dot_general3A_1374 {dimension_numbers = #tpu.dot_dimension_numbers<[1], [0], [0], [1], [0, 0, 1, 1], [], []>, transpose_lhs_hint = false} : vector<512x8xbf16>, vector<8x256xbf16>, vector<512x256xf32> -> vector<512x256xf32>
    %add3A_1376 = arith.addf %dot_general3A_1373, %dot_general3A_1375 : vector<512x256xf32>
    %mul3A_1377 = arith.mulf %add3A_1376, %dot_general3A_1288 : vector<512x256xf32>
    %convert_element_type3A_1378 = arith.truncf %mul3A_1377 : vector<512x256xf32> to vector<512x256xbf16>
    %convert_element_type3A_1379 = arith.extf %convert_element_type3A_1378 : vector<512x256xbf16> to vector<512x256xf32>
    %sub3A_1380 = arith.subf %mul3A_1377, %convert_element_type3A_1379 : vector<512x256xf32>
    %convert_element_type3A_1381 = arith.truncf %sub3A_1380 : vector<512x256xf32> to vector<512x256xbf16>
    %dot_general3A_1382 = arith.constant dense<0.000000e+00> : vector<64x256xf32>
    %dot_general3A_1383 = tpu.matmul %convert_element_type3A_1278, %convert_element_type3A_1378, %dot_general3A_1382 {dimension_numbers = #tpu.dot_dimension_numbers<[1], [0], [0], [1], [0, 0, 1, 1], [], []>, transpose_lhs_hint = false} : vector<64x512xbf16>, vector<512x256xbf16>, vector<64x256xf32> -> vector<64x256xf32>
    %dot_general3A_1384 = arith.constant dense<0.000000e+00> : vector<64x256xf32>
    %dot_general3A_1385 = tpu.matmul %convert_element_type3A_1278, %convert_element_type3A_1381, %dot_general3A_1384 {dimension_numbers = #tpu.dot_dimension_numbers<[1], [0], [0], [1], [0, 0, 1, 1], [], []>, transpose_lhs_hint = false} : vector<64x512xbf16>, vector<512x256xbf16>, vector<64x256xf32> -> vector<64x256xf32>
    %add3A_1386 = arith.addf %dot_general3A_1383, %dot_general3A_1385 : vector<64x256xf32>
    %convert_element_type3A_1387 = arith.truncf %add3A_1367 : vector<64x8xf32> to vector<64x8xbf16>
    %convert_element_type3A_1388 = arith.extf %convert_element_type3A_1387 : vector<64x8xbf16> to vector<64x8xf32>
    %sub3A_1389 = arith.subf %add3A_1367, %convert_element_type3A_1388 : vector<64x8xf32>
    %convert_element_type3A_1390 = arith.truncf %sub3A_1389 : vector<64x8xf32> to vector<64x8xbf16>
    %dot_general3A_1391 = arith.constant dense<0.000000e+00> : vector<64x256xf32>
    %dot_general3A_1392 = tpu.matmul %convert_element_type3A_1387, %convert_element_type3A_79, %dot_general3A_1391 {dimension_numbers = #tpu.dot_dimension_numbers<[1], [0], [0], [1], [0, 0, 1, 1], [], []>, transpose_lhs_hint = false} : vector<64x8xbf16>, vector<8x256xbf16>, vector<64x256xf32> -> vector<64x256xf32>
    %dot_general3A_1393 = arith.constant dense<0.000000e+00> : vector<64x256xf32>
    %dot_general3A_1394 = tpu.matmul %convert_element_type3A_1390, %convert_element_type3A_79, %dot_general3A_1393 {dimension_numbers = #tpu.dot_dimension_numbers<[1], [0], [0], [1], [0, 0, 1, 1], [], []>, transpose_lhs_hint = false} : vector<64x8xbf16>, vector<8x256xbf16>, vector<64x256xf32> -> vector<64x256xf32>
    %add3A_1395 = arith.addf %dot_general3A_1392, %dot_general3A_1394 : vector<64x256xf32>
    %max3A_1396 = arith.constant 9.99999971E-10 : f32
    %max3A_1397 = vector.broadcast %max3A_1396 : f32 to vector<64x256xf32>
    %max3A_1398 = arith.maximumf %add3A_1395, %max3A_1397 : vector<64x256xf32>
    %div3A_1399 = arith.divf %add3A_1386, %max3A_1398 : vector<64x256xf32>
    %lt3A_1400 = vector.broadcast %reduce_sum3A_1264 : f32 to vector<64x64xf32>
    %lt3A_1401 = arith.cmpf olt, %convert_element_type3A_10, %lt3A_1400 : vector<64x64xf32>
    %and3A_1402 = arith.andi %eq3A, %lt3A_1401 : vector<64x64xi1>
    %convert_element_type3A_1403 = arith.extui %and3A_1402 : vector<64x64xi1> to vector<64x64xi32>
    %convert_element_type3A_1404 = arith.sitofp %convert_element_type3A_1403 : vector<64x64xi32> to vector<64x64xf32>
    %convert_element_type3A_1405 = arith.truncf %convert_element_type3A_1404 : vector<64x64xf32> to vector<64x64xbf16>
    %convert_element_type3A_1406 = arith.truncf %dot_general3A_1292 : vector<64x256xf32> to vector<64x256xbf16>
    %convert_element_type3A_1407 = arith.extf %convert_element_type3A_1406 : vector<64x256xbf16> to vector<64x256xf32>
    %sub3A_1408 = arith.subf %dot_general3A_1292, %convert_element_type3A_1407 : vector<64x256xf32>
    %convert_element_type3A_1409 = arith.truncf %sub3A_1408 : vector<64x256xf32> to vector<64x256xbf16>
    %dot_general3A_1410 = arith.constant dense<0.000000e+00> : vector<64x256xf32>
    %dot_general3A_1411 = tpu.matmul %convert_element_type3A_1405, %convert_element_type3A_1406, %dot_general3A_1410 {dimension_numbers = #tpu.dot_dimension_numbers<[1], [0], [0], [1], [0, 0, 1, 1], [], []>, transpose_lhs_hint = false} : vector<64x64xbf16>, vector<64x256xbf16>, vector<64x256xf32> -> vector<64x256xf32>
    %dot_general3A_1412 = arith.constant dense<0.000000e+00> : vector<64x256xf32>
    %dot_general3A_1413 = tpu.matmul %convert_element_type3A_1405, %convert_element_type3A_1409, %dot_general3A_1412 {dimension_numbers = #tpu.dot_dimension_numbers<[1], [0], [0], [1], [0, 0, 1, 1], [], []>, transpose_lhs_hint = false} : vector<64x64xbf16>, vector<64x256xbf16>, vector<64x256xf32> -> vector<64x256xf32>
    %add3A_1414 = arith.addf %dot_general3A_1411, %dot_general3A_1413 : vector<64x256xf32>
    %add3A_1415 = arith.addf %div3A_1399, %add3A_1414 : vector<64x256xf32>
    %add3A_1416 = arith.addf %add3A_1415, %dot_general3A_1290 : vector<64x256xf32>
    %gt3A_1417 = arith.constant 0.000000e+00 : f32
    %gt3A_1418 = vector.broadcast %gt3A_1417 : f32 to vector<64x256xf32>
    %gt3A_1419 = arith.cmpf ogt, %add3A_1416, %gt3A_1418 : vector<64x256xf32>
    %exp3A_1420 = math.exp %add3A_1416 : vector<64x256xf32>
    %sub3A_1421 = arith.constant 1.000000e+00 : f32
    %sub3A_1422 = vector.broadcast %sub3A_1421 : f32 to vector<64x256xf32>
    %sub3A_1423 = arith.subf %exp3A_1420, %sub3A_1422 : vector<64x256xf32>
    %select_n3A_1424 = arith.select %gt3A_1419, %add3A_1416, %sub3A_1423 : vector<64x256xi1>, vector<64x256xf32>
    %lt3A_1425 = vector.broadcast %reduce_sum3A_1264 : f32 to vector<64x256xf32>
    %lt3A_1426 = arith.cmpf olt, %convert_element_type3A_12, %lt3A_1425 : vector<64x256xf32>
    %jit3A_1427 = arith.constant 0.000000e+00 : f32
    %broadcast_in_dim3A_1428 = vector.broadcast %jit3A_1427 : f32 to vector<64x256xf32>
    %select_n3A_1429 = arith.select %lt3A_1426, %select_n3A_1424, %broadcast_in_dim3A_1428 : vector<64x256xi1>, vector<64x256xf32>
    %slice3A_1430 = vector.extract_strided_slice %select_n3A_1429 {offsets = [0, 0], sizes = [50, 256], strides = [1, 1]} : vector<64x256xf32> to vector<50x256xf32>
    %swap3A_1431 = arith.constant 5 : index
    %swap3A_1432 = arith.constant 0 : index
    %swap3A_1433 = arith.constant 0 : index
    %swap3A_1434 = vector.load %arg12[%swap3A_1431, %swap3A_1432, %swap3A_1433] : memref<8x50x256xf32, #tpu.memory_space<vmem>>, vector<1x50x256xf32>
    %swap3A_1435 = vector.shape_cast %swap3A_1434 : vector<1x50x256xf32> to vector<50x256xf32>
    %swap3A_1436 = vector.shape_cast %slice3A_1430 : vector<50x256xf32> to vector<1x50x256xf32>
    tpu.vector_store %arg12[%swap3A_1431, %swap3A_1432, %swap3A_1433], %swap3A_1436 {strides = array<i32>} : memref<8x50x256xf32, #tpu.memory_space<vmem>>, vector<1x50x256xf32>,
    %swap3A_1437 = arith.constant 5 : index
    %swap3A_1438 = arith.constant 0 : index
    %swap3A_1439 = arith.constant 0 : index
    %swap3A_1440 = vector.load %arg13[%swap3A_1437, %swap3A_1438, %swap3A_1439] : memref<8x1x1xf32, #tpu.memory_space<vmem>>, vector<1x1x1xf32>
    %swap3A_1441 = vector.shape_cast %swap3A_1440 : vector<1x1x1xf32> to vector<1x1xf32>
    %swap3A_1442 = vector.shape_cast %add3A : vector<1x1xf32> to vector<1x1x1xf32>
    tpu.vector_store %arg13[%swap3A_1437, %swap3A_1438, %swap3A_1439], %swap3A_1442 {strides = array<i32>} : memref<8x1x1xf32, #tpu.memory_space<vmem>>, vector<1x1x1xf32>,
    %get3A_1443 = arith.constant 6 : index
    %get3A_1444 = arith.constant 0 : index
    %get3A_1445 = arith.constant 0 : index
    %get3A_1446 = vector.load %arg1[%get3A_1443, %get3A_1444, %get3A_1445] : memref<8x512x256xf32, #tpu.memory_space<vmem>>, vector<1x512x256xf32>
    %get3A_1447 = vector.shape_cast %get3A_1446 : vector<1x512x256xf32> to vector<512x256xf32>
    %convert_element_type3A_1448 = arith.truncf %get3A_1447 : vector<512x256xf32> to vector<512x256xbf16>
    %get3A_1449 = arith.constant 6 : index
    %get3A_1450 = arith.constant 0 : index
    %get3A_1451 = arith.constant 0 : index
    %get3A_1452 = vector.load %arg2[%get3A_1449, %get3A_1450, %get3A_1451] : memref<8x64x256xf32, #tpu.memory_space<vmem>>, vector<1x64x256xf32>
    %get3A_1453 = vector.shape_cast %get3A_1452 : vector<1x64x256xf32> to vector<64x256xf32>
    %convert_element_type3A_1454 = arith.truncf %get3A_1453 : vector<64x256xf32> to vector<64x256xbf16>
    %get3A_1455 = arith.constant 6 : index
    %get3A_1456 = arith.constant 0 : index
    %get3A_1457 = vector.load %arg3[%get3A_1455, %get3A_1456] : memref<8x512xi32, #tpu.memory_space<vmem>>, vector<1x512xi32>
    %get3A_1458 = arith.constant 6 : index
    %get3A_1459 = arith.constant 0 : index
    %get3A_1460 = vector.load %arg4[%get3A_1458, %get3A_1459] : memref<8x512xi32, #tpu.memory_space<vmem>>, vector<1x512xi32>
    %ne3A_1461 = arith.constant 5 : i32
    %ne3A_1462 = vector.broadcast %ne3A_1461 : i32 to vector<1x512xi32>
    %ne3A_1463 = arith.cmpi ne, %get3A_1457, %ne3A_1462 : vector<1x512xi32>
    %ne3A_1464 = arith.constant 0 : i32
    %ne3A_1465 = vector.broadcast %ne3A_1464 : i32 to vector<1x512xi32>
    %ne3A_1466 = arith.cmpi ne, %get3A_1460, %ne3A_1465 : vector<1x512xi32>
    %and3A_1467 = arith.andi %ne3A_1463, %ne3A_1466 : vector<1x512xi1>
    %eq3A_1468 = arith.constant 1 : i32
    %eq3A_1469 = vector.broadcast %eq3A_1468 : i32 to vector<1x512xi32>
    %eq3A_1470 = arith.cmpi eq, %get3A_1457, %eq3A_1469 : vector<1x512xi32>
    %and3A_1471 = arith.andi %and3A_1467, %eq3A_1470 : vector<1x512xi1>
    %eq3A_1472 = vector.broadcast %get3A_1460 : vector<1x512xi32> to vector<64x512xi32>
    %eq3A_1473 = arith.cmpi eq, %eq3A_1472, %iota3A : vector<64x512xi32>
    %and3A_1474 = vector.broadcast %and3A_1467 : vector<1x512xi1> to vector<64x512xi1>
    %and3A_1475 = arith.andi %eq3A_1473, %and3A_1474 : vector<64x512xi1>
    %convert_element_type3A_1476 = arith.extui %and3A_1475 : vector<64x512xi1> to vector<64x512xi32>
    %convert_element_type3A_1477 = arith.sitofp %convert_element_type3A_1476 : vector<64x512xi32> to vector<64x512xf32>
    %reduce_max3A_1478 = arith.constant dense<0xFF800000> : vector<64xf32>
    %reduce_max3A_1479 = vector.multi_reduction <maximumf>, %convert_element_type3A_1477, %reduce_max3A_1478 [1] : vector<64x512xf32> to vector<64xf32>
    %broadcast_in_dim3A_1480 = vector.shape_cast %reduce_max3A_1479 : vector<64xf32> to vector<64x1xf32>
    %convert_element_type3A_1481 = arith.truncf %broadcast_in_dim3A_1480 : vector<64x1xf32> to vector<64x1xbf16>
    %dot_general3A_1482 = arith.constant dense<0.000000e+00> : vector<64x1xf32>
    %dot_general3A_1483 = tpu.matmul %convert_element_type3A_3, %convert_element_type3A_1481, %dot_general3A_1482 {dimension_numbers = #tpu.dot_dimension_numbers<[1], [0], [0], [1], [0, 0, 1, 1], [], []>, transpose_lhs_hint = false} : vector<64x64xbf16>, vector<64x1xbf16>, vector<64x1xf32> -> vector<64x1xf32>
    %reduce_sum3A_1484 = vector.shape_cast %broadcast_in_dim3A_1480 : vector<64x1xf32> to vector<1x64x1xf32>
    %reduce_sum3A_1485 = arith.constant dense<0.000000e+00> : vector<1xf32>
    %reduce_sum3A_1486 = vector.multi_reduction <add>, %reduce_sum3A_1484, %reduce_sum3A_1485 [1, 2] : vector<1x64x1xf32> to vector<1xf32>
    %reduce_sum3A_1487 = vector.shape_cast %reduce_sum3A_1486 : vector<1xf32> to vector<1x1x1xf32>
    %reduce_sum3A_1488 = vector.extract %reduce_sum3A_1487[0, 0, 0] : f32 from vector<1x1x1xf32>
    %mul3A_1489 = vector.broadcast %dot_general3A_1483 : vector<64x1xf32> to vector<64x512xf32>
    %mul3A_1490 = arith.mulf %convert_element_type3A_1477, %mul3A_1489 : vector<64x512xf32>
    %reduce_sum3A_1491 = arith.constant dense<0.000000e+00> : vector<512xf32>
    %reduce_sum3A_1492 = vector.multi_reduction <add>, %mul3A_1490, %reduce_sum3A_1491 [0] : vector<64x512xf32> to vector<512xf32>
    %broadcast_in_dim3A_1493 = vector.shape_cast %reduce_sum3A_1492 : vector<512xf32> to vector<1x512xf32>
    %eq3A_1494 = vector.broadcast %broadcast_in_dim3A_1493 : vector<1x512xf32> to vector<64x512xf32>
    %eq3A_1495 = arith.cmpf oeq, %eq3A_1494, %convert_element_type3A_5 : vector<64x512xf32>
    %and3A_1496 = vector.broadcast %and3A_1471 : vector<1x512xi1> to vector<64x512xi1>
    %and3A_1497 = arith.andi %eq3A_1495, %and3A_1496 : vector<64x512xi1>
    %convert_element_type3A_1498 = arith.extui %and3A_1497 : vector<64x512xi1> to vector<64x512xi32>
    %convert_element_type3A_1499 = arith.sitofp %convert_element_type3A_1498 : vector<64x512xi32> to vector<64x512xf32>
    %convert_element_type3A_1500 = arith.extui %and3A_1497 : vector<64x512xi1> to vector<64x512xi32>
    %convert_element_type3A_1501 = arith.sitofp %convert_element_type3A_1500 : vector<64x512xi32> to vector<64x512xf32>
    %convert_element_type3A_1502 = arith.truncf %convert_element_type3A_1501 : vector<64x512xf32> to vector<64x512xbf16>
    %transpose3A_1503 = tpu.transpose %convert_element_type3A_1499, [1, 0] : vector<64x512xf32> -> vector<512x64xf32>
    %gt3A_1504 = arith.constant 5.000000e-01 : f32
    %gt3A_1505 = vector.broadcast %gt3A_1504 : f32 to vector<512x64xf32>
    %gt3A_1506 = arith.cmpf ogt, %transpose3A_1503, %gt3A_1505 : vector<512x64xf32>
    %convert_element_type3A_1507 = arith.truncf %transpose3A_1503 : vector<512x64xf32> to vector<512x64xbf16>
    %reduce_sum3A_1508 = arith.constant dense<0.000000e+00> : vector<512xf32>
    %reduce_sum3A_1509 = vector.multi_reduction <add>, %transpose3A_1503, %reduce_sum3A_1508 [1] : vector<512x64xf32> to vector<512xf32>
    %broadcast_in_dim3A_1510 = vector.shape_cast %reduce_sum3A_1509 : vector<512xf32> to vector<512x1xf32>
    %dot_general3A_1511 = arith.constant dense<0.000000e+00> : vector<512x256xf32>
    %dot_general3A_1512 = tpu.matmul %convert_element_type3A_1448, %convert_element_type3A_82, %dot_general3A_1511 {dimension_numbers = #tpu.dot_dimension_numbers<[1], [0], [0], [1], [0, 0, 1, 1], [], []>, transpose_lhs_hint = false} : vector<512x256xbf16>, vector<256x256xbf16>, vector<512x256xf32> -> vector<512x256xf32>
    %dot_general3A_1513 = arith.constant dense<0.000000e+00> : vector<64x256xf32>
    %dot_general3A_1514 = tpu.matmul %convert_element_type3A_1454, %convert_element_type3A_86, %dot_general3A_1513 {dimension_numbers = #tpu.dot_dimension_numbers<[1], [0], [0], [1], [0, 0, 1, 1], [], []>, transpose_lhs_hint = false} : vector<64x256xbf16>, vector<256x256xbf16>, vector<64x256xf32> -> vector<64x256xf32>
    %dot_general3A_1515 = arith.constant dense<0.000000e+00> : vector<64x256xf32>
    %dot_general3A_1516 = tpu.matmul %convert_element_type3A_1454, %convert_element_type3A_90, %dot_general3A_1515 {dimension_numbers = #tpu.dot_dimension_numbers<[1], [0], [0], [1], [0, 0, 1, 1], [], []>, transpose_lhs_hint = false} : vector<64x256xbf16>, vector<256x256xbf16>, vector<64x256xf32> -> vector<64x256xf32>
    %mul3A_1517 = vector.broadcast %get3A_93 : vector<1x256xf32> to vector<512x256xf32>
    %mul3A_1518 = arith.mulf %dot_general3A_1512, %mul3A_1517 : vector<512x256xf32>
    %convert_element_type3A_1519 = arith.truncf %mul3A_1518 : vector<512x256xf32> to vector<512x256xbf16>
    %convert_element_type3A_1520 = arith.extf %convert_element_type3A_1519 : vector<512x256xbf16> to vector<512x256xf32>
    %sub3A_1521 = arith.subf %mul3A_1518, %convert_element_type3A_1520 : vector<512x256xf32>
    %convert_element_type3A_1522 = arith.truncf %sub3A_1521 : vector<512x256xf32> to vector<512x256xbf16>
    %dot_general3A_1523 = arith.constant dense<0.000000e+00> : vector<512x8xf32>
    %dot_general3A_1524 = tpu.matmul %convert_element_type3A_1519, %convert_element_type3A_42, %dot_general3A_1523 {dimension_numbers = #tpu.dot_dimension_numbers<[1], [0], [0], [1], [0, 0, 1, 1], [], []>, transpose_lhs_hint = false} : vector<512x256xbf16>, vector<256x8xbf16>, vector<512x8xf32> -> vector<512x8xf32>
    %dot_general3A_1525 = arith.constant dense<0.000000e+00> : vector<512x8xf32>
    %dot_general3A_1526 = tpu.matmul %convert_element_type3A_1522, %convert_element_type3A_42, %dot_general3A_1525 {dimension_numbers = #tpu.dot_dimension_numbers<[1], [0], [0], [1], [0, 0, 1, 1], [], []>, transpose_lhs_hint = false} : vector<512x256xbf16>, vector<256x8xbf16>, vector<512x8xf32> -> vector<512x8xf32>
    %add3A_1527 = arith.addf %dot_general3A_1524, %dot_general3A_1526 : vector<512x8xf32>
    %mul3A_1528 = vector.broadcast %get3A_96 : vector<1x256xf32> to vector<64x256xf32>
    %mul3A_1529 = arith.mulf %dot_general3A_1514, %mul3A_1528 : vector<64x256xf32>
    %convert_element_type3A_1530 = arith.truncf %mul3A_1529 : vector<64x256xf32> to vector<64x256xbf16>
    %convert_element_type3A_1531 = arith.extf %convert_element_type3A_1530 : vector<64x256xbf16> to vector<64x256xf32>
    %sub3A_1532 = arith.subf %mul3A_1529, %convert_element_type3A_1531 : vector<64x256xf32>
    %convert_element_type3A_1533 = arith.truncf %sub3A_1532 : vector<64x256xf32> to vector<64x256xbf16>
    %dot_general3A_1534 = arith.constant dense<0.000000e+00> : vector<64x8xf32>
    %dot_general3A_1535 = tpu.matmul %convert_element_type3A_1530, %convert_element_type3A_42, %dot_general3A_1534 {dimension_numbers = #tpu.dot_dimension_numbers<[1], [0], [0], [1], [0, 0, 1, 1], [], []>, transpose_lhs_hint = false} : vector<64x256xbf16>, vector<256x8xbf16>, vector<64x8xf32> -> vector<64x8xf32>
    %dot_general3A_1536 = arith.constant dense<0.000000e+00> : vector<64x8xf32>
    %dot_general3A_1537 = tpu.matmul %convert_element_type3A_1533, %convert_element_type3A_42, %dot_general3A_1536 {dimension_numbers = #tpu.dot_dimension_numbers<[1], [0], [0], [1], [0, 0, 1, 1], [], []>, transpose_lhs_hint = false} : vector<64x256xbf16>, vector<256x8xbf16>, vector<64x8xf32> -> vector<64x8xf32>
    %add3A_1538 = arith.addf %dot_general3A_1535, %dot_general3A_1537 : vector<64x8xf32>
    %convert_element_type3A_1539 = arith.truncf %add3A_1538 : vector<64x8xf32> to vector<64x8xbf16>
    %convert_element_type3A_1540 = arith.extf %convert_element_type3A_1539 : vector<64x8xbf16> to vector<64x8xf32>
    %sub3A_1541 = arith.subf %add3A_1538, %convert_element_type3A_1540 : vector<64x8xf32>
    %convert_element_type3A_1542 = arith.truncf %sub3A_1541 : vector<64x8xf32> to vector<64x8xbf16>
    %dot_general3A_1543 = arith.constant dense<0.000000e+00> : vector<512x8xf32>
    %dot_general3A_1544 = tpu.matmul %convert_element_type3A_1507, %convert_element_type3A_1539, %dot_general3A_1543 {dimension_numbers = #tpu.dot_dimension_numbers<[1], [0], [0], [1], [0, 0, 1, 1], [], []>, transpose_lhs_hint = false} : vector<512x64xbf16>, vector<64x8xbf16>, vector<512x8xf32> -> vector<512x8xf32>
    %dot_general3A_1545 = arith.constant dense<0.000000e+00> : vector<512x8xf32>
    %dot_general3A_1546 = tpu.matmul %convert_element_type3A_1507, %convert_element_type3A_1542, %dot_general3A_1545 {dimension_numbers = #tpu.dot_dimension_numbers<[1], [0], [0], [1], [0, 0, 1, 1], [], []>, transpose_lhs_hint = false} : vector<512x64xbf16>, vector<64x8xbf16>, vector<512x8xf32> -> vector<512x8xf32>
    %add3A_1547 = arith.addf %dot_general3A_1544, %dot_general3A_1546 : vector<512x8xf32>
    %add3A_1548 = arith.addf %add3A_1527, %add3A_1547 : vector<512x8xf32>
    %gt3A_1549 = arith.constant 0.000000e+00 : f32
    %gt3A_1550 = vector.broadcast %gt3A_1549 : f32 to vector<512x8xf32>
    %gt3A_1551 = arith.cmpf ogt, %add3A_1548, %gt3A_1550 : vector<512x8xf32>
    %mul3A_1552 = arith.constant 2.000000e-01 : f32
    %mul3A_1553 = vector.broadcast %mul3A_1552 : f32 to vector<512x8xf32>
    %mul3A_1554 = arith.mulf %mul3A_1553, %add3A_1548 : vector<512x8xf32>
    %select_n3A_1555 = arith.select %gt3A_1551, %add3A_1548, %mul3A_1554 : vector<512x8xi1>, vector<512x8xf32>
    %reduce_max3A_1556 = arith.constant dense<0xFF800000> : vector<512xf32>
    %reduce_max3A_1557 = vector.multi_reduction <maximumf>, %select_n3A_1555, %reduce_max3A_1556 [1] : vector<512x8xf32> to vector<512xf32>
    %broadcast_in_dim3A_1558 = vector.shape_cast %reduce_max3A_1557 : vector<512xf32> to vector<512x1xf32>
    %jit3A_1559 = arith.constant -1.000000e+30 : f32
    %broadcast_in_dim3A_1560 = vector.shape_cast %broadcast_in_dim3A_1558 : vector<512x1xf32> to vector<512x1xf32>
    %broadcast_in_dim3A_1561 = vector.broadcast %broadcast_in_dim3A_1560 : vector<512x1xf32> to vector<512x64xf32>
    %broadcast_in_dim3A_1562 = vector.broadcast %jit3A_1559 : f32 to vector<512x64xf32>
    %select_n3A_1563 = arith.select %gt3A_1506, %broadcast_in_dim3A_1561, %broadcast_in_dim3A_1562 : vector<512x64xi1>, vector<512x64xf32>
    %reduce_max3A_1564 = arith.constant dense<0xFF800000> : vector<64xf32>
    %reduce_max3A_1565 = vector.multi_reduction <maximumf>, %select_n3A_1563, %reduce_max3A_1564 [0] : vector<512x64xf32> to vector<64xf32>
    %broadcast_in_dim3A_1566 = vector.shape_cast %reduce_max3A_1565 : vector<64xf32> to vector<1x64xf32>
    %gt3A_1567 = arith.constant -1.000000e+29 : f32
    %gt3A_1568 = vector.broadcast %gt3A_1567 : f32 to vector<1x64xf32>
    %gt3A_1569 = arith.cmpf ogt, %broadcast_in_dim3A_1566, %gt3A_1568 : vector<1x64xf32>
    %jit3A_1570 = arith.constant 0.000000e+00 : f32
    %broadcast_in_dim3A_1571 = vector.broadcast %jit3A_1570 : f32 to vector<1x64xf32>
    %select_n3A_1572 = arith.select %gt3A_1569, %broadcast_in_dim3A_1566, %broadcast_in_dim3A_1571 : vector<1x64xi1>, vector<1x64xf32>
    %mul3A_1573 = vector.broadcast %select_n3A_1572 : vector<1x64xf32> to vector<512x64xf32>
    %mul3A_1574 = arith.mulf %transpose3A_1503, %mul3A_1573 : vector<512x64xf32>
    %reduce_sum3A_1575 = arith.constant dense<0.000000e+00> : vector<512xf32>
    %reduce_sum3A_1576 = vector.multi_reduction <add>, %mul3A_1574, %reduce_sum3A_1575 [1] : vector<512x64xf32> to vector<512xf32>
    %broadcast_in_dim3A_1577 = vector.shape_cast %reduce_sum3A_1576 : vector<512xf32> to vector<512x1xf32>
    %sub3A_1578 = vector.broadcast %broadcast_in_dim3A_1577 : vector<512x1xf32> to vector<512x8xf32>
    %sub3A_1579 = arith.subf %select_n3A_1555, %sub3A_1578 : vector<512x8xf32>
    %exp3A_1580 = math.exp %sub3A_1579 : vector<512x8xf32>
    %mul3A_1581 = vector.broadcast %broadcast_in_dim3A_1510 : vector<512x1xf32> to vector<512x8xf32>
    %mul3A_1582 = arith.mulf %exp3A_1580, %mul3A_1581 : vector<512x8xf32>
    %convert_element_type3A_1583 = arith.truncf %mul3A_1582 : vector<512x8xf32> to vector<512x8xbf16>
    %convert_element_type3A_1584 = arith.extf %convert_element_type3A_1583 : vector<512x8xbf16> to vector<512x8xf32>
    %sub3A_1585 = arith.subf %mul3A_1582, %convert_element_type3A_1584 : vector<512x8xf32>
    %convert_element_type3A_1586 = arith.truncf %sub3A_1585 : vector<512x8xf32> to vector<512x8xbf16>
    %dot_general3A_1587 = arith.constant dense<0.000000e+00> : vector<64x8xf32>
    %dot_general3A_1588 = tpu.matmul %convert_element_type3A_1502, %convert_element_type3A_1583, %dot_general3A_1587 {dimension_numbers = #tpu.dot_dimension_numbers<[1], [0], [0], [1], [0, 0, 1, 1], [], []>, transpose_lhs_hint = false} : vector<64x512xbf16>, vector<512x8xbf16>, vector<64x8xf32> -> vector<64x8xf32>
    %dot_general3A_1589 = arith.constant dense<0.000000e+00> : vector<64x8xf32>
    %dot_general3A_1590 = tpu.matmul %convert_element_type3A_1502, %convert_element_type3A_1586, %dot_general3A_1589 {dimension_numbers = #tpu.dot_dimension_numbers<[1], [0], [0], [1], [0, 0, 1, 1], [], []>, transpose_lhs_hint = false} : vector<64x512xbf16>, vector<512x8xbf16>, vector<64x8xf32> -> vector<64x8xf32>
    %add3A_1591 = arith.addf %dot_general3A_1588, %dot_general3A_1590 : vector<64x8xf32>
    %convert_element_type3A_1592 = arith.truncf %mul3A_1582 : vector<512x8xf32> to vector<512x8xbf16>
    %convert_element_type3A_1593 = arith.extf %convert_element_type3A_1592 : vector<512x8xbf16> to vector<512x8xf32>
    %sub3A_1594 = arith.subf %mul3A_1582, %convert_element_type3A_1593 : vector<512x8xf32>
    %convert_element_type3A_1595 = arith.truncf %sub3A_1594 : vector<512x8xf32> to vector<512x8xbf16>
    %dot_general3A_1596 = arith.constant dense<0.000000e+00> : vector<512x256xf32>
    %dot_general3A_1597 = tpu.matmul %convert_element_type3A_1592, %convert_element_type3A_79, %dot_general3A_1596 {dimension_numbers = #tpu.dot_dimension_numbers<[1], [0], [0], [1], [0, 0, 1, 1], [], []>, transpose_lhs_hint = false} : vector<512x8xbf16>, vector<8x256xbf16>, vector<512x256xf32> -> vector<512x256xf32>
    %dot_general3A_1598 = arith.constant dense<0.000000e+00> : vector<512x256xf32>
    %dot_general3A_1599 = tpu.matmul %convert_element_type3A_1595, %convert_element_type3A_79, %dot_general3A_1598 {dimension_numbers = #tpu.dot_dimension_numbers<[1], [0], [0], [1], [0, 0, 1, 1], [], []>, transpose_lhs_hint = false} : vector<512x8xbf16>, vector<8x256xbf16>, vector<512x256xf32> -> vector<512x256xf32>
    %add3A_1600 = arith.addf %dot_general3A_1597, %dot_general3A_1599 : vector<512x256xf32>
    %mul3A_1601 = arith.mulf %add3A_1600, %dot_general3A_1512 : vector<512x256xf32>
    %convert_element_type3A_1602 = arith.truncf %mul3A_1601 : vector<512x256xf32> to vector<512x256xbf16>
    %convert_element_type3A_1603 = arith.extf %convert_element_type3A_1602 : vector<512x256xbf16> to vector<512x256xf32>
    %sub3A_1604 = arith.subf %mul3A_1601, %convert_element_type3A_1603 : vector<512x256xf32>
    %convert_element_type3A_1605 = arith.truncf %sub3A_1604 : vector<512x256xf32> to vector<512x256xbf16>
    %dot_general3A_1606 = arith.constant dense<0.000000e+00> : vector<64x256xf32>
    %dot_general3A_1607 = tpu.matmul %convert_element_type3A_1502, %convert_element_type3A_1602, %dot_general3A_1606 {dimension_numbers = #tpu.dot_dimension_numbers<[1], [0], [0], [1], [0, 0, 1, 1], [], []>, transpose_lhs_hint = false} : vector<64x512xbf16>, vector<512x256xbf16>, vector<64x256xf32> -> vector<64x256xf32>
    %dot_general3A_1608 = arith.constant dense<0.000000e+00> : vector<64x256xf32>
    %dot_general3A_1609 = tpu.matmul %convert_element_type3A_1502, %convert_element_type3A_1605, %dot_general3A_1608 {dimension_numbers = #tpu.dot_dimension_numbers<[1], [0], [0], [1], [0, 0, 1, 1], [], []>, transpose_lhs_hint = false} : vector<64x512xbf16>, vector<512x256xbf16>, vector<64x256xf32> -> vector<64x256xf32>
    %add3A_1610 = arith.addf %dot_general3A_1607, %dot_general3A_1609 : vector<64x256xf32>
    %convert_element_type3A_1611 = arith.truncf %add3A_1591 : vector<64x8xf32> to vector<64x8xbf16>
    %convert_element_type3A_1612 = arith.extf %convert_element_type3A_1611 : vector<64x8xbf16> to vector<64x8xf32>
    %sub3A_1613 = arith.subf %add3A_1591, %convert_element_type3A_1612 : vector<64x8xf32>
    %convert_element_type3A_1614 = arith.truncf %sub3A_1613 : vector<64x8xf32> to vector<64x8xbf16>
    %dot_general3A_1615 = arith.constant dense<0.000000e+00> : vector<64x256xf32>
    %dot_general3A_1616 = tpu.matmul %convert_element_type3A_1611, %convert_element_type3A_79, %dot_general3A_1615 {dimension_numbers = #tpu.dot_dimension_numbers<[1], [0], [0], [1], [0, 0, 1, 1], [], []>, transpose_lhs_hint = false} : vector<64x8xbf16>, vector<8x256xbf16>, vector<64x256xf32> -> vector<64x256xf32>
    %dot_general3A_1617 = arith.constant dense<0.000000e+00> : vector<64x256xf32>
    %dot_general3A_1618 = tpu.matmul %convert_element_type3A_1614, %convert_element_type3A_79, %dot_general3A_1617 {dimension_numbers = #tpu.dot_dimension_numbers<[1], [0], [0], [1], [0, 0, 1, 1], [], []>, transpose_lhs_hint = false} : vector<64x8xbf16>, vector<8x256xbf16>, vector<64x256xf32> -> vector<64x256xf32>
    %add3A_1619 = arith.addf %dot_general3A_1616, %dot_general3A_1618 : vector<64x256xf32>
    %max3A_1620 = arith.constant 9.99999971E-10 : f32
    %max3A_1621 = vector.broadcast %max3A_1620 : f32 to vector<64x256xf32>
    %max3A_1622 = arith.maximumf %add3A_1619, %max3A_1621 : vector<64x256xf32>
    %div3A_1623 = arith.divf %add3A_1610, %max3A_1622 : vector<64x256xf32>
    %lt3A_1624 = vector.broadcast %reduce_sum3A_1488 : f32 to vector<64x64xf32>
    %lt3A_1625 = arith.cmpf olt, %convert_element_type3A_10, %lt3A_1624 : vector<64x64xf32>
    %and3A_1626 = arith.andi %eq3A, %lt3A_1625 : vector<64x64xi1>
    %convert_element_type3A_1627 = arith.extui %and3A_1626 : vector<64x64xi1> to vector<64x64xi32>
    %convert_element_type3A_1628 = arith.sitofp %convert_element_type3A_1627 : vector<64x64xi32> to vector<64x64xf32>
    %convert_element_type3A_1629 = arith.truncf %convert_element_type3A_1628 : vector<64x64xf32> to vector<64x64xbf16>
    %convert_element_type3A_1630 = arith.truncf %dot_general3A_1516 : vector<64x256xf32> to vector<64x256xbf16>
    %convert_element_type3A_1631 = arith.extf %convert_element_type3A_1630 : vector<64x256xbf16> to vector<64x256xf32>
    %sub3A_1632 = arith.subf %dot_general3A_1516, %convert_element_type3A_1631 : vector<64x256xf32>
    %convert_element_type3A_1633 = arith.truncf %sub3A_1632 : vector<64x256xf32> to vector<64x256xbf16>
    %dot_general3A_1634 = arith.constant dense<0.000000e+00> : vector<64x256xf32>
    %dot_general3A_1635 = tpu.matmul %convert_element_type3A_1629, %convert_element_type3A_1630, %dot_general3A_1634 {dimension_numbers = #tpu.dot_dimension_numbers<[1], [0], [0], [1], [0, 0, 1, 1], [], []>, transpose_lhs_hint = false} : vector<64x64xbf16>, vector<64x256xbf16>, vector<64x256xf32> -> vector<64x256xf32>
    %dot_general3A_1636 = arith.constant dense<0.000000e+00> : vector<64x256xf32>
    %dot_general3A_1637 = tpu.matmul %convert_element_type3A_1629, %convert_element_type3A_1633, %dot_general3A_1636 {dimension_numbers = #tpu.dot_dimension_numbers<[1], [0], [0], [1], [0, 0, 1, 1], [], []>, transpose_lhs_hint = false} : vector<64x64xbf16>, vector<64x256xbf16>, vector<64x256xf32> -> vector<64x256xf32>
    %add3A_1638 = arith.addf %dot_general3A_1635, %dot_general3A_1637 : vector<64x256xf32>
    %add3A_1639 = arith.addf %div3A_1623, %add3A_1638 : vector<64x256xf32>
    %add3A_1640 = arith.addf %add3A_1639, %dot_general3A_1514 : vector<64x256xf32>
    %gt3A_1641 = arith.constant 0.000000e+00 : f32
    %gt3A_1642 = vector.broadcast %gt3A_1641 : f32 to vector<64x256xf32>
    %gt3A_1643 = arith.cmpf ogt, %add3A_1640, %gt3A_1642 : vector<64x256xf32>
    %exp3A_1644 = math.exp %add3A_1640 : vector<64x256xf32>
    %sub3A_1645 = arith.constant 1.000000e+00 : f32
    %sub3A_1646 = vector.broadcast %sub3A_1645 : f32 to vector<64x256xf32>
    %sub3A_1647 = arith.subf %exp3A_1644, %sub3A_1646 : vector<64x256xf32>
    %select_n3A_1648 = arith.select %gt3A_1643, %add3A_1640, %sub3A_1647 : vector<64x256xi1>, vector<64x256xf32>
    %lt3A_1649 = vector.broadcast %reduce_sum3A_1488 : f32 to vector<64x256xf32>
    %lt3A_1650 = arith.cmpf olt, %convert_element_type3A_12, %lt3A_1649 : vector<64x256xf32>
    %jit3A_1651 = arith.constant 0.000000e+00 : f32
    %broadcast_in_dim3A_1652 = vector.broadcast %jit3A_1651 : f32 to vector<64x256xf32>
    %select_n3A_1653 = arith.select %lt3A_1650, %select_n3A_1648, %broadcast_in_dim3A_1652 : vector<64x256xi1>, vector<64x256xf32>
    %slice3A_1654 = vector.extract_strided_slice %select_n3A_1653 {offsets = [0, 0], sizes = [50, 256], strides = [1, 1]} : vector<64x256xf32> to vector<50x256xf32>
    %swap3A_1655 = arith.constant 6 : index
    %swap3A_1656 = arith.constant 0 : index
    %swap3A_1657 = arith.constant 0 : index
    %swap3A_1658 = vector.load %arg12[%swap3A_1655, %swap3A_1656, %swap3A_1657] : memref<8x50x256xf32, #tpu.memory_space<vmem>>, vector<1x50x256xf32>
    %swap3A_1659 = vector.shape_cast %swap3A_1658 : vector<1x50x256xf32> to vector<50x256xf32>
    %swap3A_1660 = vector.shape_cast %slice3A_1654 : vector<50x256xf32> to vector<1x50x256xf32>
    tpu.vector_store %arg12[%swap3A_1655, %swap3A_1656, %swap3A_1657], %swap3A_1660 {strides = array<i32>} : memref<8x50x256xf32, #tpu.memory_space<vmem>>, vector<1x50x256xf32>,
    %swap3A_1661 = arith.constant 6 : index
    %swap3A_1662 = arith.constant 0 : index
    %swap3A_1663 = arith.constant 0 : index
    %swap3A_1664 = vector.load %arg13[%swap3A_1661, %swap3A_1662, %swap3A_1663] : memref<8x1x1xf32, #tpu.memory_space<vmem>>, vector<1x1x1xf32>
    %swap3A_1665 = vector.shape_cast %swap3A_1664 : vector<1x1x1xf32> to vector<1x1xf32>
    %swap3A_1666 = vector.shape_cast %add3A : vector<1x1xf32> to vector<1x1x1xf32>
    tpu.vector_store %arg13[%swap3A_1661, %swap3A_1662, %swap3A_1663], %swap3A_1666 {strides = array<i32>} : memref<8x1x1xf32, #tpu.memory_space<vmem>>, vector<1x1x1xf32>,
    %get3A_1667 = arith.constant 7 : index
    %get3A_1668 = arith.constant 0 : index
    %get3A_1669 = arith.constant 0 : index
    %get3A_1670 = vector.load %arg1[%get3A_1667, %get3A_1668, %get3A_1669] : memref<8x512x256xf32, #tpu.memory_space<vmem>>, vector<1x512x256xf32>
    %get3A_1671 = vector.shape_cast %get3A_1670 : vector<1x512x256xf32> to vector<512x256xf32>
    %convert_element_type3A_1672 = arith.truncf %get3A_1671 : vector<512x256xf32> to vector<512x256xbf16>
    %get3A_1673 = arith.constant 7 : index
    %get3A_1674 = arith.constant 0 : index
    %get3A_1675 = arith.constant 0 : index
    %get3A_1676 = vector.load %arg2[%get3A_1673, %get3A_1674, %get3A_1675] : memref<8x64x256xf32, #tpu.memory_space<vmem>>, vector<1x64x256xf32>
    %get3A_1677 = vector.shape_cast %get3A_1676 : vector<1x64x256xf32> to vector<64x256xf32>
    %convert_element_type3A_1678 = arith.truncf %get3A_1677 : vector<64x256xf32> to vector<64x256xbf16>
    %get3A_1679 = arith.constant 7 : index
    %get3A_1680 = arith.constant 0 : index
    %get3A_1681 = vector.load %arg3[%get3A_1679, %get3A_1680] : memref<8x512xi32, #tpu.memory_space<vmem>>, vector<1x512xi32>
    %get3A_1682 = arith.constant 7 : index
    %get3A_1683 = arith.constant 0 : index
    %get3A_1684 = vector.load %arg4[%get3A_1682, %get3A_1683] : memref<8x512xi32, #tpu.memory_space<vmem>>, vector<1x512xi32>
    %ne3A_1685 = arith.constant 5 : i32
    %ne3A_1686 = vector.broadcast %ne3A_1685 : i32 to vector<1x512xi32>
    %ne3A_1687 = arith.cmpi ne, %get3A_1681, %ne3A_1686 : vector<1x512xi32>
    %ne3A_1688 = arith.constant 0 : i32
    %ne3A_1689 = vector.broadcast %ne3A_1688 : i32 to vector<1x512xi32>
    %ne3A_1690 = arith.cmpi ne, %get3A_1684, %ne3A_1689 : vector<1x512xi32>
    %and3A_1691 = arith.andi %ne3A_1687, %ne3A_1690 : vector<1x512xi1>
    %eq3A_1692 = arith.constant 1 : i32
    %eq3A_1693 = vector.broadcast %eq3A_1692 : i32 to vector<1x512xi32>
    %eq3A_1694 = arith.cmpi eq, %get3A_1681, %eq3A_1693 : vector<1x512xi32>
    %and3A_1695 = arith.andi %and3A_1691, %eq3A_1694 : vector<1x512xi1>
    %eq3A_1696 = vector.broadcast %get3A_1684 : vector<1x512xi32> to vector<64x512xi32>
    %eq3A_1697 = arith.cmpi eq, %eq3A_1696, %iota3A : vector<64x512xi32>
    %and3A_1698 = vector.broadcast %and3A_1691 : vector<1x512xi1> to vector<64x512xi1>
    %and3A_1699 = arith.andi %eq3A_1697, %and3A_1698 : vector<64x512xi1>
    %convert_element_type3A_1700 = arith.extui %and3A_1699 : vector<64x512xi1> to vector<64x512xi32>
    %convert_element_type3A_1701 = arith.sitofp %convert_element_type3A_1700 : vector<64x512xi32> to vector<64x512xf32>
    %reduce_max3A_1702 = arith.constant dense<0xFF800000> : vector<64xf32>
    %reduce_max3A_1703 = vector.multi_reduction <maximumf>, %convert_element_type3A_1701, %reduce_max3A_1702 [1] : vector<64x512xf32> to vector<64xf32>
    %broadcast_in_dim3A_1704 = vector.shape_cast %reduce_max3A_1703 : vector<64xf32> to vector<64x1xf32>
    %convert_element_type3A_1705 = arith.truncf %broadcast_in_dim3A_1704 : vector<64x1xf32> to vector<64x1xbf16>
    %dot_general3A_1706 = arith.constant dense<0.000000e+00> : vector<64x1xf32>
    %dot_general3A_1707 = tpu.matmul %convert_element_type3A_3, %convert_element_type3A_1705, %dot_general3A_1706 {dimension_numbers = #tpu.dot_dimension_numbers<[1], [0], [0], [1], [0, 0, 1, 1], [], []>, transpose_lhs_hint = false} : vector<64x64xbf16>, vector<64x1xbf16>, vector<64x1xf32> -> vector<64x1xf32>
    %reduce_sum3A_1708 = vector.shape_cast %broadcast_in_dim3A_1704 : vector<64x1xf32> to vector<1x64x1xf32>
    %reduce_sum3A_1709 = arith.constant dense<0.000000e+00> : vector<1xf32>
    %reduce_sum3A_1710 = vector.multi_reduction <add>, %reduce_sum3A_1708, %reduce_sum3A_1709 [1, 2] : vector<1x64x1xf32> to vector<1xf32>
    %reduce_sum3A_1711 = vector.shape_cast %reduce_sum3A_1710 : vector<1xf32> to vector<1x1x1xf32>
    %reduce_sum3A_1712 = vector.extract %reduce_sum3A_1711[0, 0, 0] : f32 from vector<1x1x1xf32>
    %mul3A_1713 = vector.broadcast %dot_general3A_1707 : vector<64x1xf32> to vector<64x512xf32>
    %mul3A_1714 = arith.mulf %convert_element_type3A_1701, %mul3A_1713 : vector<64x512xf32>
    %reduce_sum3A_1715 = arith.constant dense<0.000000e+00> : vector<512xf32>
    %reduce_sum3A_1716 = vector.multi_reduction <add>, %mul3A_1714, %reduce_sum3A_1715 [0] : vector<64x512xf32> to vector<512xf32>
    %broadcast_in_dim3A_1717 = vector.shape_cast %reduce_sum3A_1716 : vector<512xf32> to vector<1x512xf32>
    %eq3A_1718 = vector.broadcast %broadcast_in_dim3A_1717 : vector<1x512xf32> to vector<64x512xf32>
    %eq3A_1719 = arith.cmpf oeq, %eq3A_1718, %convert_element_type3A_5 : vector<64x512xf32>
    %and3A_1720 = vector.broadcast %and3A_1695 : vector<1x512xi1> to vector<64x512xi1>
    %and3A_1721 = arith.andi %eq3A_1719, %and3A_1720 : vector<64x512xi1>
    %convert_element_type3A_1722 = arith.extui %and3A_1721 : vector<64x512xi1> to vector<64x512xi32>
    %convert_element_type3A_1723 = arith.sitofp %convert_element_type3A_1722 : vector<64x512xi32> to vector<64x512xf32>
    %convert_element_type3A_1724 = arith.extui %and3A_1721 : vector<64x512xi1> to vector<64x512xi32>
    %convert_element_type3A_1725 = arith.sitofp %convert_element_type3A_1724 : vector<64x512xi32> to vector<64x512xf32>
    %convert_element_type3A_1726 = arith.truncf %convert_element_type3A_1725 : vector<64x512xf32> to vector<64x512xbf16>
    %transpose3A_1727 = tpu.transpose %convert_element_type3A_1723, [1, 0] : vector<64x512xf32> -> vector<512x64xf32>
    %gt3A_1728 = arith.constant 5.000000e-01 : f32
    %gt3A_1729 = vector.broadcast %gt3A_1728 : f32 to vector<512x64xf32>
    %gt3A_1730 = arith.cmpf ogt, %transpose3A_1727, %gt3A_1729 : vector<512x64xf32>
    %convert_element_type3A_1731 = arith.truncf %transpose3A_1727 : vector<512x64xf32> to vector<512x64xbf16>
    %reduce_sum3A_1732 = arith.constant dense<0.000000e+00> : vector<512xf32>
    %reduce_sum3A_1733 = vector.multi_reduction <add>, %transpose3A_1727, %reduce_sum3A_1732 [1] : vector<512x64xf32> to vector<512xf32>
    %broadcast_in_dim3A_1734 = vector.shape_cast %reduce_sum3A_1733 : vector<512xf32> to vector<512x1xf32>
    %dot_general3A_1735 = arith.constant dense<0.000000e+00> : vector<512x256xf32>
    %dot_general3A_1736 = tpu.matmul %convert_element_type3A_1672, %convert_element_type3A_82, %dot_general3A_1735 {dimension_numbers = #tpu.dot_dimension_numbers<[1], [0], [0], [1], [0, 0, 1, 1], [], []>, transpose_lhs_hint = false} : vector<512x256xbf16>, vector<256x256xbf16>, vector<512x256xf32> -> vector<512x256xf32>
    %dot_general3A_1737 = arith.constant dense<0.000000e+00> : vector<64x256xf32>
    %dot_general3A_1738 = tpu.matmul %convert_element_type3A_1678, %convert_element_type3A_86, %dot_general3A_1737 {dimension_numbers = #tpu.dot_dimension_numbers<[1], [0], [0], [1], [0, 0, 1, 1], [], []>, transpose_lhs_hint = false} : vector<64x256xbf16>, vector<256x256xbf16>, vector<64x256xf32> -> vector<64x256xf32>
    %dot_general3A_1739 = arith.constant dense<0.000000e+00> : vector<64x256xf32>
    %dot_general3A_1740 = tpu.matmul %convert_element_type3A_1678, %convert_element_type3A_90, %dot_general3A_1739 {dimension_numbers = #tpu.dot_dimension_numbers<[1], [0], [0], [1], [0, 0, 1, 1], [], []>, transpose_lhs_hint = false} : vector<64x256xbf16>, vector<256x256xbf16>, vector<64x256xf32> -> vector<64x256xf32>
    %mul3A_1741 = vector.broadcast %get3A_93 : vector<1x256xf32> to vector<512x256xf32>
    %mul3A_1742 = arith.mulf %dot_general3A_1736, %mul3A_1741 : vector<512x256xf32>
    %convert_element_type3A_1743 = arith.truncf %mul3A_1742 : vector<512x256xf32> to vector<512x256xbf16>
    %convert_element_type3A_1744 = arith.extf %convert_element_type3A_1743 : vector<512x256xbf16> to vector<512x256xf32>
    %sub3A_1745 = arith.subf %mul3A_1742, %convert_element_type3A_1744 : vector<512x256xf32>
    %convert_element_type3A_1746 = arith.truncf %sub3A_1745 : vector<512x256xf32> to vector<512x256xbf16>
    %dot_general3A_1747 = arith.constant dense<0.000000e+00> : vector<512x8xf32>
    %dot_general3A_1748 = tpu.matmul %convert_element_type3A_1743, %convert_element_type3A_42, %dot_general3A_1747 {dimension_numbers = #tpu.dot_dimension_numbers<[1], [0], [0], [1], [0, 0, 1, 1], [], []>, transpose_lhs_hint = false} : vector<512x256xbf16>, vector<256x8xbf16>, vector<512x8xf32> -> vector<512x8xf32>
    %dot_general3A_1749 = arith.constant dense<0.000000e+00> : vector<512x8xf32>
    %dot_general3A_1750 = tpu.matmul %convert_element_type3A_1746, %convert_element_type3A_42, %dot_general3A_1749 {dimension_numbers = #tpu.dot_dimension_numbers<[1], [0], [0], [1], [0, 0, 1, 1], [], []>, transpose_lhs_hint = false} : vector<512x256xbf16>, vector<256x8xbf16>, vector<512x8xf32> -> vector<512x8xf32>
    %add3A_1751 = arith.addf %dot_general3A_1748, %dot_general3A_1750 : vector<512x8xf32>
    %mul3A_1752 = vector.broadcast %get3A_96 : vector<1x256xf32> to vector<64x256xf32>
    %mul3A_1753 = arith.mulf %dot_general3A_1738, %mul3A_1752 : vector<64x256xf32>
    %convert_element_type3A_1754 = arith.truncf %mul3A_1753 : vector<64x256xf32> to vector<64x256xbf16>
    %convert_element_type3A_1755 = arith.extf %convert_element_type3A_1754 : vector<64x256xbf16> to vector<64x256xf32>
    %sub3A_1756 = arith.subf %mul3A_1753, %convert_element_type3A_1755 : vector<64x256xf32>
    %convert_element_type3A_1757 = arith.truncf %sub3A_1756 : vector<64x256xf32> to vector<64x256xbf16>
    %dot_general3A_1758 = arith.constant dense<0.000000e+00> : vector<64x8xf32>
    %dot_general3A_1759 = tpu.matmul %convert_element_type3A_1754, %convert_element_type3A_42, %dot_general3A_1758 {dimension_numbers = #tpu.dot_dimension_numbers<[1], [0], [0], [1], [0, 0, 1, 1], [], []>, transpose_lhs_hint = false} : vector<64x256xbf16>, vector<256x8xbf16>, vector<64x8xf32> -> vector<64x8xf32>
    %dot_general3A_1760 = arith.constant dense<0.000000e+00> : vector<64x8xf32>
    %dot_general3A_1761 = tpu.matmul %convert_element_type3A_1757, %convert_element_type3A_42, %dot_general3A_1760 {dimension_numbers = #tpu.dot_dimension_numbers<[1], [0], [0], [1], [0, 0, 1, 1], [], []>, transpose_lhs_hint = false} : vector<64x256xbf16>, vector<256x8xbf16>, vector<64x8xf32> -> vector<64x8xf32>
    %add3A_1762 = arith.addf %dot_general3A_1759, %dot_general3A_1761 : vector<64x8xf32>
    %convert_element_type3A_1763 = arith.truncf %add3A_1762 : vector<64x8xf32> to vector<64x8xbf16>
    %convert_element_type3A_1764 = arith.extf %convert_element_type3A_1763 : vector<64x8xbf16> to vector<64x8xf32>
    %sub3A_1765 = arith.subf %add3A_1762, %convert_element_type3A_1764 : vector<64x8xf32>
    %convert_element_type3A_1766 = arith.truncf %sub3A_1765 : vector<64x8xf32> to vector<64x8xbf16>
    %dot_general3A_1767 = arith.constant dense<0.000000e+00> : vector<512x8xf32>
    %dot_general3A_1768 = tpu.matmul %convert_element_type3A_1731, %convert_element_type3A_1763, %dot_general3A_1767 {dimension_numbers = #tpu.dot_dimension_numbers<[1], [0], [0], [1], [0, 0, 1, 1], [], []>, transpose_lhs_hint = false} : vector<512x64xbf16>, vector<64x8xbf16>, vector<512x8xf32> -> vector<512x8xf32>
    %dot_general3A_1769 = arith.constant dense<0.000000e+00> : vector<512x8xf32>
    %dot_general3A_1770 = tpu.matmul %convert_element_type3A_1731, %convert_element_type3A_1766, %dot_general3A_1769 {dimension_numbers = #tpu.dot_dimension_numbers<[1], [0], [0], [1], [0, 0, 1, 1], [], []>, transpose_lhs_hint = false} : vector<512x64xbf16>, vector<64x8xbf16>, vector<512x8xf32> -> vector<512x8xf32>
    %add3A_1771 = arith.addf %dot_general3A_1768, %dot_general3A_1770 : vector<512x8xf32>
    %add3A_1772 = arith.addf %add3A_1751, %add3A_1771 : vector<512x8xf32>
    %gt3A_1773 = arith.constant 0.000000e+00 : f32
    %gt3A_1774 = vector.broadcast %gt3A_1773 : f32 to vector<512x8xf32>
    %gt3A_1775 = arith.cmpf ogt, %add3A_1772, %gt3A_1774 : vector<512x8xf32>
    %mul3A_1776 = arith.constant 2.000000e-01 : f32
    %mul3A_1777 = vector.broadcast %mul3A_1776 : f32 to vector<512x8xf32>
    %mul3A_1778 = arith.mulf %mul3A_1777, %add3A_1772 : vector<512x8xf32>
    %select_n3A_1779 = arith.select %gt3A_1775, %add3A_1772, %mul3A_1778 : vector<512x8xi1>, vector<512x8xf32>
    %reduce_max3A_1780 = arith.constant dense<0xFF800000> : vector<512xf32>
    %reduce_max3A_1781 = vector.multi_reduction <maximumf>, %select_n3A_1779, %reduce_max3A_1780 [1] : vector<512x8xf32> to vector<512xf32>
    %broadcast_in_dim3A_1782 = vector.shape_cast %reduce_max3A_1781 : vector<512xf32> to vector<512x1xf32>
    %jit3A_1783 = arith.constant -1.000000e+30 : f32
    %broadcast_in_dim3A_1784 = vector.shape_cast %broadcast_in_dim3A_1782 : vector<512x1xf32> to vector<512x1xf32>
    %broadcast_in_dim3A_1785 = vector.broadcast %broadcast_in_dim3A_1784 : vector<512x1xf32> to vector<512x64xf32>
    %broadcast_in_dim3A_1786 = vector.broadcast %jit3A_1783 : f32 to vector<512x64xf32>
    %select_n3A_1787 = arith.select %gt3A_1730, %broadcast_in_dim3A_1785, %broadcast_in_dim3A_1786 : vector<512x64xi1>, vector<512x64xf32>
    %reduce_max3A_1788 = arith.constant dense<0xFF800000> : vector<64xf32>
    %reduce_max3A_1789 = vector.multi_reduction <maximumf>, %select_n3A_1787, %reduce_max3A_1788 [0] : vector<512x64xf32> to vector<64xf32>
    %broadcast_in_dim3A_1790 = vector.shape_cast %reduce_max3A_1789 : vector<64xf32> to vector<1x64xf32>
    %gt3A_1791 = arith.constant -1.000000e+29 : f32
    %gt3A_1792 = vector.broadcast %gt3A_1791 : f32 to vector<1x64xf32>
    %gt3A_1793 = arith.cmpf ogt, %broadcast_in_dim3A_1790, %gt3A_1792 : vector<1x64xf32>
    %jit3A_1794 = arith.constant 0.000000e+00 : f32
    %broadcast_in_dim3A_1795 = vector.broadcast %jit3A_1794 : f32 to vector<1x64xf32>
    %select_n3A_1796 = arith.select %gt3A_1793, %broadcast_in_dim3A_1790, %broadcast_in_dim3A_1795 : vector<1x64xi1>, vector<1x64xf32>
    %mul3A_1797 = vector.broadcast %select_n3A_1796 : vector<1x64xf32> to vector<512x64xf32>
    %mul3A_1798 = arith.mulf %transpose3A_1727, %mul3A_1797 : vector<512x64xf32>
    %reduce_sum3A_1799 = arith.constant dense<0.000000e+00> : vector<512xf32>
    %reduce_sum3A_1800 = vector.multi_reduction <add>, %mul3A_1798, %reduce_sum3A_1799 [1] : vector<512x64xf32> to vector<512xf32>
    %broadcast_in_dim3A_1801 = vector.shape_cast %reduce_sum3A_1800 : vector<512xf32> to vector<512x1xf32>
    %sub3A_1802 = vector.broadcast %broadcast_in_dim3A_1801 : vector<512x1xf32> to vector<512x8xf32>
    %sub3A_1803 = arith.subf %select_n3A_1779, %sub3A_1802 : vector<512x8xf32>
    %exp3A_1804 = math.exp %sub3A_1803 : vector<512x8xf32>
    %mul3A_1805 = vector.broadcast %broadcast_in_dim3A_1734 : vector<512x1xf32> to vector<512x8xf32>
    %mul3A_1806 = arith.mulf %exp3A_1804, %mul3A_1805 : vector<512x8xf32>
    %convert_element_type3A_1807 = arith.truncf %mul3A_1806 : vector<512x8xf32> to vector<512x8xbf16>
    %convert_element_type3A_1808 = arith.extf %convert_element_type3A_1807 : vector<512x8xbf16> to vector<512x8xf32>
    %sub3A_1809 = arith.subf %mul3A_1806, %convert_element_type3A_1808 : vector<512x8xf32>
    %convert_element_type3A_1810 = arith.truncf %sub3A_1809 : vector<512x8xf32> to vector<512x8xbf16>
    %dot_general3A_1811 = arith.constant dense<0.000000e+00> : vector<64x8xf32>
    %dot_general3A_1812 = tpu.matmul %convert_element_type3A_1726, %convert_element_type3A_1807, %dot_general3A_1811 {dimension_numbers = #tpu.dot_dimension_numbers<[1], [0], [0], [1], [0, 0, 1, 1], [], []>, transpose_lhs_hint = false} : vector<64x512xbf16>, vector<512x8xbf16>, vector<64x8xf32> -> vector<64x8xf32>
    %dot_general3A_1813 = arith.constant dense<0.000000e+00> : vector<64x8xf32>
    %dot_general3A_1814 = tpu.matmul %convert_element_type3A_1726, %convert_element_type3A_1810, %dot_general3A_1813 {dimension_numbers = #tpu.dot_dimension_numbers<[1], [0], [0], [1], [0, 0, 1, 1], [], []>, transpose_lhs_hint = false} : vector<64x512xbf16>, vector<512x8xbf16>, vector<64x8xf32> -> vector<64x8xf32>
    %add3A_1815 = arith.addf %dot_general3A_1812, %dot_general3A_1814 : vector<64x8xf32>
    %convert_element_type3A_1816 = arith.truncf %mul3A_1806 : vector<512x8xf32> to vector<512x8xbf16>
    %convert_element_type3A_1817 = arith.extf %convert_element_type3A_1816 : vector<512x8xbf16> to vector<512x8xf32>
    %sub3A_1818 = arith.subf %mul3A_1806, %convert_element_type3A_1817 : vector<512x8xf32>
    %convert_element_type3A_1819 = arith.truncf %sub3A_1818 : vector<512x8xf32> to vector<512x8xbf16>
    %dot_general3A_1820 = arith.constant dense<0.000000e+00> : vector<512x256xf32>
    %dot_general3A_1821 = tpu.matmul %convert_element_type3A_1816, %convert_element_type3A_79, %dot_general3A_1820 {dimension_numbers = #tpu.dot_dimension_numbers<[1], [0], [0], [1], [0, 0, 1, 1], [], []>, transpose_lhs_hint = false} : vector<512x8xbf16>, vector<8x256xbf16>, vector<512x256xf32> -> vector<512x256xf32>
    %dot_general3A_1822 = arith.constant dense<0.000000e+00> : vector<512x256xf32>
    %dot_general3A_1823 = tpu.matmul %convert_element_type3A_1819, %convert_element_type3A_79, %dot_general3A_1822 {dimension_numbers = #tpu.dot_dimension_numbers<[1], [0], [0], [1], [0, 0, 1, 1], [], []>, transpose_lhs_hint = false} : vector<512x8xbf16>, vector<8x256xbf16>, vector<512x256xf32> -> vector<512x256xf32>
    %add3A_1824 = arith.addf %dot_general3A_1821, %dot_general3A_1823 : vector<512x256xf32>
    %mul3A_1825 = arith.mulf %add3A_1824, %dot_general3A_1736 : vector<512x256xf32>
    %convert_element_type3A_1826 = arith.truncf %mul3A_1825 : vector<512x256xf32> to vector<512x256xbf16>
    %convert_element_type3A_1827 = arith.extf %convert_element_type3A_1826 : vector<512x256xbf16> to vector<512x256xf32>
    %sub3A_1828 = arith.subf %mul3A_1825, %convert_element_type3A_1827 : vector<512x256xf32>
    %convert_element_type3A_1829 = arith.truncf %sub3A_1828 : vector<512x256xf32> to vector<512x256xbf16>
    %dot_general3A_1830 = arith.constant dense<0.000000e+00> : vector<64x256xf32>
    %dot_general3A_1831 = tpu.matmul %convert_element_type3A_1726, %convert_element_type3A_1826, %dot_general3A_1830 {dimension_numbers = #tpu.dot_dimension_numbers<[1], [0], [0], [1], [0, 0, 1, 1], [], []>, transpose_lhs_hint = false} : vector<64x512xbf16>, vector<512x256xbf16>, vector<64x256xf32> -> vector<64x256xf32>
    %dot_general3A_1832 = arith.constant dense<0.000000e+00> : vector<64x256xf32>
    %dot_general3A_1833 = tpu.matmul %convert_element_type3A_1726, %convert_element_type3A_1829, %dot_general3A_1832 {dimension_numbers = #tpu.dot_dimension_numbers<[1], [0], [0], [1], [0, 0, 1, 1], [], []>, transpose_lhs_hint = false} : vector<64x512xbf16>, vector<512x256xbf16>, vector<64x256xf32> -> vector<64x256xf32>
    %add3A_1834 = arith.addf %dot_general3A_1831, %dot_general3A_1833 : vector<64x256xf32>
    %convert_element_type3A_1835 = arith.truncf %add3A_1815 : vector<64x8xf32> to vector<64x8xbf16>
    %convert_element_type3A_1836 = arith.extf %convert_element_type3A_1835 : vector<64x8xbf16> to vector<64x8xf32>
    %sub3A_1837 = arith.subf %add3A_1815, %convert_element_type3A_1836 : vector<64x8xf32>
    %convert_element_type3A_1838 = arith.truncf %sub3A_1837 : vector<64x8xf32> to vector<64x8xbf16>
    %dot_general3A_1839 = arith.constant dense<0.000000e+00> : vector<64x256xf32>
    %dot_general3A_1840 = tpu.matmul %convert_element_type3A_1835, %convert_element_type3A_79, %dot_general3A_1839 {dimension_numbers = #tpu.dot_dimension_numbers<[1], [0], [0], [1], [0, 0, 1, 1], [], []>, transpose_lhs_hint = false} : vector<64x8xbf16>, vector<8x256xbf16>, vector<64x256xf32> -> vector<64x256xf32>
    %dot_general3A_1841 = arith.constant dense<0.000000e+00> : vector<64x256xf32>
    %dot_general3A_1842 = tpu.matmul %convert_element_type3A_1838, %convert_element_type3A_79, %dot_general3A_1841 {dimension_numbers = #tpu.dot_dimension_numbers<[1], [0], [0], [1], [0, 0, 1, 1], [], []>, transpose_lhs_hint = false} : vector<64x8xbf16>, vector<8x256xbf16>, vector<64x256xf32> -> vector<64x256xf32>
    %add3A_1843 = arith.addf %dot_general3A_1840, %dot_general3A_1842 : vector<64x256xf32>
    %max3A_1844 = arith.constant 9.99999971E-10 : f32
    %max3A_1845 = vector.broadcast %max3A_1844 : f32 to vector<64x256xf32>
    %max3A_1846 = arith.maximumf %add3A_1843, %max3A_1845 : vector<64x256xf32>
    %div3A_1847 = arith.divf %add3A_1834, %max3A_1846 : vector<64x256xf32>
    %lt3A_1848 = vector.broadcast %reduce_sum3A_1712 : f32 to vector<64x64xf32>
    %lt3A_1849 = arith.cmpf olt, %convert_element_type3A_10, %lt3A_1848 : vector<64x64xf32>
    %and3A_1850 = arith.andi %eq3A, %lt3A_1849 : vector<64x64xi1>
    %convert_element_type3A_1851 = arith.extui %and3A_1850 : vector<64x64xi1> to vector<64x64xi32>
    %convert_element_type3A_1852 = arith.sitofp %convert_element_type3A_1851 : vector<64x64xi32> to vector<64x64xf32>
    %convert_element_type3A_1853 = arith.truncf %convert_element_type3A_1852 : vector<64x64xf32> to vector<64x64xbf16>
    %convert_element_type3A_1854 = arith.truncf %dot_general3A_1740 : vector<64x256xf32> to vector<64x256xbf16>
    %convert_element_type3A_1855 = arith.extf %convert_element_type3A_1854 : vector<64x256xbf16> to vector<64x256xf32>
    %sub3A_1856 = arith.subf %dot_general3A_1740, %convert_element_type3A_1855 : vector<64x256xf32>
    %convert_element_type3A_1857 = arith.truncf %sub3A_1856 : vector<64x256xf32> to vector<64x256xbf16>
    %dot_general3A_1858 = arith.constant dense<0.000000e+00> : vector<64x256xf32>
    %dot_general3A_1859 = tpu.matmul %convert_element_type3A_1853, %convert_element_type3A_1854, %dot_general3A_1858 {dimension_numbers = #tpu.dot_dimension_numbers<[1], [0], [0], [1], [0, 0, 1, 1], [], []>, transpose_lhs_hint = false} : vector<64x64xbf16>, vector<64x256xbf16>, vector<64x256xf32> -> vector<64x256xf32>
    %dot_general3A_1860 = arith.constant dense<0.000000e+00> : vector<64x256xf32>
    %dot_general3A_1861 = tpu.matmul %convert_element_type3A_1853, %convert_element_type3A_1857, %dot_general3A_1860 {dimension_numbers = #tpu.dot_dimension_numbers<[1], [0], [0], [1], [0, 0, 1, 1], [], []>, transpose_lhs_hint = false} : vector<64x64xbf16>, vector<64x256xbf16>, vector<64x256xf32> -> vector<64x256xf32>
    %add3A_1862 = arith.addf %dot_general3A_1859, %dot_general3A_1861 : vector<64x256xf32>
    %add3A_1863 = arith.addf %div3A_1847, %add3A_1862 : vector<64x256xf32>
    %add3A_1864 = arith.addf %add3A_1863, %dot_general3A_1738 : vector<64x256xf32>
    %gt3A_1865 = arith.constant 0.000000e+00 : f32
    %gt3A_1866 = vector.broadcast %gt3A_1865 : f32 to vector<64x256xf32>
    %gt3A_1867 = arith.cmpf ogt, %add3A_1864, %gt3A_1866 : vector<64x256xf32>
    %exp3A_1868 = math.exp %add3A_1864 : vector<64x256xf32>
    %sub3A_1869 = arith.constant 1.000000e+00 : f32
    %sub3A_1870 = vector.broadcast %sub3A_1869 : f32 to vector<64x256xf32>
    %sub3A_1871 = arith.subf %exp3A_1868, %sub3A_1870 : vector<64x256xf32>
    %select_n3A_1872 = arith.select %gt3A_1867, %add3A_1864, %sub3A_1871 : vector<64x256xi1>, vector<64x256xf32>
    %lt3A_1873 = vector.broadcast %reduce_sum3A_1712 : f32 to vector<64x256xf32>
    %lt3A_1874 = arith.cmpf olt, %convert_element_type3A_12, %lt3A_1873 : vector<64x256xf32>
    %jit3A_1875 = arith.constant 0.000000e+00 : f32
    %broadcast_in_dim3A_1876 = vector.broadcast %jit3A_1875 : f32 to vector<64x256xf32>
    %select_n3A_1877 = arith.select %lt3A_1874, %select_n3A_1872, %broadcast_in_dim3A_1876 : vector<64x256xi1>, vector<64x256xf32>
    %slice3A_1878 = vector.extract_strided_slice %select_n3A_1877 {offsets = [0, 0], sizes = [50, 256], strides = [1, 1]} : vector<64x256xf32> to vector<50x256xf32>
    %swap3A_1879 = arith.constant 7 : index
    %swap3A_1880 = arith.constant 0 : index
    %swap3A_1881 = arith.constant 0 : index
    %swap3A_1882 = vector.load %arg12[%swap3A_1879, %swap3A_1880, %swap3A_1881] : memref<8x50x256xf32, #tpu.memory_space<vmem>>, vector<1x50x256xf32>
    %swap3A_1883 = vector.shape_cast %swap3A_1882 : vector<1x50x256xf32> to vector<50x256xf32>
    %swap3A_1884 = vector.shape_cast %slice3A_1878 : vector<50x256xf32> to vector<1x50x256xf32>
    tpu.vector_store %arg12[%swap3A_1879, %swap3A_1880, %swap3A_1881], %swap3A_1884 {strides = array<i32>} : memref<8x50x256xf32, #tpu.memory_space<vmem>>, vector<1x50x256xf32>,
    %swap3A_1885 = arith.constant 7 : index
    %swap3A_1886 = arith.constant 0 : index
    %swap3A_1887 = arith.constant 0 : index
    %swap3A_1888 = vector.load %arg13[%swap3A_1885, %swap3A_1886, %swap3A_1887] : memref<8x1x1xf32, #tpu.memory_space<vmem>>, vector<1x1x1xf32>
    %swap3A_1889 = vector.shape_cast %swap3A_1888 : vector<1x1x1xf32> to vector<1x1xf32>
    %swap3A_1890 = vector.shape_cast %add3A : vector<1x1xf32> to vector<1x1x1xf32>
    tpu.vector_store %arg13[%swap3A_1885, %swap3A_1886, %swap3A_1887], %swap3A_1890 {strides = array<i32>} : memref<8x1x1xf32, #tpu.memory_space<vmem>>, vector<1x1x1xf32>,
    return
  }
  func.func @transform_0(%arg0: i32) -> (i32, i32, i32) {
    %c0_i32 = arith.constant 0 : i32
    %c0_i32_0 = arith.constant 0 : i32
    %c0_i32_1 = arith.constant 0 : i32
    return %arg0, %c0_i32, %c0_i32_0 : i32, i32, i32
  }
  func.func @transform_1(%arg0: i32) -> (i32, i32, i32) {
    %c0_i32 = arith.constant 0 : i32
    %c0_i32_0 = arith.constant 0 : i32
    %c0_i32_1 = arith.constant 0 : i32
    return %arg0, %c0_i32, %c0_i32_0 : i32, i32, i32
  }
  func.func @transform_2(%arg0: i32) -> (i32, i32) {
    %c0_i32 = arith.constant 0 : i32
    %c0_i32_0 = arith.constant 0 : i32
    return %arg0, %c0_i32 : i32, i32
  }
  func.func @transform_3(%arg0: i32) -> (i32, i32) {
    %c0_i32 = arith.constant 0 : i32
    %c0_i32_0 = arith.constant 0 : i32
    return %arg0, %c0_i32 : i32, i32
  }
  func.func @transform_4(%arg0: i32) -> (i32, i32) {
    %c0_i32 = arith.constant 0 : i32
    %c0_i32_0 = arith.constant 0 : i32
    %c0_i32_1 = arith.constant 0 : i32
    return %c0_i32, %c0_i32_0 : i32, i32
  }
  func.func @transform_5(%arg0: i32) -> (i32, i32) {
    %c0_i32 = arith.constant 0 : i32
    %c0_i32_0 = arith.constant 0 : i32
    %c0_i32_1 = arith.constant 0 : i32
    return %c0_i32, %c0_i32_0 : i32, i32
  }
  func.func @transform_6(%arg0: i32) -> (i32, i32) {
    %c0_i32 = arith.constant 0 : i32
    %c0_i32_0 = arith.constant 0 : i32
    %c0_i32_1 = arith.constant 0 : i32
    return %c0_i32, %c0_i32_0 : i32, i32
  }
  func.func @transform_7(%arg0: i32) -> (i32, i32) {
    %c0_i32 = arith.constant 0 : i32
    %c0_i32_0 = arith.constant 0 : i32
    %c0_i32_1 = arith.constant 0 : i32
    return %c0_i32, %c0_i32_0 : i32, i32
  }
  func.func @transform_8(%arg0: i32) -> (i32, i32) {
    %c0_i32 = arith.constant 0 : i32
    %c0_i32_0 = arith.constant 0 : i32
    %c0_i32_1 = arith.constant 0 : i32
    return %c0_i32, %c0_i32_0 : i32, i32
  }
  func.func @transform_9(%arg0: i32) -> (i32, i32) {
    %c0_i32 = arith.constant 0 : i32
    %c0_i32_0 = arith.constant 0 : i32
    %c0_i32_1 = arith.constant 0 : i32
    return %c0_i32, %c0_i32_0 : i32, i32
  }
  func.func @transform_10(%arg0: i32) -> (i32, i32) {
    %c0_i32 = arith.constant 0 : i32
    %c0_i32_0 = arith.constant 0 : i32
    %c0_i32_1 = arith.constant 0 : i32
    return %c0_i32, %c0_i32_0 : i32, i32
  }
  func.func @transform_11(%arg0: i32) -> (i32, i32, i32) {
    %c0_i32 = arith.constant 0 : i32
    %c0_i32_0 = arith.constant 0 : i32
    %c0_i32_1 = arith.constant 0 : i32
    return %arg0, %c0_i32, %c0_i32_0 : i32, i32, i32
  }
  func.func @transform_12(%arg0: i32) -> (i32, i32, i32) {
    %c0_i32 = arith.constant 0 : i32
    %c0_i32_0 = arith.constant 0 : i32
    %c0_i32_1 = arith.constant 0 : i32
    return %arg0, %c0_i32, %c0_i32_0 : i32, i32, i32
  }
}

</mosaic_0001>

<sc_bundles>
// kernel: kernel.6.cloned.1.call-start
scs
__scs_entry_jumppad:
0x0: {  	(pc) =	sbr.rel $0x88, $3  }
0x1: {  	(tag) =	ssettag $0x0;
	lr =	simm.s32 $0x1  }
0x2: {  	[smem:$0x3F94] =	sst lr;
	_ =	strace $0xD0000000  }
0x3: {  	_ = 	snop  }
0x4: {  	_ = 	snop  }
0x5: {  	_ = 	snop  }
0x6: {  	_ = 	snop  }
0x7: {  	_ = 	snop  }
__scs_overlays_trampoline_lowered:
0x8: {  	[smem:$0x3FA3] =	sst s0  }
0x9: {  	[smem:$0x3FA4] =	sst s1  }
0xa: {  	[smem:$0x3FA5] =	sst s2  }
0xb: {  	[smem:$0x3FA6] =	sst s3  }
0xc: {  	[smem:$0x3FA7] =	sst s4  }
0xd: {  	[smem:$0x3FA8] =	sst s5  }
0xe: {  	[smem:$0x3FA9] =	sst s6  }
0xf: {  	[smem:$0x3FAA] =	sst s7  }
0x10: {  	[smem:$0x3FAB] =	sst s8  }
0x11: {  	[smem:$0x3FAC] =	sst s9;
	s0 =	simm.s32 @!p0 $0x0  }
0x12: {  	s1 =	sld [smem:$0x3F92];
	s0 =	simm.s32 @p0 $0x1  }
0x13: {  	[smem:$0x3FAD] =	sst s0;
	s0 =	simm.s32 @!p1 $0x0  }
0x14: {  	s2 =	sld [smem:$0x3F91];
	s0 =	simm.s32 @p1 $0x1  }
0x15: {  	[smem:$0x3FAE] =	sst s0;
	s0 =	simm.s32 @!p2 $0x0  }
0x16: {  	s3 =	sld [smem:$0x3FDB];
	s0 =	simm.s32 @p2 $0x1  }
0x17: {  	s4 =	simm.s32 $0x1BF5;
	[smem:$0x3FB0] =	sst s0  }
0x18: {  	s0 =	sld [smem:$0x3F93];
	_ =	swait.ge [sflag:s4], $0x0  }
0x19: {  	s7 =	sld [smem:$0x3F94]  }
0x1a: {  	s8 =	sadd.s32 $0xFFFFE003, lr  }
0x1b: {  	s9 =	sadd.s32 $0xFFFFFEF7, lr;
	s5 =	simm.s32 $0xFFFFFFFF;
	p2 =	slt.u32 s8, $0xFFFFF086  }
0x1c: {  	p1 =	slt.u32 s9, $0xF7A;
	s5 =	simm.s32 @!p2 $0x0  }
0x1d: {  	s5 =	simm.s32 @p1 $0x1;
	p0 =	seq.s32 s7, s2  }
0x1e: {  	s7 =	smul.u32 @!p0 $0xF7A, s2;
	p2 =	seq.s32 @!p0 s5, $0x0  }
0x1f: {  	s9 =	smul.u32 $0xF7A, s1;
	s8 =	simm.s32 @!p0 $0x1BF5;
	p2 =	por !p2, p0  }
0x20: {  	[sflag:s8] =	ssyncset.s32 @!p0 $0xFFFFF086;
	s6 =	sadd.s32 @!p0 s3, s7;
	s7 =	simm.s32 @!p0 $0x108  }
0x21: {  	s3 =	sadd.s32 s3, s9;
	s6 =	sadd.s32 @!p0 $0x88, s6;
	s7 =	simm.s32 @p2 $0x1082  }
0x22: {  	[simem:s7], [sflag:s8] =	dma.local @!p0 [hbm:s6], $0xF7A  }
0x23: {  	s9 =	sor.u32 $0xD0000000, s2;
	s6 =	simm.s32 $0x108;
	_ =	swait.ge @!p0 [sflag:s8], $0x0  }
0x24: {  	s3 =	sadd.s32 $0x88, s3;
	s6 =	simm.s32 @!p1 $0x1082;
	[sflag:s4] =	ssyncset.s32 $0xFFFFF086  }
0x25: {  	[simem:s6], [sflag:s4] =	dma.local [hbm:s3], $0xF7A  }
0x26: {  	[smem:$0x3F94] =	sst s1;
	(tag) =	ssettag s2;
	_ =	strace s9  }
0x27: {  	s1 =	sld [smem:$0x3FA4]  }
0x28: {  	s2 =	sld [smem:$0x3FA5]  }
0x29: {  	s4 =	sld [smem:$0x3FA7]  }
0x2a: {  	p0 =	seq.s32 s5, $0x0;
	s5 =	sld [smem:$0x3FA8]  }
0x2b: {  	s6 =	sld [smem:$0x3FA9]  }
0x2c: {  	s7 =	sld [smem:$0x3FAA]  }
0x2d: {  	s3 =	simm.s32 $0x108;
	s8 =	sld [smem:$0x3FAB]  }
0x2e: {  	s3 =	simm.s32 @!p0 $0x1082;
	s9 =	sld [smem:$0x3FAC]  }
0x2f: {  	lr =	sadd.s32 s0, s3;
	s0 =	sld [smem:$0x3FA3]  }
0x30: {  	s3 =	sld [smem:$0x3FA6]  }
0x31: {  	[smem:$0x3FAF] =	sst s10  }
0x32: {  	s10 =	sld [smem:$0x3FAD];
	_ =	sdelay $0x3  }
0x33: {  	p0 =	seq.s32 s10, $0x1;
	s10 =	sld [smem:$0x3FAF];
	_ =	sdelay $0x3  }
0x34: {  	[smem:$0x3FAF] =	sst s10  }
0x35: {  	s10 =	sld [smem:$0x3FAE];
	_ =	sdelay $0x3  }
0x36: {  	p1 =	seq.s32 s10, $0x1;
	s10 =	sld [smem:$0x3FAF];
	_ =	sdelay $0x3  }
0x37: {  	[smem:$0x3FAF] =	sst s10  }
0x38: {  	s10 =	sld [smem:$0x3FB0]  }
0x39: {  	_ = 	snop;
	(pc) =	sbr.ind lr, $3  }
0x3a: {  	_ = 	snop  }
0x3b: {  	_ = 	snop  }
0x3c: {  	p2 =	seq.s32 s10, $0x1;
	s10 =	sld [smem:$0x3FAF]  }
0x3d: {  	_ =	shalt  }
0x3e: {  	_ =	shalt  }
0x3f: {  	_ =	shalt  }
0x40: {  	_ =	shalt  }
0x41: {  	_ =	shalt  }
0x42: {  	_ =	shalt  }
0x43: {  	_ =	shalt  }
0x44: {  	_ =	shalt  }
0x45: {  	_ =	shalt  }
0x46: {  	_ =	shalt  }
0x47: {  	_ =	shalt  }
0x48: {  	_ =	shalt  }
0x49: {  	_ =	shalt  }
0x4a: {  	_ =	shalt  }
0x4b: {  	_ =	shalt  }
0x4c: {  	_ =	shalt  }
0x4d: {  	_ =	shalt  }
0x4e: {  	_ =	shalt  }
0x4f: {  	_ =	shalt  }
0x50: {  	_ =	shalt  }
0x51: {  	_ =	shalt  }
0x52: {  	_ =	shalt  }
0x53: {  	_ =	shalt  }
0x54: {  	_ =	shalt  }
0x55: {  	_ =	shalt  }
0x56: {  	_ =	shalt  }
0x57: {  	_ =	shalt  }
0x58: {  	_ =	shalt  }
0x59: {  	_ =	shalt  }
0x5a: {  	_ =	shalt  }
0x5b: {  	_ =	shalt  }
0x5c: {  	_ =	shalt  }
0x5d: {  	_ =	shalt  }
0x5e: {  	_ =	shalt  }
0x5f: {  	_ =	shalt  }
0x60: {  	_ =	shalt  }
0x61: {  	_ =	shalt  }
0x62: {  	_ =	shalt  }
0x63: {  	_ =	shalt  }
0x64: {  	_ =	shalt  }
0x65: {  	_ =	shalt  }
0x66: {  	_ =	shalt  }
0x67: {  	_ =	shalt  }
0x68: {  	_ =	shalt  }
0x69: {  	_ =	shalt  }
0x6a: {  	_ =	shalt  }
0x6b: {  	_ =	shalt  }
0x6c: {  	_ =	shalt  }
0x6d: {  	_ =	shalt  }
0x6e: {  	_ =	shalt  }
0x6f: {  	_ =	shalt  }
0x70: {  	_ =	shalt  }
0x71: {  	_ =	shalt  }
0x72: {  	_ =	shalt  }
0x73: {  	_ =	shalt  }
0x74: {  	_ =	shalt  }
0x75: {  	_ =	shalt  }
0x76: {  	_ =	shalt  }
0x77: {  	_ =	shalt  }
0x78: {  	_ =	shalt  }
0x79: {  	_ =	shalt  }
0x7a: {  	_ =	shalt  }
0x7b: {  	_ =	shalt  }
0x7c: {  	_ =	shalt  }
0x7d: {  	_ =	shalt  }
0x7e: {  	_ =	shalt  }
0x7f: {  	_ =	shalt  }
0x80: {  	_ =	shalt  }
0x81: {  	_ =	shalt  }
0x82: {  	_ =	shalt  }
0x83: {  	_ =	shalt  }
0x84: {  	_ =	shalt  }
0x85: {  	_ =	shalt  }
0x86: {  	_ =	shalt  }
0x87: {  	_ =	shalt  }
.Lfunc_end0:
.L_simem_size_0:
called_computation_lowered:
.L_overlay_start_0:
0x88: {  	s2 =	sld [smem:$0x3FD9]  }
0x89: {  	s3 =	sld [smem:$0x3FFE];
	_ =	sdelay $0x1  }
0x8a: {  	s1 =	srdreg.scid  }
0x8b: {  	s0 =	sand.u32 $0x1, s1  }
0x8c: {  	s17 =	sshll.u32 s0, $0xA;
	s2 =	sadd.s32 s3, s2  }
0x8d: {  	s2 =	sadd.s32 s2, s17  }
0x8e: {  	[smem:$0x3FBB] =	sst s2  }
0x8f: {  	_ = 	snop  }
0x90: {  	s18 =	sld [smem:$0x3FC4];
	(tm) =	ssettm $0x1  }
0x91: {  	s19 =	sld [smem:$0x3FFB];
	_ =	sdelay $0x3  }
0x92: {  	_ =	strace s19  }
0x93: {  	s2 =	sld [smem:$0x3FFC];
	_ =	sdelay $0x3  }
0x94: {  	_ =	strace s2  }
0x95: {  	s2 =	sld [smem:$0x3FFD];
	_ =	sdelay $0x3  }
0x96: {  	_ =	strace s2  }
0x97: {  	_ =	strace $0x8FFFFFFF  }
0x98: {  	s20 =	sld [smem:$0x3FDB];
	_ =	sdelay $0x1  }
0x99: {  	s4 =	simm.s32 $_scs_section_size  }
0x9a: {  	s5 =	simm.s32 $_size__tile_overlayer_lowered;
	s6 =	simm.s32 $_tile_overlayer_lowered  }
0x9b: {  	s7 =	simm.s32 $0x1BFF;
	s21 =	sshll.u32 s6, $0x1;
	s4 =	sadd.s32 s4, s20  }
0x9c: {  	s22 =	simm.s32 $0x0;
	s5 =	sshll.u32 s5, $0x1;
	s6 =	sadd.s32 s21, s4  }
0x9d: {  	[timem:s22], [sflag:s7] =	dma.local [hbm:s6], s5  }
0x9e: {  	_ =	swait.ge [sflag:s7], s5  }
0x9f: {  	s5 =	ssub.s32 $0x0, s5;
	[sflag:s7] =	ssyncset.done $0x0  }
0xa0: {  	[sflag:s7] =	ssyncadd.s32 s5;
	_ =	sdelay $0x1  }
0xa1: {  	s23 =	simm.s32 $0x1B8B  }
0xa2: {  	_ =	swait.ge [sflag:s23], $0x1  }
0xa3: {  	[sflag:s23] =	ssyncset.done $0x0  }
0xa4: {  	[sflag:s23] =	ssyncadd.s32 $0xFFFFFFFF  }
0xa5: {  	s5 =	sld [smem:$0x0]  }
0xa6: {  	s6 =	sand.u32 $0xFFFFFFFE, s1  }
0xa7: {  	p0 =	sne.s32 s1, s6  }
0xa8: {  	s6 =	sshll.u32 @p0 s6, $0xE  }
0xa9: {  	s6 =	sadd.s32 @p0 $0x11B8D, s6;
	s7 =	sshll.u32 @p0 s5, $0x11  }
0xaa: {  	s6 =	sor.u32 @p0 s7, s6  }
0xab: {  	[sflag:s6] =	ssyncadd.remote.s32 @p0 $0x1;
	_ =	sdelay $0x1  }
0xac: {  	s6 =	simm.s32 @p0 $0x1B8D  }
0xad: {  	_ =	swait.eq @p0 [sflag:s6], $0x1  }
0xae: {  	[sflag:s6] =	ssyncadd.s32 @p0 $0xFFFFFFFF  }
0xaf: {  	s7 =	sshll.u32 @!p0 s1, $0xE  }
0xb0: {  	s7 =	sor.u32 @!p0 $0x4000, s7;
	s6 =	simm.s32 @!p0 $0x1B8D  }
0xb1: {  	s5 =	sshll.u32 @!p0 s5, $0x11;
	s7 =	sadd.s32 @!p0 $0x11B8D, s7;
	_ =	swait.eq @!p0 [sflag:s6], $0x1  }
0xb2: {  	s5 =	sor.u32 @!p0 s5, s7;
	[sflag:s6] =	ssyncadd.s32 @!p0 $0xFFFFFFFF  }
0xb3: {  	s25 =	simm.s32 $0x1B8E;
	s24 =	sld [smem:$0x3FFE];
	[sflag:s5] =	ssyncadd.remote.s32 @!p0 $0x1  }
0xb4: {  	s26 =	simm.s32 $execute0_lowered;
	[smem:$0x3FD2] =	sst s25  }
0xb5: {  	s6 =	sshll.u32 s26, $0x1;
	_ =	strace $0x80000049;
	[dreg:$0x1] =	wrdreg $0xFFFFFFFF  }
0xb6: {  	s28 =	simm.s32 $_size_execute0_lowered;
	s4 =	sadd.s32 s4, s6;
	[dreg:$0x0] =	wrdreg $0x0  }
0xb7: {  	s6 =	sshll.u32 s28, $0x1;
	[dreg:$0x2] =	wrdreg s4  }
0xb8: {  	[dreg:$0x3] =	wrdreg s6  }
0xb9: {  	[dreg:$0x4] =	wrdreg $0xC0  }
0xba: {  	_ =	task [dreg:s22], $0x5FFFF  }
0xbb: {  	[dreg:$0x1] =	wrdreg $0xFFFFFFFF  }
0xbc: {  	[dreg:$0x0] =	wrdreg $0x60  }
0xbd: {  	[dreg:$0x2] =	wrdreg s18  }
0xbe: {  	[dreg:$0x3] =	wrdreg s24  }
0xbf: {  	[dreg:$0x4] =	wrdreg $0x9  }
0xc0: {  	_ =	task.clear_ibuf [dreg:s22], $0x5FFFF;
	_ =	strace $0x90000049  }
0xc1: {  	s29 =	simm.s32 $0x9;
	_ =	strace $0x8000004B  }
0xc2: {  	_ =	swait.ge [sflag:s29], $0x1  }
0xc3: {  	[sflag:s29] =	ssyncadd.s32 $0xFFFFFFFF  }
0xc4: {  	_ =	strace $0x9000004B  }
0xc5: {  	_ =	sfence  }
0xc6: {  	s30 =	sld [smem:$0x0];
	_ =	sdelay $0x2  }
0xc7: {  	s31 =	sshll.u32 s1, $0xD;
	s1 =	sshrl.u32 s1, $0x2  }
0xc8: {  	s4 =	sand.u32 $0x4000, s31;
	s1 =	sadd.s32 s1, s30  }
0xc9: {  	s0 =	sor.u32 s4, s0;
	s1 =	sshll.u32 s1, $0x11  }
0xca: {  	s0 =	sor.u32 s1, s0  }
0xcb: {  	s0 =	sadd.s32 $0x8F2B, s0  }
0xcc: {  	[sflag:s0] =	ssyncadd.remote.s32 $0x1  }
0xcd: {  	_ =	sfence.sel $0xFFFF  }
0xce: {  	[dreg:$0x0] =	wrdreg $0xFFFFFFFF;
	(pc) =	sbr.abs _section_cstart, $3  }
0xcf: {  	[dreg:$0x1] =	wrdreg $0xFFFFFFFF  }
0xd0: {  	_ =	task.clear_ibuf [dreg:s22], $0x2FFFF;
	_ =	strace $0x9FFFFFFF  }
0xd1: {  	(tm) =	ssettm $0x7FFFFFFF  }
tec
execute0_lowered:
.L_overlay_start_1:
0x0: {  	(tag) =	ssettag $0x1  }
0x1: {  	s1 =	srdreg.scid  }
0x2: {  	s0 =	stileid.u32;
	s1 =	sand.u32 $0x1, s1  }
0x3: {  	s2 =	rddreg [dreg:$0x0];
	s3 =	sshll.u32 s0, $0xA;
	s4 =	sshll.u32 s1, $0x9  }
0x4: {  	s5 =	rddreg [dreg:$0x1];
	s4 =	sor.u32 s4, s3;
	s3 =	simm.s32 $0x0  }
0x5: {  	s20 =	simm.s32 $0x8A00;
	s21 =	simm.s32 $0x9200;
	[smem:$0x7FF] =	sst s3  }
0x6: {  	s22 =	simm.s32 $0x9A00;
	_ =	strace $0x8000004A;
	[dreg:$0x8] =	wrdreg s20  }
0x7: {  	s23 =	simm.s32 $0xA200;
	s24 =	simm.s32 $0xAA00;
	[dreg:$0x9] =	wrdreg s21  }
0x8: {  	s25 =	simm.s32 $0xB200;
	s7 =	simm.s32 $0xCA00;
	[dreg:$0xa] =	wrdreg s22  }
0x9: {  	s8 =	simm.s32 $0xD200;
	s9 =	simm.s32 $0xDA00;
	[dreg:$0xb] =	wrdreg s23  }
0xa: {  	s10 =	simm.s32 $0xE200;
	s11 =	simm.s32 $0xEA00;
	[dreg:$0xc] =	wrdreg s24  }
0xb: {  	s12 =	simm.s32 $0xF200;
	s0 =	simm.s32 $0xBA00;
	[dreg:$0xd] =	wrdreg s25  }
0xc: {  	s13 =	simm.s32 $0xFA00;
	s14 =	simm.s32 $0x10A00;
	[dreg:$0xe] =	wrdreg s0  }
0xd: {  	s15 =	simm.s32 $0x11200;
	s28 =	simm.s32 $0x4;
	[dreg:$0x10] =	wrdreg s7  }
0xe: {  	s29 =	simm.s32 $0x2;
	s30 =	simm.s32 $0x3;
	[dreg:$0x11] =	wrdreg s8  }
0xf: {  	s31 =	simm.s32 $0x5;
	s1 =	ssub.s32 $0x2, s1;
	[dreg:$0x12] =	wrdreg s9  }
0x10: {  	s26 =	sshrl.u32 s1, $0x1;
	s6 =	sshrl.u32 s4, $0x3;
	[dreg:$0x13] =	wrdreg s10  }
0x11: {  	s4 =	sshll.u32 s4, $0x5;
	s1 =	ssub.s32 s1, s26;
	[dreg:$0x14] =	wrdreg s11  }
0x12: {  	s26 =	simm.s32 $0x16A00;
	s6 =	sadd.s32 s6, s5;
	[dreg:$0x15] =	wrdreg s12  }
0x13: {  	s4 =	sadd.s32 s4, s5;
	s5 =	simm.s32 $0x7;
	[dreg:$0x16] =	wrdreg s13  }
0x14: {  	s7 =	simm.s32 $0xA00;
	s8 =	simm.s32 $0x1200;
	[dreg:$0x17] =	wrdreg s14  }
0x15: {  	s9 =	simm.s32 $0x1A00;
	s10 =	simm.s32 $0x2200;
	[dreg:$0x18] =	wrdreg s15  }
0x16: {  	s11 =	simm.s32 $0x2A00;
	s20 =	simm.s32 $0x13A00;
	[smem:$0x7FD] =	sst s26  }
0x17: {  	s12 =	simm.s32 $0x3200;
	s21 =	simm.s32 $0x14200;
	[dreg:$0x1d] =	wrdreg s20  }
0x18: {  	s13 =	simm.s32 $0x3A00;
	s22 =	simm.s32 $0x14A00;
	[dreg:$0x1e] =	wrdreg s21  }
0x19: {  	s14 =	simm.s32 $0x4200;
	s23 =	simm.s32 $0x15200;
	[dreg:$0x1f] =	wrdreg s22  }
0x1a: {  	s15 =	simm.s32 $0x4A00;
	s24 =	simm.s32 $0x15A00;
	[smem:$0x7FA] =	sst s23  }
0x1b: {  	s25 =	simm.s32 $0x16200;
	s26 =	simm.s32 $0x1;
	[smem:$0x7FB] =	sst s24  }
0x1c: {  	s16 =	sadd.s32 $0xA2A00, s6;
	s17 =	sadd.s32 $0xA3200, s4;
	[smem:$0x7FC] =	sst s25  }
0x1d: {  	s18 =	sadd.s32 $0xA4200, s4;
	s19 =	sadd.s32 $0xA5200, s4;
	[dreg:$0x3] =	wrdreg s16  }
0x1e: {  	s4 =	sadd.s32 $0xA6200, s4;
	s6 =	simm.s32 $0xC200;
	[dreg:$0x4] =	wrdreg s17  }
0x1f: {  	s20 =	simm.s32 $0x7200;
	s21 =	simm.s32 $0x7A00;
	[dreg:$0x5] =	wrdreg s18  }
0x20: {  	s22 =	simm.s32 $0x8200;
	s23 =	simm.s32 $0x10200;
	[dreg:$0x6] =	wrdreg s19  }
0x21: {  	s25 =	simm.s32 $0x17A00;
	[dreg:$0x7] =	wrdreg s4;
	s4 =	smax.u32 s1, $0x1  }
0x22: {  	[dreg:$0xf] =	wrdreg s6;
	s6 =	simm.s32 $0x200;
	s16 =	simm.s32 $0x11A00  }
0x23: {  	s17 =	simm.s32 $0x12200;
	s18 =	simm.s32 $0x12A00;
	[dreg:$0x19] =	wrdreg s16  }
0x24: {  	v2 =	vlaneseq.u32;
	s19 =	simm.s32 $0x13200;
	s1 =	simm.s32 $0x6;
	[dreg:$0x1a] =	wrdreg s17  }
0x25: {  	vm0 =	vmmov $0xffff;
	v1 =	vshrl.u32 v2, $0x3;
	s16 =	simm.s32 $0x5200;
	[dreg:$0x1b] =	wrdreg s18;
	s17 =	simm.s32 $0x5A00  }
0x26: {  	v0 =	vand.u32 $0x7, v2;
	v2 =	vor.u32 $0x8, v2;
	v1 =	vmul.u32 $0x8, v1;
	[dreg:$0x1c] =	wrdreg s19;
	s18 =	simm.s32 $0x6200;
	s19 =	simm.s32 $0x6A00  }
.LBB2_1:
0x27: {  	s0 =	rddreg [dreg:$0x3]  }
0x28: {  	[tilespmem:s3], [sflag:$0x7] =	stream.linear.gather [hbm4b:s0+s3], $0x200, $0x38;
	[tilespmem:$0x18200] =	vst v63  }
0x29: {  	_ =	swait.ge [sflag:s5], $0x200  }
0x2a: {  	[sflag:s5] =	ssyncset.done $0x0  }
0x2b: {  	[sflag:s5] =	ssyncadd.s32 $0xFFFFFE00  }
0x2c: {  	v3 =	vld [tilespmem:$0x0];
	_ =	sdelay $0x4  }
0x2d: {  	v4 =	vshll.u32 v3, $0x1  }
0x2e: {  	v3 =	vand.u32 $0x7, v3;
	v4 =	vand.u32 $0xFFFFFFF0, v4  }
0x2f: {  	v3 =	vor.u32 v3, v4  }
0x30: {  	v4 =	vperm.xlane v3, v0;
	_ =	sdelay $0x1  }
0x31: {  	v3 =	vperm.xlane v3, v2;
	v4 =	vadd.s32 v1, v4;
	_ =	sdelay $0x1  }
0x32: {  	v3 =	vadd.s32 v1, v3;
	_ =	sdelay $0x2  }
0x33: {  	[tilespmem:s6], [sflag:$0x1] =	stream.indirect_vreg.gather [hbm4b:s2+s3], $0x80, v4, vm0, $0xb8;
	[tilespmem:$0x18200] =	vst v63  }
0x34: {  	_ = 	snop  }
0x35: {  	[tilespmem:s7], [sflag:$0x1] =	stream.indirect_vreg.gather [hbm4b:s2+s3], $0x80, v3, vm0, $0xb8;
	[tilespmem:$0x18200] =	vst v63  }
0x36: {  	v3 =	vld [tilespmem:$0x10];
	_ =	sdelay $0x4  }
0x37: {  	v33 =	vshll.u32 v3, $0x1  }
0x38: {  	v3 =	vand.u32 $0x7, v3;
	v4 =	vand.u32 $0xFFFFFFF0, v33  }
0x39: {  	v3 =	vor.u32 v3, v4  }
0x3a: {  	v4 =	vperm.xlane v3, v0;
	_ =	sdelay $0x1  }
0x3b: {  	v3 =	vperm.xlane v3, v2;
	v4 =	vadd.s32 v1, v4;
	_ =	sdelay $0x1  }
0x3c: {  	v3 =	vadd.s32 v1, v3;
	_ =	sdelay $0x2  }
0x3d: {  	[tilespmem:s8], [sflag:$0x1] =	stream.indirect_vreg.gather [hbm4b:s2+s3], $0x80, v4, vm0, $0xb8;
	[tilespmem:$0x18200] =	vst v63  }
0x3e: {  	_ = 	snop  }
0x3f: {  	[tilespmem:s9], [sflag:$0x1] =	stream.indirect_vreg.gather [hbm4b:s2+s3], $0x80, v3, vm0, $0xb8;
	[tilespmem:$0x18200] =	vst v63  }
0x40: {  	v3 =	vld [tilespmem:$0x20];
	_ =	sdelay $0x4  }
0x41: {  	v34 =	vshll.u32 v3, $0x1  }
0x42: {  	v3 =	vand.u32 $0x7, v3;
	v4 =	vand.u32 $0xFFFFFFF0, v34  }
0x43: {  	v3 =	vor.u32 v3, v4  }
0x44: {  	v4 =	vperm.xlane v3, v0;
	_ =	sdelay $0x1  }
0x45: {  	v3 =	vperm.xlane v3, v2;
	v4 =	vadd.s32 v1, v4;
	_ =	sdelay $0x1  }
0x46: {  	v3 =	vadd.s32 v1, v3;
	_ =	sdelay $0x2  }
0x47: {  	[tilespmem:s10], [sflag:$0x1] =	stream.indirect_vreg.gather [hbm4b:s2+s3], $0x80, v4, vm0, $0xb8;
	[tilespmem:$0x18200] =	vst v63  }
0x48: {  	_ = 	snop  }
0x49: {  	[tilespmem:s11], [sflag:$0x1] =	stream.indirect_vreg.gather [hbm4b:s2+s3], $0x80, v3, vm0, $0xb8;
	[tilespmem:$0x18200] =	vst v63  }
0x4a: {  	v3 =	vld [tilespmem:$0x30];
	_ =	sdelay $0x4  }
0x4b: {  	v35 =	vshll.u32 v3, $0x1  }
0x4c: {  	v3 =	vand.u32 $0x7, v3;
	v4 =	vand.u32 $0xFFFFFFF0, v35  }
0x4d: {  	v3 =	vor.u32 v3, v4  }
0x4e: {  	v4 =	vperm.xlane v3, v0;
	_ =	sdelay $0x1  }
0x4f: {  	v3 =	vperm.xlane v3, v2;
	v4 =	vadd.s32 v1, v4;
	_ =	sdelay $0x1  }
0x50: {  	v3 =	vadd.s32 v1, v3;
	_ =	sdelay $0x2  }
0x51: {  	[tilespmem:s12], [sflag:$0x1] =	stream.indirect_vreg.gather [hbm4b:s2+s3], $0x80, v4, vm0, $0xb8;
	[tilespmem:$0x18200] =	vst v63  }
0x52: {  	_ = 	snop  }
0x53: {  	[tilespmem:s13], [sflag:$0x1] =	stream.indirect_vreg.gather [hbm4b:s2+s3], $0x80, v3, vm0, $0xb8;
	[tilespmem:$0x18200] =	vst v63  }
0x54: {  	v3 =	vld [tilespmem:$0x40];
	_ =	sdelay $0x4  }
0x55: {  	v36 =	vshll.u32 v3, $0x1  }
0x56: {  	v3 =	vand.u32 $0x7, v3;
	v4 =	vand.u32 $0xFFFFFFF0, v36  }
0x57: {  	v3 =	vor.u32 v3, v4  }
0x58: {  	v4 =	vperm.xlane v3, v0;
	_ =	sdelay $0x1  }
0x59: {  	v3 =	vperm.xlane v3, v2;
	v4 =	vadd.s32 v1, v4;
	_ =	sdelay $0x1  }
0x5a: {  	v3 =	vadd.s32 v1, v3;
	_ =	sdelay $0x2  }
0x5b: {  	[tilespmem:s14], [sflag:$0x1] =	stream.indirect_vreg.gather [hbm4b:s2+s3], $0x80, v4, vm0, $0xb8;
	[tilespmem:$0x18200] =	vst v63  }
0x5c: {  	_ = 	snop  }
0x5d: {  	[tilespmem:s15], [sflag:$0x1] =	stream.indirect_vreg.gather [hbm4b:s2+s3], $0x80, v3, vm0, $0xb8;
	[tilespmem:$0x18200] =	vst v63  }
0x5e: {  	v3 =	vld [tilespmem:$0x50];
	_ =	sdelay $0x4  }
0x5f: {  	v37 =	vshll.u32 v3, $0x1  }
0x60: {  	v3 =	vand.u32 $0x7, v3;
	v4 =	vand.u32 $0xFFFFFFF0, v37  }
0x61: {  	v3 =	vor.u32 v3, v4  }
0x62: {  	v4 =	vperm.xlane v3, v0;
	_ =	sdelay $0x1  }
0x63: {  	v3 =	vperm.xlane v3, v2;
	v4 =	vadd.s32 v1, v4;
	_ =	sdelay $0x1  }
0x64: {  	v3 =	vadd.s32 v1, v3;
	_ =	sdelay $0x2  }
0x65: {  	[tilespmem:s16], [sflag:$0x1] =	stream.indirect_vreg.gather [hbm4b:s2+s3], $0x80, v4, vm0, $0xb8;
	[tilespmem:$0x18200] =	vst v63  }
0x66: {  	_ = 	snop  }
0x67: {  	[tilespmem:s17], [sflag:$0x1] =	stream.indirect_vreg.gather [hbm4b:s2+s3], $0x80, v3, vm0, $0xb8;
	[tilespmem:$0x18200] =	vst v63  }
0x68: {  	v3 =	vld [tilespmem:$0x60];
	_ =	sdelay $0x4  }
0x69: {  	v38 =	vshll.u32 v3, $0x1  }
0x6a: {  	v3 =	vand.u32 $0x7, v3;
	v4 =	vand.u32 $0xFFFFFFF0, v38  }
0x6b: {  	v3 =	vor.u32 v3, v4  }
0x6c: {  	v4 =	vperm.xlane v3, v0;
	_ =	sdelay $0x1  }
0x6d: {  	v3 =	vperm.xlane v3, v2;
	v4 =	vadd.s32 v1, v4;
	_ =	sdelay $0x1  }
0x6e: {  	v3 =	vadd.s32 v1, v3;
	_ =	sdelay $0x2  }
0x6f: {  	[tilespmem:s18], [sflag:$0x1] =	stream.indirect_vreg.gather [hbm4b:s2+s3], $0x80, v4, vm0, $0xb8;
	[tilespmem:$0x18200] =	vst v63  }
0x70: {  	_ = 	snop  }
0x71: {  	[tilespmem:s19], [sflag:$0x1] =	stream.indirect_vreg.gather [hbm4b:s2+s3], $0x80, v3, vm0, $0xb8;
	[tilespmem:$0x18200] =	vst v63  }
0x72: {  	v3 =	vld [tilespmem:$0x70];
	_ =	sdelay $0x4  }
0x73: {  	v39 =	vshll.u32 v3, $0x1  }
0x74: {  	v3 =	vand.u32 $0x7, v3;
	v4 =	vand.u32 $0xFFFFFFF0, v39  }
0x75: {  	v3 =	vor.u32 v3, v4  }
0x76: {  	v4 =	vperm.xlane v3, v0;
	_ =	sdelay $0x1  }
0x77: {  	v3 =	vperm.xlane v3, v2;
	v4 =	vadd.s32 v1, v4;
	_ =	sdelay $0x1  }
0x78: {  	v3 =	vadd.s32 v1, v3;
	_ =	sdelay $0x2  }
0x79: {  	[tilespmem:s20], [sflag:$0x1] =	stream.indirect_vreg.gather [hbm4b:s2+s3], $0x80, v4, vm0, $0xb8;
	[tilespmem:$0x18200] =	vst v63  }
0x7a: {  	_ = 	snop  }
0x7b: {  	[tilespmem:s21], [sflag:$0x1] =	stream.indirect_vreg.gather [hbm4b:s2+s3], $0x80, v3, vm0, $0xb8;
	[tilespmem:$0x18200] =	vst v63  }
0x7c: {  	v3 =	vld [tilespmem:$0x80];
	_ =	sdelay $0x4  }
0x7d: {  	v40 =	vshll.u32 v3, $0x1  }
0x7e: {  	v3 =	vand.u32 $0x7, v3;
	v4 =	vand.u32 $0xFFFFFFF0, v40  }
0x7f: {  	v3 =	vor.u32 v3, v4  }
0x80: {  	v4 =	vperm.xlane v3, v0;
	_ =	sdelay $0x1  }
0x81: {  	v3 =	vperm.xlane v3, v2;
	v4 =	vadd.s32 v1, v4;
	_ =	sdelay $0x1  }
0x82: {  	v3 =	vadd.s32 v1, v3;
	_ =	sdelay $0x2  }
0x83: {  	[tilespmem:s22], [sflag:$0x2] =	stream.indirect_vreg.gather [hbm4b:s2+s3], $0x80, v4, vm0, $0xb8;
	[tilespmem:$0x18200] =	vst v63  }
0x84: {  	s24 =	rddreg [dreg:$0x8]  }
0x85: {  	[tilespmem:s24], [sflag:$0x2] =	stream.indirect_vreg.gather [hbm4b:s2+s3], $0x80, v3, vm0, $0xb8;
	[tilespmem:$0x18200] =	vst v63  }
0x86: {  	v3 =	vld [tilespmem:$0x90];
	_ =	sdelay $0x4  }
0x87: {  	v41 =	vshll.u32 v3, $0x1  }
0x88: {  	v3 =	vand.u32 $0x7, v3;
	v4 =	vand.u32 $0xFFFFFFF0, v41  }
0x89: {  	v3 =	vor.u32 v3, v4  }
0x8a: {  	v4 =	vperm.xlane v3, v0;
	_ =	sdelay $0x1  }
0x8b: {  	v3 =	vperm.xlane v3, v2;
	v4 =	vadd.s32 v1, v4;
	_ =	sdelay $0x1  }
0x8c: {  	v3 =	vadd.s32 v1, v3;
	_ =	sdelay $0x1  }
0x8d: {  	s0 =	rddreg [dreg:$0x9]  }
0x8e: {  	[tilespmem:s0], [sflag:$0x2] =	stream.indirect_vreg.gather [hbm4b:s2+s3], $0x80, v4, vm0, $0xb8;
	[tilespmem:$0x18200] =	vst v63  }
0x8f: {  	s24 =	rddreg [dreg:$0xa]  }
0x90: {  	[tilespmem:s24], [sflag:$0x2] =	stream.indirect_vreg.gather [hbm4b:s2+s3], $0x80, v3, vm0, $0xb8;
	[tilespmem:$0x18200] =	vst v63  }
0x91: {  	v3 =	vld [tilespmem:$0xA0];
	_ =	sdelay $0x4  }
0x92: {  	v42 =	vshll.u32 v3, $0x1  }
0x93: {  	v3 =	vand.u32 $0x7, v3;
	v4 =	vand.u32 $0xFFFFFFF0, v42  }
0x94: {  	v3 =	vor.u32 v3, v4  }
0x95: {  	v4 =	vperm.xlane v3, v0;
	_ =	sdelay $0x1  }
0x96: {  	v3 =	vperm.xlane v3, v2;
	v4 =	vadd.s32 v1, v4;
	_ =	sdelay $0x1  }
0x97: {  	v3 =	vadd.s32 v1, v3;
	_ =	sdelay $0x1  }
0x98: {  	s0 =	rddreg [dreg:$0xb]  }
0x99: {  	[tilespmem:s0], [sflag:$0x2] =	stream.indirect_vreg.gather [hbm4b:s2+s3], $0x80, v4, vm0, $0xb8;
	[tilespmem:$0x18200] =	vst v63  }
0x9a: {  	s24 =	rddreg [dreg:$0xc]  }
0x9b: {  	[tilespmem:s24], [sflag:$0x2] =	stream.indirect_vreg.gather [hbm4b:s2+s3], $0x80, v3, vm0, $0xb8;
	[tilespmem:$0x18200] =	vst v63  }
0x9c: {  	v3 =	vld [tilespmem:$0xB0];
	_ =	sdelay $0x4  }
0x9d: {  	v43 =	vshll.u32 v3, $0x1  }
0x9e: {  	v3 =	vand.u32 $0x7, v3;
	v4 =	vand.u32 $0xFFFFFFF0, v43  }
0x9f: {  	v3 =	vor.u32 v3, v4  }
0xa0: {  	v4 =	vperm.xlane v3, v0;
	_ =	sdelay $0x1  }
0xa1: {  	v3 =	vperm.xlane v3, v2;
	v4 =	vadd.s32 v1, v4;
	_ =	sdelay $0x1  }
0xa2: {  	v3 =	vadd.s32 v1, v3;
	_ =	sdelay $0x1  }
0xa3: {  	s0 =	rddreg [dreg:$0xd]  }
0xa4: {  	[tilespmem:s0], [sflag:$0x2] =	stream.indirect_vreg.gather [hbm4b:s2+s3], $0x80, v4, vm0, $0xb8;
	[tilespmem:$0x18200] =	vst v63  }
0xa5: {  	s24 =	rddreg [dreg:$0xe]  }
0xa6: {  	[tilespmem:s24], [sflag:$0x2] =	stream.indirect_vreg.gather [hbm4b:s2+s3], $0x80, v3, vm0, $0xb8;
	[tilespmem:$0x18200] =	vst v63  }
0xa7: {  	v3 =	vld [tilespmem:$0xC0];
	_ =	sdelay $0x4  }
0xa8: {  	v44 =	vshll.u32 v3, $0x1  }
0xa9: {  	v3 =	vand.u32 $0x7, v3;
	v4 =	vand.u32 $0xFFFFFFF0, v44  }
0xaa: {  	v3 =	vor.u32 v3, v4  }
0xab: {  	v4 =	vperm.xlane v3, v0;
	_ =	sdelay $0x1  }
0xac: {  	v3 =	vperm.xlane v3, v2;
	v4 =	vadd.s32 v1, v4;
	_ =	sdelay $0x1  }
0xad: {  	v3 =	vadd.s32 v1, v3;
	_ =	sdelay $0x1  }
0xae: {  	s0 =	rddreg [dreg:$0xf]  }
0xaf: {  	[tilespmem:s0], [sflag:$0x2] =	stream.indirect_vreg.gather [hbm4b:s2+s3], $0x80, v4, vm0, $0xb8;
	[tilespmem:$0x18200] =	vst v63  }
0xb0: {  	s24 =	rddreg [dreg:$0x10]  }
0xb1: {  	[tilespmem:s24], [sflag:$0x2] =	stream.indirect_vreg.gather [hbm4b:s2+s3], $0x80, v3, vm0, $0xb8;
	[tilespmem:$0x18200] =	vst v63  }
0xb2: {  	v3 =	vld [tilespmem:$0xD0];
	_ =	sdelay $0x4  }
0xb3: {  	v45 =	vshll.u32 v3, $0x1  }
0xb4: {  	v3 =	vand.u32 $0x7, v3;
	v4 =	vand.u32 $0xFFFFFFF0, v45  }
0xb5: {  	v3 =	vor.u32 v3, v4  }
0xb6: {  	v4 =	vperm.xlane v3, v0;
	_ =	sdelay $0x1  }
0xb7: {  	v3 =	vperm.xlane v3, v2;
	v4 =	vadd.s32 v1, v4;
	_ =	sdelay $0x1  }
0xb8: {  	v3 =	vadd.s32 v1, v3;
	_ =	sdelay $0x1  }
0xb9: {  	s0 =	rddreg [dreg:$0x11]  }
0xba: {  	[tilespmem:s0], [sflag:$0x2] =	stream.indirect_vreg.gather [hbm4b:s2+s3], $0x80, v4, vm0, $0xb8;
	[tilespmem:$0x18200] =	vst v63  }
0xbb: {  	s24 =	rddreg [dreg:$0x12]  }
0xbc: {  	[tilespmem:s24], [sflag:$0x2] =	stream.indirect_vreg.gather [hbm4b:s2+s3], $0x80, v3, vm0, $0xb8;
	[tilespmem:$0x18200] =	vst v63  }
0xbd: {  	v3 =	vld [tilespmem:$0xE0];
	_ =	sdelay $0x4  }
0xbe: {  	v46 =	vshll.u32 v3, $0x1  }
0xbf: {  	v3 =	vand.u32 $0x7, v3;
	v4 =	vand.u32 $0xFFFFFFF0, v46  }
0xc0: {  	v3 =	vor.u32 v3, v4  }
0xc1: {  	v4 =	vperm.xlane v3, v0;
	_ =	sdelay $0x1  }
0xc2: {  	v3 =	vperm.xlane v3, v2;
	v4 =	vadd.s32 v1, v4;
	_ =	sdelay $0x1  }
0xc3: {  	v3 =	vadd.s32 v1, v3;
	_ =	sdelay $0x1  }
0xc4: {  	s0 =	rddreg [dreg:$0x13]  }
0xc5: {  	[tilespmem:s0], [sflag:$0x2] =	stream.indirect_vreg.gather [hbm4b:s2+s3], $0x80, v4, vm0, $0xb8;
	[tilespmem:$0x18200] =	vst v63  }
0xc6: {  	s24 =	rddreg [dreg:$0x14]  }
0xc7: {  	[tilespmem:s24], [sflag:$0x2] =	stream.indirect_vreg.gather [hbm4b:s2+s3], $0x80, v3, vm0, $0xb8;
	[tilespmem:$0x18200] =	vst v63  }
0xc8: {  	v3 =	vld [tilespmem:$0xF0];
	_ =	sdelay $0x4  }
0xc9: {  	v47 =	vshll.u32 v3, $0x1  }
0xca: {  	v3 =	vand.u32 $0x7, v3;
	v4 =	vand.u32 $0xFFFFFFF0, v47  }
0xcb: {  	v3 =	vor.u32 v3, v4  }
0xcc: {  	v4 =	vperm.xlane v3, v0;
	_ =	sdelay $0x1  }
0xcd: {  	v3 =	vperm.xlane v3, v2;
	v4 =	vadd.s32 v1, v4;
	_ =	sdelay $0x1  }
0xce: {  	v3 =	vadd.s32 v1, v3;
	_ =	sdelay $0x1  }
0xcf: {  	s0 =	rddreg [dreg:$0x15]  }
0xd0: {  	[tilespmem:s0], [sflag:$0x2] =	stream.indirect_vreg.gather [hbm4b:s2+s3], $0x80, v4, vm0, $0xb8;
	[tilespmem:$0x18200] =	vst v63  }
0xd1: {  	s24 =	rddreg [dreg:$0x16]  }
0xd2: {  	[tilespmem:s24], [sflag:$0x2] =	stream.indirect_vreg.gather [hbm4b:s2+s3], $0x80, v3, vm0, $0xb8;
	[tilespmem:$0x18200] =	vst v63  }
0xd3: {  	v3 =	vld [tilespmem:$0x100];
	_ =	sdelay $0x4  }
0xd4: {  	v48 =	vshll.u32 v3, $0x1  }
0xd5: {  	v3 =	vand.u32 $0x7, v3;
	v4 =	vand.u32 $0xFFFFFFF0, v48  }
0xd6: {  	v3 =	vor.u32 v3, v4  }
0xd7: {  	v4 =	vperm.xlane v3, v0;
	_ =	sdelay $0x1  }
0xd8: {  	v3 =	vperm.xlane v3, v2;
	v4 =	vadd.s32 v1, v4;
	_ =	sdelay $0x1  }
0xd9: {  	v3 =	vadd.s32 v1, v3;
	_ =	sdelay $0x2  }
0xda: {  	[tilespmem:s23], [sflag:$0x3] =	stream.indirect_vreg.gather [hbm4b:s2+s3], $0x80, v4, vm0, $0xb8;
	[tilespmem:$0x18200] =	vst v63  }
0xdb: {  	s24 =	rddreg [dreg:$0x17]  }
0xdc: {  	[tilespmem:s24], [sflag:$0x3] =	stream.indirect_vreg.gather [hbm4b:s2+s3], $0x80, v3, vm0, $0xb8;
	[tilespmem:$0x18200] =	vst v63  }
0xdd: {  	v3 =	vld [tilespmem:$0x110];
	_ =	sdelay $0x4  }
0xde: {  	v49 =	vshll.u32 v3, $0x1  }
0xdf: {  	v3 =	vand.u32 $0x7, v3;
	v4 =	vand.u32 $0xFFFFFFF0, v49  }
0xe0: {  	v3 =	vor.u32 v3, v4  }
0xe1: {  	v4 =	vperm.xlane v3, v0;
	_ =	sdelay $0x1  }
0xe2: {  	v3 =	vperm.xlane v3, v2;
	v4 =	vadd.s32 v1, v4;
	_ =	sdelay $0x1  }
0xe3: {  	v3 =	vadd.s32 v1, v3;
	_ =	sdelay $0x1  }
0xe4: {  	s0 =	rddreg [dreg:$0x18]  }
0xe5: {  	[tilespmem:s0], [sflag:$0x3] =	stream.indirect_vreg.gather [hbm4b:s2+s3], $0x80, v4, vm0, $0xb8;
	[tilespmem:$0x18200] =	vst v63  }
0xe6: {  	s24 =	rddreg [dreg:$0x19]  }
0xe7: {  	[tilespmem:s24], [sflag:$0x3] =	stream.indirect_vreg.gather [hbm4b:s2+s3], $0x80, v3, vm0, $0xb8;
	[tilespmem:$0x18200] =	vst v63  }
0xe8: {  	v3 =	vld [tilespmem:$0x120];
	_ =	sdelay $0x4  }
0xe9: {  	v50 =	vshll.u32 v3, $0x1  }
0xea: {  	v3 =	vand.u32 $0x7, v3;
	v4 =	vand.u32 $0xFFFFFFF0, v50  }
0xeb: {  	v3 =	vor.u32 v3, v4  }
0xec: {  	v4 =	vperm.xlane v3, v0;
	_ =	sdelay $0x1  }
0xed: {  	v3 =	vperm.xlane v3, v2;
	v4 =	vadd.s32 v1, v4;
	_ =	sdelay $0x1  }
0xee: {  	v3 =	vadd.s32 v1, v3;
	_ =	sdelay $0x1  }
0xef: {  	s0 =	rddreg [dreg:$0x1a]  }
0xf0: {  	[tilespmem:s0], [sflag:$0x3] =	stream.indirect_vreg.gather [hbm4b:s2+s3], $0x80, v4, vm0, $0xb8;
	[tilespmem:$0x18200] =	vst v63  }
0xf1: {  	s24 =	rddreg [dreg:$0x1b]  }
0xf2: {  	[tilespmem:s24], [sflag:$0x3] =	stream.indirect_vreg.gather [hbm4b:s2+s3], $0x80, v3, vm0, $0xb8;
	[tilespmem:$0x18200] =	vst v63  }
0xf3: {  	v3 =	vld [tilespmem:$0x130];
	_ =	sdelay $0x4  }
0xf4: {  	v51 =	vshll.u32 v3, $0x1  }
0xf5: {  	v3 =	vand.u32 $0x7, v3;
	v4 =	vand.u32 $0xFFFFFFF0, v51  }
0xf6: {  	v3 =	vor.u32 v3, v4  }
0xf7: {  	v4 =	vperm.xlane v3, v0;
	_ =	sdelay $0x1  }
0xf8: {  	v3 =	vperm.xlane v3, v2;
	v4 =	vadd.s32 v1, v4;
	_ =	sdelay $0x1  }
0xf9: {  	v3 =	vadd.s32 v1, v3;
	_ =	sdelay $0x1  }
0xfa: {  	s0 =	rddreg [dreg:$0x1c]  }
0xfb: {  	[tilespmem:s0], [sflag:$0x3] =	stream.indirect_vreg.gather [hbm4b:s2+s3], $0x80, v4, vm0, $0xb8;
	[tilespmem:$0x18200] =	vst v63  }
0xfc: {  	s24 =	rddreg [dreg:$0x1d]  }
0xfd: {  	[tilespmem:s24], [sflag:$0x3] =	stream.indirect_vreg.gather [hbm4b:s2+s3], $0x80, v3, vm0, $0xb8;
	[tilespmem:$0x18200] =	vst v63  }
0xfe: {  	v3 =	vld [tilespmem:$0x140];
	_ =	sdelay $0x4  }
0xff: {  	v52 =	vshll.u32 v3, $0x1  }
0x100: {  	v3 =	vand.u32 $0x7, v3;
	v4 =	vand.u32 $0xFFFFFFF0, v52  }
0x101: {  	v3 =	vor.u32 v3, v4  }
0x102: {  	v4 =	vperm.xlane v3, v0;
	_ =	sdelay $0x1  }
0x103: {  	v3 =	vperm.xlane v3, v2;
	v4 =	vadd.s32 v1, v4;
	_ =	sdelay $0x1  }
0x104: {  	v3 =	vadd.s32 v1, v3;
	_ =	sdelay $0x1  }
0x105: {  	s0 =	rddreg [dreg:$0x1e]  }
0x106: {  	[tilespmem:s0], [sflag:$0x3] =	stream.indirect_vreg.gather [hbm4b:s2+s3], $0x80, v4, vm0, $0xb8;
	[tilespmem:$0x18200] =	vst v63  }
0x107: {  	s24 =	rddreg [dreg:$0x1f]  }
0x108: {  	[tilespmem:s24], [sflag:$0x3] =	stream.indirect_vreg.gather [hbm4b:s2+s3], $0x80, v3, vm0, $0xb8;
	[tilespmem:$0x18200] =	vst v63  }
0x109: {  	v3 =	vld [tilespmem:$0x150];
	_ =	sdelay $0x4  }
0x10a: {  	v53 =	vshll.u32 v3, $0x1  }
0x10b: {  	v3 =	vand.u32 $0x7, v3;
	v4 =	vand.u32 $0xFFFFFFF0, v53  }
0x10c: {  	v3 =	vor.u32 v3, v4  }
0x10d: {  	v4 =	vperm.xlane v3, v0;
	_ =	sdelay $0x1  }
0x10e: {  	v3 =	vperm.xlane v3, v2;
	v4 =	vadd.s32 v1, v4;
	_ =	sdelay $0x1  }
0x10f: {  	s0 =	sld [smem:$0x7FA];
	v3 =	vadd.s32 v1, v3;
	_ =	sdelay $0x1  }
0x110: {  	s24 =	sld [smem:$0x7FB]  }
0x111: {  	[tilespmem:s0], [sflag:$0x3] =	stream.indirect_vreg.gather [hbm4b:s2+s3], $0x80, v4, vm0, $0xb8;
	[tilespmem:$0x18200] =	vst v63  }
0x112: {  	_ = 	snop  }
0x113: {  	[tilespmem:s24], [sflag:$0x3] =	stream.indirect_vreg.gather [hbm4b:s2+s3], $0x80, v3, vm0, $0xb8;
	[tilespmem:$0x18200] =	vst v63  }
0x114: {  	v3 =	vld [tilespmem:$0x160];
	_ =	sdelay $0x4  }
0x115: {  	v54 =	vshll.u32 v3, $0x1  }
0x116: {  	v3 =	vand.u32 $0x7, v3;
	v4 =	vand.u32 $0xFFFFFFF0, v54  }
0x117: {  	v3 =	vor.u32 v3, v4  }
0x118: {  	v4 =	vperm.xlane v3, v0;
	_ =	sdelay $0x1  }
0x119: {  	v3 =	vperm.xlane v3, v2;
	v4 =	vadd.s32 v1, v4;
	_ =	sdelay $0x1  }
0x11a: {  	s0 =	sld [smem:$0x7FC];
	v3 =	vadd.s32 v1, v3;
	_ =	sdelay $0x1  }
0x11b: {  	s24 =	sld [smem:$0x7FD]  }
0x11c: {  	[tilespmem:s0], [sflag:$0x3] =	stream.indirect_vreg.gather [hbm4b:s2+s3], $0x80, v4, vm0, $0xb8;
	[tilespmem:$0x18200] =	vst v63  }
0x11d: {  	_ = 	snop  }
0x11e: {  	[tilespmem:s24], [sflag:$0x3] =	stream.indirect_vreg.gather [hbm4b:s2+s3], $0x80, v3, vm0, $0xb8;
	[tilespmem:$0x18200] =	vst v63  }
0x11f: {  	v3 =	vld [tilespmem:$0x170];
	_ =	sdelay $0x4  }
0x120: {  	v55 =	vshll.u32 v3, $0x1  }
0x121: {  	v3 =	vand.u32 $0x7, v3;
	v4 =	vand.u32 $0xFFFFFFF0, v55  }
0x122: {  	v3 =	vor.u32 v3, v4  }
0x123: {  	v4 =	vperm.xlane v3, v0;
	_ =	sdelay $0x1  }
0x124: {  	v3 =	vperm.xlane v3, v2;
	v4 =	vadd.s32 v1, v4;
	_ =	sdelay $0x1  }
0x125: {  	v3 =	vadd.s32 v1, v3;
	_ =	sdelay $0x1  }
0x126: {  	s24 =	simm.s32 $0x17200  }
0x127: {  	[tilespmem:s24], [sflag:$0x3] =	stream.indirect_vreg.gather [hbm4b:s2+s3], $0x80, v4, vm0, $0xb8;
	[tilespmem:$0x18200] =	vst v63  }
0x128: {  	_ = 	snop  }
0x129: {  	[tilespmem:s25], [sflag:$0x3] =	stream.indirect_vreg.gather [hbm4b:s2+s3], $0x80, v3, vm0, $0xb8;
	[tilespmem:$0x18200] =	vst v63  }
0x12a: {  	_ =	swait.ge [sflag:s26], $0x8000  }
0x12b: {  	[sflag:s26] =	ssyncset.done $0x0  }
0x12c: {  	s24 =	rddreg [dreg:$0x4];
	[sflag:s26] =	ssyncadd.s32 $0xFFFF8000  }
0x12d: {  	[hbm4b:s24+s3] =	stream.linear.scatter [tilespmem:s6], [sflag:$0x4], $0x8000, $0x38;
	[tilespmem:$0x18200] =	vst v63  }
0x12e: {  	_ =	swait.ge [sflag:s28], $0x8000  }
0x12f: {  	[sflag:s28] =	ssyncset.done $0x0  }
0x130: {  	[sflag:s28] =	ssyncadd.s32 $0xFFFF8000  }
0x131: {  	v3 =	vld [tilespmem:$0x180];
	_ =	sdelay $0x4  }
0x132: {  	v56 =	vshll.u32 v3, $0x1  }
0x133: {  	v3 =	vand.u32 $0x7, v3;
	v4 =	vand.u32 $0xFFFFFFF0, v56  }
0x134: {  	v3 =	vor.u32 v3, v4  }
0x135: {  	v4 =	vperm.xlane v3, v0;
	_ =	sdelay $0x1  }
0x136: {  	v3 =	vperm.xlane v3, v2;
	v4 =	vadd.s32 v1, v4;
	_ =	sdelay $0x1  }
0x137: {  	v3 =	vadd.s32 v1, v3;
	_ =	sdelay $0x2  }
0x138: {  	[tilespmem:s6], [sflag:$0x1] =	stream.indirect_vreg.gather [hbm4b:s2+s3], $0x80, v4, vm0, $0xb8;
	[tilespmem:$0x18200] =	vst v63  }
0x139: {  	_ = 	snop  }
0x13a: {  	[tilespmem:s7], [sflag:$0x1] =	stream.indirect_vreg.gather [hbm4b:s2+s3], $0x80, v3, vm0, $0xb8;
	[tilespmem:$0x18200] =	vst v63  }
0x13b: {  	v3 =	vld [tilespmem:$0x190];
	_ =	sdelay $0x4  }
0x13c: {  	v57 =	vshll.u32 v3, $0x1  }
0x13d: {  	v3 =	vand.u32 $0x7, v3;
	v4 =	vand.u32 $0xFFFFFFF0, v57  }
0x13e: {  	v3 =	vor.u32 v3, v4  }
0x13f: {  	v4 =	vperm.xlane v3, v0;
	_ =	sdelay $0x1  }
0x140: {  	v3 =	vperm.xlane v3, v2;
	v4 =	vadd.s32 v1, v4;
	_ =	sdelay $0x1  }
0x141: {  	v3 =	vadd.s32 v1, v3;
	_ =	sdelay $0x2  }
0x142: {  	[tilespmem:s8], [sflag:$0x1] =	stream.indirect_vreg.gather [hbm4b:s2+s3], $0x80, v4, vm0, $0xb8;
	[tilespmem:$0x18200] =	vst v63  }
0x143: {  	_ = 	snop  }
0x144: {  	[tilespmem:s9], [sflag:$0x1] =	stream.indirect_vreg.gather [hbm4b:s2+s3], $0x80, v3, vm0, $0xb8;
	[tilespmem:$0x18200] =	vst v63  }
0x145: {  	v3 =	vld [tilespmem:$0x1A0];
	_ =	sdelay $0x4  }
0x146: {  	v58 =	vshll.u32 v3, $0x1  }
0x147: {  	v3 =	vand.u32 $0x7, v3;
	v4 =	vand.u32 $0xFFFFFFF0, v58  }
0x148: {  	v3 =	vor.u32 v3, v4  }
0x149: {  	v4 =	vperm.xlane v3, v0;
	_ =	sdelay $0x1  }
0x14a: {  	v3 =	vperm.xlane v3, v2;
	v4 =	vadd.s32 v1, v4;
	_ =	sdelay $0x1  }
0x14b: {  	v3 =	vadd.s32 v1, v3;
	_ =	sdelay $0x2  }
0x14c: {  	[tilespmem:s10], [sflag:$0x1] =	stream.indirect_vreg.gather [hbm4b:s2+s3], $0x80, v4, vm0, $0xb8;
	[tilespmem:$0x18200] =	vst v63  }
0x14d: {  	_ = 	snop  }
0x14e: {  	[tilespmem:s11], [sflag:$0x1] =	stream.indirect_vreg.gather [hbm4b:s2+s3], $0x80, v3, vm0, $0xb8;
	[tilespmem:$0x18200] =	vst v63  }
0x14f: {  	v3 =	vld [tilespmem:$0x1B0];
	_ =	sdelay $0x4  }
0x150: {  	v59 =	vshll.u32 v3, $0x1  }
0x151: {  	v3 =	vand.u32 $0x7, v3;
	v4 =	vand.u32 $0xFFFFFFF0, v59  }
0x152: {  	v3 =	vor.u32 v3, v4  }
0x153: {  	v4 =	vperm.xlane v3, v0;
	_ =	sdelay $0x1  }
0x154: {  	v3 =	vperm.xlane v3, v2;
	v4 =	vadd.s32 v1, v4;
	_ =	sdelay $0x1  }
0x155: {  	v3 =	vadd.s32 v1, v3;
	_ =	sdelay $0x2  }
0x156: {  	[tilespmem:s12], [sflag:$0x1] =	stream.indirect_vreg.gather [hbm4b:s2+s3], $0x80, v4, vm0, $0xb8;
	[tilespmem:$0x18200] =	vst v63  }
0x157: {  	_ = 	snop  }
0x158: {  	[tilespmem:s13], [sflag:$0x1] =	stream.indirect_vreg.gather [hbm4b:s2+s3], $0x80, v3, vm0, $0xb8;
	[tilespmem:$0x18200] =	vst v63  }
0x159: {  	v3 =	vld [tilespmem:$0x1C0];
	_ =	sdelay $0x4  }
0x15a: {  	v60 =	vshll.u32 v3, $0x1  }
0x15b: {  	v3 =	vand.u32 $0x7, v3;
	v4 =	vand.u32 $0xFFFFFFF0, v60  }
0x15c: {  	v3 =	vor.u32 v3, v4  }
0x15d: {  	v4 =	vperm.xlane v3, v0;
	_ =	sdelay $0x1  }
0x15e: {  	v3 =	vperm.xlane v3, v2;
	v4 =	vadd.s32 v1, v4;
	_ =	sdelay $0x1  }
0x15f: {  	v3 =	vadd.s32 v1, v3;
	_ =	sdelay $0x2  }
0x160: {  	[tilespmem:s14], [sflag:$0x1] =	stream.indirect_vreg.gather [hbm4b:s2+s3], $0x80, v4, vm0, $0xb8;
	[tilespmem:$0x18200] =	vst v63  }
0x161: {  	_ = 	snop  }
0x162: {  	[tilespmem:s15], [sflag:$0x1] =	stream.indirect_vreg.gather [hbm4b:s2+s3], $0x80, v3, vm0, $0xb8;
	[tilespmem:$0x18200] =	vst v63  }
0x163: {  	v3 =	vld [tilespmem:$0x1D0];
	_ =	sdelay $0x4  }
0x164: {  	v61 =	vshll.u32 v3, $0x1  }
0x165: {  	v3 =	vand.u32 $0x7, v3;
	v4 =	vand.u32 $0xFFFFFFF0, v61  }
0x166: {  	v3 =	vor.u32 v3, v4  }
0x167: {  	v4 =	vperm.xlane v3, v0;
	_ =	sdelay $0x1  }
0x168: {  	v3 =	vperm.xlane v3, v2;
	v4 =	vadd.s32 v1, v4;
	_ =	sdelay $0x1  }
0x169: {  	v3 =	vadd.s32 v1, v3;
	_ =	sdelay $0x2  }
0x16a: {  	[tilespmem:s16], [sflag:$0x1] =	stream.indirect_vreg.gather [hbm4b:s2+s3], $0x80, v4, vm0, $0xb8;
	[tilespmem:$0x18200] =	vst v63  }
0x16b: {  	_ = 	snop  }
0x16c: {  	[tilespmem:s17], [sflag:$0x1] =	stream.indirect_vreg.gather [hbm4b:s2+s3], $0x80, v3, vm0, $0xb8;
	[tilespmem:$0x18200] =	vst v63  }
0x16d: {  	v3 =	vld [tilespmem:$0x1E0];
	_ =	sdelay $0x4  }
0x16e: {  	v62 =	vshll.u32 v3, $0x1  }
0x16f: {  	v3 =	vand.u32 $0x7, v3;
	v4 =	vand.u32 $0xFFFFFFF0, v62  }
0x170: {  	v3 =	vor.u32 v3, v4  }
0x171: {  	v4 =	vperm.xlane v3, v0;
	_ =	sdelay $0x1  }
0x172: {  	v3 =	vperm.xlane v3, v2;
	v4 =	vadd.s32 v1, v4;
	_ =	sdelay $0x1  }
0x173: {  	v3 =	vadd.s32 v1, v3;
	_ =	sdelay $0x2  }
0x174: {  	[tilespmem:s18], [sflag:$0x1] =	stream.indirect_vreg.gather [hbm4b:s2+s3], $0x80, v4, vm0, $0xb8;
	[tilespmem:$0x18200] =	vst v63  }
0x175: {  	_ = 	snop  }
0x176: {  	[tilespmem:s19], [sflag:$0x1] =	stream.indirect_vreg.gather [hbm4b:s2+s3], $0x80, v3, vm0, $0xb8;
	[tilespmem:$0x18200] =	vst v63  }
0x177: {  	v3 =	vld [tilespmem:$0x1F0];
	_ =	sdelay $0x4  }
0x178: {  	v63 =	vshll.u32 v3, $0x1  }
0x179: {  	v3 =	vand.u32 $0x7, v3;
	v4 =	vand.u32 $0xFFFFFFF0, v63  }
0x17a: {  	v3 =	vor.u32 v3, v4  }
0x17b: {  	v4 =	vperm.xlane v3, v0;
	_ =	sdelay $0x1  }
0x17c: {  	v3 =	vperm.xlane v3, v2;
	v4 =	vadd.s32 v1, v4;
	_ =	sdelay $0x1  }
0x17d: {  	v3 =	vadd.s32 v1, v3;
	_ =	sdelay $0x2  }
0x17e: {  	[tilespmem:s20], [sflag:$0x1] =	stream.indirect_vreg.gather [hbm4b:s2+s3], $0x80, v4, vm0, $0xb8;
	[tilespmem:$0x18200] =	vst v63  }
0x17f: {  	_ = 	snop  }
0x180: {  	[tilespmem:s21], [sflag:$0x1] =	stream.indirect_vreg.gather [hbm4b:s2+s3], $0x80, v3, vm0, $0xb8;
	[tilespmem:$0x18200] =	vst v63  }
0x181: {  	_ =	swait.ge [sflag:s29], $0x8000  }
0x182: {  	[sflag:s29] =	ssyncset.done $0x0  }
0x183: {  	s24 =	rddreg [dreg:$0x5];
	[sflag:s29] =	ssyncadd.s32 $0xFFFF8000  }
0x184: {  	[hbm4b:s24+s3] =	stream.linear.scatter [tilespmem:s22], [sflag:$0x5], $0x8000, $0x38;
	[tilespmem:$0x18200] =	vst v63  }
0x185: {  	_ =	swait.ge [sflag:s30], $0x8000  }
0x186: {  	[sflag:s30] =	ssyncset.done $0x0  }
0x187: {  	s24 =	rddreg [dreg:$0x6];
	[sflag:s30] =	ssyncadd.s32 $0xFFFF8000  }
0x188: {  	[hbm4b:s24+s3] =	stream.linear.scatter [tilespmem:s23], [sflag:$0x6], $0x8000, $0x38;
	[tilespmem:$0x18200] =	vst v63  }
0x189: {  	_ =	swait.ge [sflag:s26], $0x8000  }
0x18a: {  	[sflag:s26] =	ssyncset.done $0x0  }
0x18b: {  	s24 =	rddreg [dreg:$0x7];
	[sflag:s26] =	ssyncadd.s32 $0xFFFF8000  }
0x18c: {  	[hbm4b:s24+s3] =	stream.linear.scatter [tilespmem:s6], [sflag:$0x4], $0x8000, $0x38;
	[tilespmem:$0x18200] =	vst v63  }
0x18d: {  	_ =	swait.ge [sflag:s31], $0x8000  }
0x18e: {  	[sflag:s31] =	ssyncset.done $0x0  }
0x18f: {  	[sflag:s31] =	ssyncadd.s32 $0xFFFF8000  }
0x190: {  	p0 =	sne.s32 s4, $0x1;
	_ =	swait.ge [sflag:s1], $0x8000  }
.Ltmp0:
0x191: {  	[sflag:s1] =	ssyncset.done $0x0;
	(pc) =	sbr.rel @p0 .LBB2_1-.Ltmp0, $4  }
0x192: {  	[sflag:s1] =	ssyncadd.s32 $0xFFFF8000  }
0x193: {  	_ =	swait.ge [sflag:s28], $0x8000  }
0x194: {  	[sflag:s28] =	ssyncset.done $0x0  }
0x195: {  	s4 =	sadd.s32 $0xFFFFFFFF, s4;
	[sflag:s28] =	ssyncadd.s32 $0xFFFF8000  }
0x196: {  	_ =	sfence.sel $0x180000  }
0x197: {  	[bflag:$0x0] =	sbarrier.arrive $0xFFFF  }
0x198: {  	_ =	strace $0x9000004A  }
0x199: {  	s0 =	stileid.u32;
	[bflag:$0x2] =	sbarrier.arrive $0xFFFF  }
0x19a: {  	p0 =	sne.s32 s0, $0x0;
	s0 =	rddreg [dreg:$0x2]  }
0x19b: {  	s0 =	sadd.s32 @!p0 $0x100000, s0  }
0x19c: {  	[sflag:s0] =	ssyncadd.tile.s32 @!p0 $0x1;
	_ =	shalt  }
.Lfunc_end2:
_tile_overlayer_lowered:
.L_overlay_start_2:
0x19d: {  	(tag) =	ssettag $0x2  }
0x19e: {  	s0 =	rddreg [dreg:$0x0];
	s2 =	stileid.u32  }
0x19f: {  	s1 =	rddreg [dreg:$0x1];
	p0 =	sne.s32 s2, $0x0  }
0x1a0: {  	s3 =	rddreg [dreg:$0x2];
	[bflag:$0x3] =	sbarrier.arrive $0xFFFF;
	s2 =	simm.s32 @!p0 $0x1C07  }
0x1a1: {  	[timem:s3], [sflag:s2] =	dma.local @!p0 [hbm:s0], s1  }
0x1a2: {  	s0 =	simm.s32 @!p0 $0x7  }
0x1a3: {  	_ =	swait.ge @!p0 [sflag:s0], s1  }
0x1a4: {  	s1 =	ssub.s32 @!p0 $0x0, s1;
	[sflag:s0] =	ssyncset.done @!p0 $0x0  }
0x1a5: {  	[sflag:s0] =	ssyncadd.s32 @!p0 s1  }
0x1a6: {  	[bflag:$0x3] =	sbarrier.arrive $0xFFFF  }
0x1a7: {  	_ =	shalt  }

// kernel: kernel.9.cloned.1.call-start
scs
__scs_entry_jumppad:
0x0: {  	(pc) =	sbr.rel $0x88, $3  }
0x1: {  	(tag) =	ssettag $0x0;
	lr =	simm.s32 $0x1  }
0x2: {  	[smem:$0x3F94] =	sst lr;
	_ =	strace $0xD0000000  }
0x3: {  	_ = 	snop  }
0x4: {  	_ = 	snop  }
0x5: {  	_ = 	snop  }
0x6: {  	_ = 	snop  }
0x7: {  	_ = 	snop  }
__scs_overlays_trampoline_lowered:
0x8: {  	[smem:$0x3FA3] =	sst s0  }
0x9: {  	[smem:$0x3FA4] =	sst s1  }
0xa: {  	[smem:$0x3FA5] =	sst s2  }
0xb: {  	[smem:$0x3FA6] =	sst s3  }
0xc: {  	[smem:$0x3FA7] =	sst s4  }
0xd: {  	[smem:$0x3FA8] =	sst s5  }
0xe: {  	[smem:$0x3FA9] =	sst s6  }
0xf: {  	[smem:$0x3FAA] =	sst s7  }
0x10: {  	[smem:$0x3FAB] =	sst s8  }
0x11: {  	[smem:$0x3FAC] =	sst s9;
	s0 =	simm.s32 @!p0 $0x0  }
0x12: {  	s1 =	sld [smem:$0x3F92];
	s0 =	simm.s32 @p0 $0x1  }
0x13: {  	[smem:$0x3FAD] =	sst s0;
	s0 =	simm.s32 @!p1 $0x0  }
0x14: {  	s2 =	sld [smem:$0x3F91];
	s0 =	simm.s32 @p1 $0x1  }
0x15: {  	[smem:$0x3FAE] =	sst s0;
	s0 =	simm.s32 @!p2 $0x0  }
0x16: {  	s3 =	sld [smem:$0x3FDB];
	s0 =	simm.s32 @p2 $0x1  }
0x17: {  	s4 =	simm.s32 $0x1BF5;
	[smem:$0x3FB0] =	sst s0  }
0x18: {  	s0 =	sld [smem:$0x3F93];
	_ =	swait.ge [sflag:s4], $0x0  }
0x19: {  	s7 =	sld [smem:$0x3F94]  }
0x1a: {  	s8 =	sadd.s32 $0xFFFFE003, lr  }
0x1b: {  	s9 =	sadd.s32 $0xFFFFFEF7, lr;
	s5 =	simm.s32 $0xFFFFFFFF;
	p2 =	slt.u32 s8, $0xFFFFF086  }
0x1c: {  	p1 =	slt.u32 s9, $0xF7A;
	s5 =	simm.s32 @!p2 $0x0  }
0x1d: {  	s5 =	simm.s32 @p1 $0x1;
	p0 =	seq.s32 s7, s2  }
0x1e: {  	s7 =	smul.u32 @!p0 $0xF7A, s2;
	p2 =	seq.s32 @!p0 s5, $0x0  }
0x1f: {  	s9 =	smul.u32 $0xF7A, s1;
	s8 =	simm.s32 @!p0 $0x1BF5;
	p2 =	por !p2, p0  }
0x20: {  	[sflag:s8] =	ssyncset.s32 @!p0 $0xFFFFF086;
	s6 =	sadd.s32 @!p0 s3, s7;
	s7 =	simm.s32 @!p0 $0x108  }
0x21: {  	s3 =	sadd.s32 s3, s9;
	s6 =	sadd.s32 @!p0 $0x88, s6;
	s7 =	simm.s32 @p2 $0x1082  }
0x22: {  	[simem:s7], [sflag:s8] =	dma.local @!p0 [hbm:s6], $0xF7A  }
0x23: {  	s9 =	sor.u32 $0xD0000000, s2;
	s6 =	simm.s32 $0x108;
	_ =	swait.ge @!p0 [sflag:s8], $0x0  }
0x24: {  	s3 =	sadd.s32 $0x88, s3;
	s6 =	simm.s32 @!p1 $0x1082;
	[sflag:s4] =	ssyncset.s32 $0xFFFFF086  }
0x25: {  	[simem:s6], [sflag:s4] =	dma.local [hbm:s3], $0xF7A  }
0x26: {  	[smem:$0x3F94] =	sst s1;
	(tag) =	ssettag s2;
	_ =	strace s9  }
0x27: {  	s1 =	sld [smem:$0x3FA4]  }
0x28: {  	s2 =	sld [smem:$0x3FA5]  }
0x29: {  	s4 =	sld [smem:$0x3FA7]  }
0x2a: {  	p0 =	seq.s32 s5, $0x0;
	s5 =	sld [smem:$0x3FA8]  }
0x2b: {  	s6 =	sld [smem:$0x3FA9]  }
0x2c: {  	s7 =	sld [smem:$0x3FAA]  }
0x2d: {  	s3 =	simm.s32 $0x108;
	s8 =	sld [smem:$0x3FAB]  }
0x2e: {  	s3 =	simm.s32 @!p0 $0x1082;
	s9 =	sld [smem:$0x3FAC]  }
0x2f: {  	lr =	sadd.s32 s0, s3;
	s0 =	sld [smem:$0x3FA3]  }
0x30: {  	s3 =	sld [smem:$0x3FA6]  }
0x31: {  	[smem:$0x3FAF] =	sst s10  }
0x32: {  	s10 =	sld [smem:$0x3FAD];
	_ =	sdelay $0x3  }
0x33: {  	p0 =	seq.s32 s10, $0x1;
	s10 =	sld [smem:$0x3FAF];
	_ =	sdelay $0x3  }
0x34: {  	[smem:$0x3FAF] =	sst s10  }
0x35: {  	s10 =	sld [smem:$0x3FAE];
	_ =	sdelay $0x3  }
0x36: {  	p1 =	seq.s32 s10, $0x1;
	s10 =	sld [smem:$0x3FAF];
	_ =	sdelay $0x3  }
0x37: {  	[smem:$0x3FAF] =	sst s10  }
0x38: {  	s10 =	sld [smem:$0x3FB0]  }
0x39: {  	_ = 	snop;
	(pc) =	sbr.ind lr, $3  }
0x3a: {  	_ = 	snop  }
0x3b: {  	_ = 	snop  }
0x3c: {  	p2 =	seq.s32 s10, $0x1;
	s10 =	sld [smem:$0x3FAF]  }
0x3d: {  	_ =	shalt  }
0x3e: {  	_ =	shalt  }
0x3f: {  	_ =	shalt  }
0x40: {  	_ =	shalt  }
0x41: {  	_ =	shalt  }
0x42: {  	_ =	shalt  }
0x43: {  	_ =	shalt  }
0x44: {  	_ =	shalt  }
0x45: {  	_ =	shalt  }
0x46: {  	_ =	shalt  }
0x47: {  	_ =	shalt  }
0x48: {  	_ =	shalt  }
0x49: {  	_ =	shalt  }
0x4a: {  	_ =	shalt  }
0x4b: {  	_ =	shalt  }
0x4c: {  	_ =	shalt  }
0x4d: {  	_ =	shalt  }
0x4e: {  	_ =	shalt  }
0x4f: {  	_ =	shalt  }
0x50: {  	_ =	shalt  }
0x51: {  	_ =	shalt  }
0x52: {  	_ =	shalt  }
0x53: {  	_ =	shalt  }
0x54: {  	_ =	shalt  }
0x55: {  	_ =	shalt  }
0x56: {  	_ =	shalt  }
0x57: {  	_ =	shalt  }
0x58: {  	_ =	shalt  }
0x59: {  	_ =	shalt  }
0x5a: {  	_ =	shalt  }
0x5b: {  	_ =	shalt  }
0x5c: {  	_ =	shalt  }
0x5d: {  	_ =	shalt  }
0x5e: {  	_ =	shalt  }
0x5f: {  	_ =	shalt  }
0x60: {  	_ =	shalt  }
0x61: {  	_ =	shalt  }
0x62: {  	_ =	shalt  }
0x63: {  	_ =	shalt  }
0x64: {  	_ =	shalt  }
0x65: {  	_ =	shalt  }
0x66: {  	_ =	shalt  }
0x67: {  	_ =	shalt  }
0x68: {  	_ =	shalt  }
0x69: {  	_ =	shalt  }
0x6a: {  	_ =	shalt  }
0x6b: {  	_ =	shalt  }
0x6c: {  	_ =	shalt  }
0x6d: {  	_ =	shalt  }
0x6e: {  	_ =	shalt  }
0x6f: {  	_ =	shalt  }
0x70: {  	_ =	shalt  }
0x71: {  	_ =	shalt  }
0x72: {  	_ =	shalt  }
0x73: {  	_ =	shalt  }
0x74: {  	_ =	shalt  }
0x75: {  	_ =	shalt  }
0x76: {  	_ =	shalt  }
0x77: {  	_ =	shalt  }
0x78: {  	_ =	shalt  }
0x79: {  	_ =	shalt  }
0x7a: {  	_ =	shalt  }
0x7b: {  	_ =	shalt  }
0x7c: {  	_ =	shalt  }
0x7d: {  	_ =	shalt  }
0x7e: {  	_ =	shalt  }
0x7f: {  	_ =	shalt  }
0x80: {  	_ =	shalt  }
0x81: {  	_ =	shalt  }
0x82: {  	_ =	shalt  }
0x83: {  	_ =	shalt  }
0x84: {  	_ =	shalt  }
0x85: {  	_ =	shalt  }
0x86: {  	_ =	shalt  }
0x87: {  	_ =	shalt  }
.Lfunc_end0:
.L_simem_size_0:
called_computation.1_lowered:
.L_overlay_start_0:
0x88: {  	s2 =	sld [smem:$0x3FD9]  }
0x89: {  	s3 =	sld [smem:$0x3FFE];
	_ =	sdelay $0x1  }
0x8a: {  	s1 =	srdreg.scid  }
0x8b: {  	s0 =	sand.u32 $0x1, s1  }
0x8c: {  	s14 =	sshll.u32 s0, $0xA;
	s2 =	sadd.s32 s3, s2  }
0x8d: {  	s2 =	sadd.s32 s2, s14  }
0x8e: {  	[smem:$0x3FBB] =	sst s2  }
0x8f: {  	_ = 	snop  }
0x90: {  	s2 =	sld [smem:$0x3FD0];
	_ =	sdelay $0x2  }
0x91: {  	s4 =	simm.s32 $0xB;
	s5 =	simm.s32 $0x10;
	s15 =	sld [smem:$0x3FC4]  }
0x92: {  	[smem:s5], [sflag:s4] =	dma.local [hbm:s2], $0x1  }
0x93: {  	_ =	swait.eq [sflag:s4], $0x1  }
0x94: {  	[sflag:s4] =	ssyncset.done $0x0  }
0x95: {  	[sflag:s4] =	ssyncadd.s32 $0xFFFFFFFF  }
0x96: {  	s16 =	sld [smem:$0x11];
	(tm) =	ssettm $0x1  }
0x97: {  	s17 =	sld [smem:$0x3FFB];
	_ =	sdelay $0x3  }
0x98: {  	_ =	strace s17  }
0x99: {  	s4 =	sld [smem:$0x3FFC];
	_ =	sdelay $0x3  }
0x9a: {  	_ =	strace s4  }
0x9b: {  	s4 =	sld [smem:$0x3FFD];
	_ =	sdelay $0x3  }
0x9c: {  	_ =	strace s4  }
0x9d: {  	_ =	strace $0x8FFFFFFF  }
0x9e: {  	s18 =	sld [smem:$0x3FDB];
	_ =	sdelay $0x1  }
0x9f: {  	s19 =	simm.s32 $_scs_section_size  }
0xa0: {  	s6 =	simm.s32 $_size__tile_overlayer_lowered;
	s7 =	simm.s32 $_tile_overlayer_lowered  }
0xa1: {  	s22 =	simm.s32 $0x1BFF;
	s21 =	sshll.u32 s7, $0x1;
	s4 =	sadd.s32 s19, s18  }
0xa2: {  	s8 =	simm.s32 $0x0;
	s20 =	sshll.u32 s6, $0x1;
	s6 =	sadd.s32 s21, s4  }
0xa3: {  	[timem:s8], [sflag:s22] =	dma.local [hbm:s6], s20  }
0xa4: {  	_ =	swait.ge [sflag:s22], s20  }
0xa5: {  	s5 =	ssub.s32 $0x0, s20;
	[sflag:s22] =	ssyncset.done $0x0  }
0xa6: {  	[sflag:s22] =	ssyncadd.s32 s5;
	_ =	sdelay $0x1  }
0xa7: {  	s23 =	simm.s32 $0x1B8B  }
0xa8: {  	_ =	swait.ge [sflag:s23], $0x1  }
0xa9: {  	[sflag:s23] =	ssyncset.done $0x0  }
0xaa: {  	s25 =	simm.s32 $0x1B8E;
	s24 =	sld [smem:$0x3FFE];
	[sflag:s23] =	ssyncadd.s32 $0xFFFFFFFF  }
0xab: {  	s26 =	simm.s32 $execute0_lowered;
	[smem:$0x3FD2] =	sst s25  }
0xac: {  	s6 =	sshll.u32 s26, $0x1;
	_ =	strace $0x80000046;
	[dreg:$0x1] =	wrdreg $0xFFFFFFFF  }
0xad: {  	s28 =	simm.s32 $_size_execute0_lowered;
	s4 =	sadd.s32 s4, s6;
	[dreg:$0x0] =	wrdreg $0x0  }
0xae: {  	s6 =	sshll.u32 s28, $0x1;
	[dreg:$0x2] =	wrdreg s4  }
0xaf: {  	[dreg:$0x3] =	wrdreg s6  }
0xb0: {  	[dreg:$0x4] =	wrdreg $0xC0  }
0xb1: {  	_ =	task [dreg:s8], $0x5FFFF  }
0xb2: {  	[dreg:$0x1] =	wrdreg $0xFFFFFFFF  }
0xb3: {  	[dreg:$0x0] =	wrdreg $0x60  }
0xb4: {  	[dreg:$0x2] =	wrdreg s15  }
0xb5: {  	[dreg:$0x3] =	wrdreg s16  }
0xb6: {  	[dreg:$0x4] =	wrdreg s24  }
0xb7: {  	[dreg:$0x5] =	wrdreg $0xA  }
0xb8: {  	_ =	task.clear_ibuf [dreg:s8], $0x6FFFF;
	_ =	strace $0x90000046  }
0xb9: {  	s29 =	simm.s32 $0xA;
	_ =	strace $0x80000048  }
0xba: {  	_ =	swait.ge [sflag:s29], $0x1  }
0xbb: {  	[sflag:s29] =	ssyncadd.s32 $0xFFFFFFFF  }
0xbc: {  	_ =	strace $0x90000048  }
0xbd: {  	_ =	sfence  }
0xbe: {  	s30 =	sld [smem:$0x0];
	_ =	sdelay $0x2  }
0xbf: {  	s31 =	sshll.u32 s1, $0xD;
	s1 =	sshrl.u32 s1, $0x2  }
0xc0: {  	s3 =	sand.u32 $0x4000, s31;
	s1 =	sadd.s32 s1, s30  }
0xc1: {  	s0 =	sor.u32 s3, s0;
	s1 =	sshll.u32 s1, $0x11  }
0xc2: {  	s0 =	sor.u32 s1, s0  }
0xc3: {  	s0 =	sadd.s32 $0x8F2B, s0  }
0xc4: {  	[sflag:s0] =	ssyncadd.remote.s32 $0x1  }
0xc5: {  	_ =	sfence.sel $0xFFFF  }
0xc6: {  	[dreg:$0x0] =	wrdreg $0xFFFFFFFF;
	(pc) =	sbr.abs _section_cstart, $3  }
0xc7: {  	[dreg:$0x1] =	wrdreg $0xFFFFFFFF  }
0xc8: {  	_ =	task.clear_ibuf [dreg:s8], $0x2FFFF;
	_ =	strace $0x9FFFFFFF  }
0xc9: {  	(tm) =	ssettm $0x7FFFFFFF  }
tec
execute0_lowered:
.L_overlay_start_1:
0x0: {  	(tag) =	ssettag $0x1  }
0x1: {  	s1 =	rddreg [dreg:$0x0]  }
0x2: {  	s0 =	rddreg [dreg:$0x1]  }
0x3: {  	s2 =	rddreg [dreg:$0x2];
	s3 =	simm.s32 $0x0  }
0x4: {  	s11 =	simm.s32 $0x200;
	[smem:$0x7FF] =	sst s3  }
0x5: {  	s12 =	simm.s32 $0x10A80;
	_ =	strace $0x80000047;
	[dreg:$0xb] =	wrdreg s11  }
0x6: {  	s13 =	simm.s32 $0x11280;
	[dreg:$0xc] =	wrdreg s12  }
0x7: {  	s14 =	simm.s32 $0x11A80;
	[dreg:$0xd] =	wrdreg s13  }
0x8: {  	s4 =	srdreg.scid;
	s15 =	simm.s32 $0x12280;
	[dreg:$0xe] =	wrdreg s14  }
0x9: {  	s5 =	stileid.u32;
	s16 =	simm.s32 $0x12A80;
	[dreg:$0xf] =	wrdreg s15  }
0xa: {  	s17 =	simm.s32 $0x13280;
	s18 =	simm.s32 $0x13A80;
	[dreg:$0x10] =	wrdreg s16  }
0xb: {  	s19 =	simm.s32 $0x14280;
	s20 =	simm.s32 $0x14A80;
	[dreg:$0x11] =	wrdreg s17  }
0xc: {  	s21 =	simm.s32 $0x15280;
	s22 =	simm.s32 $0x15A80;
	[dreg:$0x12] =	wrdreg s18  }
0xd: {  	s28 =	simm.s32 $0x3280;
	s29 =	simm.s32 $0x3A80;
	[dreg:$0x13] =	wrdreg s19  }
0xe: {  	s30 =	simm.s32 $0x4280;
	s31 =	simm.s32 $0x4A80;
	[dreg:$0x14] =	wrdreg s20  }
0xf: {  	s4 =	sand.u32 $0x1, s4;
	s5 =	sshll.u32 s5, $0x1;
	[dreg:$0x15] =	wrdreg s21  }
0x10: {  	s5 =	sor.u32 s4, s5;
	s4 =	ssub.s32 $0x2, s4;
	[dreg:$0x16] =	wrdreg s22  }
0x11: {  	s13 =	simm.s32 $0x1;
	s14 =	simm.s32 $0x4;
	s15 =	simm.s32 $0x2  }
0x12: {  	s16 =	simm.s32 $0x5;
	s22 =	simm.s32 $0x280;
	s21 =	simm.s32 $0xA80  }
0x13: {  	s12 =	simm.s32 $0x9280;
	s17 =	simm.s32 $0x9A80;
	s18 =	simm.s32 $0xA280  }
0x14: {  	s6 =	sshll.u32 s5, $0x4;
	s7 =	sshll.u32 s5, $0x6;
	s8 =	sshll.u32 s5, $0xE  }
0x15: {  	s5 =	sshll.u32 s5, $0xC;
	s6 =	sadd.s32 s6, s2;
	s0 =	sadd.s32 s0, s7  }
0x16: {  	s23 =	sadd.s32 s8, s2;
	[dreg:$0x4] =	wrdreg s0;
	s24 =	sadd.s32 $0x2800, s6  }
0x17: {  	s2 =	sadd.s32 s5, s2;
	s25 =	sadd.s32 $0x22A00, s23;
	[dreg:$0x5] =	wrdreg s24  }
0x18: {  	s8 =	sshrl.u32 s4, $0x1;
	s26 =	sadd.s32 $0x23A00, s23;
	[dreg:$0x6] =	wrdreg s25  }
0x19: {  	s5 =	simm.s32 $0x7;
	s6 =	sadd.s32 $0x24A00, s23;
	[dreg:$0x7] =	wrdreg s26  }
0x1a: {  	s7 =	sadd.s32 $0x25A00, s23;
	s9 =	sadd.s32 $0x2A00, s2;
	[dreg:$0x8] =	wrdreg s6  }
0x1b: {  	s10 =	ssub.s32 s4, s8;
	s23 =	simm.s32 $0x16280;
	[dreg:$0x9] =	wrdreg s7  }
0x1c: {  	s8 =	simm.s32 $0x6A80;
	[dreg:$0xa] =	wrdreg s9;
	s4 =	smax.u32 s10, $0x1  }
0x1d: {  	[dreg:$0x17] =	wrdreg s23;
	s24 =	simm.s32 $0x16A80;
	s25 =	simm.s32 $0x17280  }
0x1e: {  	s26 =	simm.s32 $0x17A80;
	s23 =	simm.s32 $0x1280;
	[dreg:$0x18] =	wrdreg s24  }
0x1f: {  	v2 =	vlaneseq.u32;
	s6 =	simm.s32 $0x5280;
	s7 =	simm.s32 $0x6280;
	[dreg:$0x19] =	wrdreg s25  }
0x20: {  	vm0 =	vmmov $0xffff;
	v1 =	vshrl.u32 v2, $0x3;
	s9 =	simm.s32 $0x7280;
	s10 =	simm.s32 $0x7A80;
	[dreg:$0x1a] =	wrdreg s26  }
0x21: {  	v0 =	vand.u32 $0x7, v2;
	v2 =	vor.u32 $0x8, v2;
	v1 =	vmul.u32 $0x8, v1;
	s24 =	simm.s32 $0x1A80;
	s25 =	simm.s32 $0x2280;
	s26 =	simm.s32 $0x2A80  }
.LBB2_1:
0x22: {  	s19 =	rddreg [dreg:$0x4]  }
0x23: {  	[tilespmem:s3], [sflag:$0x7] =	stream.linear.gather [hbm4b:s19+s3], $0x200, $0x38;
	[tilespmem:$0x18280] =	vst v63  }
0x24: {  	_ =	swait.ge [sflag:s5], $0x200  }
0x25: {  	s11 =	rddreg [dreg:$0x5];
	[sflag:s5] =	ssyncset.done $0x0  }
0x26: {  	s20 =	rddreg [dreg:$0xb];
	[sflag:s5] =	ssyncadd.s32 $0xFFFFFE00  }
0x27: {  	[tilespmem:s20], [sflag:$0x7] =	stream.linear.gather [hbm4b:s11+s3], $0x80, $0x38;
	[tilespmem:$0x18280] =	vst v63  }
0x28: {  	_ =	swait.ge [sflag:s5], $0x80  }
0x29: {  	[sflag:s5] =	ssyncset.done $0x0  }
0x2a: {  	[sflag:s5] =	ssyncadd.s32 $0xFFFFFF80  }
0x2b: {  	v3 =	vld [tilespmem:$0x0];
	_ =	sdelay $0x4  }
0x2c: {  	v4 =	vshll.u32 v3, $0x1  }
0x2d: {  	v3 =	vand.u32 $0x7, v3;
	v4 =	vand.u32 $0xFFFFFFF0, v4  }
0x2e: {  	v3 =	vor.u32 v3, v4  }
0x2f: {  	v4 =	vperm.xlane v3, v0;
	_ =	sdelay $0x1  }
0x30: {  	v3 =	vperm.xlane v3, v2;
	v4 =	vadd.s32 v1, v4;
	_ =	sdelay $0x1  }
0x31: {  	v3 =	vadd.s32 v1, v3;
	_ =	sdelay $0x2  }
0x32: {  	[tilespmem:s22], [sflag:$0x1] =	stream.indirect_vreg.gather [hbm4b:s1+s3], $0x80, v4, vm0, $0xb8;
	[tilespmem:$0x18280] =	vst v63  }
0x33: {  	_ = 	snop  }
0x34: {  	[tilespmem:s21], [sflag:$0x1] =	stream.indirect_vreg.gather [hbm4b:s1+s3], $0x80, v3, vm0, $0xb8;
	[tilespmem:$0x18280] =	vst v63  }
0x35: {  	v3 =	vld [tilespmem:$0x10];
	_ =	sdelay $0x4  }
0x36: {  	v25 =	vshll.u32 v3, $0x1  }
0x37: {  	v3 =	vand.u32 $0x7, v3;
	v4 =	vand.u32 $0xFFFFFFF0, v25  }
0x38: {  	v3 =	vor.u32 v3, v4  }
0x39: {  	v4 =	vperm.xlane v3, v0;
	_ =	sdelay $0x1  }
0x3a: {  	v3 =	vperm.xlane v3, v2;
	v4 =	vadd.s32 v1, v4;
	_ =	sdelay $0x1  }
0x3b: {  	v3 =	vadd.s32 v1, v3;
	_ =	sdelay $0x2  }
0x3c: {  	[tilespmem:s23], [sflag:$0x1] =	stream.indirect_vreg.gather [hbm4b:s1+s3], $0x80, v4, vm0, $0xb8;
	[tilespmem:$0x18280] =	vst v63  }
0x3d: {  	_ = 	snop  }
0x3e: {  	[tilespmem:s24], [sflag:$0x1] =	stream.indirect_vreg.gather [hbm4b:s1+s3], $0x80, v3, vm0, $0xb8;
	[tilespmem:$0x18280] =	vst v63  }
0x3f: {  	v3 =	vld [tilespmem:$0x20];
	_ =	sdelay $0x4  }
0x40: {  	v26 =	vshll.u32 v3, $0x1  }
0x41: {  	v3 =	vand.u32 $0x7, v3;
	v4 =	vand.u32 $0xFFFFFFF0, v26  }
0x42: {  	v3 =	vor.u32 v3, v4  }
0x43: {  	v4 =	vperm.xlane v3, v0;
	_ =	sdelay $0x1  }
0x44: {  	v3 =	vperm.xlane v3, v2;
	v4 =	vadd.s32 v1, v4;
	_ =	sdelay $0x1  }
0x45: {  	v3 =	vadd.s32 v1, v3;
	_ =	sdelay $0x2  }
0x46: {  	[tilespmem:s25], [sflag:$0x1] =	stream.indirect_vreg.gather [hbm4b:s1+s3], $0x80, v4, vm0, $0xb8;
	[tilespmem:$0x18280] =	vst v63  }
0x47: {  	_ = 	snop  }
0x48: {  	[tilespmem:s26], [sflag:$0x1] =	stream.indirect_vreg.gather [hbm4b:s1+s3], $0x80, v3, vm0, $0xb8;
	[tilespmem:$0x18280] =	vst v63  }
0x49: {  	v3 =	vld [tilespmem:$0x30];
	_ =	sdelay $0x4  }
0x4a: {  	v27 =	vshll.u32 v3, $0x1  }
0x4b: {  	v3 =	vand.u32 $0x7, v3;
	v4 =	vand.u32 $0xFFFFFFF0, v27  }
0x4c: {  	v3 =	vor.u32 v3, v4  }
0x4d: {  	v4 =	vperm.xlane v3, v0;
	_ =	sdelay $0x1  }
0x4e: {  	v3 =	vperm.xlane v3, v2;
	v4 =	vadd.s32 v1, v4;
	_ =	sdelay $0x1  }
0x4f: {  	v3 =	vadd.s32 v1, v3;
	_ =	sdelay $0x2  }
0x50: {  	[tilespmem:s28], [sflag:$0x1] =	stream.indirect_vreg.gather [hbm4b:s1+s3], $0x80, v4, vm0, $0xb8;
	[tilespmem:$0x18280] =	vst v63  }
0x51: {  	_ = 	snop  }
0x52: {  	[tilespmem:s29], [sflag:$0x1] =	stream.indirect_vreg.gather [hbm4b:s1+s3], $0x80, v3, vm0, $0xb8;
	[tilespmem:$0x18280] =	vst v63  }
0x53: {  	v3 =	vld [tilespmem:$0x40];
	_ =	sdelay $0x4  }
0x54: {  	v28 =	vshll.u32 v3, $0x1  }
0x55: {  	v3 =	vand.u32 $0x7, v3;
	v4 =	vand.u32 $0xFFFFFFF0, v28  }
0x56: {  	v3 =	vor.u32 v3, v4  }
0x57: {  	v4 =	vperm.xlane v3, v0;
	_ =	sdelay $0x1  }
0x58: {  	v3 =	vperm.xlane v3, v2;
	v4 =	vadd.s32 v1, v4;
	_ =	sdelay $0x1  }
0x59: {  	v3 =	vadd.s32 v1, v3;
	_ =	sdelay $0x2  }
0x5a: {  	[tilespmem:s30], [sflag:$0x1] =	stream.indirect_vreg.gather [hbm4b:s1+s3], $0x80, v4, vm0, $0xb8;
	[tilespmem:$0x18280] =	vst v63  }
0x5b: {  	_ = 	snop  }
0x5c: {  	[tilespmem:s31], [sflag:$0x1] =	stream.indirect_vreg.gather [hbm4b:s1+s3], $0x80, v3, vm0, $0xb8;
	[tilespmem:$0x18280] =	vst v63  }
0x5d: {  	v3 =	vld [tilespmem:$0x50];
	_ =	sdelay $0x4  }
0x5e: {  	v29 =	vshll.u32 v3, $0x1  }
0x5f: {  	v3 =	vand.u32 $0x7, v3;
	v4 =	vand.u32 $0xFFFFFFF0, v29  }
0x60: {  	v3 =	vor.u32 v3, v4  }
0x61: {  	v4 =	vperm.xlane v3, v0;
	_ =	sdelay $0x1  }
0x62: {  	v3 =	vperm.xlane v3, v2;
	v4 =	vadd.s32 v1, v4;
	_ =	sdelay $0x1  }
0x63: {  	v3 =	vadd.s32 v1, v3;
	_ =	sdelay $0x2  }
0x64: {  	[tilespmem:s6], [sflag:$0x1] =	stream.indirect_vreg.gather [hbm4b:s1+s3], $0x80, v4, vm0, $0xb8;
	[tilespmem:$0x18280] =	vst v63  }
0x65: {  	s2 =	simm.s32 $0x5A80  }
0x66: {  	[tilespmem:s2], [sflag:$0x1] =	stream.indirect_vreg.gather [hbm4b:s1+s3], $0x80, v3, vm0, $0xb8;
	[tilespmem:$0x18280] =	vst v63  }
0x67: {  	v3 =	vld [tilespmem:$0x60];
	_ =	sdelay $0x4  }
0x68: {  	v30 =	vshll.u32 v3, $0x1  }
0x69: {  	v3 =	vand.u32 $0x7, v3;
	v4 =	vand.u32 $0xFFFFFFF0, v30  }
0x6a: {  	v3 =	vor.u32 v3, v4  }
0x6b: {  	v4 =	vperm.xlane v3, v0;
	_ =	sdelay $0x1  }
0x6c: {  	v3 =	vperm.xlane v3, v2;
	v4 =	vadd.s32 v1, v4;
	_ =	sdelay $0x1  }
0x6d: {  	v3 =	vadd.s32 v1, v3;
	_ =	sdelay $0x2  }
0x6e: {  	[tilespmem:s7], [sflag:$0x1] =	stream.indirect_vreg.gather [hbm4b:s1+s3], $0x80, v4, vm0, $0xb8;
	[tilespmem:$0x18280] =	vst v63  }
0x6f: {  	_ = 	snop  }
0x70: {  	[tilespmem:s8], [sflag:$0x1] =	stream.indirect_vreg.gather [hbm4b:s1+s3], $0x80, v3, vm0, $0xb8;
	[tilespmem:$0x18280] =	vst v63  }
0x71: {  	v3 =	vld [tilespmem:$0x70];
	_ =	sdelay $0x4  }
0x72: {  	v31 =	vshll.u32 v3, $0x1  }
0x73: {  	v3 =	vand.u32 $0x7, v3;
	v4 =	vand.u32 $0xFFFFFFF0, v31  }
0x74: {  	v3 =	vor.u32 v3, v4  }
0x75: {  	v4 =	vperm.xlane v3, v0;
	_ =	sdelay $0x1  }
0x76: {  	v3 =	vperm.xlane v3, v2;
	v4 =	vadd.s32 v1, v4;
	_ =	sdelay $0x1  }
0x77: {  	v3 =	vadd.s32 v1, v3;
	_ =	sdelay $0x2  }
0x78: {  	[tilespmem:s9], [sflag:$0x1] =	stream.indirect_vreg.gather [hbm4b:s1+s3], $0x80, v4, vm0, $0xb8;
	[tilespmem:$0x18280] =	vst v63  }
0x79: {  	_ = 	snop  }
0x7a: {  	[tilespmem:s10], [sflag:$0x1] =	stream.indirect_vreg.gather [hbm4b:s1+s3], $0x80, v3, vm0, $0xb8;
	[tilespmem:$0x18280] =	vst v63  }
0x7b: {  	v3 =	vld [tilespmem:$0x80];
	_ =	sdelay $0x4  }
0x7c: {  	v32 =	vshll.u32 v3, $0x1  }
0x7d: {  	v3 =	vand.u32 $0x7, v3;
	v4 =	vand.u32 $0xFFFFFFF0, v32  }
0x7e: {  	v3 =	vor.u32 v3, v4  }
0x7f: {  	v4 =	vperm.xlane v3, v0;
	_ =	sdelay $0x1  }
0x80: {  	v3 =	vperm.xlane v3, v2;
	v4 =	vadd.s32 v1, v4;
	_ =	sdelay $0x1  }
0x81: {  	v3 =	vadd.s32 v1, v3;
	_ =	sdelay $0x1  }
0x82: {  	s0 =	simm.s32 $0x8280  }
0x83: {  	[tilespmem:s0], [sflag:$0x2] =	stream.indirect_vreg.gather [hbm4b:s1+s3], $0x80, v4, vm0, $0xb8;
	[tilespmem:$0x18280] =	vst v63  }
0x84: {  	s11 =	simm.s32 $0x8A80  }
0x85: {  	[tilespmem:s11], [sflag:$0x2] =	stream.indirect_vreg.gather [hbm4b:s1+s3], $0x80, v3, vm0, $0xb8;
	[tilespmem:$0x18280] =	vst v63  }
0x86: {  	v3 =	vld [tilespmem:$0x90];
	_ =	sdelay $0x4  }
0x87: {  	v33 =	vshll.u32 v3, $0x1  }
0x88: {  	v3 =	vand.u32 $0x7, v3;
	v4 =	vand.u32 $0xFFFFFFF0, v33  }
0x89: {  	v3 =	vor.u32 v3, v4  }
0x8a: {  	v4 =	vperm.xlane v3, v0;
	_ =	sdelay $0x1  }
0x8b: {  	v3 =	vperm.xlane v3, v2;
	v4 =	vadd.s32 v1, v4;
	_ =	sdelay $0x1  }
0x8c: {  	v3 =	vadd.s32 v1, v3;
	_ =	sdelay $0x2  }
0x8d: {  	[tilespmem:s12], [sflag:$0x2] =	stream.indirect_vreg.gather [hbm4b:s1+s3], $0x80, v4, vm0, $0xb8;
	[tilespmem:$0x18280] =	vst v63  }
0x8e: {  	_ = 	snop  }
0x8f: {  	[tilespmem:s17], [sflag:$0x2] =	stream.indirect_vreg.gather [hbm4b:s1+s3], $0x80, v3, vm0, $0xb8;
	[tilespmem:$0x18280] =	vst v63  }
0x90: {  	v3 =	vld [tilespmem:$0xA0];
	_ =	sdelay $0x4  }
0x91: {  	v34 =	vshll.u32 v3, $0x1  }
0x92: {  	v3 =	vand.u32 $0x7, v3;
	v4 =	vand.u32 $0xFFFFFFF0, v34  }
0x93: {  	v3 =	vor.u32 v3, v4  }
0x94: {  	v4 =	vperm.xlane v3, v0;
	_ =	sdelay $0x1  }
0x95: {  	v3 =	vperm.xlane v3, v2;
	v4 =	vadd.s32 v1, v4;
	_ =	sdelay $0x1  }
0x96: {  	v3 =	vadd.s32 v1, v3;
	_ =	sdelay $0x2  }
0x97: {  	[tilespmem:s18], [sflag:$0x2] =	stream.indirect_vreg.gather [hbm4b:s1+s3], $0x80, v4, vm0, $0xb8;
	[tilespmem:$0x18280] =	vst v63  }
0x98: {  	s19 =	simm.s32 $0xAA80  }
0x99: {  	[tilespmem:s19], [sflag:$0x2] =	stream.indirect_vreg.gather [hbm4b:s1+s3], $0x80, v3, vm0, $0xb8;
	[tilespmem:$0x18280] =	vst v63  }
0x9a: {  	v3 =	vld [tilespmem:$0xB0];
	_ =	sdelay $0x4  }
0x9b: {  	v35 =	vshll.u32 v3, $0x1  }
0x9c: {  	v3 =	vand.u32 $0x7, v3;
	v4 =	vand.u32 $0xFFFFFFF0, v35  }
0x9d: {  	v3 =	vor.u32 v3, v4  }
0x9e: {  	v4 =	vperm.xlane v3, v0;
	_ =	sdelay $0x1  }
0x9f: {  	v3 =	vperm.xlane v3, v2;
	v4 =	vadd.s32 v1, v4;
	_ =	sdelay $0x1  }
0xa0: {  	v3 =	vadd.s32 v1, v3;
	_ =	sdelay $0x1  }
0xa1: {  	s20 =	simm.s32 $0xB280  }
0xa2: {  	[tilespmem:s20], [sflag:$0x2] =	stream.indirect_vreg.gather [hbm4b:s1+s3], $0x80, v4, vm0, $0xb8;
	[tilespmem:$0x18280] =	vst v63  }
0xa3: {  	s19 =	simm.s32 $0xBA80  }
0xa4: {  	[tilespmem:s19], [sflag:$0x2] =	stream.indirect_vreg.gather [hbm4b:s1+s3], $0x80, v3, vm0, $0xb8;
	[tilespmem:$0x18280] =	vst v63  }
0xa5: {  	v3 =	vld [tilespmem:$0xC0];
	_ =	sdelay $0x4  }
0xa6: {  	v36 =	vshll.u32 v3, $0x1  }
0xa7: {  	v3 =	vand.u32 $0x7, v3;
	v4 =	vand.u32 $0xFFFFFFF0, v36  }
0xa8: {  	v3 =	vor.u32 v3, v4  }
0xa9: {  	v4 =	vperm.xlane v3, v0;
	_ =	sdelay $0x1  }
0xaa: {  	v3 =	vperm.xlane v3, v2;
	v4 =	vadd.s32 v1, v4;
	_ =	sdelay $0x1  }
0xab: {  	v3 =	vadd.s32 v1, v3;
	_ =	sdelay $0x1  }
0xac: {  	s20 =	simm.s32 $0xC280  }
0xad: {  	[tilespmem:s20], [sflag:$0x2] =	stream.indirect_vreg.gather [hbm4b:s1+s3], $0x80, v4, vm0, $0xb8;
	[tilespmem:$0x18280] =	vst v63  }
0xae: {  	s19 =	simm.s32 $0xCA80  }
0xaf: {  	[tilespmem:s19], [sflag:$0x2] =	stream.indirect_vreg.gather [hbm4b:s1+s3], $0x80, v3, vm0, $0xb8;
	[tilespmem:$0x18280] =	vst v63  }
0xb0: {  	v3 =	vld [tilespmem:$0xD0];
	_ =	sdelay $0x4  }
0xb1: {  	v37 =	vshll.u32 v3, $0x1  }
0xb2: {  	v3 =	vand.u32 $0x7, v3;
	v4 =	vand.u32 $0xFFFFFFF0, v37  }
0xb3: {  	v3 =	vor.u32 v3, v4  }
0xb4: {  	v4 =	vperm.xlane v3, v0;
	_ =	sdelay $0x1  }
0xb5: {  	v3 =	vperm.xlane v3, v2;
	v4 =	vadd.s32 v1, v4;
	_ =	sdelay $0x1  }
0xb6: {  	v3 =	vadd.s32 v1, v3;
	_ =	sdelay $0x1  }
0xb7: {  	s20 =	simm.s32 $0xD280  }
0xb8: {  	[tilespmem:s20], [sflag:$0x2] =	stream.indirect_vreg.gather [hbm4b:s1+s3], $0x80, v4, vm0, $0xb8;
	[tilespmem:$0x18280] =	vst v63  }
0xb9: {  	s19 =	simm.s32 $0xDA80  }
0xba: {  	[tilespmem:s19], [sflag:$0x2] =	stream.indirect_vreg.gather [hbm4b:s1+s3], $0x80, v3, vm0, $0xb8;
	[tilespmem:$0x18280] =	vst v63  }
0xbb: {  	v3 =	vld [tilespmem:$0xE0];
	_ =	sdelay $0x4  }
0xbc: {  	v38 =	vshll.u32 v3, $0x1  }
0xbd: {  	v3 =	vand.u32 $0x7, v3;
	v4 =	vand.u32 $0xFFFFFFF0, v38  }
0xbe: {  	v3 =	vor.u32 v3, v4  }
0xbf: {  	v4 =	vperm.xlane v3, v0;
	_ =	sdelay $0x1  }
0xc0: {  	v3 =	vperm.xlane v3, v2;
	v4 =	vadd.s32 v1, v4;
	_ =	sdelay $0x1  }
0xc1: {  	v3 =	vadd.s32 v1, v3;
	_ =	sdelay $0x1  }
0xc2: {  	s20 =	simm.s32 $0xE280  }
0xc3: {  	[tilespmem:s20], [sflag:$0x2] =	stream.indirect_vreg.gather [hbm4b:s1+s3], $0x80, v4, vm0, $0xb8;
	[tilespmem:$0x18280] =	vst v63  }
0xc4: {  	s19 =	simm.s32 $0xEA80  }
0xc5: {  	[tilespmem:s19], [sflag:$0x2] =	stream.indirect_vreg.gather [hbm4b:s1+s3], $0x80, v3, vm0, $0xb8;
	[tilespmem:$0x18280] =	vst v63  }
0xc6: {  	v3 =	vld [tilespmem:$0xF0];
	_ =	sdelay $0x4  }
0xc7: {  	v39 =	vshll.u32 v3, $0x1  }
0xc8: {  	v3 =	vand.u32 $0x7, v3;
	v4 =	vand.u32 $0xFFFFFFF0, v39  }
0xc9: {  	v3 =	vor.u32 v3, v4  }
0xca: {  	v4 =	vperm.xlane v3, v0;
	_ =	sdelay $0x1  }
0xcb: {  	v3 =	vperm.xlane v3, v2;
	v4 =	vadd.s32 v1, v4;
	_ =	sdelay $0x1  }
0xcc: {  	v3 =	vadd.s32 v1, v3;
	_ =	sdelay $0x1  }
0xcd: {  	s20 =	simm.s32 $0xF280  }
0xce: {  	[tilespmem:s20], [sflag:$0x2] =	stream.indirect_vreg.gather [hbm4b:s1+s3], $0x80, v4, vm0, $0xb8;
	[tilespmem:$0x18280] =	vst v63  }
0xcf: {  	s19 =	simm.s32 $0xFA80  }
0xd0: {  	[tilespmem:s19], [sflag:$0x2] =	stream.indirect_vreg.gather [hbm4b:s1+s3], $0x80, v3, vm0, $0xb8;
	[tilespmem:$0x18280] =	vst v63  }
0xd1: {  	v3 =	vld [tilespmem:$0x100];
	_ =	sdelay $0x4  }
0xd2: {  	v40 =	vshll.u32 v3, $0x1  }
0xd3: {  	v3 =	vand.u32 $0x7, v3;
	v4 =	vand.u32 $0xFFFFFFF0, v40  }
0xd4: {  	v3 =	vor.u32 v3, v4  }
0xd5: {  	v4 =	vperm.xlane v3, v0;
	_ =	sdelay $0x1  }
0xd6: {  	v3 =	vperm.xlane v3, v2;
	v4 =	vadd.s32 v1, v4;
	_ =	sdelay $0x1  }
0xd7: {  	v3 =	vadd.s32 v1, v3;
	_ =	sdelay $0x1  }
0xd8: {  	s11 =	simm.s32 $0x10280  }
0xd9: {  	[tilespmem:s11], [sflag:$0x3] =	stream.indirect_vreg.gather [hbm4b:s1+s3], $0x80, v4, vm0, $0xb8;
	[tilespmem:$0x18280] =	vst v63  }
0xda: {  	s20 =	rddreg [dreg:$0xc]  }
0xdb: {  	[tilespmem:s20], [sflag:$0x3] =	stream.indirect_vreg.gather [hbm4b:s1+s3], $0x80, v3, vm0, $0xb8;
	[tilespmem:$0x18280] =	vst v63  }
0xdc: {  	v3 =	vld [tilespmem:$0x110];
	_ =	sdelay $0x4  }
0xdd: {  	v41 =	vshll.u32 v3, $0x1  }
0xde: {  	v3 =	vand.u32 $0x7, v3;
	v4 =	vand.u32 $0xFFFFFFF0, v41  }
0xdf: {  	v3 =	vor.u32 v3, v4  }
0xe0: {  	v4 =	vperm.xlane v3, v0;
	_ =	sdelay $0x1  }
0xe1: {  	v3 =	vperm.xlane v3, v2;
	v4 =	vadd.s32 v1, v4;
	_ =	sdelay $0x1  }
0xe2: {  	v3 =	vadd.s32 v1, v3;
	_ =	sdelay $0x1  }
0xe3: {  	s19 =	rddreg [dreg:$0xd]  }
0xe4: {  	[tilespmem:s19], [sflag:$0x3] =	stream.indirect_vreg.gather [hbm4b:s1+s3], $0x80, v4, vm0, $0xb8;
	[tilespmem:$0x18280] =	vst v63  }
0xe5: {  	s20 =	rddreg [dreg:$0xe]  }
0xe6: {  	[tilespmem:s20], [sflag:$0x3] =	stream.indirect_vreg.gather [hbm4b:s1+s3], $0x80, v3, vm0, $0xb8;
	[tilespmem:$0x18280] =	vst v63  }
0xe7: {  	v3 =	vld [tilespmem:$0x120];
	_ =	sdelay $0x4  }
0xe8: {  	v42 =	vshll.u32 v3, $0x1  }
0xe9: {  	v3 =	vand.u32 $0x7, v3;
	v4 =	vand.u32 $0xFFFFFFF0, v42  }
0xea: {  	v3 =	vor.u32 v3, v4  }
0xeb: {  	v4 =	vperm.xlane v3, v0;
	_ =	sdelay $0x1  }
0xec: {  	v3 =	vperm.xlane v3, v2;
	v4 =	vadd.s32 v1, v4;
	_ =	sdelay $0x1  }
0xed: {  	v3 =	vadd.s32 v1, v3;
	_ =	sdelay $0x1  }
0xee: {  	s19 =	rddreg [dreg:$0xf]  }
0xef: {  	[tilespmem:s19], [sflag:$0x3] =	stream.indirect_vreg.gather [hbm4b:s1+s3], $0x80, v4, vm0, $0xb8;
	[tilespmem:$0x18280] =	vst v63  }
0xf0: {  	s20 =	rddreg [dreg:$0x10]  }
0xf1: {  	[tilespmem:s20], [sflag:$0x3] =	stream.indirect_vreg.gather [hbm4b:s1+s3], $0x80, v3, vm0, $0xb8;
	[tilespmem:$0x18280] =	vst v63  }
0xf2: {  	v3 =	vld [tilespmem:$0x130];
	_ =	sdelay $0x4  }
0xf3: {  	v43 =	vshll.u32 v3, $0x1  }
0xf4: {  	v3 =	vand.u32 $0x7, v3;
	v4 =	vand.u32 $0xFFFFFFF0, v43  }
0xf5: {  	v3 =	vor.u32 v3, v4  }
0xf6: {  	v4 =	vperm.xlane v3, v0;
	_ =	sdelay $0x1  }
0xf7: {  	v3 =	vperm.xlane v3, v2;
	v4 =	vadd.s32 v1, v4;
	_ =	sdelay $0x1  }
0xf8: {  	v3 =	vadd.s32 v1, v3;
	_ =	sdelay $0x1  }
0xf9: {  	s19 =	rddreg [dreg:$0x11]  }
0xfa: {  	[tilespmem:s19], [sflag:$0x3] =	stream.indirect_vreg.gather [hbm4b:s1+s3], $0x80, v4, vm0, $0xb8;
	[tilespmem:$0x18280] =	vst v63  }
0xfb: {  	s20 =	rddreg [dreg:$0x12]  }
0xfc: {  	[tilespmem:s20], [sflag:$0x3] =	stream.indirect_vreg.gather [hbm4b:s1+s3], $0x80, v3, vm0, $0xb8;
	[tilespmem:$0x18280] =	vst v63  }
0xfd: {  	v3 =	vld [tilespmem:$0x140];
	_ =	sdelay $0x4  }
0xfe: {  	v44 =	vshll.u32 v3, $0x1  }
0xff: {  	v3 =	vand.u32 $0x7, v3;
	v4 =	vand.u32 $0xFFFFFFF0, v44  }
0x100: {  	v3 =	vor.u32 v3, v4  }
0x101: {  	v4 =	vperm.xlane v3, v0;
	_ =	sdelay $0x1  }
0x102: {  	v3 =	vperm.xlane v3, v2;
	v4 =	vadd.s32 v1, v4;
	_ =	sdelay $0x1  }
0x103: {  	v3 =	vadd.s32 v1, v3;
	_ =	sdelay $0x1  }
0x104: {  	s19 =	rddreg [dreg:$0x13]  }
0x105: {  	[tilespmem:s19], [sflag:$0x3] =	stream.indirect_vreg.gather [hbm4b:s1+s3], $0x80, v4, vm0, $0xb8;
	[tilespmem:$0x18280] =	vst v63  }
0x106: {  	s20 =	rddreg [dreg:$0x14]  }
0x107: {  	[tilespmem:s20], [sflag:$0x3] =	stream.indirect_vreg.gather [hbm4b:s1+s3], $0x80, v3, vm0, $0xb8;
	[tilespmem:$0x18280] =	vst v63  }
0x108: {  	v3 =	vld [tilespmem:$0x150];
	_ =	sdelay $0x4  }
0x109: {  	v45 =	vshll.u32 v3, $0x1  }
0x10a: {  	v3 =	vand.u32 $0x7, v3;
	v4 =	vand.u32 $0xFFFFFFF0, v45  }
0x10b: {  	v3 =	vor.u32 v3, v4  }
0x10c: {  	v4 =	vperm.xlane v3, v0;
	_ =	sdelay $0x1  }
0x10d: {  	v3 =	vperm.xlane v3, v2;
	v4 =	vadd.s32 v1, v4;
	_ =	sdelay $0x1  }
0x10e: {  	v3 =	vadd.s32 v1, v3;
	_ =	sdelay $0x1  }
0x10f: {  	s19 =	rddreg [dreg:$0x15]  }
0x110: {  	[tilespmem:s19], [sflag:$0x3] =	stream.indirect_vreg.gather [hbm4b:s1+s3], $0x80, v4, vm0, $0xb8;
	[tilespmem:$0x18280] =	vst v63  }
0x111: {  	s20 =	rddreg [dreg:$0x16]  }
0x112: {  	[tilespmem:s20], [sflag:$0x3] =	stream.indirect_vreg.gather [hbm4b:s1+s3], $0x80, v3, vm0, $0xb8;
	[tilespmem:$0x18280] =	vst v63  }
0x113: {  	v3 =	vld [tilespmem:$0x160];
	_ =	sdelay $0x4  }
0x114: {  	v46 =	vshll.u32 v3, $0x1  }
0x115: {  	v3 =	vand.u32 $0x7, v3;
	v4 =	vand.u32 $0xFFFFFFF0, v46  }
0x116: {  	v3 =	vor.u32 v3, v4  }
0x117: {  	v4 =	vperm.xlane v3, v0;
	_ =	sdelay $0x1  }
0x118: {  	v3 =	vperm.xlane v3, v2;
	v4 =	vadd.s32 v1, v4;
	_ =	sdelay $0x1  }
0x119: {  	v3 =	vadd.s32 v1, v3;
	_ =	sdelay $0x1  }
0x11a: {  	s19 =	rddreg [dreg:$0x17]  }
0x11b: {  	[tilespmem:s19], [sflag:$0x3] =	stream.indirect_vreg.gather [hbm4b:s1+s3], $0x80, v4, vm0, $0xb8;
	[tilespmem:$0x18280] =	vst v63  }
0x11c: {  	s20 =	rddreg [dreg:$0x18]  }
0x11d: {  	[tilespmem:s20], [sflag:$0x3] =	stream.indirect_vreg.gather [hbm4b:s1+s3], $0x80, v3, vm0, $0xb8;
	[tilespmem:$0x18280] =	vst v63  }
0x11e: {  	v3 =	vld [tilespmem:$0x170];
	_ =	sdelay $0x4  }
0x11f: {  	v47 =	vshll.u32 v3, $0x1  }
0x120: {  	v3 =	vand.u32 $0x7, v3;
	v4 =	vand.u32 $0xFFFFFFF0, v47  }
0x121: {  	v3 =	vor.u32 v3, v4  }
0x122: {  	v4 =	vperm.xlane v3, v0;
	_ =	sdelay $0x1  }
0x123: {  	v3 =	vperm.xlane v3, v2;
	v4 =	vadd.s32 v1, v4;
	_ =	sdelay $0x1  }
0x124: {  	v3 =	vadd.s32 v1, v3;
	_ =	sdelay $0x1  }
0x125: {  	s19 =	rddreg [dreg:$0x19]  }
0x126: {  	[tilespmem:s19], [sflag:$0x3] =	stream.indirect_vreg.gather [hbm4b:s1+s3], $0x80, v4, vm0, $0xb8;
	[tilespmem:$0x18280] =	vst v63  }
0x127: {  	s20 =	rddreg [dreg:$0x1a]  }
0x128: {  	[tilespmem:s20], [sflag:$0x3] =	stream.indirect_vreg.gather [hbm4b:s1+s3], $0x80, v3, vm0, $0xb8;
	[tilespmem:$0x18280] =	vst v63  }
0x129: {  	_ =	swait.ge [sflag:s13], $0x8000  }
0x12a: {  	[sflag:s13] =	ssyncset.done $0x0  }
0x12b: {  	s20 =	rddreg [dreg:$0x6];
	[sflag:s13] =	ssyncadd.s32 $0xFFFF8000  }
0x12c: {  	[hbm4b:s20+s3] =	stream.linear.scatter [tilespmem:s22], [sflag:$0x4], $0x8000, $0x38;
	[tilespmem:$0x18280] =	vst v63  }
0x12d: {  	_ =	swait.ge [sflag:s14], $0x8000  }
0x12e: {  	[sflag:s14] =	ssyncset.done $0x0  }
0x12f: {  	[sflag:s14] =	ssyncadd.s32 $0xFFFF8000  }
0x130: {  	v3 =	vld [tilespmem:$0x180];
	_ =	sdelay $0x4  }
0x131: {  	v48 =	vshll.u32 v3, $0x1  }
0x132: {  	v3 =	vand.u32 $0x7, v3;
	v4 =	vand.u32 $0xFFFFFFF0, v48  }
0x133: {  	v3 =	vor.u32 v3, v4  }
0x134: {  	v4 =	vperm.xlane v3, v0;
	_ =	sdelay $0x1  }
0x135: {  	v3 =	vperm.xlane v3, v2;
	v4 =	vadd.s32 v1, v4;
	_ =	sdelay $0x1  }
0x136: {  	v3 =	vadd.s32 v1, v3;
	_ =	sdelay $0x2  }
0x137: {  	[tilespmem:s22], [sflag:$0x1] =	stream.indirect_vreg.gather [hbm4b:s1+s3], $0x80, v4, vm0, $0xb8;
	[tilespmem:$0x18280] =	vst v63  }
0x138: {  	_ = 	snop  }
0x139: {  	[tilespmem:s21], [sflag:$0x1] =	stream.indirect_vreg.gather [hbm4b:s1+s3], $0x80, v3, vm0, $0xb8;
	[tilespmem:$0x18280] =	vst v63  }
0x13a: {  	v3 =	vld [tilespmem:$0x190];
	_ =	sdelay $0x4  }
0x13b: {  	v49 =	vshll.u32 v3, $0x1  }
0x13c: {  	v3 =	vand.u32 $0x7, v3;
	v4 =	vand.u32 $0xFFFFFFF0, v49  }
0x13d: {  	v3 =	vor.u32 v3, v4  }
0x13e: {  	v4 =	vperm.xlane v3, v0;
	_ =	sdelay $0x1  }
0x13f: {  	v3 =	vperm.xlane v3, v2;
	v4 =	vadd.s32 v1, v4;
	_ =	sdelay $0x1  }
0x140: {  	v3 =	vadd.s32 v1, v3;
	_ =	sdelay $0x2  }
0x141: {  	[tilespmem:s23], [sflag:$0x1] =	stream.indirect_vreg.gather [hbm4b:s1+s3], $0x80, v4, vm0, $0xb8;
	[tilespmem:$0x18280] =	vst v63  }
0x142: {  	_ = 	snop  }
0x143: {  	[tilespmem:s24], [sflag:$0x1] =	stream.indirect_vreg.gather [hbm4b:s1+s3], $0x80, v3, vm0, $0xb8;
	[tilespmem:$0x18280] =	vst v63  }
0x144: {  	v3 =	vld [tilespmem:$0x1A0];
	_ =	sdelay $0x4  }
0x145: {  	v50 =	vshll.u32 v3, $0x1  }
0x146: {  	v3 =	vand.u32 $0x7, v3;
	v4 =	vand.u32 $0xFFFFFFF0, v50  }
0x147: {  	v3 =	vor.u32 v3, v4  }
0x148: {  	v4 =	vperm.xlane v3, v0;
	_ =	sdelay $0x1  }
0x149: {  	v3 =	vperm.xlane v3, v2;
	v4 =	vadd.s32 v1, v4;
	_ =	sdelay $0x1  }
0x14a: {  	v3 =	vadd.s32 v1, v3;
	_ =	sdelay $0x2  }
0x14b: {  	[tilespmem:s25], [sflag:$0x1] =	stream.indirect_vreg.gather [hbm4b:s1+s3], $0x80, v4, vm0, $0xb8;
	[tilespmem:$0x18280] =	vst v63  }
0x14c: {  	_ = 	snop  }
0x14d: {  	[tilespmem:s26], [sflag:$0x1] =	stream.indirect_vreg.gather [hbm4b:s1+s3], $0x80, v3, vm0, $0xb8;
	[tilespmem:$0x18280] =	vst v63  }
0x14e: {  	v3 =	vld [tilespmem:$0x1B0];
	_ =	sdelay $0x4  }
0x14f: {  	v51 =	vshll.u32 v3, $0x1  }
0x150: {  	v3 =	vand.u32 $0x7, v3;
	v4 =	vand.u32 $0xFFFFFFF0, v51  }
0x151: {  	v3 =	vor.u32 v3, v4  }
0x152: {  	v4 =	vperm.xlane v3, v0;
	_ =	sdelay $0x1  }
0x153: {  	v3 =	vperm.xlane v3, v2;
	v4 =	vadd.s32 v1, v4;
	_ =	sdelay $0x1  }
0x154: {  	v3 =	vadd.s32 v1, v3;
	_ =	sdelay $0x2  }
0x155: {  	[tilespmem:s28], [sflag:$0x1] =	stream.indirect_vreg.gather [hbm4b:s1+s3], $0x80, v4, vm0, $0xb8;
	[tilespmem:$0x18280] =	vst v63  }
0x156: {  	_ = 	snop  }
0x157: {  	[tilespmem:s29], [sflag:$0x1] =	stream.indirect_vreg.gather [hbm4b:s1+s3], $0x80, v3, vm0, $0xb8;
	[tilespmem:$0x18280] =	vst v63  }
0x158: {  	v3 =	vld [tilespmem:$0x1C0];
	_ =	sdelay $0x4  }
0x159: {  	v52 =	vshll.u32 v3, $0x1  }
0x15a: {  	v3 =	vand.u32 $0x7, v3;
	v4 =	vand.u32 $0xFFFFFFF0, v52  }
0x15b: {  	v3 =	vor.u32 v3, v4  }
0x15c: {  	v4 =	vperm.xlane v3, v0;
	_ =	sdelay $0x1  }
0x15d: {  	v3 =	vperm.xlane v3, v2;
	v4 =	vadd.s32 v1, v4;
	_ =	sdelay $0x1  }
0x15e: {  	v3 =	vadd.s32 v1, v3;
	_ =	sdelay $0x2  }
0x15f: {  	[tilespmem:s30], [sflag:$0x1] =	stream.indirect_vreg.gather [hbm4b:s1+s3], $0x80, v4, vm0, $0xb8;
	[tilespmem:$0x18280] =	vst v63  }
0x160: {  	_ = 	snop  }
0x161: {  	[tilespmem:s31], [sflag:$0x1] =	stream.indirect_vreg.gather [hbm4b:s1+s3], $0x80, v3, vm0, $0xb8;
	[tilespmem:$0x18280] =	vst v63  }
0x162: {  	v3 =	vld [tilespmem:$0x1D0];
	_ =	sdelay $0x4  }
0x163: {  	v53 =	vshll.u32 v3, $0x1  }
0x164: {  	v3 =	vand.u32 $0x7, v3;
	v4 =	vand.u32 $0xFFFFFFF0, v53  }
0x165: {  	v3 =	vor.u32 v3, v4  }
0x166: {  	v4 =	vperm.xlane v3, v0;
	_ =	sdelay $0x1  }
0x167: {  	v3 =	vperm.xlane v3, v2;
	v4 =	vadd.s32 v1, v4;
	_ =	sdelay $0x1  }
0x168: {  	v3 =	vadd.s32 v1, v3;
	_ =	sdelay $0x2  }
0x169: {  	[tilespmem:s6], [sflag:$0x1] =	stream.indirect_vreg.gather [hbm4b:s1+s3], $0x80, v4, vm0, $0xb8;
	[tilespmem:$0x18280] =	vst v63  }
0x16a: {  	_ = 	snop  }
0x16b: {  	[tilespmem:s2], [sflag:$0x1] =	stream.indirect_vreg.gather [hbm4b:s1+s3], $0x80, v3, vm0, $0xb8;
	[tilespmem:$0x18280] =	vst v63  }
0x16c: {  	v3 =	vld [tilespmem:$0x1E0];
	_ =	sdelay $0x4  }
0x16d: {  	v54 =	vshll.u32 v3, $0x1  }
0x16e: {  	v3 =	vand.u32 $0x7, v3;
	v4 =	vand.u32 $0xFFFFFFF0, v54  }
0x16f: {  	v3 =	vor.u32 v3, v4  }
0x170: {  	v4 =	vperm.xlane v3, v0;
	_ =	sdelay $0x1  }
0x171: {  	v3 =	vperm.xlane v3, v2;
	v4 =	vadd.s32 v1, v4;
	_ =	sdelay $0x1  }
0x172: {  	v3 =	vadd.s32 v1, v3;
	_ =	sdelay $0x2  }
0x173: {  	[tilespmem:s7], [sflag:$0x1] =	stream.indirect_vreg.gather [hbm4b:s1+s3], $0x80, v4, vm0, $0xb8;
	[tilespmem:$0x18280] =	vst v63  }
0x174: {  	_ = 	snop  }
0x175: {  	[tilespmem:s8], [sflag:$0x1] =	stream.indirect_vreg.gather [hbm4b:s1+s3], $0x80, v3, vm0, $0xb8;
	[tilespmem:$0x18280] =	vst v63  }
0x176: {  	v3 =	vld [tilespmem:$0x1F0];
	_ =	sdelay $0x4  }
0x177: {  	v55 =	vshll.u32 v3, $0x1  }
0x178: {  	v3 =	vand.u32 $0x7, v3;
	v4 =	vand.u32 $0xFFFFFFF0, v55  }
0x179: {  	v3 =	vor.u32 v3, v4  }
0x17a: {  	v4 =	vperm.xlane v3, v0;
	_ =	sdelay $0x1  }
0x17b: {  	v3 =	vperm.xlane v3, v2;
	v4 =	vadd.s32 v1, v4;
	_ =	sdelay $0x1  }
0x17c: {  	v3 =	vadd.s32 v1, v3;
	_ =	sdelay $0x2  }
0x17d: {  	[tilespmem:s9], [sflag:$0x1] =	stream.indirect_vreg.gather [hbm4b:s1+s3], $0x80, v4, vm0, $0xb8;
	[tilespmem:$0x18280] =	vst v63  }
0x17e: {  	_ = 	snop  }
0x17f: {  	[tilespmem:s10], [sflag:$0x1] =	stream.indirect_vreg.gather [hbm4b:s1+s3], $0x80, v3, vm0, $0xb8;
	[tilespmem:$0x18280] =	vst v63  }
0x180: {  	_ =	swait.ge [sflag:s15], $0x8000  }
0x181: {  	[sflag:s15] =	ssyncset.done $0x0  }
0x182: {  	s2 =	rddreg [dreg:$0x7];
	[sflag:s15] =	ssyncadd.s32 $0xFFFF8000  }
0x183: {  	[hbm4b:s2+s3] =	stream.linear.scatter [tilespmem:s0], [sflag:$0x5], $0x8000, $0x38;
	[tilespmem:$0x18280] =	vst v63  }
0x184: {  	_ =	swait.ge [sflag:s16], $0x8000  }
0x185: {  	[sflag:s16] =	ssyncset.done $0x0  }
0x186: {  	[sflag:s16] =	ssyncadd.s32 $0xFFFF8000  }
0x187: {  	v3 =	vld [tilespmem:$0x200];
	_ =	sdelay $0x4  }
0x188: {  	v56 =	vshll.u32 v3, $0x1  }
0x189: {  	v3 =	vand.u32 $0x7, v3;
	v4 =	vand.u32 $0xFFFFFFF0, v56  }
0x18a: {  	v3 =	vor.u32 v3, v4  }
0x18b: {  	v4 =	vperm.xlane v3, v0;
	_ =	sdelay $0x1  }
0x18c: {  	v3 =	vperm.xlane v3, v2;
	v4 =	vadd.s32 v1, v4;
	_ =	sdelay $0x1  }
0x18d: {  	v3 =	vadd.s32 v1, v3;
	_ =	sdelay $0x2  }
0x18e: {  	[tilespmem:s0], [sflag:$0x2] =	stream.indirect_vreg.gather [hbm4b:s1+s3], $0x80, v4, vm0, $0xb8;
	[tilespmem:$0x18280] =	vst v63  }
0x18f: {  	s19 =	simm.s32 $0x8A80  }
0x190: {  	[tilespmem:s19], [sflag:$0x2] =	stream.indirect_vreg.gather [hbm4b:s1+s3], $0x80, v3, vm0, $0xb8;
	[tilespmem:$0x18280] =	vst v63  }
0x191: {  	v3 =	vld [tilespmem:$0x210];
	_ =	sdelay $0x4  }
0x192: {  	v57 =	vshll.u32 v3, $0x1  }
0x193: {  	v3 =	vand.u32 $0x7, v3;
	v4 =	vand.u32 $0xFFFFFFF0, v57  }
0x194: {  	v3 =	vor.u32 v3, v4  }
0x195: {  	v4 =	vperm.xlane v3, v0;
	_ =	sdelay $0x1  }
0x196: {  	v3 =	vperm.xlane v3, v2;
	v4 =	vadd.s32 v1, v4;
	_ =	sdelay $0x1  }
0x197: {  	v3 =	vadd.s32 v1, v3;
	_ =	sdelay $0x2  }
0x198: {  	[tilespmem:s12], [sflag:$0x2] =	stream.indirect_vreg.gather [hbm4b:s1+s3], $0x80, v4, vm0, $0xb8;
	[tilespmem:$0x18280] =	vst v63  }
0x199: {  	_ = 	snop  }
0x19a: {  	[tilespmem:s17], [sflag:$0x2] =	stream.indirect_vreg.gather [hbm4b:s1+s3], $0x80, v3, vm0, $0xb8;
	[tilespmem:$0x18280] =	vst v63  }
0x19b: {  	v3 =	vld [tilespmem:$0x220];
	_ =	sdelay $0x4  }
0x19c: {  	v58 =	vshll.u32 v3, $0x1  }
0x19d: {  	v3 =	vand.u32 $0x7, v3;
	v4 =	vand.u32 $0xFFFFFFF0, v58  }
0x19e: {  	v3 =	vor.u32 v3, v4  }
0x19f: {  	v4 =	vperm.xlane v3, v0;
	_ =	sdelay $0x1  }
0x1a0: {  	v3 =	vperm.xlane v3, v2;
	v4 =	vadd.s32 v1, v4;
	_ =	sdelay $0x1  }
0x1a1: {  	v3 =	vadd.s32 v1, v3;
	_ =	sdelay $0x2  }
0x1a2: {  	[tilespmem:s18], [sflag:$0x2] =	stream.indirect_vreg.gather [hbm4b:s1+s3], $0x80, v4, vm0, $0xb8;
	[tilespmem:$0x18280] =	vst v63  }
0x1a3: {  	s20 =	simm.s32 $0xAA80  }
0x1a4: {  	[tilespmem:s20], [sflag:$0x2] =	stream.indirect_vreg.gather [hbm4b:s1+s3], $0x80, v3, vm0, $0xb8;
	[tilespmem:$0x18280] =	vst v63  }
0x1a5: {  	v3 =	vld [tilespmem:$0x230];
	_ =	sdelay $0x4  }
0x1a6: {  	v59 =	vshll.u32 v3, $0x1  }
0x1a7: {  	v3 =	vand.u32 $0x7, v3;
	v4 =	vand.u32 $0xFFFFFFF0, v59  }
0x1a8: {  	v3 =	vor.u32 v3, v4  }
0x1a9: {  	v4 =	vperm.xlane v3, v0;
	_ =	sdelay $0x1  }
0x1aa: {  	v3 =	vperm.xlane v3, v2;
	v4 =	vadd.s32 v1, v4;
	_ =	sdelay $0x1  }
0x1ab: {  	v3 =	vadd.s32 v1, v3;
	_ =	sdelay $0x1  }
0x1ac: {  	s19 =	simm.s32 $0xB280  }
0x1ad: {  	[tilespmem:s19], [sflag:$0x2] =	stream.indirect_vreg.gather [hbm4b:s1+s3], $0x80, v4, vm0, $0xb8;
	[tilespmem:$0x18280] =	vst v63  }
0x1ae: {  	s20 =	simm.s32 $0xBA80  }
0x1af: {  	[tilespmem:s20], [sflag:$0x2] =	stream.indirect_vreg.gather [hbm4b:s1+s3], $0x80, v3, vm0, $0xb8;
	[tilespmem:$0x18280] =	vst v63  }
0x1b0: {  	v3 =	vld [tilespmem:$0x240];
	_ =	sdelay $0x4  }
0x1b1: {  	v60 =	vshll.u32 v3, $0x1  }
0x1b2: {  	v3 =	vand.u32 $0x7, v3;
	v4 =	vand.u32 $0xFFFFFFF0, v60  }
0x1b3: {  	v3 =	vor.u32 v3, v4  }
0x1b4: {  	v4 =	vperm.xlane v3, v0;
	_ =	sdelay $0x1  }
0x1b5: {  	v3 =	vperm.xlane v3, v2;
	v4 =	vadd.s32 v1, v4;
	_ =	sdelay $0x1  }
0x1b6: {  	v3 =	vadd.s32 v1, v3;
	_ =	sdelay $0x1  }
0x1b7: {  	s19 =	simm.s32 $0xC280  }
0x1b8: {  	[tilespmem:s19], [sflag:$0x2] =	stream.indirect_vreg.gather [hbm4b:s1+s3], $0x80, v4, vm0, $0xb8;
	[tilespmem:$0x18280] =	vst v63  }
0x1b9: {  	s20 =	simm.s32 $0xCA80  }
0x1ba: {  	[tilespmem:s20], [sflag:$0x2] =	stream.indirect_vreg.gather [hbm4b:s1+s3], $0x80, v3, vm0, $0xb8;
	[tilespmem:$0x18280] =	vst v63  }
0x1bb: {  	v3 =	vld [tilespmem:$0x250];
	_ =	sdelay $0x4  }
0x1bc: {  	v61 =	vshll.u32 v3, $0x1  }
0x1bd: {  	v3 =	vand.u32 $0x7, v3;
	v4 =	vand.u32 $0xFFFFFFF0, v61  }
0x1be: {  	v3 =	vor.u32 v3, v4  }
0x1bf: {  	v4 =	vperm.xlane v3, v0;
	_ =	sdelay $0x1  }
0x1c0: {  	v3 =	vperm.xlane v3, v2;
	v4 =	vadd.s32 v1, v4;
	_ =	sdelay $0x1  }
0x1c1: {  	v3 =	vadd.s32 v1, v3;
	_ =	sdelay $0x1  }
0x1c2: {  	s19 =	simm.s32 $0xD280  }
0x1c3: {  	[tilespmem:s19], [sflag:$0x2] =	stream.indirect_vreg.gather [hbm4b:s1+s3], $0x80, v4, vm0, $0xb8;
	[tilespmem:$0x18280] =	vst v63  }
0x1c4: {  	s20 =	simm.s32 $0xDA80  }
0x1c5: {  	[tilespmem:s20], [sflag:$0x2] =	stream.indirect_vreg.gather [hbm4b:s1+s3], $0x80, v3, vm0, $0xb8;
	[tilespmem:$0x18280] =	vst v63  }
0x1c6: {  	v3 =	vld [tilespmem:$0x260];
	_ =	sdelay $0x4  }
0x1c7: {  	v62 =	vshll.u32 v3, $0x1  }
0x1c8: {  	v3 =	vand.u32 $0x7, v3;
	v4 =	vand.u32 $0xFFFFFFF0, v62  }
0x1c9: {  	v3 =	vor.u32 v3, v4  }
0x1ca: {  	v4 =	vperm.xlane v3, v0;
	_ =	sdelay $0x1  }
0x1cb: {  	v3 =	vperm.xlane v3, v2;
	v4 =	vadd.s32 v1, v4;
	_ =	sdelay $0x1  }
0x1cc: {  	v3 =	vadd.s32 v1, v3;
	_ =	sdelay $0x1  }
0x1cd: {  	s19 =	simm.s32 $0xE280  }
0x1ce: {  	[tilespmem:s19], [sflag:$0x2] =	stream.indirect_vreg.gather [hbm4b:s1+s3], $0x80, v4, vm0, $0xb8;
	[tilespmem:$0x18280] =	vst v63  }
0x1cf: {  	s20 =	simm.s32 $0xEA80  }
0x1d0: {  	[tilespmem:s20], [sflag:$0x2] =	stream.indirect_vreg.gather [hbm4b:s1+s3], $0x80, v3, vm0, $0xb8;
	[tilespmem:$0x18280] =	vst v63  }
0x1d1: {  	v3 =	vld [tilespmem:$0x270];
	_ =	sdelay $0x4  }
0x1d2: {  	v63 =	vshll.u32 v3, $0x1  }
0x1d3: {  	v3 =	vand.u32 $0x7, v3;
	v4 =	vand.u32 $0xFFFFFFF0, v63  }
0x1d4: {  	v3 =	vor.u32 v3, v4  }
0x1d5: {  	v4 =	vperm.xlane v3, v0;
	_ =	sdelay $0x1  }
0x1d6: {  	v3 =	vperm.xlane v3, v2;
	v4 =	vadd.s32 v1, v4;
	_ =	sdelay $0x1  }
0x1d7: {  	v3 =	vadd.s32 v1, v3;
	_ =	sdelay $0x1  }
0x1d8: {  	s19 =	simm.s32 $0xF280  }
0x1d9: {  	[tilespmem:s19], [sflag:$0x2] =	stream.indirect_vreg.gather [hbm4b:s1+s3], $0x80, v4, vm0, $0xb8;
	[tilespmem:$0x18280] =	vst v63  }
0x1da: {  	s20 =	simm.s32 $0xFA80;
	s19 =	simm.s32 $0x3  }
0x1db: {  	[tilespmem:s20], [sflag:$0x2] =	stream.indirect_vreg.gather [hbm4b:s1+s3], $0x80, v3, vm0, $0xb8;
	[tilespmem:$0x18280] =	vst v63  }
0x1dc: {  	_ =	swait.ge [sflag:s19], $0x8000  }
0x1dd: {  	[sflag:s19] =	ssyncset.done $0x0  }
0x1de: {  	s20 =	rddreg [dreg:$0x8];
	[sflag:s19] =	ssyncadd.s32 $0xFFFF8000  }
0x1df: {  	[hbm4b:s20+s3] =	stream.linear.scatter [tilespmem:s11], [sflag:$0x6], $0x8000, $0x38;
	[tilespmem:$0x18280] =	vst v63  }
0x1e0: {  	_ =	swait.ge [sflag:s13], $0x8000  }
0x1e1: {  	[sflag:s13] =	ssyncset.done $0x0  }
0x1e2: {  	s2 =	rddreg [dreg:$0x9];
	[sflag:s13] =	ssyncadd.s32 $0xFFFF8000  }
0x1e3: {  	[hbm4b:s2+s3] =	stream.linear.scatter [tilespmem:s22], [sflag:$0x4], $0x8000, $0x38;
	[tilespmem:$0x18280] =	vst v63  }
0x1e4: {  	_ =	swait.ge [sflag:s15], $0x8000  }
0x1e5: {  	[sflag:s15] =	ssyncset.done $0x0  }
0x1e6: {  	s20 =	simm.s32 $0x6;
	s11 =	rddreg [dreg:$0xa];
	[sflag:s15] =	ssyncadd.s32 $0xFFFF8000  }
0x1e7: {  	[hbm4b:s11+s3] =	stream.linear.scatter [tilespmem:s0], [sflag:$0x5], $0x8000, $0x38;
	[tilespmem:$0x18280] =	vst v63  }
0x1e8: {  	_ =	swait.ge [sflag:s20], $0x8000  }
0x1e9: {  	[sflag:s20] =	ssyncset.done $0x0  }
0x1ea: {  	[sflag:s20] =	ssyncadd.s32 $0xFFFF8000  }
0x1eb: {  	p0 =	sne.s32 s4, $0x1;
	_ =	swait.ge [sflag:s14], $0x8000  }
.Ltmp0:
0x1ec: {  	[sflag:s14] =	ssyncset.done $0x0;
	(pc) =	sbr.rel @p0 .LBB2_1-.Ltmp0, $4  }
0x1ed: {  	[sflag:s14] =	ssyncadd.s32 $0xFFFF8000  }
0x1ee: {  	_ =	swait.ge [sflag:s16], $0x8000  }
0x1ef: {  	[sflag:s16] =	ssyncset.done $0x0  }
0x1f0: {  	s4 =	sadd.s32 $0xFFFFFFFF, s4;
	[sflag:s16] =	ssyncadd.s32 $0xFFFF8000  }
0x1f1: {  	_ =	sfence.sel $0x180000  }
0x1f2: {  	[bflag:$0x0] =	sbarrier.arrive $0xFFFF  }
0x1f3: {  	_ =	strace $0x90000047  }
0x1f4: {  	s0 =	stileid.u32;
	[bflag:$0x2] =	sbarrier.arrive $0xFFFF  }
0x1f5: {  	p0 =	sne.s32 s0, $0x0;
	s0 =	rddreg [dreg:$0x3]  }
0x1f6: {  	s0 =	sadd.s32 @!p0 $0x100000, s0  }
0x1f7: {  	[sflag:s0] =	ssyncadd.tile.s32 @!p0 $0x1;
	_ =	shalt  }
.Lfunc_end2:
_tile_overlayer_lowered:
.L_overlay_start_2:
0x1f8: {  	(tag) =	ssettag $0x2  }
0x1f9: {  	s0 =	rddreg [dreg:$0x0];
	s2 =	stileid.u32  }
0x1fa: {  	s1 =	rddreg [dreg:$0x1];
	p0 =	sne.s32 s2, $0x0  }
0x1fb: {  	s3 =	rddreg [dreg:$0x2];
	[bflag:$0x3] =	sbarrier.arrive $0xFFFF;
	s2 =	simm.s32 @!p0 $0x1C07  }
0x1fc: {  	[timem:s3], [sflag:s2] =	dma.local @!p0 [hbm:s0], s1  }
0x1fd: {  	s0 =	simm.s32 @!p0 $0x7  }
0x1fe: {  	_ =	swait.ge @!p0 [sflag:s0], s1  }
0x1ff: {  	s1 =	ssub.s32 @!p0 $0x0, s1;
	[sflag:s0] =	ssyncset.done @!p0 $0x0  }
0x200: {  	[sflag:s0] =	ssyncadd.s32 @!p0 s1  }
0x201: {  	[bflag:$0x3] =	sbarrier.arrive $0xFFFF  }
0x202: {  	_ =	shalt  }

</sc_bundles>
